<compile_context>
chip_gen: v7x
topology: tpu7x:2x2x1
jax: 0.10.2.dev20260603
libtpu: 0.0.44.dev20260713+nightly
codegen_flags: <defaults>
</compile_context>

<pallas_src>
import jax
import jax.numpy as jnp
from jax import lax
from jax.experimental import pallas as pl
from jax.experimental.pallas import tpu as pltpu
from jax.experimental.pallas import tpu_sc as plsc

N = 10000
E = 320000
D = 128
P = 3
L = 3

NPAD = 10240
NC, NS = 2, 16
NW = NC * NS
CH = 128
SLAB = NPAD // NS

EPW = ((E + NW * CH - 1) // (NW * CH)) * CH
EP = EPW * NW
GCH = EPW // CH
EPT = EP // NS
SCH = EPT // CH

EB = 1024
NB = 1024


def _sc_mesh():
    return plsc.VectorSubcoreMesh(
        core_axis_name="c", subcore_axis_name="s", num_cores=NC, num_subcores=NS)


def _gather_body(t_hbm, pos4_hbm, dst_hbm, src_hbm, gi_hbm, gj_hbm, relw_hbm,
                 pos_v, idxd, idxs, rows_i, rows_j, r0, r1, r2, r3, sem):
    cid = lax.axis_index("c")
    sid = lax.axis_index("s")
    wid = sid * NC + cid
    base = wid * EPW

    pltpu.sync_copy(pos4_hbm, pos_v)
    rbufs = [r0, r1, r2, r3]

    def chunk(j, _):
        off = base + j * CH
        pltpu.sync_copy(dst_hbm.at[pl.ds(off, CH)], idxd)
        pltpu.sync_copy(src_hbm.at[pl.ds(off, CH)], idxs)
        pltpu.async_copy(t_hbm.at[idxd], rows_i, sem).wait()
        pltpu.async_copy(t_hbm.at[idxs], rows_j, sem).wait()
        for g in range(CH // 16):
            sl = pl.ds(g * 16, 16)
            d16 = idxd[sl]
            s16 = idxs[sl]
            d2 = jnp.zeros((16,), jnp.float32)
            for c in range(P):
                pc = plsc.load_gather(pos_v, [d16 + c * NPAD])
                qc = plsc.load_gather(pos_v, [s16 + c * NPAD])
                rc = pc - qc
                rbufs[c][sl] = rc
                d2 = d2 + rc * rc
            r3[sl] = d2
        pltpu.sync_copy(rows_i, gi_hbm.at[pl.ds(off, CH)])
        pltpu.sync_copy(rows_j, gj_hbm.at[pl.ds(off, CH)])
        for c in range(4):
            pltpu.sync_copy(rbufs[c], relw_hbm.at[c, pl.ds(off, CH)])
        return _

    lax.fori_loop(0, GCH, chunk, 0)


def _sc_gather(t, pos4_flat, dst_p, src_p):
    fn = pl.kernel(
        _gather_body,
        out_type=(jax.ShapeDtypeStruct((EP, D), jnp.float32),
                  jax.ShapeDtypeStruct((EP, D), jnp.float32),
                  jax.ShapeDtypeStruct((4, EP), jnp.float32)),
        mesh=_sc_mesh(),
        compiler_params=pltpu.CompilerParams(needs_layout_passes=False),
        scratch_types=[
            pltpu.VMEM((4 * NPAD,), jnp.float32),
            pltpu.VMEM((CH,), jnp.int32),
            pltpu.VMEM((CH,), jnp.int32),
            pltpu.VMEM((CH, D), jnp.float32),
            pltpu.VMEM((CH, D), jnp.float32),
            pltpu.VMEM((CH,), jnp.float32),
            pltpu.VMEM((CH,), jnp.float32),
            pltpu.VMEM((CH,), jnp.float32),
            pltpu.VMEM((CH,), jnp.float32),
            pltpu.SemaphoreType.DMA,
        ],
    )
    return fn(t, pos4_flat, dst_p, src_p)


def _scatter_body(m_hbm, tc_hbm, dst_hbm, zero_hbm,
                  outm_hbm, outtc_hbm, idx_v, rows_v, acc, sem):
    cid = lax.axis_index("c")
    sid = lax.axis_index("s")

    pltpu.sync_copy(zero_hbm.at[pl.ds(sid * SLAB, SLAB)],
                    acc.at[pl.ds(sid * SLAB, SLAB)])
    plsc.subcore_barrier()

    def chunk(j, _):
        off = sid * EPT + j * CH
        pltpu.sync_copy(dst_hbm.at[pl.ds(off, CH)], idx_v.at[0])

        @pl.when(cid == 0)
        def _rd_m():
            pltpu.sync_copy(m_hbm.at[pl.ds(off, CH)], rows_v)

        @pl.when(cid == 1)
        def _rd_tc():
            pltpu.sync_copy(tc_hbm.at[pl.ds(off, CH)], rows_v)

        pltpu.sync_copy(rows_v, acc.at[idx_v.at[0]], add=True)
        return _

    lax.fori_loop(0, SCH, chunk, 0)
    plsc.subcore_barrier()

    @pl.when(cid == 0)
    def _out_m():
        pltpu.sync_copy(acc.at[pl.ds(sid * SLAB, SLAB)],
                        outm_hbm.at[pl.ds(sid * SLAB, SLAB)])

    @pl.when(cid == 1)
    def _out_tc():
        pltpu.sync_copy(acc.at[pl.ds(sid * SLAB, SLAB)],
                        outtc_hbm.at[pl.ds(sid * SLAB, SLAB)])


def _sc_scatter(m, tcrows, dst_p, zeros_np):
    fn = pl.kernel(
        _scatter_body,
        out_type=(jax.ShapeDtypeStruct((NPAD, D), jnp.float32),
                  jax.ShapeDtypeStruct((NPAD, D), jnp.float32)),
        mesh=_sc_mesh(),
        scratch_types=[
            pltpu.VMEM((1, CH), jnp.int32),
            pltpu.VMEM((CH, D), jnp.float32),
            pltpu.VMEM_SHARED((NPAD, D), jnp.float32),
            pltpu.SemaphoreType.DMA,
        ],
    )
    return fn(m, tcrows, dst_p, zeros_np)


def _edge_body(gi, gj, relw, w1i, w1j, w1d, b1, w2, b2, wp1, bp1, wp2, bp2,
               m_out, tc_out):
    xi = gi[...]
    xj = gj[...]
    rw = relw[...]
    e3 = jnp.where(lax.broadcasted_iota(jnp.int32, (4, 1), 0) == 3, 1.0, 0.0)
    d2 = lax.dot_general(rw, e3, (((0,), (0,)), ((), ())))
    h = xi @ w1i[...] + xj @ w1j[...] + d2 * w1d[0] + b1[0]
    h = h * jax.nn.sigmoid(h)
    m = h @ w2[...] + b2[0]
    m = m * jax.nn.sigmoid(m)
    hp = m @ wp1[...] + bp1[0]
    hp = hp * jax.nn.sigmoid(hp)
    wv = (hp @ wp2[...])[:, :1] + bp2[0, 0]
    eid = pl.program_id(0) * EB + lax.broadcasted_iota(jnp.int32, (EB, 1), 0)
    mask = (eid < E).astype(jnp.float32)
    rio = lax.broadcasted_iota(jnp.int32, (4, D), 0)
    cio = lax.broadcasted_iota(jnp.int32, (4, D), 1)
    sel = jnp.where((rio == cio) & (rio < P), 1.0, 0.0)
    rel128 = lax.dot_general(rw, sel, (((0,), (0,)), ((), ())))
    cnt_row = jnp.where(
        lax.broadcasted_iota(jnp.int32, (1, D), 1) == P, 1.0, 0.0)
    m_out[...] = m * mask
    tc_out[...] = rel128 * (wv * mask) + mask * cnt_row


def _tc_edge(gi, gj, relw, w1i, w1j, w1d, b1, w2, b2, wp1, bp1, wp2, bp2):
    full = lambda shape: pl.BlockSpec(shape, lambda i: (0,) * len(shape))
    return pl.pallas_call(
        _edge_body,
        grid=(EP // EB,),
        in_specs=[
            pl.BlockSpec((EB, D), lambda i: (i, 0)),
            pl.BlockSpec((EB, D), lambda i: (i, 0)),
            pl.BlockSpec((4, EB), lambda i: (0, i)),
            full((D, D)), full((D, D)), full((1, D)), full((1, D)),
            full((D, D)), full((1, D)), full((D, D)), full((1, D)),
            full((D, D)), full((1, 1)),
        ],
        out_specs=[pl.BlockSpec((EB, D), lambda i: (i, 0)),
                   pl.BlockSpec((EB, D), lambda i: (i, 0))],
        out_shape=[jax.ShapeDtypeStruct((EP, D), jnp.float32),
                   jax.ShapeDtypeStruct((EP, D), jnp.float32)],
    )(gi, gj, relw, w1i, w1j, w1d, b1, w2, b2, wp1, bp1, wp2, bp2)


def _node_body(t, om, otc, post, wn1x, wn1a, bn1, wn2, bn2, tout, post_out):
    x = t[...]
    agg = om[...]
    h = x @ wn1x[...] + agg @ wn1a[...] + bn1[0]
    h = h * jax.nn.sigmoid(h)
    tout[...] = h @ wn2[...] + bn2[0]

    sel = jnp.where(
        lax.broadcasted_iota(jnp.int32, (8, D), 0)
        == lax.broadcasted_iota(jnp.int32, (8, D), 1), 1.0, 0.0)
    nt = lax.dot_general(sel, otc[...], (((1,), (1,)), ((), ())))
    cnt = jnp.maximum(nt[P:P + 1, :], 1.0)
    i = pl.program_id(0)
    sl = pl.ds(i * NB, NB)
    post_out[:, sl] = post[:, sl] + nt * (1.0 / cnt)


def _tc_node(t, out_m, out_tc, pos_t, wn1x, wn1a, bn1, wn2, bn2):
    full = lambda shape: pl.BlockSpec(shape, lambda i: (0,) * len(shape))
    return pl.pallas_call(
        _node_body,
        grid=(NPAD // NB,),
        in_specs=[
            pl.BlockSpec((NB, D), lambda i: (i, 0)),
            pl.BlockSpec((NB, D), lambda i: (i, 0)),
            pl.BlockSpec((NB, D), lambda i: (i, 0)),
            full((8, NPAD)),
            full((D, D)), full((D, D)), full((1, D)),
            full((D, D)), full((1, D)),
        ],
        out_specs=[pl.BlockSpec((NB, D), lambda i: (i, 0)),
                   full((8, NPAD))],
        out_shape=[jax.ShapeDtypeStruct((NPAD, D), jnp.float32),
                   jax.ShapeDtypeStruct((8, NPAD), jnp.float32)],
    )(t, out_m, out_tc, pos_t, wn1x, wn1a, bn1, wn2, bn2)


def kernel(x, pos, edge_index, We1, be1, We2, be2, Wn1, bn1, Wn2, bn2,
           Wp1, bp1, Wp2, bp2):
    src = edge_index[0].astype(jnp.int32)
    dst = edge_index[1].astype(jnp.int32)
    pad = EP - E
    dst_p = jnp.concatenate([dst, jnp.zeros((pad,), jnp.int32)])
    src_p = jnp.concatenate([src, jnp.zeros((pad,), jnp.int32)])
    zeros_np = jnp.zeros((NPAD, D), jnp.float32)

    t = jnp.concatenate([x, jnp.zeros((NPAD - N, D), jnp.float32)])
    pos_t = jnp.concatenate(
        [pos.T, jnp.zeros((8 - P, N), jnp.float32)])
    pos_t = jnp.concatenate(
        [pos_t, jnp.zeros((8, NPAD - N), jnp.float32)], axis=1)

    for l in range(L):
        w1i = We1[l, :D]
        w1j = We1[l, D:2 * D]
        w1d = We1[l, 2 * D:2 * D + 1]
        wp2 = jnp.pad(Wp2[l], ((0, 0), (0, D - 1)))
        pos4_flat = pos_t[:4].reshape(4 * NPAD)
        gi, gj, relw = _sc_gather(t, pos4_flat, dst_p, src_p)
        m, tcrows = _tc_edge(gi, gj, relw, w1i, w1j, w1d, be1[l][None],
                             We2[l], be2[l][None], Wp1[l], bp1[l][None],
                             wp2, bp2[l][None])
        out_m, out_tc = _sc_scatter(m, tcrows, dst_p, zeros_np)
        t, pos_t = _tc_node(t, out_m, out_tc, pos_t, Wn1[l, :D], Wn1[l, D:],
                            bn1[l][None], Wn2[l], bn2[l][None])

    return (t[:N], pos_t[:P, :N].T)

# --- scband reference (transcript-rebuilt; emitter-appended) ---
"""Pipeline reference for scband-egnn-5411658793158 (READ-ONLY COPY).

The authoritative reference and input builder live on the scoring server;
editing this copy changes nothing except your own understanding.
"""

import jax, jax.numpy as jnp
import numpy as np

N = 10000
E = 320000
D = 128
H = 128
P = 3
L = 3


def _init(k, shape, fan_in, gain=1.0):
    return jax.random.normal(k, shape, dtype=jnp.float32) * (gain / np.sqrt(fan_in))


def setup_inputs(seed: int = 0) -> dict:
    key = jax.random.key(seed)
    ks = jax.random.split(key, 16)
    x = jax.random.normal(ks[0], (N, D), dtype=jnp.float32)
    pos = jax.random.normal(ks[1], (N, P), dtype=jnp.float32)
    edge_index = jax.random.randint(ks[2], (2, E), 0, N, dtype=jnp.int64)
    # Per-layer stacked params. Since in_channels == hidden_channels (=128),
    # every layer has identical shapes, so we stack along a leading L axis.
    We1 = _init(ks[3], (L, 2 * D + 1, H), 2 * D + 1)
    be1 = jnp.zeros((L, H), dtype=jnp.float32)
    We2 = _init(ks[4], (L, H, H), H)
    be2 = jnp.zeros((L, H), dtype=jnp.float32)
    Wn1 = _init(ks[5], (L, D + H, H), D + H)
    bn1 = jnp.zeros((L, H), dtype=jnp.float32)
    Wn2 = _init(ks[6], (L, H, H), H)
    bn2 = jnp.zeros((L, H), dtype=jnp.float32)
    Wp1 = _init(ks[7], (L, H, H), H)
    bp1 = jnp.zeros((L, H), dtype=jnp.float32)
    Wp2 = _init(ks[8], (L, H, 1), H, gain=0.001)
    bp2 = jnp.zeros((L, 1), dtype=jnp.float32)
    return {
        'x': x, 'pos': pos, 'edge_index': edge_index,
        'We1': We1, 'be1': be1, 'We2': We2, 'be2': be2,
        'Wn1': Wn1, 'bn1': bn1, 'Wn2': Wn2, 'bn2': bn2,
        'Wp1': Wp1, 'bp1': bp1, 'Wp2': Wp2, 'bp2': bp2,
    }


def reference(x, pos, edge_index, We1, be1, We2, be2, Wn1, bn1, Wn2, bn2, Wp1, bp1, Wp2, bp2):
    src = edge_index[0]
    dst = edge_index[1]
    n = x.shape[0]
    for l in range(L):
        xi = jnp.take(x, dst, axis=0)
        xj = jnp.take(x, src, axis=0)
        rel = jnp.take(pos, dst, axis=0) - jnp.take(pos, src, axis=0)
        d2 = jnp.sum(rel * rel, axis=-1, keepdims=True)
        # edge MLP: phi_e([x_i, x_j, ||pos_i - pos_j||^2])
        e_in = jnp.concatenate([xi, xj, d2], axis=-1)
        m = jax.nn.silu(e_in @ We1[l] + be1[l])
        m = jax.nn.silu(m @ We2[l] + be2[l])
        # position update: pos_i += mean_j (pos_i - pos_j) * phi_x(m_ij)
        w = jax.nn.silu(m @ Wp1[l] + bp1[l]) @ Wp2[l] + bp2[l]
        trans = rel * w
        num = jax.ops.segment_sum(trans, dst, num_segments=n)
        cnt = jax.ops.segment_sum(jnp.ones((trans.shape[0], 1), dtype=trans.dtype), dst, num_segments=n)
        pos = pos + num / jnp.clip(cnt, 1.0, None)
        # node update: x_i = phi_h([x_i, sum_j m_ij])
        agg = jax.ops.segment_sum(m, dst, num_segments=n)
        h_in = jnp.concatenate([x, agg], axis=-1)
        x = jax.nn.silu(h_in @ Wn1[l] + bn1[l]) @ Wn2[l] + bn2[l]
    return (x, pos)

if __name__ == "__main__":
    import jax
    _d = setup_inputs()
    print(jax.jit(kernel)(*tuple(_d.values())))

</pallas_src>

<mosaic_0001>
#map = affine_map<(d0, d1) -> (0, 0)>
#map1 = affine_map<(d0, d1) -> (0)>
module attributes {stable_mosaic.version = 14 : i64} {
  func.func @_scatter_body(%arg0: i32, %arg1: i32, %arg2: memref<323584x128xf32, #tpu.memory_space<hbm>>, %arg3: memref<323584x128xf32, #tpu.memory_space<hbm>>, %arg4: memref<323584xi32, #tpu.memory_space<hbm>>, %arg5: memref<10240x128xf32, #tpu.memory_space<hbm>>, %arg6: memref<10240x128xf32, #tpu.memory_space<hbm>>, %arg7: memref<10240x128xf32, #tpu.memory_space<hbm>>, %arg8: memref<1x128xi32, #tpu.memory_space<vmem>>, %arg9: memref<128x128xf32, #tpu.memory_space<vmem>>, %arg10: memref<10240x128xf32, #tpu.memory_space<vmem_shared>>, %arg11: memref<!tpu.dma_semaphore, #tpu.memory_space<semaphore_mem>>) attributes {dimension_semantics = [#tpu.dimension_semantics<core_parallel>, #tpu.dimension_semantics<subcore_parallel>], iteration_bounds = array<i64: 2, 16>, scalar_prefetch = 0 : i64, scratch_operands = 4 : i64, tpu.core_type = #tpu.core_type<sc_vector_subcore>, window_params = [{transform_indices = #map}, {transform_indices = #map}, {transform_indices = #map1}, {transform_indices = #map}, {transform_indices = #map}, {transform_indices = #map}]} {
    %mul3A = arith.constant 640 : i32
    %mul3A_0 = arith.muli %arg1, %mul3A : i32
    %mul3A_1 = arith.constant 640 : i32
    %mul3A_2 = arith.muli %arg1, %mul3A_1 : i32
    "tpu.region"() ({
      %run_scoped3A = tpu.sem_alloc : memref<!tpu.dma_semaphore, #tpu.memory_space<semaphore_mem>>
      %dma_start3A = arith.constant 0 : i32
      %dma_start3A_16 = tpu.memref_slice %arg10[%mul3A_2, %dma_start3A] : memref<10240x128xf32, #tpu.memory_space<vmem_shared>> -> memref<640x128xf32, #tpu.memory_space<vmem_shared>>
      %dma_start3A_17 = arith.constant 0 : i32
      %dma_start3A_18 = tpu.memref_slice %arg5[%mul3A_0, %dma_start3A_17] : memref<10240x128xf32, #tpu.memory_space<hbm>> -> memref<640x128xf32, #tpu.memory_space<hbm>>
      tpu.enqueue_dma source(%dma_start3A_18 : memref<640x128xf32, #tpu.memory_space<hbm>>) target(%dma_start3A_16 : memref<640x128xf32, #tpu.memory_space<vmem_shared>>) target_semaphore(%run_scoped3A : memref<!tpu.dma_semaphore, #tpu.memory_space<semaphore_mem>>)
      %dma_wait3A = arith.constant 0 : i32
      %dma_wait3A_19 = tpu.memref_slice %arg10[%mul3A_2, %dma_wait3A] : memref<10240x128xf32, #tpu.memory_space<vmem_shared>> -> memref<640x128xf32, #tpu.memory_space<vmem_shared>>
      %dma_wait3A_20 = arith.constant 0 : i32
      %dma_wait3A_21 = tpu.memref_slice %arg5[%mul3A_0, %dma_wait3A_20] : memref<10240x128xf32, #tpu.memory_space<hbm>> -> memref<640x128xf32, #tpu.memory_space<hbm>>
      tpu.wait_dma2 semaphore(%run_scoped3A : memref<!tpu.dma_semaphore, #tpu.memory_space<semaphore_mem>>) src(%dma_wait3A_21 : memref<640x128xf32, #tpu.memory_space<hbm>>) dst(%dma_wait3A_19 : memref<640x128xf32, #tpu.memory_space<vmem_shared>>)
      tpu.yield
    }) : () -> ()
    %barrier3A = arith.constant 0 : index
    tpu.barrier barrier_id(%barrier3A)
    %scan3A = arith.constant 0 : i32
    %scan3A_3 = arith.constant 0 : i32
    %scan3A_4 = arith.constant 158 : i32
    %scan3A_5 = arith.addi %scan3A_3, %scan3A_4 : i32
    %scan3A_6 = arith.constant 1 : i32
    scf.for %scan3A_16 = %scan3A_3 to %scan3A_5 step %scan3A_6  : i32 {
      %mul3A_17 = arith.constant 20224 : i32
      %mul3A_18 = arith.muli %arg1, %mul3A_17 : i32
      %mul3A_19 = arith.constant 128 : i32
      %mul3A_20 = arith.muli %scan3A_16, %mul3A_19 : i32
      %add3A = arith.addi %mul3A_18, %mul3A_20 : i32
      %run_scoped3A = arith.constant 0 : i32
      "tpu.region"() ({
        %run_scoped3A_32 = tpu.sem_alloc : memref<!tpu.dma_semaphore, #tpu.memory_space<semaphore_mem>>
        %dma_start3A = arith.constant 0 : i32
        %dma_start3A_33 = tpu.memref_slice %arg8[%run_scoped3A, %dma_start3A] : memref<1x128xi32, #tpu.memory_space<vmem>> -> memref<1x128xi32, #tpu.memory_space<vmem>>
        %dma_start3A_34 = tpu.memref_squeeze %dma_start3A_33 : memref<1x128xi32, #tpu.memory_space<vmem>> -> memref<128xi32, #tpu.memory_space<vmem>>
        %dma_start3A_35 = tpu.memref_slice %arg4[%add3A] : memref<323584xi32, #tpu.memory_space<hbm>> -> memref<128xi32, #tpu.memory_space<hbm>>
        %dma_start3A_36 = arith.constant 0 : i32
        %dma_start3A_37 = tpu.memref_slice %arg8[%run_scoped3A, %dma_start3A_36] : memref<1x128xi32, #tpu.memory_space<vmem>> -> memref<1x128xi32, #tpu.memory_space<vmem>>
        %dma_start3A_38 = tpu.memref_squeeze %dma_start3A_37 : memref<1x128xi32, #tpu.memory_space<vmem>> -> memref<128xi32, #tpu.memory_space<vmem>>
        %dma_start3A_39 = tpu.memref_slice %arg4[%add3A] : memref<323584xi32, #tpu.memory_space<hbm>> -> memref<128xi32, #tpu.memory_space<hbm>>
        tpu.enqueue_dma source(%dma_start3A_39 : memref<128xi32, #tpu.memory_space<hbm>>) target(%dma_start3A_38 : memref<128xi32, #tpu.memory_space<vmem>>) target_semaphore(%run_scoped3A_32 : memref<!tpu.dma_semaphore, #tpu.memory_space<semaphore_mem>>)
        %dma_wait3A = arith.constant 0 : i32
        %dma_wait3A_40 = tpu.memref_slice %arg8[%run_scoped3A, %dma_wait3A] : memref<1x128xi32, #tpu.memory_space<vmem>> -> memref<1x128xi32, #tpu.memory_space<vmem>>
        %dma_wait3A_41 = tpu.memref_squeeze %dma_wait3A_40 : memref<1x128xi32, #tpu.memory_space<vmem>> -> memref<128xi32, #tpu.memory_space<vmem>>
        %dma_wait3A_42 = tpu.memref_slice %arg4[%add3A] : memref<323584xi32, #tpu.memory_space<hbm>> -> memref<128xi32, #tpu.memory_space<hbm>>
        %dma_wait3A_43 = arith.constant 0 : i32
        %dma_wait3A_44 = tpu.memref_slice %arg8[%run_scoped3A, %dma_wait3A_43] : memref<1x128xi32, #tpu.memory_space<vmem>> -> memref<1x128xi32, #tpu.memory_space<vmem>>
        %dma_wait3A_45 = tpu.memref_squeeze %dma_wait3A_44 : memref<1x128xi32, #tpu.memory_space<vmem>> -> memref<128xi32, #tpu.memory_space<vmem>>
        %dma_wait3A_46 = tpu.memref_slice %arg4[%add3A] : memref<323584xi32, #tpu.memory_space<hbm>> -> memref<128xi32, #tpu.memory_space<hbm>>
        tpu.wait_dma2 semaphore(%run_scoped3A_32 : memref<!tpu.dma_semaphore, #tpu.memory_space<semaphore_mem>>) src(%dma_wait3A_46 : memref<128xi32, #tpu.memory_space<hbm>>) dst(%dma_wait3A_45 : memref<128xi32, #tpu.memory_space<vmem>>)
        tpu.yield
      }) : () -> ()
      %eq3A_21 = arith.constant 0 : i32
      %eq3A_22 = arith.cmpi eq, %arg0, %eq3A_21 : i32
      %convert_element_type3A_23 = arith.extui %eq3A_22 : i1 to i32
      %cond3A_24 = arith.constant 0 : i32
      %cond3A_25 = arith.cmpi ne, %convert_element_type3A_23, %cond3A_24 : i32
      scf.if %cond3A_25 {
        "tpu.region"() ({
          %run_scoped3A_32 = tpu.sem_alloc : memref<!tpu.dma_semaphore, #tpu.memory_space<semaphore_mem>>
          %dma_start3A = arith.constant 0 : i32
          %dma_start3A_33 = tpu.memref_slice %arg2[%add3A, %dma_start3A] : memref<323584x128xf32, #tpu.memory_space<hbm>> -> memref<128x128xf32, #tpu.memory_space<hbm>>
          %dma_start3A_34 = arith.constant 0 : i32
          %dma_start3A_35 = tpu.memref_slice %arg2[%add3A, %dma_start3A_34] : memref<323584x128xf32, #tpu.memory_space<hbm>> -> memref<128x128xf32, #tpu.memory_space<hbm>>
          tpu.enqueue_dma source(%dma_start3A_35 : memref<128x128xf32, #tpu.memory_space<hbm>>) target(%arg9 : memref<128x128xf32, #tpu.memory_space<vmem>>) target_semaphore(%run_scoped3A_32 : memref<!tpu.dma_semaphore, #tpu.memory_space<semaphore_mem>>)
          %dma_wait3A = arith.constant 0 : i32
          %dma_wait3A_36 = tpu.memref_slice %arg2[%add3A, %dma_wait3A] : memref<323584x128xf32, #tpu.memory_space<hbm>> -> memref<128x128xf32, #tpu.memory_space<hbm>>
          %dma_wait3A_37 = arith.constant 0 : i32
          %dma_wait3A_38 = tpu.memref_slice %arg2[%add3A, %dma_wait3A_37] : memref<323584x128xf32, #tpu.memory_space<hbm>> -> memref<128x128xf32, #tpu.memory_space<hbm>>
          tpu.wait_dma2 semaphore(%run_scoped3A_32 : memref<!tpu.dma_semaphore, #tpu.memory_space<semaphore_mem>>) src(%dma_wait3A_38 : memref<128x128xf32, #tpu.memory_space<hbm>>) dst(%arg9 : memref<128x128xf32, #tpu.memory_space<vmem>>)
          tpu.yield
        }) : () -> ()
      } else {
      }
      %eq3A_26 = arith.constant 1 : i32
      %eq3A_27 = arith.cmpi eq, %arg0, %eq3A_26 : i32
      %convert_element_type3A_28 = arith.extui %eq3A_27 : i1 to i32
      %cond3A_29 = arith.constant 0 : i32
      %cond3A_30 = arith.cmpi ne, %convert_element_type3A_28, %cond3A_29 : i32
      scf.if %cond3A_30 {
        "tpu.region"() ({
          %run_scoped3A_32 = tpu.sem_alloc : memref<!tpu.dma_semaphore, #tpu.memory_space<semaphore_mem>>
          %dma_start3A = arith.constant 0 : i32
          %dma_start3A_33 = tpu.memref_slice %arg3[%add3A, %dma_start3A] : memref<323584x128xf32, #tpu.memory_space<hbm>> -> memref<128x128xf32, #tpu.memory_space<hbm>>
          %dma_start3A_34 = arith.constant 0 : i32
          %dma_start3A_35 = tpu.memref_slice %arg3[%add3A, %dma_start3A_34] : memref<323584x128xf32, #tpu.memory_space<hbm>> -> memref<128x128xf32, #tpu.memory_space<hbm>>
          tpu.enqueue_dma source(%dma_start3A_35 : memref<128x128xf32, #tpu.memory_space<hbm>>) target(%arg9 : memref<128x128xf32, #tpu.memory_space<vmem>>) target_semaphore(%run_scoped3A_32 : memref<!tpu.dma_semaphore, #tpu.memory_space<semaphore_mem>>)
          %dma_wait3A = arith.constant 0 : i32
          %dma_wait3A_36 = tpu.memref_slice %arg3[%add3A, %dma_wait3A] : memref<323584x128xf32, #tpu.memory_space<hbm>> -> memref<128x128xf32, #tpu.memory_space<hbm>>
          %dma_wait3A_37 = arith.constant 0 : i32
          %dma_wait3A_38 = tpu.memref_slice %arg3[%add3A, %dma_wait3A_37] : memref<323584x128xf32, #tpu.memory_space<hbm>> -> memref<128x128xf32, #tpu.memory_space<hbm>>
          tpu.wait_dma2 semaphore(%run_scoped3A_32 : memref<!tpu.dma_semaphore, #tpu.memory_space<semaphore_mem>>) src(%dma_wait3A_38 : memref<128x128xf32, #tpu.memory_space<hbm>>) dst(%arg9 : memref<128x128xf32, #tpu.memory_space<vmem>>)
          tpu.yield
        }) : () -> ()
      } else {
      }
      %run_scoped3A_31 = arith.constant 0 : i32
      "tpu.region"() ({
        %run_scoped3A_32 = tpu.sem_alloc : memref<!tpu.dma_semaphore, #tpu.memory_space<semaphore_mem>>
        %dma_start3A = arith.constant 0 : i32
        %dma_start3A_33 = tpu.memref_slice %arg8[%run_scoped3A_31, %dma_start3A] : memref<1x128xi32, #tpu.memory_space<vmem>> -> memref<1x128xi32, #tpu.memory_space<vmem>>
        %dma_start3A_34 = tpu.memref_squeeze %dma_start3A_33 : memref<1x128xi32, #tpu.memory_space<vmem>> -> memref<128xi32, #tpu.memory_space<vmem>>
        %dma_start3A_35 = arith.constant 0 : i32
        %dma_start3A_36 = arith.constant 0 : i32
        %dma_start3A_37 = tpu.memref_slice %arg10[%dma_start3A_35, %dma_start3A_36] : memref<10240x128xf32, #tpu.memory_space<vmem_shared>> -> memref<10240x128xf32, #tpu.memory_space<vmem_shared>>
        tpu.enqueue_indirect_dma source(%arg9 : memref<128x128xf32, #tpu.memory_space<vmem>>) target(%dma_start3A_37 : memref<10240x128xf32, #tpu.memory_space<vmem_shared>>) offsets(%dma_start3A_34 : memref<128xi32, #tpu.memory_space<vmem>>) semaphore(%run_scoped3A_32 : memref<!tpu.dma_semaphore, #tpu.memory_space<semaphore_mem>>) {add = true}
        %dma_wait3A = arith.constant 0 : i32
        %dma_wait3A_38 = tpu.memref_slice %arg8[%run_scoped3A_31, %dma_wait3A] : memref<1x128xi32, #tpu.memory_space<vmem>> -> memref<1x128xi32, #tpu.memory_space<vmem>>
        %dma_wait3A_39 = tpu.memref_squeeze %dma_wait3A_38 : memref<1x128xi32, #tpu.memory_space<vmem>> -> memref<128xi32, #tpu.memory_space<vmem>>
        %dma_wait3A_40 = arith.constant 0 : i32
        %dma_wait3A_41 = arith.constant 0 : i32
        %dma_wait3A_42 = tpu.memref_slice %arg10[%dma_wait3A_40, %dma_wait3A_41] : memref<10240x128xf32, #tpu.memory_space<vmem_shared>> -> memref<10240x128xf32, #tpu.memory_space<vmem_shared>>
        tpu.wait_indirect_dma semaphore(%run_scoped3A_32 : memref<!tpu.dma_semaphore, #tpu.memory_space<semaphore_mem>>) src(%arg9 : memref<128x128xf32, #tpu.memory_space<vmem>>) dst(%dma_wait3A_42 : memref<10240x128xf32, #tpu.memory_space<vmem_shared>>)
        tpu.yield
      }) : () -> ()
    }
    %scan3A_7 = arith.constant 158 : i32
    %barrier3A_8 = arith.constant 0 : index
    tpu.barrier barrier_id(%barrier3A_8)
    %eq3A = arith.constant 0 : i32
    %eq3A_9 = arith.cmpi eq, %arg0, %eq3A : i32
    %convert_element_type3A = arith.extui %eq3A_9 : i1 to i32
    %cond3A = arith.constant 0 : i32
    %cond3A_10 = arith.cmpi ne, %convert_element_type3A, %cond3A : i32
    scf.if %cond3A_10 {
      %mul3A_16 = arith.constant 640 : i32
      %mul3A_17 = arith.muli %arg1, %mul3A_16 : i32
      %mul3A_18 = arith.constant 640 : i32
      %mul3A_19 = arith.muli %arg1, %mul3A_18 : i32
      "tpu.region"() ({
        %run_scoped3A = tpu.sem_alloc : memref<!tpu.dma_semaphore, #tpu.memory_space<semaphore_mem>>
        %dma_start3A = arith.constant 0 : i32
        %dma_start3A_20 = tpu.memref_slice %arg6[%mul3A_19, %dma_start3A] : memref<10240x128xf32, #tpu.memory_space<hbm>> -> memref<640x128xf32, #tpu.memory_space<hbm>>
        %dma_start3A_21 = arith.constant 0 : i32
        %dma_start3A_22 = tpu.memref_slice %arg10[%mul3A_17, %dma_start3A_21] : memref<10240x128xf32, #tpu.memory_space<vmem_shared>> -> memref<640x128xf32, #tpu.memory_space<vmem_shared>>
        tpu.enqueue_dma source(%dma_start3A_22 : memref<640x128xf32, #tpu.memory_space<vmem_shared>>) target(%dma_start3A_20 : memref<640x128xf32, #tpu.memory_space<hbm>>) target_semaphore(%run_scoped3A : memref<!tpu.dma_semaphore, #tpu.memory_space<semaphore_mem>>)
        %dma_wait3A = arith.constant 0 : i32
        %dma_wait3A_23 = tpu.memref_slice %arg6[%mul3A_19, %dma_wait3A] : memref<10240x128xf32, #tpu.memory_space<hbm>> -> memref<640x128xf32, #tpu.memory_space<hbm>>
        %dma_wait3A_24 = arith.constant 0 : i32
        %dma_wait3A_25 = tpu.memref_slice %arg10[%mul3A_17, %dma_wait3A_24] : memref<10240x128xf32, #tpu.memory_space<vmem_shared>> -> memref<640x128xf32, #tpu.memory_space<vmem_shared>>
        tpu.wait_dma2 semaphore(%run_scoped3A : memref<!tpu.dma_semaphore, #tpu.memory_space<semaphore_mem>>) src(%dma_wait3A_25 : memref<640x128xf32, #tpu.memory_space<vmem_shared>>) dst(%dma_wait3A_23 : memref<640x128xf32, #tpu.memory_space<hbm>>)
        tpu.yield
      }) : () -> ()
    } else {
    }
    %eq3A_11 = arith.constant 1 : i32
    %eq3A_12 = arith.cmpi eq, %arg0, %eq3A_11 : i32
    %convert_element_type3A_13 = arith.extui %eq3A_12 : i1 to i32
    %cond3A_14 = arith.constant 0 : i32
    %cond3A_15 = arith.cmpi ne, %convert_element_type3A_13, %cond3A_14 : i32
    scf.if %cond3A_15 {
      %mul3A_16 = arith.constant 640 : i32
      %mul3A_17 = arith.muli %arg1, %mul3A_16 : i32
      %mul3A_18 = arith.constant 640 : i32
      %mul3A_19 = arith.muli %arg1, %mul3A_18 : i32
      "tpu.region"() ({
        %run_scoped3A = tpu.sem_alloc : memref<!tpu.dma_semaphore, #tpu.memory_space<semaphore_mem>>
        %dma_start3A = arith.constant 0 : i32
        %dma_start3A_20 = tpu.memref_slice %arg7[%mul3A_19, %dma_start3A] : memref<10240x128xf32, #tpu.memory_space<hbm>> -> memref<640x128xf32, #tpu.memory_space<hbm>>
        %dma_start3A_21 = arith.constant 0 : i32
        %dma_start3A_22 = tpu.memref_slice %arg10[%mul3A_17, %dma_start3A_21] : memref<10240x128xf32, #tpu.memory_space<vmem_shared>> -> memref<640x128xf32, #tpu.memory_space<vmem_shared>>
        tpu.enqueue_dma source(%dma_start3A_22 : memref<640x128xf32, #tpu.memory_space<vmem_shared>>) target(%dma_start3A_20 : memref<640x128xf32, #tpu.memory_space<hbm>>) target_semaphore(%run_scoped3A : memref<!tpu.dma_semaphore, #tpu.memory_space<semaphore_mem>>)
        %dma_wait3A = arith.constant 0 : i32
        %dma_wait3A_23 = tpu.memref_slice %arg7[%mul3A_19, %dma_wait3A] : memref<10240x128xf32, #tpu.memory_space<hbm>> -> memref<640x128xf32, #tpu.memory_space<hbm>>
        %dma_wait3A_24 = arith.constant 0 : i32
        %dma_wait3A_25 = tpu.memref_slice %arg10[%mul3A_17, %dma_wait3A_24] : memref<10240x128xf32, #tpu.memory_space<vmem_shared>> -> memref<640x128xf32, #tpu.memory_space<vmem_shared>>
        tpu.wait_dma2 semaphore(%run_scoped3A : memref<!tpu.dma_semaphore, #tpu.memory_space<semaphore_mem>>) src(%dma_wait3A_25 : memref<640x128xf32, #tpu.memory_space<vmem_shared>>) dst(%dma_wait3A_23 : memref<640x128xf32, #tpu.memory_space<hbm>>)
        tpu.yield
      }) : () -> ()
    } else {
    }
    return
  }
}

#map = affine_map<(d0, d1) -> (0, 0)>
#map1 = affine_map<(d0, d1) -> (0)>
module attributes {stable_mosaic.version = 14 : i64} {
  func.func @_gather_body(%arg0: i32, %arg1: i32, %arg2: memref<10240x128xf32, #tpu.memory_space<hbm>>, %arg3: memref<40960xf32, #tpu.memory_space<hbm>>, %arg4: memref<323584xi32, #tpu.memory_space<hbm>>, %arg5: memref<323584xi32, #tpu.memory_space<hbm>>, %arg6: memref<323584x128xf32, #tpu.memory_space<hbm>>, %arg7: memref<323584x128xf32, #tpu.memory_space<hbm>>, %arg8: memref<4x323584xf32, #tpu.memory_space<hbm>>, %arg9: memref<40960xf32, #tpu.memory_space<vmem>>, %arg10: memref<128xi32, #tpu.memory_space<vmem>>, %arg11: memref<128xi32, #tpu.memory_space<vmem>>, %arg12: memref<128x128xf32, #tpu.memory_space<vmem>>, %arg13: memref<128x128xf32, #tpu.memory_space<vmem>>, %arg14: memref<128xf32, #tpu.memory_space<vmem>>, %arg15: memref<128xf32, #tpu.memory_space<vmem>>, %arg16: memref<128xf32, #tpu.memory_space<vmem>>, %arg17: memref<128xf32, #tpu.memory_space<vmem>>, %arg18: memref<!tpu.dma_semaphore, #tpu.memory_space<semaphore_mem>>) attributes {dimension_semantics = [#tpu.dimension_semantics<core_parallel>, #tpu.dimension_semantics<subcore_parallel>], iteration_bounds = array<i64: 2, 16>, scalar_prefetch = 0 : i64, scratch_operands = 10 : i64, tpu.core_type = #tpu.core_type<sc_vector_subcore>, window_params = [{transform_indices = #map}, {transform_indices = #map1}, {transform_indices = #map1}, {transform_indices = #map1}, {transform_indices = #map}, {transform_indices = #map}, {transform_indices = #map}]} {
    %mul3A = arith.constant 2 : i32
    %mul3A_0 = arith.muli %arg1, %mul3A : i32
    %add3A = arith.addi %mul3A_0, %arg0 : i32
    %mul3A_1 = arith.constant 10112 : i32
    %mul3A_2 = arith.muli %add3A, %mul3A_1 : i32
    "tpu.region"() ({
      %run_scoped3A = tpu.sem_alloc : memref<!tpu.dma_semaphore, #tpu.memory_space<semaphore_mem>>
      tpu.enqueue_dma source(%arg3 : memref<40960xf32, #tpu.memory_space<hbm>>) target(%arg9 : memref<40960xf32, #tpu.memory_space<vmem>>) target_semaphore(%run_scoped3A : memref<!tpu.dma_semaphore, #tpu.memory_space<semaphore_mem>>)
      tpu.wait_dma2 semaphore(%run_scoped3A : memref<!tpu.dma_semaphore, #tpu.memory_space<semaphore_mem>>) src(%arg3 : memref<40960xf32, #tpu.memory_space<hbm>>) dst(%arg9 : memref<40960xf32, #tpu.memory_space<vmem>>)
      tpu.yield
    }) : () -> ()
    %scan3A = arith.constant 0 : i32
    %scan3A_3 = arith.constant 0 : i32
    %scan3A_4 = arith.constant 79 : i32
    %scan3A_5 = arith.addi %scan3A_3, %scan3A_4 : i32
    %scan3A_6 = arith.constant 1 : i32
    scf.for %scan3A_8 = %scan3A_3 to %scan3A_5 step %scan3A_6  : i32 {
      %mul3A_9 = arith.constant 128 : i32
      %mul3A_10 = arith.muli %scan3A_8, %mul3A_9 : i32
      %add3A_11 = arith.addi %mul3A_2, %mul3A_10 : i32
      "tpu.region"() ({
        %run_scoped3A_396 = tpu.sem_alloc : memref<!tpu.dma_semaphore, #tpu.memory_space<semaphore_mem>>
        %dma_start3A_397 = tpu.memref_slice %arg4[%add3A_11] : memref<323584xi32, #tpu.memory_space<hbm>> -> memref<128xi32, #tpu.memory_space<hbm>>
        %dma_start3A_398 = tpu.memref_slice %arg4[%add3A_11] : memref<323584xi32, #tpu.memory_space<hbm>> -> memref<128xi32, #tpu.memory_space<hbm>>
        tpu.enqueue_dma source(%dma_start3A_398 : memref<128xi32, #tpu.memory_space<hbm>>) target(%arg10 : memref<128xi32, #tpu.memory_space<vmem>>) target_semaphore(%run_scoped3A_396 : memref<!tpu.dma_semaphore, #tpu.memory_space<semaphore_mem>>)
        %dma_wait3A_399 = tpu.memref_slice %arg4[%add3A_11] : memref<323584xi32, #tpu.memory_space<hbm>> -> memref<128xi32, #tpu.memory_space<hbm>>
        %dma_wait3A_400 = tpu.memref_slice %arg4[%add3A_11] : memref<323584xi32, #tpu.memory_space<hbm>> -> memref<128xi32, #tpu.memory_space<hbm>>
        tpu.wait_dma2 semaphore(%run_scoped3A_396 : memref<!tpu.dma_semaphore, #tpu.memory_space<semaphore_mem>>) src(%dma_wait3A_400 : memref<128xi32, #tpu.memory_space<hbm>>) dst(%arg10 : memref<128xi32, #tpu.memory_space<vmem>>)
        tpu.yield
      }) : () -> ()
      "tpu.region"() ({
        %run_scoped3A_396 = tpu.sem_alloc : memref<!tpu.dma_semaphore, #tpu.memory_space<semaphore_mem>>
        %dma_start3A_397 = tpu.memref_slice %arg5[%add3A_11] : memref<323584xi32, #tpu.memory_space<hbm>> -> memref<128xi32, #tpu.memory_space<hbm>>
        %dma_start3A_398 = tpu.memref_slice %arg5[%add3A_11] : memref<323584xi32, #tpu.memory_space<hbm>> -> memref<128xi32, #tpu.memory_space<hbm>>
        tpu.enqueue_dma source(%dma_start3A_398 : memref<128xi32, #tpu.memory_space<hbm>>) target(%arg11 : memref<128xi32, #tpu.memory_space<vmem>>) target_semaphore(%run_scoped3A_396 : memref<!tpu.dma_semaphore, #tpu.memory_space<semaphore_mem>>)
        %dma_wait3A_399 = tpu.memref_slice %arg5[%add3A_11] : memref<323584xi32, #tpu.memory_space<hbm>> -> memref<128xi32, #tpu.memory_space<hbm>>
        %dma_wait3A_400 = tpu.memref_slice %arg5[%add3A_11] : memref<323584xi32, #tpu.memory_space<hbm>> -> memref<128xi32, #tpu.memory_space<hbm>>
        tpu.wait_dma2 semaphore(%run_scoped3A_396 : memref<!tpu.dma_semaphore, #tpu.memory_space<semaphore_mem>>) src(%dma_wait3A_400 : memref<128xi32, #tpu.memory_space<hbm>>) dst(%arg11 : memref<128xi32, #tpu.memory_space<vmem>>)
        tpu.yield
      }) : () -> ()
      %dma_start3A = arith.constant 0 : i32
      %dma_start3A_12 = arith.constant 0 : i32
      %dma_start3A_13 = tpu.memref_slice %arg2[%dma_start3A, %dma_start3A_12] : memref<10240x128xf32, #tpu.memory_space<hbm>> -> memref<10240x128xf32, #tpu.memory_space<hbm>>
      tpu.enqueue_indirect_dma source(%dma_start3A_13 : memref<10240x128xf32, #tpu.memory_space<hbm>>) target(%arg12 : memref<128x128xf32, #tpu.memory_space<vmem>>) offsets(%arg10 : memref<128xi32, #tpu.memory_space<vmem>>) semaphore(%arg18 : memref<!tpu.dma_semaphore, #tpu.memory_space<semaphore_mem>>)
      %dma_wait3A = arith.constant 0 : i32
      %dma_wait3A_14 = arith.constant 0 : i32
      %dma_wait3A_15 = tpu.memref_slice %arg2[%dma_wait3A, %dma_wait3A_14] : memref<10240x128xf32, #tpu.memory_space<hbm>> -> memref<10240x128xf32, #tpu.memory_space<hbm>>
      tpu.wait_indirect_dma semaphore(%arg18 : memref<!tpu.dma_semaphore, #tpu.memory_space<semaphore_mem>>) src(%dma_wait3A_15 : memref<10240x128xf32, #tpu.memory_space<hbm>>) dst(%arg12 : memref<128x128xf32, #tpu.memory_space<vmem>>)
      %dma_start3A_16 = arith.constant 0 : i32
      %dma_start3A_17 = arith.constant 0 : i32
      %dma_start3A_18 = tpu.memref_slice %arg2[%dma_start3A_16, %dma_start3A_17] : memref<10240x128xf32, #tpu.memory_space<hbm>> -> memref<10240x128xf32, #tpu.memory_space<hbm>>
      tpu.enqueue_indirect_dma source(%dma_start3A_18 : memref<10240x128xf32, #tpu.memory_space<hbm>>) target(%arg13 : memref<128x128xf32, #tpu.memory_space<vmem>>) offsets(%arg11 : memref<128xi32, #tpu.memory_space<vmem>>) semaphore(%arg18 : memref<!tpu.dma_semaphore, #tpu.memory_space<semaphore_mem>>)
      %dma_wait3A_19 = arith.constant 0 : i32
      %dma_wait3A_20 = arith.constant 0 : i32
      %dma_wait3A_21 = tpu.memref_slice %arg2[%dma_wait3A_19, %dma_wait3A_20] : memref<10240x128xf32, #tpu.memory_space<hbm>> -> memref<10240x128xf32, #tpu.memory_space<hbm>>
      tpu.wait_indirect_dma semaphore(%arg18 : memref<!tpu.dma_semaphore, #tpu.memory_space<semaphore_mem>>) src(%dma_wait3A_21 : memref<10240x128xf32, #tpu.memory_space<hbm>>) dst(%arg13 : memref<128x128xf32, #tpu.memory_space<vmem>>)
      %get3A = arith.constant 0 : index
      %get3A_22 = tpu.vector_load %arg10[%get3A] {strides = array<i32>} : memref<128xi32, #tpu.memory_space<vmem>>, vector<16xi32>,
      %get3A_23 = arith.constant 0 : index
      %get3A_24 = tpu.vector_load %arg11[%get3A_23] {strides = array<i32>} : memref<128xi32, #tpu.memory_space<vmem>>, vector<16xi32>,
      %broadcast_in_dim3A = arith.constant 0.000000e+00 : f32
      %broadcast_in_dim3A_25 = vector.broadcast %broadcast_in_dim3A : f32 to vector<16xf32>
      %add3A_26 = arith.constant 0 : i32
      %add3A_27 = vector.broadcast %add3A_26 : i32 to vector<16xi32>
      %add3A_28 = arith.addi %get3A_22, %add3A_27 : vector<16xi32>
      %gather3A = tpu.vector_load_idx %arg9[%add3A_28] : memref<40960xf32, #tpu.memory_space<vmem>>[vector<16xi32>], vector<16xf32>,
      %add3A_29 = arith.constant 0 : i32
      %add3A_30 = vector.broadcast %add3A_29 : i32 to vector<16xi32>
      %add3A_31 = arith.addi %get3A_24, %add3A_30 : vector<16xi32>
      %gather3A_32 = tpu.vector_load_idx %arg9[%add3A_31] : memref<40960xf32, #tpu.memory_space<vmem>>[vector<16xi32>], vector<16xf32>,
      %sub3A = arith.subf %gather3A, %gather3A_32 : vector<16xf32>
      %swap3A = arith.constant 0 : index
      %swap3A_33 = tpu.vector_load %arg14[%swap3A] {strides = array<i32>} : memref<128xf32, #tpu.memory_space<vmem>>, vector<16xf32>,
      tpu.vector_store %arg14[%swap3A], %sub3A {strides = array<i32>} : memref<128xf32, #tpu.memory_space<vmem>>, vector<16xf32>,
      %mul3A_34 = arith.mulf %sub3A, %sub3A : vector<16xf32>
      %add3A_35 = arith.addf %broadcast_in_dim3A_25, %mul3A_34 : vector<16xf32>
      %add3A_36 = arith.constant 10240 : i32
      %add3A_37 = vector.broadcast %add3A_36 : i32 to vector<16xi32>
      %add3A_38 = arith.addi %get3A_22, %add3A_37 : vector<16xi32>
      %gather3A_39 = tpu.vector_load_idx %arg9[%add3A_38] : memref<40960xf32, #tpu.memory_space<vmem>>[vector<16xi32>], vector<16xf32>,
      %add3A_40 = arith.constant 10240 : i32
      %add3A_41 = vector.broadcast %add3A_40 : i32 to vector<16xi32>
      %add3A_42 = arith.addi %get3A_24, %add3A_41 : vector<16xi32>
      %gather3A_43 = tpu.vector_load_idx %arg9[%add3A_42] : memref<40960xf32, #tpu.memory_space<vmem>>[vector<16xi32>], vector<16xf32>,
      %sub3A_44 = arith.subf %gather3A_39, %gather3A_43 : vector<16xf32>
      %swap3A_45 = arith.constant 0 : index
      %swap3A_46 = tpu.vector_load %arg15[%swap3A_45] {strides = array<i32>} : memref<128xf32, #tpu.memory_space<vmem>>, vector<16xf32>,
      tpu.vector_store %arg15[%swap3A_45], %sub3A_44 {strides = array<i32>} : memref<128xf32, #tpu.memory_space<vmem>>, vector<16xf32>,
      %mul3A_47 = arith.mulf %sub3A_44, %sub3A_44 : vector<16xf32>
      %add3A_48 = arith.addf %add3A_35, %mul3A_47 : vector<16xf32>
      %add3A_49 = arith.constant 20480 : i32
      %add3A_50 = vector.broadcast %add3A_49 : i32 to vector<16xi32>
      %add3A_51 = arith.addi %get3A_22, %add3A_50 : vector<16xi32>
      %gather3A_52 = tpu.vector_load_idx %arg9[%add3A_51] : memref<40960xf32, #tpu.memory_space<vmem>>[vector<16xi32>], vector<16xf32>,
      %add3A_53 = arith.constant 20480 : i32
      %add3A_54 = vector.broadcast %add3A_53 : i32 to vector<16xi32>
      %add3A_55 = arith.addi %get3A_24, %add3A_54 : vector<16xi32>
      %gather3A_56 = tpu.vector_load_idx %arg9[%add3A_55] : memref<40960xf32, #tpu.memory_space<vmem>>[vector<16xi32>], vector<16xf32>,
      %sub3A_57 = arith.subf %gather3A_52, %gather3A_56 : vector<16xf32>
      %swap3A_58 = arith.constant 0 : index
      %swap3A_59 = tpu.vector_load %arg16[%swap3A_58] {strides = array<i32>} : memref<128xf32, #tpu.memory_space<vmem>>, vector<16xf32>,
      tpu.vector_store %arg16[%swap3A_58], %sub3A_57 {strides = array<i32>} : memref<128xf32, #tpu.memory_space<vmem>>, vector<16xf32>,
      %mul3A_60 = arith.mulf %sub3A_57, %sub3A_57 : vector<16xf32>
      %add3A_61 = arith.addf %add3A_48, %mul3A_60 : vector<16xf32>
      %swap3A_62 = arith.constant 0 : index
      %swap3A_63 = tpu.vector_load %arg17[%swap3A_62] {strides = array<i32>} : memref<128xf32, #tpu.memory_space<vmem>>, vector<16xf32>,
      tpu.vector_store %arg17[%swap3A_62], %add3A_61 {strides = array<i32>} : memref<128xf32, #tpu.memory_space<vmem>>, vector<16xf32>,
      %get3A_64 = arith.constant 16 : index
      %get3A_65 = tpu.vector_load %arg10[%get3A_64] {strides = array<i32>} : memref<128xi32, #tpu.memory_space<vmem>>, vector<16xi32>,
      %get3A_66 = arith.constant 16 : index
      %get3A_67 = tpu.vector_load %arg11[%get3A_66] {strides = array<i32>} : memref<128xi32, #tpu.memory_space<vmem>>, vector<16xi32>,
      %broadcast_in_dim3A_68 = arith.constant 0.000000e+00 : f32
      %broadcast_in_dim3A_69 = vector.broadcast %broadcast_in_dim3A_68 : f32 to vector<16xf32>
      %add3A_70 = arith.constant 0 : i32
      %add3A_71 = vector.broadcast %add3A_70 : i32 to vector<16xi32>
      %add3A_72 = arith.addi %get3A_65, %add3A_71 : vector<16xi32>
      %gather3A_73 = tpu.vector_load_idx %arg9[%add3A_72] : memref<40960xf32, #tpu.memory_space<vmem>>[vector<16xi32>], vector<16xf32>,
      %add3A_74 = arith.constant 0 : i32
      %add3A_75 = vector.broadcast %add3A_74 : i32 to vector<16xi32>
      %add3A_76 = arith.addi %get3A_67, %add3A_75 : vector<16xi32>
      %gather3A_77 = tpu.vector_load_idx %arg9[%add3A_76] : memref<40960xf32, #tpu.memory_space<vmem>>[vector<16xi32>], vector<16xf32>,
      %sub3A_78 = arith.subf %gather3A_73, %gather3A_77 : vector<16xf32>
      %swap3A_79 = arith.constant 16 : index
      %swap3A_80 = tpu.vector_load %arg14[%swap3A_79] {strides = array<i32>} : memref<128xf32, #tpu.memory_space<vmem>>, vector<16xf32>,
      tpu.vector_store %arg14[%swap3A_79], %sub3A_78 {strides = array<i32>} : memref<128xf32, #tpu.memory_space<vmem>>, vector<16xf32>,
      %mul3A_81 = arith.mulf %sub3A_78, %sub3A_78 : vector<16xf32>
      %add3A_82 = arith.addf %broadcast_in_dim3A_69, %mul3A_81 : vector<16xf32>
      %add3A_83 = arith.constant 10240 : i32
      %add3A_84 = vector.broadcast %add3A_83 : i32 to vector<16xi32>
      %add3A_85 = arith.addi %get3A_65, %add3A_84 : vector<16xi32>
      %gather3A_86 = tpu.vector_load_idx %arg9[%add3A_85] : memref<40960xf32, #tpu.memory_space<vmem>>[vector<16xi32>], vector<16xf32>,
      %add3A_87 = arith.constant 10240 : i32
      %add3A_88 = vector.broadcast %add3A_87 : i32 to vector<16xi32>
      %add3A_89 = arith.addi %get3A_67, %add3A_88 : vector<16xi32>
      %gather3A_90 = tpu.vector_load_idx %arg9[%add3A_89] : memref<40960xf32, #tpu.memory_space<vmem>>[vector<16xi32>], vector<16xf32>,
      %sub3A_91 = arith.subf %gather3A_86, %gather3A_90 : vector<16xf32>
      %swap3A_92 = arith.constant 16 : index
      %swap3A_93 = tpu.vector_load %arg15[%swap3A_92] {strides = array<i32>} : memref<128xf32, #tpu.memory_space<vmem>>, vector<16xf32>,
      tpu.vector_store %arg15[%swap3A_92], %sub3A_91 {strides = array<i32>} : memref<128xf32, #tpu.memory_space<vmem>>, vector<16xf32>,
      %mul3A_94 = arith.mulf %sub3A_91, %sub3A_91 : vector<16xf32>
      %add3A_95 = arith.addf %add3A_82, %mul3A_94 : vector<16xf32>
      %add3A_96 = arith.constant 20480 : i32
      %add3A_97 = vector.broadcast %add3A_96 : i32 to vector<16xi32>
      %add3A_98 = arith.addi %get3A_65, %add3A_97 : vector<16xi32>
      %gather3A_99 = tpu.vector_load_idx %arg9[%add3A_98] : memref<40960xf32, #tpu.memory_space<vmem>>[vector<16xi32>], vector<16xf32>,
      %add3A_100 = arith.constant 20480 : i32
      %add3A_101 = vector.broadcast %add3A_100 : i32 to vector<16xi32>
      %add3A_102 = arith.addi %get3A_67, %add3A_101 : vector<16xi32>
      %gather3A_103 = tpu.vector_load_idx %arg9[%add3A_102] : memref<40960xf32, #tpu.memory_space<vmem>>[vector<16xi32>], vector<16xf32>,
      %sub3A_104 = arith.subf %gather3A_99, %gather3A_103 : vector<16xf32>
      %swap3A_105 = arith.constant 16 : index
      %swap3A_106 = tpu.vector_load %arg16[%swap3A_105] {strides = array<i32>} : memref<128xf32, #tpu.memory_space<vmem>>, vector<16xf32>,
      tpu.vector_store %arg16[%swap3A_105], %sub3A_104 {strides = array<i32>} : memref<128xf32, #tpu.memory_space<vmem>>, vector<16xf32>,
      %mul3A_107 = arith.mulf %sub3A_104, %sub3A_104 : vector<16xf32>
      %add3A_108 = arith.addf %add3A_95, %mul3A_107 : vector<16xf32>
      %swap3A_109 = arith.constant 16 : index
      %swap3A_110 = tpu.vector_load %arg17[%swap3A_109] {strides = array<i32>} : memref<128xf32, #tpu.memory_space<vmem>>, vector<16xf32>,
      tpu.vector_store %arg17[%swap3A_109], %add3A_108 {strides = array<i32>} : memref<128xf32, #tpu.memory_space<vmem>>, vector<16xf32>,
      %get3A_111 = arith.constant 32 : index
      %get3A_112 = tpu.vector_load %arg10[%get3A_111] {strides = array<i32>} : memref<128xi32, #tpu.memory_space<vmem>>, vector<16xi32>,
      %get3A_113 = arith.constant 32 : index
      %get3A_114 = tpu.vector_load %arg11[%get3A_113] {strides = array<i32>} : memref<128xi32, #tpu.memory_space<vmem>>, vector<16xi32>,
      %broadcast_in_dim3A_115 = arith.constant 0.000000e+00 : f32
      %broadcast_in_dim3A_116 = vector.broadcast %broadcast_in_dim3A_115 : f32 to vector<16xf32>
      %add3A_117 = arith.constant 0 : i32
      %add3A_118 = vector.broadcast %add3A_117 : i32 to vector<16xi32>
      %add3A_119 = arith.addi %get3A_112, %add3A_118 : vector<16xi32>
      %gather3A_120 = tpu.vector_load_idx %arg9[%add3A_119] : memref<40960xf32, #tpu.memory_space<vmem>>[vector<16xi32>], vector<16xf32>,
      %add3A_121 = arith.constant 0 : i32
      %add3A_122 = vector.broadcast %add3A_121 : i32 to vector<16xi32>
      %add3A_123 = arith.addi %get3A_114, %add3A_122 : vector<16xi32>
      %gather3A_124 = tpu.vector_load_idx %arg9[%add3A_123] : memref<40960xf32, #tpu.memory_space<vmem>>[vector<16xi32>], vector<16xf32>,
      %sub3A_125 = arith.subf %gather3A_120, %gather3A_124 : vector<16xf32>
      %swap3A_126 = arith.constant 32 : index
      %swap3A_127 = tpu.vector_load %arg14[%swap3A_126] {strides = array<i32>} : memref<128xf32, #tpu.memory_space<vmem>>, vector<16xf32>,
      tpu.vector_store %arg14[%swap3A_126], %sub3A_125 {strides = array<i32>} : memref<128xf32, #tpu.memory_space<vmem>>, vector<16xf32>,
      %mul3A_128 = arith.mulf %sub3A_125, %sub3A_125 : vector<16xf32>
      %add3A_129 = arith.addf %broadcast_in_dim3A_116, %mul3A_128 : vector<16xf32>
      %add3A_130 = arith.constant 10240 : i32
      %add3A_131 = vector.broadcast %add3A_130 : i32 to vector<16xi32>
      %add3A_132 = arith.addi %get3A_112, %add3A_131 : vector<16xi32>
      %gather3A_133 = tpu.vector_load_idx %arg9[%add3A_132] : memref<40960xf32, #tpu.memory_space<vmem>>[vector<16xi32>], vector<16xf32>,
      %add3A_134 = arith.constant 10240 : i32
      %add3A_135 = vector.broadcast %add3A_134 : i32 to vector<16xi32>
      %add3A_136 = arith.addi %get3A_114, %add3A_135 : vector<16xi32>
      %gather3A_137 = tpu.vector_load_idx %arg9[%add3A_136] : memref<40960xf32, #tpu.memory_space<vmem>>[vector<16xi32>], vector<16xf32>,
      %sub3A_138 = arith.subf %gather3A_133, %gather3A_137 : vector<16xf32>
      %swap3A_139 = arith.constant 32 : index
      %swap3A_140 = tpu.vector_load %arg15[%swap3A_139] {strides = array<i32>} : memref<128xf32, #tpu.memory_space<vmem>>, vector<16xf32>,
      tpu.vector_store %arg15[%swap3A_139], %sub3A_138 {strides = array<i32>} : memref<128xf32, #tpu.memory_space<vmem>>, vector<16xf32>,
      %mul3A_141 = arith.mulf %sub3A_138, %sub3A_138 : vector<16xf32>
      %add3A_142 = arith.addf %add3A_129, %mul3A_141 : vector<16xf32>
      %add3A_143 = arith.constant 20480 : i32
      %add3A_144 = vector.broadcast %add3A_143 : i32 to vector<16xi32>
      %add3A_145 = arith.addi %get3A_112, %add3A_144 : vector<16xi32>
      %gather3A_146 = tpu.vector_load_idx %arg9[%add3A_145] : memref<40960xf32, #tpu.memory_space<vmem>>[vector<16xi32>], vector<16xf32>,
      %add3A_147 = arith.constant 20480 : i32
      %add3A_148 = vector.broadcast %add3A_147 : i32 to vector<16xi32>
      %add3A_149 = arith.addi %get3A_114, %add3A_148 : vector<16xi32>
      %gather3A_150 = tpu.vector_load_idx %arg9[%add3A_149] : memref<40960xf32, #tpu.memory_space<vmem>>[vector<16xi32>], vector<16xf32>,
      %sub3A_151 = arith.subf %gather3A_146, %gather3A_150 : vector<16xf32>
      %swap3A_152 = arith.constant 32 : index
      %swap3A_153 = tpu.vector_load %arg16[%swap3A_152] {strides = array<i32>} : memref<128xf32, #tpu.memory_space<vmem>>, vector<16xf32>,
      tpu.vector_store %arg16[%swap3A_152], %sub3A_151 {strides = array<i32>} : memref<128xf32, #tpu.memory_space<vmem>>, vector<16xf32>,
      %mul3A_154 = arith.mulf %sub3A_151, %sub3A_151 : vector<16xf32>
      %add3A_155 = arith.addf %add3A_142, %mul3A_154 : vector<16xf32>
      %swap3A_156 = arith.constant 32 : index
      %swap3A_157 = tpu.vector_load %arg17[%swap3A_156] {strides = array<i32>} : memref<128xf32, #tpu.memory_space<vmem>>, vector<16xf32>,
      tpu.vector_store %arg17[%swap3A_156], %add3A_155 {strides = array<i32>} : memref<128xf32, #tpu.memory_space<vmem>>, vector<16xf32>,
      %get3A_158 = arith.constant 48 : index
      %get3A_159 = tpu.vector_load %arg10[%get3A_158] {strides = array<i32>} : memref<128xi32, #tpu.memory_space<vmem>>, vector<16xi32>,
      %get3A_160 = arith.constant 48 : index
      %get3A_161 = tpu.vector_load %arg11[%get3A_160] {strides = array<i32>} : memref<128xi32, #tpu.memory_space<vmem>>, vector<16xi32>,
      %broadcast_in_dim3A_162 = arith.constant 0.000000e+00 : f32
      %broadcast_in_dim3A_163 = vector.broadcast %broadcast_in_dim3A_162 : f32 to vector<16xf32>
      %add3A_164 = arith.constant 0 : i32
      %add3A_165 = vector.broadcast %add3A_164 : i32 to vector<16xi32>
      %add3A_166 = arith.addi %get3A_159, %add3A_165 : vector<16xi32>
      %gather3A_167 = tpu.vector_load_idx %arg9[%add3A_166] : memref<40960xf32, #tpu.memory_space<vmem>>[vector<16xi32>], vector<16xf32>,
      %add3A_168 = arith.constant 0 : i32
      %add3A_169 = vector.broadcast %add3A_168 : i32 to vector<16xi32>
      %add3A_170 = arith.addi %get3A_161, %add3A_169 : vector<16xi32>
      %gather3A_171 = tpu.vector_load_idx %arg9[%add3A_170] : memref<40960xf32, #tpu.memory_space<vmem>>[vector<16xi32>], vector<16xf32>,
      %sub3A_172 = arith.subf %gather3A_167, %gather3A_171 : vector<16xf32>
      %swap3A_173 = arith.constant 48 : index
      %swap3A_174 = tpu.vector_load %arg14[%swap3A_173] {strides = array<i32>} : memref<128xf32, #tpu.memory_space<vmem>>, vector<16xf32>,
      tpu.vector_store %arg14[%swap3A_173], %sub3A_172 {strides = array<i32>} : memref<128xf32, #tpu.memory_space<vmem>>, vector<16xf32>,
      %mul3A_175 = arith.mulf %sub3A_172, %sub3A_172 : vector<16xf32>
      %add3A_176 = arith.addf %broadcast_in_dim3A_163, %mul3A_175 : vector<16xf32>
      %add3A_177 = arith.constant 10240 : i32
      %add3A_178 = vector.broadcast %add3A_177 : i32 to vector<16xi32>
      %add3A_179 = arith.addi %get3A_159, %add3A_178 : vector<16xi32>
      %gather3A_180 = tpu.vector_load_idx %arg9[%add3A_179] : memref<40960xf32, #tpu.memory_space<vmem>>[vector<16xi32>], vector<16xf32>,
      %add3A_181 = arith.constant 10240 : i32
      %add3A_182 = vector.broadcast %add3A_181 : i32 to vector<16xi32>
      %add3A_183 = arith.addi %get3A_161, %add3A_182 : vector<16xi32>
      %gather3A_184 = tpu.vector_load_idx %arg9[%add3A_183] : memref<40960xf32, #tpu.memory_space<vmem>>[vector<16xi32>], vector<16xf32>,
      %sub3A_185 = arith.subf %gather3A_180, %gather3A_184 : vector<16xf32>
      %swap3A_186 = arith.constant 48 : index
      %swap3A_187 = tpu.vector_load %arg15[%swap3A_186] {strides = array<i32>} : memref<128xf32, #tpu.memory_space<vmem>>, vector<16xf32>,
      tpu.vector_store %arg15[%swap3A_186], %sub3A_185 {strides = array<i32>} : memref<128xf32, #tpu.memory_space<vmem>>, vector<16xf32>,
      %mul3A_188 = arith.mulf %sub3A_185, %sub3A_185 : vector<16xf32>
      %add3A_189 = arith.addf %add3A_176, %mul3A_188 : vector<16xf32>
      %add3A_190 = arith.constant 20480 : i32
      %add3A_191 = vector.broadcast %add3A_190 : i32 to vector<16xi32>
      %add3A_192 = arith.addi %get3A_159, %add3A_191 : vector<16xi32>
      %gather3A_193 = tpu.vector_load_idx %arg9[%add3A_192] : memref<40960xf32, #tpu.memory_space<vmem>>[vector<16xi32>], vector<16xf32>,
      %add3A_194 = arith.constant 20480 : i32
      %add3A_195 = vector.broadcast %add3A_194 : i32 to vector<16xi32>
      %add3A_196 = arith.addi %get3A_161, %add3A_195 : vector<16xi32>
      %gather3A_197 = tpu.vector_load_idx %arg9[%add3A_196] : memref<40960xf32, #tpu.memory_space<vmem>>[vector<16xi32>], vector<16xf32>,
      %sub3A_198 = arith.subf %gather3A_193, %gather3A_197 : vector<16xf32>
      %swap3A_199 = arith.constant 48 : index
      %swap3A_200 = tpu.vector_load %arg16[%swap3A_199] {strides = array<i32>} : memref<128xf32, #tpu.memory_space<vmem>>, vector<16xf32>,
      tpu.vector_store %arg16[%swap3A_199], %sub3A_198 {strides = array<i32>} : memref<128xf32, #tpu.memory_space<vmem>>, vector<16xf32>,
      %mul3A_201 = arith.mulf %sub3A_198, %sub3A_198 : vector<16xf32>
      %add3A_202 = arith.addf %add3A_189, %mul3A_201 : vector<16xf32>
      %swap3A_203 = arith.constant 48 : index
      %swap3A_204 = tpu.vector_load %arg17[%swap3A_203] {strides = array<i32>} : memref<128xf32, #tpu.memory_space<vmem>>, vector<16xf32>,
      tpu.vector_store %arg17[%swap3A_203], %add3A_202 {strides = array<i32>} : memref<128xf32, #tpu.memory_space<vmem>>, vector<16xf32>,
      %get3A_205 = arith.constant 64 : index
      %get3A_206 = tpu.vector_load %arg10[%get3A_205] {strides = array<i32>} : memref<128xi32, #tpu.memory_space<vmem>>, vector<16xi32>,
      %get3A_207 = arith.constant 64 : index
      %get3A_208 = tpu.vector_load %arg11[%get3A_207] {strides = array<i32>} : memref<128xi32, #tpu.memory_space<vmem>>, vector<16xi32>,
      %broadcast_in_dim3A_209 = arith.constant 0.000000e+00 : f32
      %broadcast_in_dim3A_210 = vector.broadcast %broadcast_in_dim3A_209 : f32 to vector<16xf32>
      %add3A_211 = arith.constant 0 : i32
      %add3A_212 = vector.broadcast %add3A_211 : i32 to vector<16xi32>
      %add3A_213 = arith.addi %get3A_206, %add3A_212 : vector<16xi32>
      %gather3A_214 = tpu.vector_load_idx %arg9[%add3A_213] : memref<40960xf32, #tpu.memory_space<vmem>>[vector<16xi32>], vector<16xf32>,
      %add3A_215 = arith.constant 0 : i32
      %add3A_216 = vector.broadcast %add3A_215 : i32 to vector<16xi32>
      %add3A_217 = arith.addi %get3A_208, %add3A_216 : vector<16xi32>
      %gather3A_218 = tpu.vector_load_idx %arg9[%add3A_217] : memref<40960xf32, #tpu.memory_space<vmem>>[vector<16xi32>], vector<16xf32>,
      %sub3A_219 = arith.subf %gather3A_214, %gather3A_218 : vector<16xf32>
      %swap3A_220 = arith.constant 64 : index
      %swap3A_221 = tpu.vector_load %arg14[%swap3A_220] {strides = array<i32>} : memref<128xf32, #tpu.memory_space<vmem>>, vector<16xf32>,
      tpu.vector_store %arg14[%swap3A_220], %sub3A_219 {strides = array<i32>} : memref<128xf32, #tpu.memory_space<vmem>>, vector<16xf32>,
      %mul3A_222 = arith.mulf %sub3A_219, %sub3A_219 : vector<16xf32>
      %add3A_223 = arith.addf %broadcast_in_dim3A_210, %mul3A_222 : vector<16xf32>
      %add3A_224 = arith.constant 10240 : i32
      %add3A_225 = vector.broadcast %add3A_224 : i32 to vector<16xi32>
      %add3A_226 = arith.addi %get3A_206, %add3A_225 : vector<16xi32>
      %gather3A_227 = tpu.vector_load_idx %arg9[%add3A_226] : memref<40960xf32, #tpu.memory_space<vmem>>[vector<16xi32>], vector<16xf32>,
      %add3A_228 = arith.constant 10240 : i32
      %add3A_229 = vector.broadcast %add3A_228 : i32 to vector<16xi32>
      %add3A_230 = arith.addi %get3A_208, %add3A_229 : vector<16xi32>
      %gather3A_231 = tpu.vector_load_idx %arg9[%add3A_230] : memref<40960xf32, #tpu.memory_space<vmem>>[vector<16xi32>], vector<16xf32>,
      %sub3A_232 = arith.subf %gather3A_227, %gather3A_231 : vector<16xf32>
      %swap3A_233 = arith.constant 64 : index
      %swap3A_234 = tpu.vector_load %arg15[%swap3A_233] {strides = array<i32>} : memref<128xf32, #tpu.memory_space<vmem>>, vector<16xf32>,
      tpu.vector_store %arg15[%swap3A_233], %sub3A_232 {strides = array<i32>} : memref<128xf32, #tpu.memory_space<vmem>>, vector<16xf32>,
      %mul3A_235 = arith.mulf %sub3A_232, %sub3A_232 : vector<16xf32>
      %add3A_236 = arith.addf %add3A_223, %mul3A_235 : vector<16xf32>
      %add3A_237 = arith.constant 20480 : i32
      %add3A_238 = vector.broadcast %add3A_237 : i32 to vector<16xi32>
      %add3A_239 = arith.addi %get3A_206, %add3A_238 : vector<16xi32>
      %gather3A_240 = tpu.vector_load_idx %arg9[%add3A_239] : memref<40960xf32, #tpu.memory_space<vmem>>[vector<16xi32>], vector<16xf32>,
      %add3A_241 = arith.constant 20480 : i32
      %add3A_242 = vector.broadcast %add3A_241 : i32 to vector<16xi32>
      %add3A_243 = arith.addi %get3A_208, %add3A_242 : vector<16xi32>
      %gather3A_244 = tpu.vector_load_idx %arg9[%add3A_243] : memref<40960xf32, #tpu.memory_space<vmem>>[vector<16xi32>], vector<16xf32>,
      %sub3A_245 = arith.subf %gather3A_240, %gather3A_244 : vector<16xf32>
      %swap3A_246 = arith.constant 64 : index
      %swap3A_247 = tpu.vector_load %arg16[%swap3A_246] {strides = array<i32>} : memref<128xf32, #tpu.memory_space<vmem>>, vector<16xf32>,
      tpu.vector_store %arg16[%swap3A_246], %sub3A_245 {strides = array<i32>} : memref<128xf32, #tpu.memory_space<vmem>>, vector<16xf32>,
      %mul3A_248 = arith.mulf %sub3A_245, %sub3A_245 : vector<16xf32>
      %add3A_249 = arith.addf %add3A_236, %mul3A_248 : vector<16xf32>
      %swap3A_250 = arith.constant 64 : index
      %swap3A_251 = tpu.vector_load %arg17[%swap3A_250] {strides = array<i32>} : memref<128xf32, #tpu.memory_space<vmem>>, vector<16xf32>,
      tpu.vector_store %arg17[%swap3A_250], %add3A_249 {strides = array<i32>} : memref<128xf32, #tpu.memory_space<vmem>>, vector<16xf32>,
      %get3A_252 = arith.constant 80 : index
      %get3A_253 = tpu.vector_load %arg10[%get3A_252] {strides = array<i32>} : memref<128xi32, #tpu.memory_space<vmem>>, vector<16xi32>,
      %get3A_254 = arith.constant 80 : index
      %get3A_255 = tpu.vector_load %arg11[%get3A_254] {strides = array<i32>} : memref<128xi32, #tpu.memory_space<vmem>>, vector<16xi32>,
      %broadcast_in_dim3A_256 = arith.constant 0.000000e+00 : f32
      %broadcast_in_dim3A_257 = vector.broadcast %broadcast_in_dim3A_256 : f32 to vector<16xf32>
      %add3A_258 = arith.constant 0 : i32
      %add3A_259 = vector.broadcast %add3A_258 : i32 to vector<16xi32>
      %add3A_260 = arith.addi %get3A_253, %add3A_259 : vector<16xi32>
      %gather3A_261 = tpu.vector_load_idx %arg9[%add3A_260] : memref<40960xf32, #tpu.memory_space<vmem>>[vector<16xi32>], vector<16xf32>,
      %add3A_262 = arith.constant 0 : i32
      %add3A_263 = vector.broadcast %add3A_262 : i32 to vector<16xi32>
      %add3A_264 = arith.addi %get3A_255, %add3A_263 : vector<16xi32>
      %gather3A_265 = tpu.vector_load_idx %arg9[%add3A_264] : memref<40960xf32, #tpu.memory_space<vmem>>[vector<16xi32>], vector<16xf32>,
      %sub3A_266 = arith.subf %gather3A_261, %gather3A_265 : vector<16xf32>
      %swap3A_267 = arith.constant 80 : index
      %swap3A_268 = tpu.vector_load %arg14[%swap3A_267] {strides = array<i32>} : memref<128xf32, #tpu.memory_space<vmem>>, vector<16xf32>,
      tpu.vector_store %arg14[%swap3A_267], %sub3A_266 {strides = array<i32>} : memref<128xf32, #tpu.memory_space<vmem>>, vector<16xf32>,
      %mul3A_269 = arith.mulf %sub3A_266, %sub3A_266 : vector<16xf32>
      %add3A_270 = arith.addf %broadcast_in_dim3A_257, %mul3A_269 : vector<16xf32>
      %add3A_271 = arith.constant 10240 : i32
      %add3A_272 = vector.broadcast %add3A_271 : i32 to vector<16xi32>
      %add3A_273 = arith.addi %get3A_253, %add3A_272 : vector<16xi32>
      %gather3A_274 = tpu.vector_load_idx %arg9[%add3A_273] : memref<40960xf32, #tpu.memory_space<vmem>>[vector<16xi32>], vector<16xf32>,
      %add3A_275 = arith.constant 10240 : i32
      %add3A_276 = vector.broadcast %add3A_275 : i32 to vector<16xi32>
      %add3A_277 = arith.addi %get3A_255, %add3A_276 : vector<16xi32>
      %gather3A_278 = tpu.vector_load_idx %arg9[%add3A_277] : memref<40960xf32, #tpu.memory_space<vmem>>[vector<16xi32>], vector<16xf32>,
      %sub3A_279 = arith.subf %gather3A_274, %gather3A_278 : vector<16xf32>
      %swap3A_280 = arith.constant 80 : index
      %swap3A_281 = tpu.vector_load %arg15[%swap3A_280] {strides = array<i32>} : memref<128xf32, #tpu.memory_space<vmem>>, vector<16xf32>,
      tpu.vector_store %arg15[%swap3A_280], %sub3A_279 {strides = array<i32>} : memref<128xf32, #tpu.memory_space<vmem>>, vector<16xf32>,
      %mul3A_282 = arith.mulf %sub3A_279, %sub3A_279 : vector<16xf32>
      %add3A_283 = arith.addf %add3A_270, %mul3A_282 : vector<16xf32>
      %add3A_284 = arith.constant 20480 : i32
      %add3A_285 = vector.broadcast %add3A_284 : i32 to vector<16xi32>
      %add3A_286 = arith.addi %get3A_253, %add3A_285 : vector<16xi32>
      %gather3A_287 = tpu.vector_load_idx %arg9[%add3A_286] : memref<40960xf32, #tpu.memory_space<vmem>>[vector<16xi32>], vector<16xf32>,
      %add3A_288 = arith.constant 20480 : i32
      %add3A_289 = vector.broadcast %add3A_288 : i32 to vector<16xi32>
      %add3A_290 = arith.addi %get3A_255, %add3A_289 : vector<16xi32>
      %gather3A_291 = tpu.vector_load_idx %arg9[%add3A_290] : memref<40960xf32, #tpu.memory_space<vmem>>[vector<16xi32>], vector<16xf32>,
      %sub3A_292 = arith.subf %gather3A_287, %gather3A_291 : vector<16xf32>
      %swap3A_293 = arith.constant 80 : index
      %swap3A_294 = tpu.vector_load %arg16[%swap3A_293] {strides = array<i32>} : memref<128xf32, #tpu.memory_space<vmem>>, vector<16xf32>,
      tpu.vector_store %arg16[%swap3A_293], %sub3A_292 {strides = array<i32>} : memref<128xf32, #tpu.memory_space<vmem>>, vector<16xf32>,
      %mul3A_295 = arith.mulf %sub3A_292, %sub3A_292 : vector<16xf32>
      %add3A_296 = arith.addf %add3A_283, %mul3A_295 : vector<16xf32>
      %swap3A_297 = arith.constant 80 : index
      %swap3A_298 = tpu.vector_load %arg17[%swap3A_297] {strides = array<i32>} : memref<128xf32, #tpu.memory_space<vmem>>, vector<16xf32>,
      tpu.vector_store %arg17[%swap3A_297], %add3A_296 {strides = array<i32>} : memref<128xf32, #tpu.memory_space<vmem>>, vector<16xf32>,
      %get3A_299 = arith.constant 96 : index
      %get3A_300 = tpu.vector_load %arg10[%get3A_299] {strides = array<i32>} : memref<128xi32, #tpu.memory_space<vmem>>, vector<16xi32>,
      %get3A_301 = arith.constant 96 : index
      %get3A_302 = tpu.vector_load %arg11[%get3A_301] {strides = array<i32>} : memref<128xi32, #tpu.memory_space<vmem>>, vector<16xi32>,
      %broadcast_in_dim3A_303 = arith.constant 0.000000e+00 : f32
      %broadcast_in_dim3A_304 = vector.broadcast %broadcast_in_dim3A_303 : f32 to vector<16xf32>
      %add3A_305 = arith.constant 0 : i32
      %add3A_306 = vector.broadcast %add3A_305 : i32 to vector<16xi32>
      %add3A_307 = arith.addi %get3A_300, %add3A_306 : vector<16xi32>
      %gather3A_308 = tpu.vector_load_idx %arg9[%add3A_307] : memref<40960xf32, #tpu.memory_space<vmem>>[vector<16xi32>], vector<16xf32>,
      %add3A_309 = arith.constant 0 : i32
      %add3A_310 = vector.broadcast %add3A_309 : i32 to vector<16xi32>
      %add3A_311 = arith.addi %get3A_302, %add3A_310 : vector<16xi32>
      %gather3A_312 = tpu.vector_load_idx %arg9[%add3A_311] : memref<40960xf32, #tpu.memory_space<vmem>>[vector<16xi32>], vector<16xf32>,
      %sub3A_313 = arith.subf %gather3A_308, %gather3A_312 : vector<16xf32>
      %swap3A_314 = arith.constant 96 : index
      %swap3A_315 = tpu.vector_load %arg14[%swap3A_314] {strides = array<i32>} : memref<128xf32, #tpu.memory_space<vmem>>, vector<16xf32>,
      tpu.vector_store %arg14[%swap3A_314], %sub3A_313 {strides = array<i32>} : memref<128xf32, #tpu.memory_space<vmem>>, vector<16xf32>,
      %mul3A_316 = arith.mulf %sub3A_313, %sub3A_313 : vector<16xf32>
      %add3A_317 = arith.addf %broadcast_in_dim3A_304, %mul3A_316 : vector<16xf32>
      %add3A_318 = arith.constant 10240 : i32
      %add3A_319 = vector.broadcast %add3A_318 : i32 to vector<16xi32>
      %add3A_320 = arith.addi %get3A_300, %add3A_319 : vector<16xi32>
      %gather3A_321 = tpu.vector_load_idx %arg9[%add3A_320] : memref<40960xf32, #tpu.memory_space<vmem>>[vector<16xi32>], vector<16xf32>,
      %add3A_322 = arith.constant 10240 : i32
      %add3A_323 = vector.broadcast %add3A_322 : i32 to vector<16xi32>
      %add3A_324 = arith.addi %get3A_302, %add3A_323 : vector<16xi32>
      %gather3A_325 = tpu.vector_load_idx %arg9[%add3A_324] : memref<40960xf32, #tpu.memory_space<vmem>>[vector<16xi32>], vector<16xf32>,
      %sub3A_326 = arith.subf %gather3A_321, %gather3A_325 : vector<16xf32>
      %swap3A_327 = arith.constant 96 : index
      %swap3A_328 = tpu.vector_load %arg15[%swap3A_327] {strides = array<i32>} : memref<128xf32, #tpu.memory_space<vmem>>, vector<16xf32>,
      tpu.vector_store %arg15[%swap3A_327], %sub3A_326 {strides = array<i32>} : memref<128xf32, #tpu.memory_space<vmem>>, vector<16xf32>,
      %mul3A_329 = arith.mulf %sub3A_326, %sub3A_326 : vector<16xf32>
      %add3A_330 = arith.addf %add3A_317, %mul3A_329 : vector<16xf32>
      %add3A_331 = arith.constant 20480 : i32
      %add3A_332 = vector.broadcast %add3A_331 : i32 to vector<16xi32>
      %add3A_333 = arith.addi %get3A_300, %add3A_332 : vector<16xi32>
      %gather3A_334 = tpu.vector_load_idx %arg9[%add3A_333] : memref<40960xf32, #tpu.memory_space<vmem>>[vector<16xi32>], vector<16xf32>,
      %add3A_335 = arith.constant 20480 : i32
      %add3A_336 = vector.broadcast %add3A_335 : i32 to vector<16xi32>
      %add3A_337 = arith.addi %get3A_302, %add3A_336 : vector<16xi32>
      %gather3A_338 = tpu.vector_load_idx %arg9[%add3A_337] : memref<40960xf32, #tpu.memory_space<vmem>>[vector<16xi32>], vector<16xf32>,
      %sub3A_339 = arith.subf %gather3A_334, %gather3A_338 : vector<16xf32>
      %swap3A_340 = arith.constant 96 : index
      %swap3A_341 = tpu.vector_load %arg16[%swap3A_340] {strides = array<i32>} : memref<128xf32, #tpu.memory_space<vmem>>, vector<16xf32>,
      tpu.vector_store %arg16[%swap3A_340], %sub3A_339 {strides = array<i32>} : memref<128xf32, #tpu.memory_space<vmem>>, vector<16xf32>,
      %mul3A_342 = arith.mulf %sub3A_339, %sub3A_339 : vector<16xf32>
      %add3A_343 = arith.addf %add3A_330, %mul3A_342 : vector<16xf32>
      %swap3A_344 = arith.constant 96 : index
      %swap3A_345 = tpu.vector_load %arg17[%swap3A_344] {strides = array<i32>} : memref<128xf32, #tpu.memory_space<vmem>>, vector<16xf32>,
      tpu.vector_store %arg17[%swap3A_344], %add3A_343 {strides = array<i32>} : memref<128xf32, #tpu.memory_space<vmem>>, vector<16xf32>,
      %get3A_346 = arith.constant 112 : index
      %get3A_347 = tpu.vector_load %arg10[%get3A_346] {strides = array<i32>} : memref<128xi32, #tpu.memory_space<vmem>>, vector<16xi32>,
      %get3A_348 = arith.constant 112 : index
      %get3A_349 = tpu.vector_load %arg11[%get3A_348] {strides = array<i32>} : memref<128xi32, #tpu.memory_space<vmem>>, vector<16xi32>,
      %broadcast_in_dim3A_350 = arith.constant 0.000000e+00 : f32
      %broadcast_in_dim3A_351 = vector.broadcast %broadcast_in_dim3A_350 : f32 to vector<16xf32>
      %add3A_352 = arith.constant 0 : i32
      %add3A_353 = vector.broadcast %add3A_352 : i32 to vector<16xi32>
      %add3A_354 = arith.addi %get3A_347, %add3A_353 : vector<16xi32>
      %gather3A_355 = tpu.vector_load_idx %arg9[%add3A_354] : memref<40960xf32, #tpu.memory_space<vmem>>[vector<16xi32>], vector<16xf32>,
      %add3A_356 = arith.constant 0 : i32
      %add3A_357 = vector.broadcast %add3A_356 : i32 to vector<16xi32>
      %add3A_358 = arith.addi %get3A_349, %add3A_357 : vector<16xi32>
      %gather3A_359 = tpu.vector_load_idx %arg9[%add3A_358] : memref<40960xf32, #tpu.memory_space<vmem>>[vector<16xi32>], vector<16xf32>,
      %sub3A_360 = arith.subf %gather3A_355, %gather3A_359 : vector<16xf32>
      %swap3A_361 = arith.constant 112 : index
      %swap3A_362 = tpu.vector_load %arg14[%swap3A_361] {strides = array<i32>} : memref<128xf32, #tpu.memory_space<vmem>>, vector<16xf32>,
      tpu.vector_store %arg14[%swap3A_361], %sub3A_360 {strides = array<i32>} : memref<128xf32, #tpu.memory_space<vmem>>, vector<16xf32>,
      %mul3A_363 = arith.mulf %sub3A_360, %sub3A_360 : vector<16xf32>
      %add3A_364 = arith.addf %broadcast_in_dim3A_351, %mul3A_363 : vector<16xf32>
      %add3A_365 = arith.constant 10240 : i32
      %add3A_366 = vector.broadcast %add3A_365 : i32 to vector<16xi32>
      %add3A_367 = arith.addi %get3A_347, %add3A_366 : vector<16xi32>
      %gather3A_368 = tpu.vector_load_idx %arg9[%add3A_367] : memref<40960xf32, #tpu.memory_space<vmem>>[vector<16xi32>], vector<16xf32>,
      %add3A_369 = arith.constant 10240 : i32
      %add3A_370 = vector.broadcast %add3A_369 : i32 to vector<16xi32>
      %add3A_371 = arith.addi %get3A_349, %add3A_370 : vector<16xi32>
      %gather3A_372 = tpu.vector_load_idx %arg9[%add3A_371] : memref<40960xf32, #tpu.memory_space<vmem>>[vector<16xi32>], vector<16xf32>,
      %sub3A_373 = arith.subf %gather3A_368, %gather3A_372 : vector<16xf32>
      %swap3A_374 = arith.constant 112 : index
      %swap3A_375 = tpu.vector_load %arg15[%swap3A_374] {strides = array<i32>} : memref<128xf32, #tpu.memory_space<vmem>>, vector<16xf32>,
      tpu.vector_store %arg15[%swap3A_374], %sub3A_373 {strides = array<i32>} : memref<128xf32, #tpu.memory_space<vmem>>, vector<16xf32>,
      %mul3A_376 = arith.mulf %sub3A_373, %sub3A_373 : vector<16xf32>
      %add3A_377 = arith.addf %add3A_364, %mul3A_376 : vector<16xf32>
      %add3A_378 = arith.constant 20480 : i32
      %add3A_379 = vector.broadcast %add3A_378 : i32 to vector<16xi32>
      %add3A_380 = arith.addi %get3A_347, %add3A_379 : vector<16xi32>
      %gather3A_381 = tpu.vector_load_idx %arg9[%add3A_380] : memref<40960xf32, #tpu.memory_space<vmem>>[vector<16xi32>], vector<16xf32>,
      %add3A_382 = arith.constant 20480 : i32
      %add3A_383 = vector.broadcast %add3A_382 : i32 to vector<16xi32>
      %add3A_384 = arith.addi %get3A_349, %add3A_383 : vector<16xi32>
      %gather3A_385 = tpu.vector_load_idx %arg9[%add3A_384] : memref<40960xf32, #tpu.memory_space<vmem>>[vector<16xi32>], vector<16xf32>,
      %sub3A_386 = arith.subf %gather3A_381, %gather3A_385 : vector<16xf32>
      %swap3A_387 = arith.constant 112 : index
      %swap3A_388 = tpu.vector_load %arg16[%swap3A_387] {strides = array<i32>} : memref<128xf32, #tpu.memory_space<vmem>>, vector<16xf32>,
      tpu.vector_store %arg16[%swap3A_387], %sub3A_386 {strides = array<i32>} : memref<128xf32, #tpu.memory_space<vmem>>, vector<16xf32>,
      %mul3A_389 = arith.mulf %sub3A_386, %sub3A_386 : vector<16xf32>
      %add3A_390 = arith.addf %add3A_377, %mul3A_389 : vector<16xf32>
      %swap3A_391 = arith.constant 112 : index
      %swap3A_392 = tpu.vector_load %arg17[%swap3A_391] {strides = array<i32>} : memref<128xf32, #tpu.memory_space<vmem>>, vector<16xf32>,
      tpu.vector_store %arg17[%swap3A_391], %add3A_390 {strides = array<i32>} : memref<128xf32, #tpu.memory_space<vmem>>, vector<16xf32>,
      "tpu.region"() ({
        %run_scoped3A_396 = tpu.sem_alloc : memref<!tpu.dma_semaphore, #tpu.memory_space<semaphore_mem>>
        %dma_start3A_397 = arith.constant 0 : i32
        %dma_start3A_398 = tpu.memref_slice %arg6[%add3A_11, %dma_start3A_397] : memref<323584x128xf32, #tpu.memory_space<hbm>> -> memref<128x128xf32, #tpu.memory_space<hbm>>
        %dma_start3A_399 = arith.constant 0 : i32
        %dma_start3A_400 = tpu.memref_slice %arg6[%add3A_11, %dma_start3A_399] : memref<323584x128xf32, #tpu.memory_space<hbm>> -> memref<128x128xf32, #tpu.memory_space<hbm>>
        tpu.enqueue_dma source(%arg12 : memref<128x128xf32, #tpu.memory_space<vmem>>) target(%dma_start3A_400 : memref<128x128xf32, #tpu.memory_space<hbm>>) target_semaphore(%run_scoped3A_396 : memref<!tpu.dma_semaphore, #tpu.memory_space<semaphore_mem>>)
        %dma_wait3A_401 = arith.constant 0 : i32
        %dma_wait3A_402 = tpu.memref_slice %arg6[%add3A_11, %dma_wait3A_401] : memref<323584x128xf32, #tpu.memory_space<hbm>> -> memref<128x128xf32, #tpu.memory_space<hbm>>
        %dma_wait3A_403 = arith.constant 0 : i32
        %dma_wait3A_404 = tpu.memref_slice %arg6[%add3A_11, %dma_wait3A_403] : memref<323584x128xf32, #tpu.memory_space<hbm>> -> memref<128x128xf32, #tpu.memory_space<hbm>>
        tpu.wait_dma2 semaphore(%run_scoped3A_396 : memref<!tpu.dma_semaphore, #tpu.memory_space<semaphore_mem>>) src(%arg12 : memref<128x128xf32, #tpu.memory_space<vmem>>) dst(%dma_wait3A_404 : memref<128x128xf32, #tpu.memory_space<hbm>>)
        tpu.yield
      }) : () -> ()
      "tpu.region"() ({
        %run_scoped3A_396 = tpu.sem_alloc : memref<!tpu.dma_semaphore, #tpu.memory_space<semaphore_mem>>
        %dma_start3A_397 = arith.constant 0 : i32
        %dma_start3A_398 = tpu.memref_slice %arg7[%add3A_11, %dma_start3A_397] : memref<323584x128xf32, #tpu.memory_space<hbm>> -> memref<128x128xf32, #tpu.memory_space<hbm>>
        %dma_start3A_399 = arith.constant 0 : i32
        %dma_start3A_400 = tpu.memref_slice %arg7[%add3A_11, %dma_start3A_399] : memref<323584x128xf32, #tpu.memory_space<hbm>> -> memref<128x128xf32, #tpu.memory_space<hbm>>
        tpu.enqueue_dma source(%arg13 : memref<128x128xf32, #tpu.memory_space<vmem>>) target(%dma_start3A_400 : memref<128x128xf32, #tpu.memory_space<hbm>>) target_semaphore(%run_scoped3A_396 : memref<!tpu.dma_semaphore, #tpu.memory_space<semaphore_mem>>)
        %dma_wait3A_401 = arith.constant 0 : i32
        %dma_wait3A_402 = tpu.memref_slice %arg7[%add3A_11, %dma_wait3A_401] : memref<323584x128xf32, #tpu.memory_space<hbm>> -> memref<128x128xf32, #tpu.memory_space<hbm>>
        %dma_wait3A_403 = arith.constant 0 : i32
        %dma_wait3A_404 = tpu.memref_slice %arg7[%add3A_11, %dma_wait3A_403] : memref<323584x128xf32, #tpu.memory_space<hbm>> -> memref<128x128xf32, #tpu.memory_space<hbm>>
        tpu.wait_dma2 semaphore(%run_scoped3A_396 : memref<!tpu.dma_semaphore, #tpu.memory_space<semaphore_mem>>) src(%arg13 : memref<128x128xf32, #tpu.memory_space<vmem>>) dst(%dma_wait3A_404 : memref<128x128xf32, #tpu.memory_space<hbm>>)
        tpu.yield
      }) : () -> ()
      %run_scoped3A = arith.constant 0 : i32
      "tpu.region"() ({
        %run_scoped3A_396 = tpu.sem_alloc : memref<!tpu.dma_semaphore, #tpu.memory_space<semaphore_mem>>
        %dma_start3A_397 = tpu.memref_slice %arg8[%run_scoped3A, %add3A_11] : memref<4x323584xf32, #tpu.memory_space<hbm>> -> memref<1x128xf32, #tpu.memory_space<hbm>>
        %dma_start3A_398 = tpu.memref_squeeze %dma_start3A_397 : memref<1x128xf32, #tpu.memory_space<hbm>> -> memref<128xf32, #tpu.memory_space<hbm>>
        %dma_start3A_399 = tpu.memref_slice %arg8[%run_scoped3A, %add3A_11] : memref<4x323584xf32, #tpu.memory_space<hbm>> -> memref<1x128xf32, #tpu.memory_space<hbm>>
        %dma_start3A_400 = tpu.memref_squeeze %dma_start3A_399 : memref<1x128xf32, #tpu.memory_space<hbm>> -> memref<128xf32, #tpu.memory_space<hbm>>
        tpu.enqueue_dma source(%arg14 : memref<128xf32, #tpu.memory_space<vmem>>) target(%dma_start3A_400 : memref<128xf32, #tpu.memory_space<hbm>>) target_semaphore(%run_scoped3A_396 : memref<!tpu.dma_semaphore, #tpu.memory_space<semaphore_mem>>)
        %dma_wait3A_401 = tpu.memref_slice %arg8[%run_scoped3A, %add3A_11] : memref<4x323584xf32, #tpu.memory_space<hbm>> -> memref<1x128xf32, #tpu.memory_space<hbm>>
        %dma_wait3A_402 = tpu.memref_squeeze %dma_wait3A_401 : memref<1x128xf32, #tpu.memory_space<hbm>> -> memref<128xf32, #tpu.memory_space<hbm>>
        %dma_wait3A_403 = tpu.memref_slice %arg8[%run_scoped3A, %add3A_11] : memref<4x323584xf32, #tpu.memory_space<hbm>> -> memref<1x128xf32, #tpu.memory_space<hbm>>
        %dma_wait3A_404 = tpu.memref_squeeze %dma_wait3A_403 : memref<1x128xf32, #tpu.memory_space<hbm>> -> memref<128xf32, #tpu.memory_space<hbm>>
        tpu.wait_dma2 semaphore(%run_scoped3A_396 : memref<!tpu.dma_semaphore, #tpu.memory_space<semaphore_mem>>) src(%arg14 : memref<128xf32, #tpu.memory_space<vmem>>) dst(%dma_wait3A_404 : memref<128xf32, #tpu.memory_space<hbm>>)
        tpu.yield
      }) : () -> ()
      %run_scoped3A_393 = arith.constant 1 : i32
      "tpu.region"() ({
        %run_scoped3A_396 = tpu.sem_alloc : memref<!tpu.dma_semaphore, #tpu.memory_space<semaphore_mem>>
        %dma_start3A_397 = tpu.memref_slice %arg8[%run_scoped3A_393, %add3A_11] : memref<4x323584xf32, #tpu.memory_space<hbm>> -> memref<1x128xf32, #tpu.memory_space<hbm>>
        %dma_start3A_398 = tpu.memref_squeeze %dma_start3A_397 : memref<1x128xf32, #tpu.memory_space<hbm>> -> memref<128xf32, #tpu.memory_space<hbm>>
        %dma_start3A_399 = tpu.memref_slice %arg8[%run_scoped3A_393, %add3A_11] : memref<4x323584xf32, #tpu.memory_space<hbm>> -> memref<1x128xf32, #tpu.memory_space<hbm>>
        %dma_start3A_400 = tpu.memref_squeeze %dma_start3A_399 : memref<1x128xf32, #tpu.memory_space<hbm>> -> memref<128xf32, #tpu.memory_space<hbm>>
        tpu.enqueue_dma source(%arg15 : memref<128xf32, #tpu.memory_space<vmem>>) target(%dma_start3A_400 : memref<128xf32, #tpu.memory_space<hbm>>) target_semaphore(%run_scoped3A_396 : memref<!tpu.dma_semaphore, #tpu.memory_space<semaphore_mem>>)
        %dma_wait3A_401 = tpu.memref_slice %arg8[%run_scoped3A_393, %add3A_11] : memref<4x323584xf32, #tpu.memory_space<hbm>> -> memref<1x128xf32, #tpu.memory_space<hbm>>
        %dma_wait3A_402 = tpu.memref_squeeze %dma_wait3A_401 : memref<1x128xf32, #tpu.memory_space<hbm>> -> memref<128xf32, #tpu.memory_space<hbm>>
        %dma_wait3A_403 = tpu.memref_slice %arg8[%run_scoped3A_393, %add3A_11] : memref<4x323584xf32, #tpu.memory_space<hbm>> -> memref<1x128xf32, #tpu.memory_space<hbm>>
        %dma_wait3A_404 = tpu.memref_squeeze %dma_wait3A_403 : memref<1x128xf32, #tpu.memory_space<hbm>> -> memref<128xf32, #tpu.memory_space<hbm>>
        tpu.wait_dma2 semaphore(%run_scoped3A_396 : memref<!tpu.dma_semaphore, #tpu.memory_space<semaphore_mem>>) src(%arg15 : memref<128xf32, #tpu.memory_space<vmem>>) dst(%dma_wait3A_404 : memref<128xf32, #tpu.memory_space<hbm>>)
        tpu.yield
      }) : () -> ()
      %run_scoped3A_394 = arith.constant 2 : i32
      "tpu.region"() ({
        %run_scoped3A_396 = tpu.sem_alloc : memref<!tpu.dma_semaphore, #tpu.memory_space<semaphore_mem>>
        %dma_start3A_397 = tpu.memref_slice %arg8[%run_scoped3A_394, %add3A_11] : memref<4x323584xf32, #tpu.memory_space<hbm>> -> memref<1x128xf32, #tpu.memory_space<hbm>>
        %dma_start3A_398 = tpu.memref_squeeze %dma_start3A_397 : memref<1x128xf32, #tpu.memory_space<hbm>> -> memref<128xf32, #tpu.memory_space<hbm>>
        %dma_start3A_399 = tpu.memref_slice %arg8[%run_scoped3A_394, %add3A_11] : memref<4x323584xf32, #tpu.memory_space<hbm>> -> memref<1x128xf32, #tpu.memory_space<hbm>>
        %dma_start3A_400 = tpu.memref_squeeze %dma_start3A_399 : memref<1x128xf32, #tpu.memory_space<hbm>> -> memref<128xf32, #tpu.memory_space<hbm>>
        tpu.enqueue_dma source(%arg16 : memref<128xf32, #tpu.memory_space<vmem>>) target(%dma_start3A_400 : memref<128xf32, #tpu.memory_space<hbm>>) target_semaphore(%run_scoped3A_396 : memref<!tpu.dma_semaphore, #tpu.memory_space<semaphore_mem>>)
        %dma_wait3A_401 = tpu.memref_slice %arg8[%run_scoped3A_394, %add3A_11] : memref<4x323584xf32, #tpu.memory_space<hbm>> -> memref<1x128xf32, #tpu.memory_space<hbm>>
        %dma_wait3A_402 = tpu.memref_squeeze %dma_wait3A_401 : memref<1x128xf32, #tpu.memory_space<hbm>> -> memref<128xf32, #tpu.memory_space<hbm>>
        %dma_wait3A_403 = tpu.memref_slice %arg8[%run_scoped3A_394, %add3A_11] : memref<4x323584xf32, #tpu.memory_space<hbm>> -> memref<1x128xf32, #tpu.memory_space<hbm>>
        %dma_wait3A_404 = tpu.memref_squeeze %dma_wait3A_403 : memref<1x128xf32, #tpu.memory_space<hbm>> -> memref<128xf32, #tpu.memory_space<hbm>>
        tpu.wait_dma2 semaphore(%run_scoped3A_396 : memref<!tpu.dma_semaphore, #tpu.memory_space<semaphore_mem>>) src(%arg16 : memref<128xf32, #tpu.memory_space<vmem>>) dst(%dma_wait3A_404 : memref<128xf32, #tpu.memory_space<hbm>>)
        tpu.yield
      }) : () -> ()
      %run_scoped3A_395 = arith.constant 3 : i32
      "tpu.region"() ({
        %run_scoped3A_396 = tpu.sem_alloc : memref<!tpu.dma_semaphore, #tpu.memory_space<semaphore_mem>>
        %dma_start3A_397 = tpu.memref_slice %arg8[%run_scoped3A_395, %add3A_11] : memref<4x323584xf32, #tpu.memory_space<hbm>> -> memref<1x128xf32, #tpu.memory_space<hbm>>
        %dma_start3A_398 = tpu.memref_squeeze %dma_start3A_397 : memref<1x128xf32, #tpu.memory_space<hbm>> -> memref<128xf32, #tpu.memory_space<hbm>>
        %dma_start3A_399 = tpu.memref_slice %arg8[%run_scoped3A_395, %add3A_11] : memref<4x323584xf32, #tpu.memory_space<hbm>> -> memref<1x128xf32, #tpu.memory_space<hbm>>
        %dma_start3A_400 = tpu.memref_squeeze %dma_start3A_399 : memref<1x128xf32, #tpu.memory_space<hbm>> -> memref<128xf32, #tpu.memory_space<hbm>>
        tpu.enqueue_dma source(%arg17 : memref<128xf32, #tpu.memory_space<vmem>>) target(%dma_start3A_400 : memref<128xf32, #tpu.memory_space<hbm>>) target_semaphore(%run_scoped3A_396 : memref<!tpu.dma_semaphore, #tpu.memory_space<semaphore_mem>>)
        %dma_wait3A_401 = tpu.memref_slice %arg8[%run_scoped3A_395, %add3A_11] : memref<4x323584xf32, #tpu.memory_space<hbm>> -> memref<1x128xf32, #tpu.memory_space<hbm>>
        %dma_wait3A_402 = tpu.memref_squeeze %dma_wait3A_401 : memref<1x128xf32, #tpu.memory_space<hbm>> -> memref<128xf32, #tpu.memory_space<hbm>>
        %dma_wait3A_403 = tpu.memref_slice %arg8[%run_scoped3A_395, %add3A_11] : memref<4x323584xf32, #tpu.memory_space<hbm>> -> memref<1x128xf32, #tpu.memory_space<hbm>>
        %dma_wait3A_404 = tpu.memref_squeeze %dma_wait3A_403 : memref<1x128xf32, #tpu.memory_space<hbm>> -> memref<128xf32, #tpu.memory_space<hbm>>
        tpu.wait_dma2 semaphore(%run_scoped3A_396 : memref<!tpu.dma_semaphore, #tpu.memory_space<semaphore_mem>>) src(%arg17 : memref<128xf32, #tpu.memory_space<vmem>>) dst(%dma_wait3A_404 : memref<128xf32, #tpu.memory_space<hbm>>)
        tpu.yield
      }) : () -> ()
    }
    %scan3A_7 = arith.constant 79 : i32
    return
  }
}

#map = affine_map<(d0, d1) -> (0, 0)>
#map1 = affine_map<(d0, d1) -> (0)>
module attributes {stable_mosaic.version = 14 : i64} {
  func.func @_gather_body(%arg0: i32, %arg1: i32, %arg2: memref<10240x128xf32, #tpu.memory_space<hbm>>, %arg3: memref<40960xf32, #tpu.memory_space<hbm>>, %arg4: memref<323584xi32, #tpu.memory_space<hbm>>, %arg5: memref<323584xi32, #tpu.memory_space<hbm>>, %arg6: memref<323584x128xf32, #tpu.memory_space<hbm>>, %arg7: memref<323584x128xf32, #tpu.memory_space<hbm>>, %arg8: memref<4x323584xf32, #tpu.memory_space<hbm>>, %arg9: memref<40960xf32, #tpu.memory_space<vmem>>, %arg10: memref<128xi32, #tpu.memory_space<vmem>>, %arg11: memref<128xi32, #tpu.memory_space<vmem>>, %arg12: memref<128x128xf32, #tpu.memory_space<vmem>>, %arg13: memref<128x128xf32, #tpu.memory_space<vmem>>, %arg14: memref<128xf32, #tpu.memory_space<vmem>>, %arg15: memref<128xf32, #tpu.memory_space<vmem>>, %arg16: memref<128xf32, #tpu.memory_space<vmem>>, %arg17: memref<128xf32, #tpu.memory_space<vmem>>, %arg18: memref<!tpu.dma_semaphore, #tpu.memory_space<semaphore_mem>>) attributes {dimension_semantics = [#tpu.dimension_semantics<core_parallel>, #tpu.dimension_semantics<subcore_parallel>], iteration_bounds = array<i64: 2, 16>, scalar_prefetch = 0 : i64, scratch_operands = 10 : i64, tpu.core_type = #tpu.core_type<sc_vector_subcore>, window_params = [{transform_indices = #map}, {transform_indices = #map1}, {transform_indices = #map1}, {transform_indices = #map1}, {transform_indices = #map}, {transform_indices = #map}, {transform_indices = #map}]} {
    %mul3A = arith.constant 2 : i32
    %mul3A_0 = arith.muli %arg1, %mul3A : i32
    %add3A = arith.addi %mul3A_0, %arg0 : i32
    %mul3A_1 = arith.constant 10112 : i32
    %mul3A_2 = arith.muli %add3A, %mul3A_1 : i32
    "tpu.region"() ({
      %run_scoped3A = tpu.sem_alloc : memref<!tpu.dma_semaphore, #tpu.memory_space<semaphore_mem>>
      tpu.enqueue_dma source(%arg3 : memref<40960xf32, #tpu.memory_space<hbm>>) target(%arg9 : memref<40960xf32, #tpu.memory_space<vmem>>) target_semaphore(%run_scoped3A : memref<!tpu.dma_semaphore, #tpu.memory_space<semaphore_mem>>)
      tpu.wait_dma2 semaphore(%run_scoped3A : memref<!tpu.dma_semaphore, #tpu.memory_space<semaphore_mem>>) src(%arg3 : memref<40960xf32, #tpu.memory_space<hbm>>) dst(%arg9 : memref<40960xf32, #tpu.memory_space<vmem>>)
      tpu.yield
    }) : () -> ()
    %scan3A = arith.constant 0 : i32
    %scan3A_3 = arith.constant 0 : i32
    %scan3A_4 = arith.constant 79 : i32
    %scan3A_5 = arith.addi %scan3A_3, %scan3A_4 : i32
    %scan3A_6 = arith.constant 1 : i32
    scf.for %scan3A_8 = %scan3A_3 to %scan3A_5 step %scan3A_6  : i32 {
      %mul3A_9 = arith.constant 128 : i32
      %mul3A_10 = arith.muli %scan3A_8, %mul3A_9 : i32
      %add3A_11 = arith.addi %mul3A_2, %mul3A_10 : i32
      "tpu.region"() ({
        %run_scoped3A_396 = tpu.sem_alloc : memref<!tpu.dma_semaphore, #tpu.memory_space<semaphore_mem>>
        %dma_start3A_397 = tpu.memref_slice %arg4[%add3A_11] : memref<323584xi32, #tpu.memory_space<hbm>> -> memref<128xi32, #tpu.memory_space<hbm>>
        %dma_start3A_398 = tpu.memref_slice %arg4[%add3A_11] : memref<323584xi32, #tpu.memory_space<hbm>> -> memref<128xi32, #tpu.memory_space<hbm>>
        tpu.enqueue_dma source(%dma_start3A_398 : memref<128xi32, #tpu.memory_space<hbm>>) target(%arg10 : memref<128xi32, #tpu.memory_space<vmem>>) target_semaphore(%run_scoped3A_396 : memref<!tpu.dma_semaphore, #tpu.memory_space<semaphore_mem>>)
        %dma_wait3A_399 = tpu.memref_slice %arg4[%add3A_11] : memref<323584xi32, #tpu.memory_space<hbm>> -> memref<128xi32, #tpu.memory_space<hbm>>
        %dma_wait3A_400 = tpu.memref_slice %arg4[%add3A_11] : memref<323584xi32, #tpu.memory_space<hbm>> -> memref<128xi32, #tpu.memory_space<hbm>>
        tpu.wait_dma2 semaphore(%run_scoped3A_396 : memref<!tpu.dma_semaphore, #tpu.memory_space<semaphore_mem>>) src(%dma_wait3A_400 : memref<128xi32, #tpu.memory_space<hbm>>) dst(%arg10 : memref<128xi32, #tpu.memory_space<vmem>>)
        tpu.yield
      }) : () -> ()
      "tpu.region"() ({
        %run_scoped3A_396 = tpu.sem_alloc : memref<!tpu.dma_semaphore, #tpu.memory_space<semaphore_mem>>
        %dma_start3A_397 = tpu.memref_slice %arg5[%add3A_11] : memref<323584xi32, #tpu.memory_space<hbm>> -> memref<128xi32, #tpu.memory_space<hbm>>
        %dma_start3A_398 = tpu.memref_slice %arg5[%add3A_11] : memref<323584xi32, #tpu.memory_space<hbm>> -> memref<128xi32, #tpu.memory_space<hbm>>
        tpu.enqueue_dma source(%dma_start3A_398 : memref<128xi32, #tpu.memory_space<hbm>>) target(%arg11 : memref<128xi32, #tpu.memory_space<vmem>>) target_semaphore(%run_scoped3A_396 : memref<!tpu.dma_semaphore, #tpu.memory_space<semaphore_mem>>)
        %dma_wait3A_399 = tpu.memref_slice %arg5[%add3A_11] : memref<323584xi32, #tpu.memory_space<hbm>> -> memref<128xi32, #tpu.memory_space<hbm>>
        %dma_wait3A_400 = tpu.memref_slice %arg5[%add3A_11] : memref<323584xi32, #tpu.memory_space<hbm>> -> memref<128xi32, #tpu.memory_space<hbm>>
        tpu.wait_dma2 semaphore(%run_scoped3A_396 : memref<!tpu.dma_semaphore, #tpu.memory_space<semaphore_mem>>) src(%dma_wait3A_400 : memref<128xi32, #tpu.memory_space<hbm>>) dst(%arg11 : memref<128xi32, #tpu.memory_space<vmem>>)
        tpu.yield
      }) : () -> ()
      %dma_start3A = arith.constant 0 : i32
      %dma_start3A_12 = arith.constant 0 : i32
      %dma_start3A_13 = tpu.memref_slice %arg2[%dma_start3A, %dma_start3A_12] : memref<10240x128xf32, #tpu.memory_space<hbm>> -> memref<10240x128xf32, #tpu.memory_space<hbm>>
      tpu.enqueue_indirect_dma source(%dma_start3A_13 : memref<10240x128xf32, #tpu.memory_space<hbm>>) target(%arg12 : memref<128x128xf32, #tpu.memory_space<vmem>>) offsets(%arg10 : memref<128xi32, #tpu.memory_space<vmem>>) semaphore(%arg18 : memref<!tpu.dma_semaphore, #tpu.memory_space<semaphore_mem>>)
      %dma_wait3A = arith.constant 0 : i32
      %dma_wait3A_14 = arith.constant 0 : i32
      %dma_wait3A_15 = tpu.memref_slice %arg2[%dma_wait3A, %dma_wait3A_14] : memref<10240x128xf32, #tpu.memory_space<hbm>> -> memref<10240x128xf32, #tpu.memory_space<hbm>>
      tpu.wait_indirect_dma semaphore(%arg18 : memref<!tpu.dma_semaphore, #tpu.memory_space<semaphore_mem>>) src(%dma_wait3A_15 : memref<10240x128xf32, #tpu.memory_space<hbm>>) dst(%arg12 : memref<128x128xf32, #tpu.memory_space<vmem>>)
      %dma_start3A_16 = arith.constant 0 : i32
      %dma_start3A_17 = arith.constant 0 : i32
      %dma_start3A_18 = tpu.memref_slice %arg2[%dma_start3A_16, %dma_start3A_17] : memref<10240x128xf32, #tpu.memory_space<hbm>> -> memref<10240x128xf32, #tpu.memory_space<hbm>>
      tpu.enqueue_indirect_dma source(%dma_start3A_18 : memref<10240x128xf32, #tpu.memory_space<hbm>>) target(%arg13 : memref<128x128xf32, #tpu.memory_space<vmem>>) offsets(%arg11 : memref<128xi32, #tpu.memory_space<vmem>>) semaphore(%arg18 : memref<!tpu.dma_semaphore, #tpu.memory_space<semaphore_mem>>)
      %dma_wait3A_19 = arith.constant 0 : i32
      %dma_wait3A_20 = arith.constant 0 : i32
      %dma_wait3A_21 = tpu.memref_slice %arg2[%dma_wait3A_19, %dma_wait3A_20] : memref<10240x128xf32, #tpu.memory_space<hbm>> -> memref<10240x128xf32, #tpu.memory_space<hbm>>
      tpu.wait_indirect_dma semaphore(%arg18 : memref<!tpu.dma_semaphore, #tpu.memory_space<semaphore_mem>>) src(%dma_wait3A_21 : memref<10240x128xf32, #tpu.memory_space<hbm>>) dst(%arg13 : memref<128x128xf32, #tpu.memory_space<vmem>>)
      %get3A = arith.constant 0 : index
      %get3A_22 = tpu.vector_load %arg10[%get3A] {strides = array<i32>} : memref<128xi32, #tpu.memory_space<vmem>>, vector<16xi32>,
      %get3A_23 = arith.constant 0 : index
      %get3A_24 = tpu.vector_load %arg11[%get3A_23] {strides = array<i32>} : memref<128xi32, #tpu.memory_space<vmem>>, vector<16xi32>,
      %broadcast_in_dim3A = arith.constant 0.000000e+00 : f32
      %broadcast_in_dim3A_25 = vector.broadcast %broadcast_in_dim3A : f32 to vector<16xf32>
      %add3A_26 = arith.constant 0 : i32
      %add3A_27 = vector.broadcast %add3A_26 : i32 to vector<16xi32>
      %add3A_28 = arith.addi %get3A_22, %add3A_27 : vector<16xi32>
      %gather3A = tpu.vector_load_idx %arg9[%add3A_28] : memref<40960xf32, #tpu.memory_space<vmem>>[vector<16xi32>], vector<16xf32>,
      %add3A_29 = arith.constant 0 : i32
      %add3A_30 = vector.broadcast %add3A_29 : i32 to vector<16xi32>
      %add3A_31 = arith.addi %get3A_24, %add3A_30 : vector<16xi32>
      %gather3A_32 = tpu.vector_load_idx %arg9[%add3A_31] : memref<40960xf32, #tpu.memory_space<vmem>>[vector<16xi32>], vector<16xf32>,
      %sub3A = arith.subf %gather3A, %gather3A_32 : vector<16xf32>
      %swap3A = arith.constant 0 : index
      %swap3A_33 = tpu.vector_load %arg14[%swap3A] {strides = array<i32>} : memref<128xf32, #tpu.memory_space<vmem>>, vector<16xf32>,
      tpu.vector_store %arg14[%swap3A], %sub3A {strides = array<i32>} : memref<128xf32, #tpu.memory_space<vmem>>, vector<16xf32>,
      %mul3A_34 = arith.mulf %sub3A, %sub3A : vector<16xf32>
      %add3A_35 = arith.addf %broadcast_in_dim3A_25, %mul3A_34 : vector<16xf32>
      %add3A_36 = arith.constant 10240 : i32
      %add3A_37 = vector.broadcast %add3A_36 : i32 to vector<16xi32>
      %add3A_38 = arith.addi %get3A_22, %add3A_37 : vector<16xi32>
      %gather3A_39 = tpu.vector_load_idx %arg9[%add3A_38] : memref<40960xf32, #tpu.memory_space<vmem>>[vector<16xi32>], vector<16xf32>,
      %add3A_40 = arith.constant 10240 : i32
      %add3A_41 = vector.broadcast %add3A_40 : i32 to vector<16xi32>
      %add3A_42 = arith.addi %get3A_24, %add3A_41 : vector<16xi32>
      %gather3A_43 = tpu.vector_load_idx %arg9[%add3A_42] : memref<40960xf32, #tpu.memory_space<vmem>>[vector<16xi32>], vector<16xf32>,
      %sub3A_44 = arith.subf %gather3A_39, %gather3A_43 : vector<16xf32>
      %swap3A_45 = arith.constant 0 : index
      %swap3A_46 = tpu.vector_load %arg15[%swap3A_45] {strides = array<i32>} : memref<128xf32, #tpu.memory_space<vmem>>, vector<16xf32>,
      tpu.vector_store %arg15[%swap3A_45], %sub3A_44 {strides = array<i32>} : memref<128xf32, #tpu.memory_space<vmem>>, vector<16xf32>,
      %mul3A_47 = arith.mulf %sub3A_44, %sub3A_44 : vector<16xf32>
      %add3A_48 = arith.addf %add3A_35, %mul3A_47 : vector<16xf32>
      %add3A_49 = arith.constant 20480 : i32
      %add3A_50 = vector.broadcast %add3A_49 : i32 to vector<16xi32>
      %add3A_51 = arith.addi %get3A_22, %add3A_50 : vector<16xi32>
      %gather3A_52 = tpu.vector_load_idx %arg9[%add3A_51] : memref<40960xf32, #tpu.memory_space<vmem>>[vector<16xi32>], vector<16xf32>,
      %add3A_53 = arith.constant 20480 : i32
      %add3A_54 = vector.broadcast %add3A_53 : i32 to vector<16xi32>
      %add3A_55 = arith.addi %get3A_24, %add3A_54 : vector<16xi32>
      %gather3A_56 = tpu.vector_load_idx %arg9[%add3A_55] : memref<40960xf32, #tpu.memory_space<vmem>>[vector<16xi32>], vector<16xf32>,
      %sub3A_57 = arith.subf %gather3A_52, %gather3A_56 : vector<16xf32>
      %swap3A_58 = arith.constant 0 : index
      %swap3A_59 = tpu.vector_load %arg16[%swap3A_58] {strides = array<i32>} : memref<128xf32, #tpu.memory_space<vmem>>, vector<16xf32>,
      tpu.vector_store %arg16[%swap3A_58], %sub3A_57 {strides = array<i32>} : memref<128xf32, #tpu.memory_space<vmem>>, vector<16xf32>,
      %mul3A_60 = arith.mulf %sub3A_57, %sub3A_57 : vector<16xf32>
      %add3A_61 = arith.addf %add3A_48, %mul3A_60 : vector<16xf32>
      %swap3A_62 = arith.constant 0 : index
      %swap3A_63 = tpu.vector_load %arg17[%swap3A_62] {strides = array<i32>} : memref<128xf32, #tpu.memory_space<vmem>>, vector<16xf32>,
      tpu.vector_store %arg17[%swap3A_62], %add3A_61 {strides = array<i32>} : memref<128xf32, #tpu.memory_space<vmem>>, vector<16xf32>,
      %get3A_64 = arith.constant 16 : index
      %get3A_65 = tpu.vector_load %arg10[%get3A_64] {strides = array<i32>} : memref<128xi32, #tpu.memory_space<vmem>>, vector<16xi32>,
      %get3A_66 = arith.constant 16 : index
      %get3A_67 = tpu.vector_load %arg11[%get3A_66] {strides = array<i32>} : memref<128xi32, #tpu.memory_space<vmem>>, vector<16xi32>,
      %broadcast_in_dim3A_68 = arith.constant 0.000000e+00 : f32
      %broadcast_in_dim3A_69 = vector.broadcast %broadcast_in_dim3A_68 : f32 to vector<16xf32>
      %add3A_70 = arith.constant 0 : i32
      %add3A_71 = vector.broadcast %add3A_70 : i32 to vector<16xi32>
      %add3A_72 = arith.addi %get3A_65, %add3A_71 : vector<16xi32>
      %gather3A_73 = tpu.vector_load_idx %arg9[%add3A_72] : memref<40960xf32, #tpu.memory_space<vmem>>[vector<16xi32>], vector<16xf32>,
      %add3A_74 = arith.constant 0 : i32
      %add3A_75 = vector.broadcast %add3A_74 : i32 to vector<16xi32>
      %add3A_76 = arith.addi %get3A_67, %add3A_75 : vector<16xi32>
      %gather3A_77 = tpu.vector_load_idx %arg9[%add3A_76] : memref<40960xf32, #tpu.memory_space<vmem>>[vector<16xi32>], vector<16xf32>,
      %sub3A_78 = arith.subf %gather3A_73, %gather3A_77 : vector<16xf32>
      %swap3A_79 = arith.constant 16 : index
      %swap3A_80 = tpu.vector_load %arg14[%swap3A_79] {strides = array<i32>} : memref<128xf32, #tpu.memory_space<vmem>>, vector<16xf32>,
      tpu.vector_store %arg14[%swap3A_79], %sub3A_78 {strides = array<i32>} : memref<128xf32, #tpu.memory_space<vmem>>, vector<16xf32>,
      %mul3A_81 = arith.mulf %sub3A_78, %sub3A_78 : vector<16xf32>
      %add3A_82 = arith.addf %broadcast_in_dim3A_69, %mul3A_81 : vector<16xf32>
      %add3A_83 = arith.constant 10240 : i32
      %add3A_84 = vector.broadcast %add3A_83 : i32 to vector<16xi32>
      %add3A_85 = arith.addi %get3A_65, %add3A_84 : vector<16xi32>
      %gather3A_86 = tpu.vector_load_idx %arg9[%add3A_85] : memref<40960xf32, #tpu.memory_space<vmem>>[vector<16xi32>], vector<16xf32>,
      %add3A_87 = arith.constant 10240 : i32
      %add3A_88 = vector.broadcast %add3A_87 : i32 to vector<16xi32>
      %add3A_89 = arith.addi %get3A_67, %add3A_88 : vector<16xi32>
      %gather3A_90 = tpu.vector_load_idx %arg9[%add3A_89] : memref<40960xf32, #tpu.memory_space<vmem>>[vector<16xi32>], vector<16xf32>,
      %sub3A_91 = arith.subf %gather3A_86, %gather3A_90 : vector<16xf32>
      %swap3A_92 = arith.constant 16 : index
      %swap3A_93 = tpu.vector_load %arg15[%swap3A_92] {strides = array<i32>} : memref<128xf32, #tpu.memory_space<vmem>>, vector<16xf32>,
      tpu.vector_store %arg15[%swap3A_92], %sub3A_91 {strides = array<i32>} : memref<128xf32, #tpu.memory_space<vmem>>, vector<16xf32>,
      %mul3A_94 = arith.mulf %sub3A_91, %sub3A_91 : vector<16xf32>
      %add3A_95 = arith.addf %add3A_82, %mul3A_94 : vector<16xf32>
      %add3A_96 = arith.constant 20480 : i32
      %add3A_97 = vector.broadcast %add3A_96 : i32 to vector<16xi32>
      %add3A_98 = arith.addi %get3A_65, %add3A_97 : vector<16xi32>
      %gather3A_99 = tpu.vector_load_idx %arg9[%add3A_98] : memref<40960xf32, #tpu.memory_space<vmem>>[vector<16xi32>], vector<16xf32>,
      %add3A_100 = arith.constant 20480 : i32
      %add3A_101 = vector.broadcast %add3A_100 : i32 to vector<16xi32>
      %add3A_102 = arith.addi %get3A_67, %add3A_101 : vector<16xi32>
      %gather3A_103 = tpu.vector_load_idx %arg9[%add3A_102] : memref<40960xf32, #tpu.memory_space<vmem>>[vector<16xi32>], vector<16xf32>,
      %sub3A_104 = arith.subf %gather3A_99, %gather3A_103 : vector<16xf32>
      %swap3A_105 = arith.constant 16 : index
      %swap3A_106 = tpu.vector_load %arg16[%swap3A_105] {strides = array<i32>} : memref<128xf32, #tpu.memory_space<vmem>>, vector<16xf32>,
      tpu.vector_store %arg16[%swap3A_105], %sub3A_104 {strides = array<i32>} : memref<128xf32, #tpu.memory_space<vmem>>, vector<16xf32>,
      %mul3A_107 = arith.mulf %sub3A_104, %sub3A_104 : vector<16xf32>
      %add3A_108 = arith.addf %add3A_95, %mul3A_107 : vector<16xf32>
      %swap3A_109 = arith.constant 16 : index
      %swap3A_110 = tpu.vector_load %arg17[%swap3A_109] {strides = array<i32>} : memref<128xf32, #tpu.memory_space<vmem>>, vector<16xf32>,
      tpu.vector_store %arg17[%swap3A_109], %add3A_108 {strides = array<i32>} : memref<128xf32, #tpu.memory_space<vmem>>, vector<16xf32>,
      %get3A_111 = arith.constant 32 : index
      %get3A_112 = tpu.vector_load %arg10[%get3A_111] {strides = array<i32>} : memref<128xi32, #tpu.memory_space<vmem>>, vector<16xi32>,
      %get3A_113 = arith.constant 32 : index
      %get3A_114 = tpu.vector_load %arg11[%get3A_113] {strides = array<i32>} : memref<128xi32, #tpu.memory_space<vmem>>, vector<16xi32>,
      %broadcast_in_dim3A_115 = arith.constant 0.000000e+00 : f32
      %broadcast_in_dim3A_116 = vector.broadcast %broadcast_in_dim3A_115 : f32 to vector<16xf32>
      %add3A_117 = arith.constant 0 : i32
      %add3A_118 = vector.broadcast %add3A_117 : i32 to vector<16xi32>
      %add3A_119 = arith.addi %get3A_112, %add3A_118 : vector<16xi32>
      %gather3A_120 = tpu.vector_load_idx %arg9[%add3A_119] : memref<40960xf32, #tpu.memory_space<vmem>>[vector<16xi32>], vector<16xf32>,
      %add3A_121 = arith.constant 0 : i32
      %add3A_122 = vector.broadcast %add3A_121 : i32 to vector<16xi32>
      %add3A_123 = arith.addi %get3A_114, %add3A_122 : vector<16xi32>
      %gather3A_124 = tpu.vector_load_idx %arg9[%add3A_123] : memref<40960xf32, #tpu.memory_space<vmem>>[vector<16xi32>], vector<16xf32>,
      %sub3A_125 = arith.subf %gather3A_120, %gather3A_124 : vector<16xf32>
      %swap3A_126 = arith.constant 32 : index
      %swap3A_127 = tpu.vector_load %arg14[%swap3A_126] {strides = array<i32>} : memref<128xf32, #tpu.memory_space<vmem>>, vector<16xf32>,
      tpu.vector_store %arg14[%swap3A_126], %sub3A_125 {strides = array<i32>} : memref<128xf32, #tpu.memory_space<vmem>>, vector<16xf32>,
      %mul3A_128 = arith.mulf %sub3A_125, %sub3A_125 : vector<16xf32>
      %add3A_129 = arith.addf %broadcast_in_dim3A_116, %mul3A_128 : vector<16xf32>
      %add3A_130 = arith.constant 10240 : i32
      %add3A_131 = vector.broadcast %add3A_130 : i32 to vector<16xi32>
      %add3A_132 = arith.addi %get3A_112, %add3A_131 : vector<16xi32>
      %gather3A_133 = tpu.vector_load_idx %arg9[%add3A_132] : memref<40960xf32, #tpu.memory_space<vmem>>[vector<16xi32>], vector<16xf32>,
      %add3A_134 = arith.constant 10240 : i32
      %add3A_135 = vector.broadcast %add3A_134 : i32 to vector<16xi32>
      %add3A_136 = arith.addi %get3A_114, %add3A_135 : vector<16xi32>
      %gather3A_137 = tpu.vector_load_idx %arg9[%add3A_136] : memref<40960xf32, #tpu.memory_space<vmem>>[vector<16xi32>], vector<16xf32>,
      %sub3A_138 = arith.subf %gather3A_133, %gather3A_137 : vector<16xf32>
      %swap3A_139 = arith.constant 32 : index
      %swap3A_140 = tpu.vector_load %arg15[%swap3A_139] {strides = array<i32>} : memref<128xf32, #tpu.memory_space<vmem>>, vector<16xf32>,
      tpu.vector_store %arg15[%swap3A_139], %sub3A_138 {strides = array<i32>} : memref<128xf32, #tpu.memory_space<vmem>>, vector<16xf32>,
      %mul3A_141 = arith.mulf %sub3A_138, %sub3A_138 : vector<16xf32>
      %add3A_142 = arith.addf %add3A_129, %mul3A_141 : vector<16xf32>
      %add3A_143 = arith.constant 20480 : i32
      %add3A_144 = vector.broadcast %add3A_143 : i32 to vector<16xi32>
      %add3A_145 = arith.addi %get3A_112, %add3A_144 : vector<16xi32>
      %gather3A_146 = tpu.vector_load_idx %arg9[%add3A_145] : memref<40960xf32, #tpu.memory_space<vmem>>[vector<16xi32>], vector<16xf32>,
      %add3A_147 = arith.constant 20480 : i32
      %add3A_148 = vector.broadcast %add3A_147 : i32 to vector<16xi32>
      %add3A_149 = arith.addi %get3A_114, %add3A_148 : vector<16xi32>
      %gather3A_150 = tpu.vector_load_idx %arg9[%add3A_149] : memref<40960xf32, #tpu.memory_space<vmem>>[vector<16xi32>], vector<16xf32>,
      %sub3A_151 = arith.subf %gather3A_146, %gather3A_150 : vector<16xf32>
      %swap3A_152 = arith.constant 32 : index
      %swap3A_153 = tpu.vector_load %arg16[%swap3A_152] {strides = array<i32>} : memref<128xf32, #tpu.memory_space<vmem>>, vector<16xf32>,
      tpu.vector_store %arg16[%swap3A_152], %sub3A_151 {strides = array<i32>} : memref<128xf32, #tpu.memory_space<vmem>>, vector<16xf32>,
      %mul3A_154 = arith.mulf %sub3A_151, %sub3A_151 : vector<16xf32>
      %add3A_155 = arith.addf %add3A_142, %mul3A_154 : vector<16xf32>
      %swap3A_156 = arith.constant 32 : index
      %swap3A_157 = tpu.vector_load %arg17[%swap3A_156] {strides = array<i32>} : memref<128xf32, #tpu.memory_space<vmem>>, vector<16xf32>,
      tpu.vector_store %arg17[%swap3A_156], %add3A_155 {strides = array<i32>} : memref<128xf32, #tpu.memory_space<vmem>>, vector<16xf32>,
      %get3A_158 = arith.constant 48 : index
      %get3A_159 = tpu.vector_load %arg10[%get3A_158] {strides = array<i32>} : memref<128xi32, #tpu.memory_space<vmem>>, vector<16xi32>,
      %get3A_160 = arith.constant 48 : index
      %get3A_161 = tpu.vector_load %arg11[%get3A_160] {strides = array<i32>} : memref<128xi32, #tpu.memory_space<vmem>>, vector<16xi32>,
      %broadcast_in_dim3A_162 = arith.constant 0.000000e+00 : f32
      %broadcast_in_dim3A_163 = vector.broadcast %broadcast_in_dim3A_162 : f32 to vector<16xf32>
      %add3A_164 = arith.constant 0 : i32
      %add3A_165 = vector.broadcast %add3A_164 : i32 to vector<16xi32>
      %add3A_166 = arith.addi %get3A_159, %add3A_165 : vector<16xi32>
      %gather3A_167 = tpu.vector_load_idx %arg9[%add3A_166] : memref<40960xf32, #tpu.memory_space<vmem>>[vector<16xi32>], vector<16xf32>,
      %add3A_168 = arith.constant 0 : i32
      %add3A_169 = vector.broadcast %add3A_168 : i32 to vector<16xi32>
      %add3A_170 = arith.addi %get3A_161, %add3A_169 : vector<16xi32>
      %gather3A_171 = tpu.vector_load_idx %arg9[%add3A_170] : memref<40960xf32, #tpu.memory_space<vmem>>[vector<16xi32>], vector<16xf32>,
      %sub3A_172 = arith.subf %gather3A_167, %gather3A_171 : vector<16xf32>
      %swap3A_173 = arith.constant 48 : index
      %swap3A_174 = tpu.vector_load %arg14[%swap3A_173] {strides = array<i32>} : memref<128xf32, #tpu.memory_space<vmem>>, vector<16xf32>,
      tpu.vector_store %arg14[%swap3A_173], %sub3A_172 {strides = array<i32>} : memref<128xf32, #tpu.memory_space<vmem>>, vector<16xf32>,
      %mul3A_175 = arith.mulf %sub3A_172, %sub3A_172 : vector<16xf32>
      %add3A_176 = arith.addf %broadcast_in_dim3A_163, %mul3A_175 : vector<16xf32>
      %add3A_177 = arith.constant 10240 : i32
      %add3A_178 = vector.broadcast %add3A_177 : i32 to vector<16xi32>
      %add3A_179 = arith.addi %get3A_159, %add3A_178 : vector<16xi32>
      %gather3A_180 = tpu.vector_load_idx %arg9[%add3A_179] : memref<40960xf32, #tpu.memory_space<vmem>>[vector<16xi32>], vector<16xf32>,
      %add3A_181 = arith.constant 10240 : i32
      %add3A_182 = vector.broadcast %add3A_181 : i32 to vector<16xi32>
      %add3A_183 = arith.addi %get3A_161, %add3A_182 : vector<16xi32>
      %gather3A_184 = tpu.vector_load_idx %arg9[%add3A_183] : memref<40960xf32, #tpu.memory_space<vmem>>[vector<16xi32>], vector<16xf32>,
      %sub3A_185 = arith.subf %gather3A_180, %gather3A_184 : vector<16xf32>
      %swap3A_186 = arith.constant 48 : index
      %swap3A_187 = tpu.vector_load %arg15[%swap3A_186] {strides = array<i32>} : memref<128xf32, #tpu.memory_space<vmem>>, vector<16xf32>,
      tpu.vector_store %arg15[%swap3A_186], %sub3A_185 {strides = array<i32>} : memref<128xf32, #tpu.memory_space<vmem>>, vector<16xf32>,
      %mul3A_188 = arith.mulf %sub3A_185, %sub3A_185 : vector<16xf32>
      %add3A_189 = arith.addf %add3A_176, %mul3A_188 : vector<16xf32>
      %add3A_190 = arith.constant 20480 : i32
      %add3A_191 = vector.broadcast %add3A_190 : i32 to vector<16xi32>
      %add3A_192 = arith.addi %get3A_159, %add3A_191 : vector<16xi32>
      %gather3A_193 = tpu.vector_load_idx %arg9[%add3A_192] : memref<40960xf32, #tpu.memory_space<vmem>>[vector<16xi32>], vector<16xf32>,
      %add3A_194 = arith.constant 20480 : i32
      %add3A_195 = vector.broadcast %add3A_194 : i32 to vector<16xi32>
      %add3A_196 = arith.addi %get3A_161, %add3A_195 : vector<16xi32>
      %gather3A_197 = tpu.vector_load_idx %arg9[%add3A_196] : memref<40960xf32, #tpu.memory_space<vmem>>[vector<16xi32>], vector<16xf32>,
      %sub3A_198 = arith.subf %gather3A_193, %gather3A_197 : vector<16xf32>
      %swap3A_199 = arith.constant 48 : index
      %swap3A_200 = tpu.vector_load %arg16[%swap3A_199] {strides = array<i32>} : memref<128xf32, #tpu.memory_space<vmem>>, vector<16xf32>,
      tpu.vector_store %arg16[%swap3A_199], %sub3A_198 {strides = array<i32>} : memref<128xf32, #tpu.memory_space<vmem>>, vector<16xf32>,
      %mul3A_201 = arith.mulf %sub3A_198, %sub3A_198 : vector<16xf32>
      %add3A_202 = arith.addf %add3A_189, %mul3A_201 : vector<16xf32>
      %swap3A_203 = arith.constant 48 : index
      %swap3A_204 = tpu.vector_load %arg17[%swap3A_203] {strides = array<i32>} : memref<128xf32, #tpu.memory_space<vmem>>, vector<16xf32>,
      tpu.vector_store %arg17[%swap3A_203], %add3A_202 {strides = array<i32>} : memref<128xf32, #tpu.memory_space<vmem>>, vector<16xf32>,
      %get3A_205 = arith.constant 64 : index
      %get3A_206 = tpu.vector_load %arg10[%get3A_205] {strides = array<i32>} : memref<128xi32, #tpu.memory_space<vmem>>, vector<16xi32>,
      %get3A_207 = arith.constant 64 : index
      %get3A_208 = tpu.vector_load %arg11[%get3A_207] {strides = array<i32>} : memref<128xi32, #tpu.memory_space<vmem>>, vector<16xi32>,
      %broadcast_in_dim3A_209 = arith.constant 0.000000e+00 : f32
      %broadcast_in_dim3A_210 = vector.broadcast %broadcast_in_dim3A_209 : f32 to vector<16xf32>
      %add3A_211 = arith.constant 0 : i32
      %add3A_212 = vector.broadcast %add3A_211 : i32 to vector<16xi32>
      %add3A_213 = arith.addi %get3A_206, %add3A_212 : vector<16xi32>
      %gather3A_214 = tpu.vector_load_idx %arg9[%add3A_213] : memref<40960xf32, #tpu.memory_space<vmem>>[vector<16xi32>], vector<16xf32>,
      %add3A_215 = arith.constant 0 : i32
      %add3A_216 = vector.broadcast %add3A_215 : i32 to vector<16xi32>
      %add3A_217 = arith.addi %get3A_208, %add3A_216 : vector<16xi32>
      %gather3A_218 = tpu.vector_load_idx %arg9[%add3A_217] : memref<40960xf32, #tpu.memory_space<vmem>>[vector<16xi32>], vector<16xf32>,
      %sub3A_219 = arith.subf %gather3A_214, %gather3A_218 : vector<16xf32>
      %swap3A_220 = arith.constant 64 : index
      %swap3A_221 = tpu.vector_load %arg14[%swap3A_220] {strides = array<i32>} : memref<128xf32, #tpu.memory_space<vmem>>, vector<16xf32>,
      tpu.vector_store %arg14[%swap3A_220], %sub3A_219 {strides = array<i32>} : memref<128xf32, #tpu.memory_space<vmem>>, vector<16xf32>,
      %mul3A_222 = arith.mulf %sub3A_219, %sub3A_219 : vector<16xf32>
      %add3A_223 = arith.addf %broadcast_in_dim3A_210, %mul3A_222 : vector<16xf32>
      %add3A_224 = arith.constant 10240 : i32
      %add3A_225 = vector.broadcast %add3A_224 : i32 to vector<16xi32>
      %add3A_226 = arith.addi %get3A_206, %add3A_225 : vector<16xi32>
      %gather3A_227 = tpu.vector_load_idx %arg9[%add3A_226] : memref<40960xf32, #tpu.memory_space<vmem>>[vector<16xi32>], vector<16xf32>,
      %add3A_228 = arith.constant 10240 : i32
      %add3A_229 = vector.broadcast %add3A_228 : i32 to vector<16xi32>
      %add3A_230 = arith.addi %get3A_208, %add3A_229 : vector<16xi32>
      %gather3A_231 = tpu.vector_load_idx %arg9[%add3A_230] : memref<40960xf32, #tpu.memory_space<vmem>>[vector<16xi32>], vector<16xf32>,
      %sub3A_232 = arith.subf %gather3A_227, %gather3A_231 : vector<16xf32>
      %swap3A_233 = arith.constant 64 : index
      %swap3A_234 = tpu.vector_load %arg15[%swap3A_233] {strides = array<i32>} : memref<128xf32, #tpu.memory_space<vmem>>, vector<16xf32>,
      tpu.vector_store %arg15[%swap3A_233], %sub3A_232 {strides = array<i32>} : memref<128xf32, #tpu.memory_space<vmem>>, vector<16xf32>,
      %mul3A_235 = arith.mulf %sub3A_232, %sub3A_232 : vector<16xf32>
      %add3A_236 = arith.addf %add3A_223, %mul3A_235 : vector<16xf32>
      %add3A_237 = arith.constant 20480 : i32
      %add3A_238 = vector.broadcast %add3A_237 : i32 to vector<16xi32>
      %add3A_239 = arith.addi %get3A_206, %add3A_238 : vector<16xi32>
      %gather3A_240 = tpu.vector_load_idx %arg9[%add3A_239] : memref<40960xf32, #tpu.memory_space<vmem>>[vector<16xi32>], vector<16xf32>,
      %add3A_241 = arith.constant 20480 : i32
      %add3A_242 = vector.broadcast %add3A_241 : i32 to vector<16xi32>
      %add3A_243 = arith.addi %get3A_208, %add3A_242 : vector<16xi32>
      %gather3A_244 = tpu.vector_load_idx %arg9[%add3A_243] : memref<40960xf32, #tpu.memory_space<vmem>>[vector<16xi32>], vector<16xf32>,
      %sub3A_245 = arith.subf %gather3A_240, %gather3A_244 : vector<16xf32>
      %swap3A_246 = arith.constant 64 : index
      %swap3A_247 = tpu.vector_load %arg16[%swap3A_246] {strides = array<i32>} : memref<128xf32, #tpu.memory_space<vmem>>, vector<16xf32>,
      tpu.vector_store %arg16[%swap3A_246], %sub3A_245 {strides = array<i32>} : memref<128xf32, #tpu.memory_space<vmem>>, vector<16xf32>,
      %mul3A_248 = arith.mulf %sub3A_245, %sub3A_245 : vector<16xf32>
      %add3A_249 = arith.addf %add3A_236, %mul3A_248 : vector<16xf32>
      %swap3A_250 = arith.constant 64 : index
      %swap3A_251 = tpu.vector_load %arg17[%swap3A_250] {strides = array<i32>} : memref<128xf32, #tpu.memory_space<vmem>>, vector<16xf32>,
      tpu.vector_store %arg17[%swap3A_250], %add3A_249 {strides = array<i32>} : memref<128xf32, #tpu.memory_space<vmem>>, vector<16xf32>,
      %get3A_252 = arith.constant 80 : index
      %get3A_253 = tpu.vector_load %arg10[%get3A_252] {strides = array<i32>} : memref<128xi32, #tpu.memory_space<vmem>>, vector<16xi32>,
      %get3A_254 = arith.constant 80 : index
      %get3A_255 = tpu.vector_load %arg11[%get3A_254] {strides = array<i32>} : memref<128xi32, #tpu.memory_space<vmem>>, vector<16xi32>,
      %broadcast_in_dim3A_256 = arith.constant 0.000000e+00 : f32
      %broadcast_in_dim3A_257 = vector.broadcast %broadcast_in_dim3A_256 : f32 to vector<16xf32>
      %add3A_258 = arith.constant 0 : i32
      %add3A_259 = vector.broadcast %add3A_258 : i32 to vector<16xi32>
      %add3A_260 = arith.addi %get3A_253, %add3A_259 : vector<16xi32>
      %gather3A_261 = tpu.vector_load_idx %arg9[%add3A_260] : memref<40960xf32, #tpu.memory_space<vmem>>[vector<16xi32>], vector<16xf32>,
      %add3A_262 = arith.constant 0 : i32
      %add3A_263 = vector.broadcast %add3A_262 : i32 to vector<16xi32>
      %add3A_264 = arith.addi %get3A_255, %add3A_263 : vector<16xi32>
      %gather3A_265 = tpu.vector_load_idx %arg9[%add3A_264] : memref<40960xf32, #tpu.memory_space<vmem>>[vector<16xi32>], vector<16xf32>,
      %sub3A_266 = arith.subf %gather3A_261, %gather3A_265 : vector<16xf32>
      %swap3A_267 = arith.constant 80 : index
      %swap3A_268 = tpu.vector_load %arg14[%swap3A_267] {strides = array<i32>} : memref<128xf32, #tpu.memory_space<vmem>>, vector<16xf32>,
      tpu.vector_store %arg14[%swap3A_267], %sub3A_266 {strides = array<i32>} : memref<128xf32, #tpu.memory_space<vmem>>, vector<16xf32>,
      %mul3A_269 = arith.mulf %sub3A_266, %sub3A_266 : vector<16xf32>
      %add3A_270 = arith.addf %broadcast_in_dim3A_257, %mul3A_269 : vector<16xf32>
      %add3A_271 = arith.constant 10240 : i32
      %add3A_272 = vector.broadcast %add3A_271 : i32 to vector<16xi32>
      %add3A_273 = arith.addi %get3A_253, %add3A_272 : vector<16xi32>
      %gather3A_274 = tpu.vector_load_idx %arg9[%add3A_273] : memref<40960xf32, #tpu.memory_space<vmem>>[vector<16xi32>], vector<16xf32>,
      %add3A_275 = arith.constant 10240 : i32
      %add3A_276 = vector.broadcast %add3A_275 : i32 to vector<16xi32>
      %add3A_277 = arith.addi %get3A_255, %add3A_276 : vector<16xi32>
      %gather3A_278 = tpu.vector_load_idx %arg9[%add3A_277] : memref<40960xf32, #tpu.memory_space<vmem>>[vector<16xi32>], vector<16xf32>,
      %sub3A_279 = arith.subf %gather3A_274, %gather3A_278 : vector<16xf32>
      %swap3A_280 = arith.constant 80 : index
      %swap3A_281 = tpu.vector_load %arg15[%swap3A_280] {strides = array<i32>} : memref<128xf32, #tpu.memory_space<vmem>>, vector<16xf32>,
      tpu.vector_store %arg15[%swap3A_280], %sub3A_279 {strides = array<i32>} : memref<128xf32, #tpu.memory_space<vmem>>, vector<16xf32>,
      %mul3A_282 = arith.mulf %sub3A_279, %sub3A_279 : vector<16xf32>
      %add3A_283 = arith.addf %add3A_270, %mul3A_282 : vector<16xf32>
      %add3A_284 = arith.constant 20480 : i32
      %add3A_285 = vector.broadcast %add3A_284 : i32 to vector<16xi32>
      %add3A_286 = arith.addi %get3A_253, %add3A_285 : vector<16xi32>
      %gather3A_287 = tpu.vector_load_idx %arg9[%add3A_286] : memref<40960xf32, #tpu.memory_space<vmem>>[vector<16xi32>], vector<16xf32>,
      %add3A_288 = arith.constant 20480 : i32
      %add3A_289 = vector.broadcast %add3A_288 : i32 to vector<16xi32>
      %add3A_290 = arith.addi %get3A_255, %add3A_289 : vector<16xi32>
      %gather3A_291 = tpu.vector_load_idx %arg9[%add3A_290] : memref<40960xf32, #tpu.memory_space<vmem>>[vector<16xi32>], vector<16xf32>,
      %sub3A_292 = arith.subf %gather3A_287, %gather3A_291 : vector<16xf32>
      %swap3A_293 = arith.constant 80 : index
      %swap3A_294 = tpu.vector_load %arg16[%swap3A_293] {strides = array<i32>} : memref<128xf32, #tpu.memory_space<vmem>>, vector<16xf32>,
      tpu.vector_store %arg16[%swap3A_293], %sub3A_292 {strides = array<i32>} : memref<128xf32, #tpu.memory_space<vmem>>, vector<16xf32>,
      %mul3A_295 = arith.mulf %sub3A_292, %sub3A_292 : vector<16xf32>
      %add3A_296 = arith.addf %add3A_283, %mul3A_295 : vector<16xf32>
      %swap3A_297 = arith.constant 80 : index
      %swap3A_298 = tpu.vector_load %arg17[%swap3A_297] {strides = array<i32>} : memref<128xf32, #tpu.memory_space<vmem>>, vector<16xf32>,
      tpu.vector_store %arg17[%swap3A_297], %add3A_296 {strides = array<i32>} : memref<128xf32, #tpu.memory_space<vmem>>, vector<16xf32>,
      %get3A_299 = arith.constant 96 : index
      %get3A_300 = tpu.vector_load %arg10[%get3A_299] {strides = array<i32>} : memref<128xi32, #tpu.memory_space<vmem>>, vector<16xi32>,
      %get3A_301 = arith.constant 96 : index
      %get3A_302 = tpu.vector_load %arg11[%get3A_301] {strides = array<i32>} : memref<128xi32, #tpu.memory_space<vmem>>, vector<16xi32>,
      %broadcast_in_dim3A_303 = arith.constant 0.000000e+00 : f32
      %broadcast_in_dim3A_304 = vector.broadcast %broadcast_in_dim3A_303 : f32 to vector<16xf32>
      %add3A_305 = arith.constant 0 : i32
      %add3A_306 = vector.broadcast %add3A_305 : i32 to vector<16xi32>
      %add3A_307 = arith.addi %get3A_300, %add3A_306 : vector<16xi32>
      %gather3A_308 = tpu.vector_load_idx %arg9[%add3A_307] : memref<40960xf32, #tpu.memory_space<vmem>>[vector<16xi32>], vector<16xf32>,
      %add3A_309 = arith.constant 0 : i32
      %add3A_310 = vector.broadcast %add3A_309 : i32 to vector<16xi32>
      %add3A_311 = arith.addi %get3A_302, %add3A_310 : vector<16xi32>
      %gather3A_312 = tpu.vector_load_idx %arg9[%add3A_311] : memref<40960xf32, #tpu.memory_space<vmem>>[vector<16xi32>], vector<16xf32>,
      %sub3A_313 = arith.subf %gather3A_308, %gather3A_312 : vector<16xf32>
      %swap3A_314 = arith.constant 96 : index
      %swap3A_315 = tpu.vector_load %arg14[%swap3A_314] {strides = array<i32>} : memref<128xf32, #tpu.memory_space<vmem>>, vector<16xf32>,
      tpu.vector_store %arg14[%swap3A_314], %sub3A_313 {strides = array<i32>} : memref<128xf32, #tpu.memory_space<vmem>>, vector<16xf32>,
      %mul3A_316 = arith.mulf %sub3A_313, %sub3A_313 : vector<16xf32>
      %add3A_317 = arith.addf %broadcast_in_dim3A_304, %mul3A_316 : vector<16xf32>
      %add3A_318 = arith.constant 10240 : i32
      %add3A_319 = vector.broadcast %add3A_318 : i32 to vector<16xi32>
      %add3A_320 = arith.addi %get3A_300, %add3A_319 : vector<16xi32>
      %gather3A_321 = tpu.vector_load_idx %arg9[%add3A_320] : memref<40960xf32, #tpu.memory_space<vmem>>[vector<16xi32>], vector<16xf32>,
      %add3A_322 = arith.constant 10240 : i32
      %add3A_323 = vector.broadcast %add3A_322 : i32 to vector<16xi32>
      %add3A_324 = arith.addi %get3A_302, %add3A_323 : vector<16xi32>
      %gather3A_325 = tpu.vector_load_idx %arg9[%add3A_324] : memref<40960xf32, #tpu.memory_space<vmem>>[vector<16xi32>], vector<16xf32>,
      %sub3A_326 = arith.subf %gather3A_321, %gather3A_325 : vector<16xf32>
      %swap3A_327 = arith.constant 96 : index
      %swap3A_328 = tpu.vector_load %arg15[%swap3A_327] {strides = array<i32>} : memref<128xf32, #tpu.memory_space<vmem>>, vector<16xf32>,
      tpu.vector_store %arg15[%swap3A_327], %sub3A_326 {strides = array<i32>} : memref<128xf32, #tpu.memory_space<vmem>>, vector<16xf32>,
      %mul3A_329 = arith.mulf %sub3A_326, %sub3A_326 : vector<16xf32>
      %add3A_330 = arith.addf %add3A_317, %mul3A_329 : vector<16xf32>
      %add3A_331 = arith.constant 20480 : i32
      %add3A_332 = vector.broadcast %add3A_331 : i32 to vector<16xi32>
      %add3A_333 = arith.addi %get3A_300, %add3A_332 : vector<16xi32>
      %gather3A_334 = tpu.vector_load_idx %arg9[%add3A_333] : memref<40960xf32, #tpu.memory_space<vmem>>[vector<16xi32>], vector<16xf32>,
      %add3A_335 = arith.constant 20480 : i32
      %add3A_336 = vector.broadcast %add3A_335 : i32 to vector<16xi32>
      %add3A_337 = arith.addi %get3A_302, %add3A_336 : vector<16xi32>
      %gather3A_338 = tpu.vector_load_idx %arg9[%add3A_337] : memref<40960xf32, #tpu.memory_space<vmem>>[vector<16xi32>], vector<16xf32>,
      %sub3A_339 = arith.subf %gather3A_334, %gather3A_338 : vector<16xf32>
      %swap3A_340 = arith.constant 96 : index
      %swap3A_341 = tpu.vector_load %arg16[%swap3A_340] {strides = array<i32>} : memref<128xf32, #tpu.memory_space<vmem>>, vector<16xf32>,
      tpu.vector_store %arg16[%swap3A_340], %sub3A_339 {strides = array<i32>} : memref<128xf32, #tpu.memory_space<vmem>>, vector<16xf32>,
      %mul3A_342 = arith.mulf %sub3A_339, %sub3A_339 : vector<16xf32>
      %add3A_343 = arith.addf %add3A_330, %mul3A_342 : vector<16xf32>
      %swap3A_344 = arith.constant 96 : index
      %swap3A_345 = tpu.vector_load %arg17[%swap3A_344] {strides = array<i32>} : memref<128xf32, #tpu.memory_space<vmem>>, vector<16xf32>,
      tpu.vector_store %arg17[%swap3A_344], %add3A_343 {strides = array<i32>} : memref<128xf32, #tpu.memory_space<vmem>>, vector<16xf32>,
      %get3A_346 = arith.constant 112 : index
      %get3A_347 = tpu.vector_load %arg10[%get3A_346] {strides = array<i32>} : memref<128xi32, #tpu.memory_space<vmem>>, vector<16xi32>,
      %get3A_348 = arith.constant 112 : index
      %get3A_349 = tpu.vector_load %arg11[%get3A_348] {strides = array<i32>} : memref<128xi32, #tpu.memory_space<vmem>>, vector<16xi32>,
      %broadcast_in_dim3A_350 = arith.constant 0.000000e+00 : f32
      %broadcast_in_dim3A_351 = vector.broadcast %broadcast_in_dim3A_350 : f32 to vector<16xf32>
      %add3A_352 = arith.constant 0 : i32
      %add3A_353 = vector.broadcast %add3A_352 : i32 to vector<16xi32>
      %add3A_354 = arith.addi %get3A_347, %add3A_353 : vector<16xi32>
      %gather3A_355 = tpu.vector_load_idx %arg9[%add3A_354] : memref<40960xf32, #tpu.memory_space<vmem>>[vector<16xi32>], vector<16xf32>,
      %add3A_356 = arith.constant 0 : i32
      %add3A_357 = vector.broadcast %add3A_356 : i32 to vector<16xi32>
      %add3A_358 = arith.addi %get3A_349, %add3A_357 : vector<16xi32>
      %gather3A_359 = tpu.vector_load_idx %arg9[%add3A_358] : memref<40960xf32, #tpu.memory_space<vmem>>[vector<16xi32>], vector<16xf32>,
      %sub3A_360 = arith.subf %gather3A_355, %gather3A_359 : vector<16xf32>
      %swap3A_361 = arith.constant 112 : index
      %swap3A_362 = tpu.vector_load %arg14[%swap3A_361] {strides = array<i32>} : memref<128xf32, #tpu.memory_space<vmem>>, vector<16xf32>,
      tpu.vector_store %arg14[%swap3A_361], %sub3A_360 {strides = array<i32>} : memref<128xf32, #tpu.memory_space<vmem>>, vector<16xf32>,
      %mul3A_363 = arith.mulf %sub3A_360, %sub3A_360 : vector<16xf32>
      %add3A_364 = arith.addf %broadcast_in_dim3A_351, %mul3A_363 : vector<16xf32>
      %add3A_365 = arith.constant 10240 : i32
      %add3A_366 = vector.broadcast %add3A_365 : i32 to vector<16xi32>
      %add3A_367 = arith.addi %get3A_347, %add3A_366 : vector<16xi32>
      %gather3A_368 = tpu.vector_load_idx %arg9[%add3A_367] : memref<40960xf32, #tpu.memory_space<vmem>>[vector<16xi32>], vector<16xf32>,
      %add3A_369 = arith.constant 10240 : i32
      %add3A_370 = vector.broadcast %add3A_369 : i32 to vector<16xi32>
      %add3A_371 = arith.addi %get3A_349, %add3A_370 : vector<16xi32>
      %gather3A_372 = tpu.vector_load_idx %arg9[%add3A_371] : memref<40960xf32, #tpu.memory_space<vmem>>[vector<16xi32>], vector<16xf32>,
      %sub3A_373 = arith.subf %gather3A_368, %gather3A_372 : vector<16xf32>
      %swap3A_374 = arith.constant 112 : index
      %swap3A_375 = tpu.vector_load %arg15[%swap3A_374] {strides = array<i32>} : memref<128xf32, #tpu.memory_space<vmem>>, vector<16xf32>,
      tpu.vector_store %arg15[%swap3A_374], %sub3A_373 {strides = array<i32>} : memref<128xf32, #tpu.memory_space<vmem>>, vector<16xf32>,
      %mul3A_376 = arith.mulf %sub3A_373, %sub3A_373 : vector<16xf32>
      %add3A_377 = arith.addf %add3A_364, %mul3A_376 : vector<16xf32>
      %add3A_378 = arith.constant 20480 : i32
      %add3A_379 = vector.broadcast %add3A_378 : i32 to vector<16xi32>
      %add3A_380 = arith.addi %get3A_347, %add3A_379 : vector<16xi32>
      %gather3A_381 = tpu.vector_load_idx %arg9[%add3A_380] : memref<40960xf32, #tpu.memory_space<vmem>>[vector<16xi32>], vector<16xf32>,
      %add3A_382 = arith.constant 20480 : i32
      %add3A_383 = vector.broadcast %add3A_382 : i32 to vector<16xi32>
      %add3A_384 = arith.addi %get3A_349, %add3A_383 : vector<16xi32>
      %gather3A_385 = tpu.vector_load_idx %arg9[%add3A_384] : memref<40960xf32, #tpu.memory_space<vmem>>[vector<16xi32>], vector<16xf32>,
      %sub3A_386 = arith.subf %gather3A_381, %gather3A_385 : vector<16xf32>
      %swap3A_387 = arith.constant 112 : index
      %swap3A_388 = tpu.vector_load %arg16[%swap3A_387] {strides = array<i32>} : memref<128xf32, #tpu.memory_space<vmem>>, vector<16xf32>,
      tpu.vector_store %arg16[%swap3A_387], %sub3A_386 {strides = array<i32>} : memref<128xf32, #tpu.memory_space<vmem>>, vector<16xf32>,
      %mul3A_389 = arith.mulf %sub3A_386, %sub3A_386 : vector<16xf32>
      %add3A_390 = arith.addf %add3A_377, %mul3A_389 : vector<16xf32>
      %swap3A_391 = arith.constant 112 : index
      %swap3A_392 = tpu.vector_load %arg17[%swap3A_391] {strides = array<i32>} : memref<128xf32, #tpu.memory_space<vmem>>, vector<16xf32>,
      tpu.vector_store %arg17[%swap3A_391], %add3A_390 {strides = array<i32>} : memref<128xf32, #tpu.memory_space<vmem>>, vector<16xf32>,
      "tpu.region"() ({
        %run_scoped3A_396 = tpu.sem_alloc : memref<!tpu.dma_semaphore, #tpu.memory_space<semaphore_mem>>
        %dma_start3A_397 = arith.constant 0 : i32
        %dma_start3A_398 = tpu.memref_slice %arg6[%add3A_11, %dma_start3A_397] : memref<323584x128xf32, #tpu.memory_space<hbm>> -> memref<128x128xf32, #tpu.memory_space<hbm>>
        %dma_start3A_399 = arith.constant 0 : i32
        %dma_start3A_400 = tpu.memref_slice %arg6[%add3A_11, %dma_start3A_399] : memref<323584x128xf32, #tpu.memory_space<hbm>> -> memref<128x128xf32, #tpu.memory_space<hbm>>
        tpu.enqueue_dma source(%arg12 : memref<128x128xf32, #tpu.memory_space<vmem>>) target(%dma_start3A_400 : memref<128x128xf32, #tpu.memory_space<hbm>>) target_semaphore(%run_scoped3A_396 : memref<!tpu.dma_semaphore, #tpu.memory_space<semaphore_mem>>)
        %dma_wait3A_401 = arith.constant 0 : i32
        %dma_wait3A_402 = tpu.memref_slice %arg6[%add3A_11, %dma_wait3A_401] : memref<323584x128xf32, #tpu.memory_space<hbm>> -> memref<128x128xf32, #tpu.memory_space<hbm>>
        %dma_wait3A_403 = arith.constant 0 : i32
        %dma_wait3A_404 = tpu.memref_slice %arg6[%add3A_11, %dma_wait3A_403] : memref<323584x128xf32, #tpu.memory_space<hbm>> -> memref<128x128xf32, #tpu.memory_space<hbm>>
        tpu.wait_dma2 semaphore(%run_scoped3A_396 : memref<!tpu.dma_semaphore, #tpu.memory_space<semaphore_mem>>) src(%arg12 : memref<128x128xf32, #tpu.memory_space<vmem>>) dst(%dma_wait3A_404 : memref<128x128xf32, #tpu.memory_space<hbm>>)
        tpu.yield
      }) : () -> ()
      "tpu.region"() ({
        %run_scoped3A_396 = tpu.sem_alloc : memref<!tpu.dma_semaphore, #tpu.memory_space<semaphore_mem>>
        %dma_start3A_397 = arith.constant 0 : i32
        %dma_start3A_398 = tpu.memref_slice %arg7[%add3A_11, %dma_start3A_397] : memref<323584x128xf32, #tpu.memory_space<hbm>> -> memref<128x128xf32, #tpu.memory_space<hbm>>
        %dma_start3A_399 = arith.constant 0 : i32
        %dma_start3A_400 = tpu.memref_slice %arg7[%add3A_11, %dma_start3A_399] : memref<323584x128xf32, #tpu.memory_space<hbm>> -> memref<128x128xf32, #tpu.memory_space<hbm>>
        tpu.enqueue_dma source(%arg13 : memref<128x128xf32, #tpu.memory_space<vmem>>) target(%dma_start3A_400 : memref<128x128xf32, #tpu.memory_space<hbm>>) target_semaphore(%run_scoped3A_396 : memref<!tpu.dma_semaphore, #tpu.memory_space<semaphore_mem>>)
        %dma_wait3A_401 = arith.constant 0 : i32
        %dma_wait3A_402 = tpu.memref_slice %arg7[%add3A_11, %dma_wait3A_401] : memref<323584x128xf32, #tpu.memory_space<hbm>> -> memref<128x128xf32, #tpu.memory_space<hbm>>
        %dma_wait3A_403 = arith.constant 0 : i32
        %dma_wait3A_404 = tpu.memref_slice %arg7[%add3A_11, %dma_wait3A_403] : memref<323584x128xf32, #tpu.memory_space<hbm>> -> memref<128x128xf32, #tpu.memory_space<hbm>>
        tpu.wait_dma2 semaphore(%run_scoped3A_396 : memref<!tpu.dma_semaphore, #tpu.memory_space<semaphore_mem>>) src(%arg13 : memref<128x128xf32, #tpu.memory_space<vmem>>) dst(%dma_wait3A_404 : memref<128x128xf32, #tpu.memory_space<hbm>>)
        tpu.yield
      }) : () -> ()
      %run_scoped3A = arith.constant 0 : i32
      "tpu.region"() ({
        %run_scoped3A_396 = tpu.sem_alloc : memref<!tpu.dma_semaphore, #tpu.memory_space<semaphore_mem>>
        %dma_start3A_397 = tpu.memref_slice %arg8[%run_scoped3A, %add3A_11] : memref<4x323584xf32, #tpu.memory_space<hbm>> -> memref<1x128xf32, #tpu.memory_space<hbm>>
        %dma_start3A_398 = tpu.memref_squeeze %dma_start3A_397 : memref<1x128xf32, #tpu.memory_space<hbm>> -> memref<128xf32, #tpu.memory_space<hbm>>
        %dma_start3A_399 = tpu.memref_slice %arg8[%run_scoped3A, %add3A_11] : memref<4x323584xf32, #tpu.memory_space<hbm>> -> memref<1x128xf32, #tpu.memory_space<hbm>>
        %dma_start3A_400 = tpu.memref_squeeze %dma_start3A_399 : memref<1x128xf32, #tpu.memory_space<hbm>> -> memref<128xf32, #tpu.memory_space<hbm>>
        tpu.enqueue_dma source(%arg14 : memref<128xf32, #tpu.memory_space<vmem>>) target(%dma_start3A_400 : memref<128xf32, #tpu.memory_space<hbm>>) target_semaphore(%run_scoped3A_396 : memref<!tpu.dma_semaphore, #tpu.memory_space<semaphore_mem>>)
        %dma_wait3A_401 = tpu.memref_slice %arg8[%run_scoped3A, %add3A_11] : memref<4x323584xf32, #tpu.memory_space<hbm>> -> memref<1x128xf32, #tpu.memory_space<hbm>>
        %dma_wait3A_402 = tpu.memref_squeeze %dma_wait3A_401 : memref<1x128xf32, #tpu.memory_space<hbm>> -> memref<128xf32, #tpu.memory_space<hbm>>
        %dma_wait3A_403 = tpu.memref_slice %arg8[%run_scoped3A, %add3A_11] : memref<4x323584xf32, #tpu.memory_space<hbm>> -> memref<1x128xf32, #tpu.memory_space<hbm>>
        %dma_wait3A_404 = tpu.memref_squeeze %dma_wait3A_403 : memref<1x128xf32, #tpu.memory_space<hbm>> -> memref<128xf32, #tpu.memory_space<hbm>>
        tpu.wait_dma2 semaphore(%run_scoped3A_396 : memref<!tpu.dma_semaphore, #tpu.memory_space<semaphore_mem>>) src(%arg14 : memref<128xf32, #tpu.memory_space<vmem>>) dst(%dma_wait3A_404 : memref<128xf32, #tpu.memory_space<hbm>>)
        tpu.yield
      }) : () -> ()
      %run_scoped3A_393 = arith.constant 1 : i32
      "tpu.region"() ({
        %run_scoped3A_396 = tpu.sem_alloc : memref<!tpu.dma_semaphore, #tpu.memory_space<semaphore_mem>>
        %dma_start3A_397 = tpu.memref_slice %arg8[%run_scoped3A_393, %add3A_11] : memref<4x323584xf32, #tpu.memory_space<hbm>> -> memref<1x128xf32, #tpu.memory_space<hbm>>
        %dma_start3A_398 = tpu.memref_squeeze %dma_start3A_397 : memref<1x128xf32, #tpu.memory_space<hbm>> -> memref<128xf32, #tpu.memory_space<hbm>>
        %dma_start3A_399 = tpu.memref_slice %arg8[%run_scoped3A_393, %add3A_11] : memref<4x323584xf32, #tpu.memory_space<hbm>> -> memref<1x128xf32, #tpu.memory_space<hbm>>
        %dma_start3A_400 = tpu.memref_squeeze %dma_start3A_399 : memref<1x128xf32, #tpu.memory_space<hbm>> -> memref<128xf32, #tpu.memory_space<hbm>>
        tpu.enqueue_dma source(%arg15 : memref<128xf32, #tpu.memory_space<vmem>>) target(%dma_start3A_400 : memref<128xf32, #tpu.memory_space<hbm>>) target_semaphore(%run_scoped3A_396 : memref<!tpu.dma_semaphore, #tpu.memory_space<semaphore_mem>>)
        %dma_wait3A_401 = tpu.memref_slice %arg8[%run_scoped3A_393, %add3A_11] : memref<4x323584xf32, #tpu.memory_space<hbm>> -> memref<1x128xf32, #tpu.memory_space<hbm>>
        %dma_wait3A_402 = tpu.memref_squeeze %dma_wait3A_401 : memref<1x128xf32, #tpu.memory_space<hbm>> -> memref<128xf32, #tpu.memory_space<hbm>>
        %dma_wait3A_403 = tpu.memref_slice %arg8[%run_scoped3A_393, %add3A_11] : memref<4x323584xf32, #tpu.memory_space<hbm>> -> memref<1x128xf32, #tpu.memory_space<hbm>>
        %dma_wait3A_404 = tpu.memref_squeeze %dma_wait3A_403 : memref<1x128xf32, #tpu.memory_space<hbm>> -> memref<128xf32, #tpu.memory_space<hbm>>
        tpu.wait_dma2 semaphore(%run_scoped3A_396 : memref<!tpu.dma_semaphore, #tpu.memory_space<semaphore_mem>>) src(%arg15 : memref<128xf32, #tpu.memory_space<vmem>>) dst(%dma_wait3A_404 : memref<128xf32, #tpu.memory_space<hbm>>)
        tpu.yield
      }) : () -> ()
      %run_scoped3A_394 = arith.constant 2 : i32
      "tpu.region"() ({
        %run_scoped3A_396 = tpu.sem_alloc : memref<!tpu.dma_semaphore, #tpu.memory_space<semaphore_mem>>
        %dma_start3A_397 = tpu.memref_slice %arg8[%run_scoped3A_394, %add3A_11] : memref<4x323584xf32, #tpu.memory_space<hbm>> -> memref<1x128xf32, #tpu.memory_space<hbm>>
        %dma_start3A_398 = tpu.memref_squeeze %dma_start3A_397 : memref<1x128xf32, #tpu.memory_space<hbm>> -> memref<128xf32, #tpu.memory_space<hbm>>
        %dma_start3A_399 = tpu.memref_slice %arg8[%run_scoped3A_394, %add3A_11] : memref<4x323584xf32, #tpu.memory_space<hbm>> -> memref<1x128xf32, #tpu.memory_space<hbm>>
        %dma_start3A_400 = tpu.memref_squeeze %dma_start3A_399 : memref<1x128xf32, #tpu.memory_space<hbm>> -> memref<128xf32, #tpu.memory_space<hbm>>
        tpu.enqueue_dma source(%arg16 : memref<128xf32, #tpu.memory_space<vmem>>) target(%dma_start3A_400 : memref<128xf32, #tpu.memory_space<hbm>>) target_semaphore(%run_scoped3A_396 : memref<!tpu.dma_semaphore, #tpu.memory_space<semaphore_mem>>)
        %dma_wait3A_401 = tpu.memref_slice %arg8[%run_scoped3A_394, %add3A_11] : memref<4x323584xf32, #tpu.memory_space<hbm>> -> memref<1x128xf32, #tpu.memory_space<hbm>>
        %dma_wait3A_402 = tpu.memref_squeeze %dma_wait3A_401 : memref<1x128xf32, #tpu.memory_space<hbm>> -> memref<128xf32, #tpu.memory_space<hbm>>
        %dma_wait3A_403 = tpu.memref_slice %arg8[%run_scoped3A_394, %add3A_11] : memref<4x323584xf32, #tpu.memory_space<hbm>> -> memref<1x128xf32, #tpu.memory_space<hbm>>
        %dma_wait3A_404 = tpu.memref_squeeze %dma_wait3A_403 : memref<1x128xf32, #tpu.memory_space<hbm>> -> memref<128xf32, #tpu.memory_space<hbm>>
        tpu.wait_dma2 semaphore(%run_scoped3A_396 : memref<!tpu.dma_semaphore, #tpu.memory_space<semaphore_mem>>) src(%arg16 : memref<128xf32, #tpu.memory_space<vmem>>) dst(%dma_wait3A_404 : memref<128xf32, #tpu.memory_space<hbm>>)
        tpu.yield
      }) : () -> ()
      %run_scoped3A_395 = arith.constant 3 : i32
      "tpu.region"() ({
        %run_scoped3A_396 = tpu.sem_alloc : memref<!tpu.dma_semaphore, #tpu.memory_space<semaphore_mem>>
        %dma_start3A_397 = tpu.memref_slice %arg8[%run_scoped3A_395, %add3A_11] : memref<4x323584xf32, #tpu.memory_space<hbm>> -> memref<1x128xf32, #tpu.memory_space<hbm>>
        %dma_start3A_398 = tpu.memref_squeeze %dma_start3A_397 : memref<1x128xf32, #tpu.memory_space<hbm>> -> memref<128xf32, #tpu.memory_space<hbm>>
        %dma_start3A_399 = tpu.memref_slice %arg8[%run_scoped3A_395, %add3A_11] : memref<4x323584xf32, #tpu.memory_space<hbm>> -> memref<1x128xf32, #tpu.memory_space<hbm>>
        %dma_start3A_400 = tpu.memref_squeeze %dma_start3A_399 : memref<1x128xf32, #tpu.memory_space<hbm>> -> memref<128xf32, #tpu.memory_space<hbm>>
        tpu.enqueue_dma source(%arg17 : memref<128xf32, #tpu.memory_space<vmem>>) target(%dma_start3A_400 : memref<128xf32, #tpu.memory_space<hbm>>) target_semaphore(%run_scoped3A_396 : memref<!tpu.dma_semaphore, #tpu.memory_space<semaphore_mem>>)
        %dma_wait3A_401 = tpu.memref_slice %arg8[%run_scoped3A_395, %add3A_11] : memref<4x323584xf32, #tpu.memory_space<hbm>> -> memref<1x128xf32, #tpu.memory_space<hbm>>
        %dma_wait3A_402 = tpu.memref_squeeze %dma_wait3A_401 : memref<1x128xf32, #tpu.memory_space<hbm>> -> memref<128xf32, #tpu.memory_space<hbm>>
        %dma_wait3A_403 = tpu.memref_slice %arg8[%run_scoped3A_395, %add3A_11] : memref<4x323584xf32, #tpu.memory_space<hbm>> -> memref<1x128xf32, #tpu.memory_space<hbm>>
        %dma_wait3A_404 = tpu.memref_squeeze %dma_wait3A_403 : memref<1x128xf32, #tpu.memory_space<hbm>> -> memref<128xf32, #tpu.memory_space<hbm>>
        tpu.wait_dma2 semaphore(%run_scoped3A_396 : memref<!tpu.dma_semaphore, #tpu.memory_space<semaphore_mem>>) src(%arg17 : memref<128xf32, #tpu.memory_space<vmem>>) dst(%dma_wait3A_404 : memref<128xf32, #tpu.memory_space<hbm>>)
        tpu.yield
      }) : () -> ()
    }
    %scan3A_7 = arith.constant 79 : i32
    return
  }
}

#map = affine_map<(d0, d1) -> (0, 0)>
#map1 = affine_map<(d0, d1) -> (0)>
module attributes {stable_mosaic.version = 14 : i64} {
  func.func @_scatter_body(%arg0: i32, %arg1: i32, %arg2: memref<323584x128xf32, #tpu.memory_space<hbm>>, %arg3: memref<323584x128xf32, #tpu.memory_space<hbm>>, %arg4: memref<323584xi32, #tpu.memory_space<hbm>>, %arg5: memref<10240x128xf32, #tpu.memory_space<hbm>>, %arg6: memref<10240x128xf32, #tpu.memory_space<hbm>>, %arg7: memref<10240x128xf32, #tpu.memory_space<hbm>>, %arg8: memref<1x128xi32, #tpu.memory_space<vmem>>, %arg9: memref<128x128xf32, #tpu.memory_space<vmem>>, %arg10: memref<10240x128xf32, #tpu.memory_space<vmem_shared>>, %arg11: memref<!tpu.dma_semaphore, #tpu.memory_space<semaphore_mem>>) attributes {dimension_semantics = [#tpu.dimension_semantics<core_parallel>, #tpu.dimension_semantics<subcore_parallel>], iteration_bounds = array<i64: 2, 16>, scalar_prefetch = 0 : i64, scratch_operands = 4 : i64, tpu.core_type = #tpu.core_type<sc_vector_subcore>, window_params = [{transform_indices = #map}, {transform_indices = #map}, {transform_indices = #map1}, {transform_indices = #map}, {transform_indices = #map}, {transform_indices = #map}]} {
    %mul3A = arith.constant 640 : i32
    %mul3A_0 = arith.muli %arg1, %mul3A : i32
    %mul3A_1 = arith.constant 640 : i32
    %mul3A_2 = arith.muli %arg1, %mul3A_1 : i32
    "tpu.region"() ({
      %run_scoped3A = tpu.sem_alloc : memref<!tpu.dma_semaphore, #tpu.memory_space<semaphore_mem>>
      %dma_start3A = arith.constant 0 : i32
      %dma_start3A_16 = tpu.memref_slice %arg10[%mul3A_2, %dma_start3A] : memref<10240x128xf32, #tpu.memory_space<vmem_shared>> -> memref<640x128xf32, #tpu.memory_space<vmem_shared>>
      %dma_start3A_17 = arith.constant 0 : i32
      %dma_start3A_18 = tpu.memref_slice %arg5[%mul3A_0, %dma_start3A_17] : memref<10240x128xf32, #tpu.memory_space<hbm>> -> memref<640x128xf32, #tpu.memory_space<hbm>>
      tpu.enqueue_dma source(%dma_start3A_18 : memref<640x128xf32, #tpu.memory_space<hbm>>) target(%dma_start3A_16 : memref<640x128xf32, #tpu.memory_space<vmem_shared>>) target_semaphore(%run_scoped3A : memref<!tpu.dma_semaphore, #tpu.memory_space<semaphore_mem>>)
      %dma_wait3A = arith.constant 0 : i32
      %dma_wait3A_19 = tpu.memref_slice %arg10[%mul3A_2, %dma_wait3A] : memref<10240x128xf32, #tpu.memory_space<vmem_shared>> -> memref<640x128xf32, #tpu.memory_space<vmem_shared>>
      %dma_wait3A_20 = arith.constant 0 : i32
      %dma_wait3A_21 = tpu.memref_slice %arg5[%mul3A_0, %dma_wait3A_20] : memref<10240x128xf32, #tpu.memory_space<hbm>> -> memref<640x128xf32, #tpu.memory_space<hbm>>
      tpu.wait_dma2 semaphore(%run_scoped3A : memref<!tpu.dma_semaphore, #tpu.memory_space<semaphore_mem>>) src(%dma_wait3A_21 : memref<640x128xf32, #tpu.memory_space<hbm>>) dst(%dma_wait3A_19 : memref<640x128xf32, #tpu.memory_space<vmem_shared>>)
      tpu.yield
    }) : () -> ()
    %barrier3A = arith.constant 0 : index
    tpu.barrier barrier_id(%barrier3A)
    %scan3A = arith.constant 0 : i32
    %scan3A_3 = arith.constant 0 : i32
    %scan3A_4 = arith.constant 158 : i32
    %scan3A_5 = arith.addi %scan3A_3, %scan3A_4 : i32
    %scan3A_6 = arith.constant 1 : i32
    scf.for %scan3A_16 = %scan3A_3 to %scan3A_5 step %scan3A_6  : i32 {
      %mul3A_17 = arith.constant 20224 : i32
      %mul3A_18 = arith.muli %arg1, %mul3A_17 : i32
      %mul3A_19 = arith.constant 128 : i32
      %mul3A_20 = arith.muli %scan3A_16, %mul3A_19 : i32
      %add3A = arith.addi %mul3A_18, %mul3A_20 : i32
      %run_scoped3A = arith.constant 0 : i32
      "tpu.region"() ({
        %run_scoped3A_32 = tpu.sem_alloc : memref<!tpu.dma_semaphore, #tpu.memory_space<semaphore_mem>>
        %dma_start3A = arith.constant 0 : i32
        %dma_start3A_33 = tpu.memref_slice %arg8[%run_scoped3A, %dma_start3A] : memref<1x128xi32, #tpu.memory_space<vmem>> -> memref<1x128xi32, #tpu.memory_space<vmem>>
        %dma_start3A_34 = tpu.memref_squeeze %dma_start3A_33 : memref<1x128xi32, #tpu.memory_space<vmem>> -> memref<128xi32, #tpu.memory_space<vmem>>
        %dma_start3A_35 = tpu.memref_slice %arg4[%add3A] : memref<323584xi32, #tpu.memory_space<hbm>> -> memref<128xi32, #tpu.memory_space<hbm>>
        %dma_start3A_36 = arith.constant 0 : i32
        %dma_start3A_37 = tpu.memref_slice %arg8[%run_scoped3A, %dma_start3A_36] : memref<1x128xi32, #tpu.memory_space<vmem>> -> memref<1x128xi32, #tpu.memory_space<vmem>>
        %dma_start3A_38 = tpu.memref_squeeze %dma_start3A_37 : memref<1x128xi32, #tpu.memory_space<vmem>> -> memref<128xi32, #tpu.memory_space<vmem>>
        %dma_start3A_39 = tpu.memref_slice %arg4[%add3A] : memref<323584xi32, #tpu.memory_space<hbm>> -> memref<128xi32, #tpu.memory_space<hbm>>
        tpu.enqueue_dma source(%dma_start3A_39 : memref<128xi32, #tpu.memory_space<hbm>>) target(%dma_start3A_38 : memref<128xi32, #tpu.memory_space<vmem>>) target_semaphore(%run_scoped3A_32 : memref<!tpu.dma_semaphore, #tpu.memory_space<semaphore_mem>>)
        %dma_wait3A = arith.constant 0 : i32
        %dma_wait3A_40 = tpu.memref_slice %arg8[%run_scoped3A, %dma_wait3A] : memref<1x128xi32, #tpu.memory_space<vmem>> -> memref<1x128xi32, #tpu.memory_space<vmem>>
        %dma_wait3A_41 = tpu.memref_squeeze %dma_wait3A_40 : memref<1x128xi32, #tpu.memory_space<vmem>> -> memref<128xi32, #tpu.memory_space<vmem>>
        %dma_wait3A_42 = tpu.memref_slice %arg4[%add3A] : memref<323584xi32, #tpu.memory_space<hbm>> -> memref<128xi32, #tpu.memory_space<hbm>>
        %dma_wait3A_43 = arith.constant 0 : i32
        %dma_wait3A_44 = tpu.memref_slice %arg8[%run_scoped3A, %dma_wait3A_43] : memref<1x128xi32, #tpu.memory_space<vmem>> -> memref<1x128xi32, #tpu.memory_space<vmem>>
        %dma_wait3A_45 = tpu.memref_squeeze %dma_wait3A_44 : memref<1x128xi32, #tpu.memory_space<vmem>> -> memref<128xi32, #tpu.memory_space<vmem>>
        %dma_wait3A_46 = tpu.memref_slice %arg4[%add3A] : memref<323584xi32, #tpu.memory_space<hbm>> -> memref<128xi32, #tpu.memory_space<hbm>>
        tpu.wait_dma2 semaphore(%run_scoped3A_32 : memref<!tpu.dma_semaphore, #tpu.memory_space<semaphore_mem>>) src(%dma_wait3A_46 : memref<128xi32, #tpu.memory_space<hbm>>) dst(%dma_wait3A_45 : memref<128xi32, #tpu.memory_space<vmem>>)
        tpu.yield
      }) : () -> ()
      %eq3A_21 = arith.constant 0 : i32
      %eq3A_22 = arith.cmpi eq, %arg0, %eq3A_21 : i32
      %convert_element_type3A_23 = arith.extui %eq3A_22 : i1 to i32
      %cond3A_24 = arith.constant 0 : i32
      %cond3A_25 = arith.cmpi ne, %convert_element_type3A_23, %cond3A_24 : i32
      scf.if %cond3A_25 {
        "tpu.region"() ({
          %run_scoped3A_32 = tpu.sem_alloc : memref<!tpu.dma_semaphore, #tpu.memory_space<semaphore_mem>>
          %dma_start3A = arith.constant 0 : i32
          %dma_start3A_33 = tpu.memref_slice %arg2[%add3A, %dma_start3A] : memref<323584x128xf32, #tpu.memory_space<hbm>> -> memref<128x128xf32, #tpu.memory_space<hbm>>
          %dma_start3A_34 = arith.constant 0 : i32
          %dma_start3A_35 = tpu.memref_slice %arg2[%add3A, %dma_start3A_34] : memref<323584x128xf32, #tpu.memory_space<hbm>> -> memref<128x128xf32, #tpu.memory_space<hbm>>
          tpu.enqueue_dma source(%dma_start3A_35 : memref<128x128xf32, #tpu.memory_space<hbm>>) target(%arg9 : memref<128x128xf32, #tpu.memory_space<vmem>>) target_semaphore(%run_scoped3A_32 : memref<!tpu.dma_semaphore, #tpu.memory_space<semaphore_mem>>)
          %dma_wait3A = arith.constant 0 : i32
          %dma_wait3A_36 = tpu.memref_slice %arg2[%add3A, %dma_wait3A] : memref<323584x128xf32, #tpu.memory_space<hbm>> -> memref<128x128xf32, #tpu.memory_space<hbm>>
          %dma_wait3A_37 = arith.constant 0 : i32
          %dma_wait3A_38 = tpu.memref_slice %arg2[%add3A, %dma_wait3A_37] : memref<323584x128xf32, #tpu.memory_space<hbm>> -> memref<128x128xf32, #tpu.memory_space<hbm>>
          tpu.wait_dma2 semaphore(%run_scoped3A_32 : memref<!tpu.dma_semaphore, #tpu.memory_space<semaphore_mem>>) src(%dma_wait3A_38 : memref<128x128xf32, #tpu.memory_space<hbm>>) dst(%arg9 : memref<128x128xf32, #tpu.memory_space<vmem>>)
          tpu.yield
        }) : () -> ()
      } else {
      }
      %eq3A_26 = arith.constant 1 : i32
      %eq3A_27 = arith.cmpi eq, %arg0, %eq3A_26 : i32
      %convert_element_type3A_28 = arith.extui %eq3A_27 : i1 to i32
      %cond3A_29 = arith.constant 0 : i32
      %cond3A_30 = arith.cmpi ne, %convert_element_type3A_28, %cond3A_29 : i32
      scf.if %cond3A_30 {
        "tpu.region"() ({
          %run_scoped3A_32 = tpu.sem_alloc : memref<!tpu.dma_semaphore, #tpu.memory_space<semaphore_mem>>
          %dma_start3A = arith.constant 0 : i32
          %dma_start3A_33 = tpu.memref_slice %arg3[%add3A, %dma_start3A] : memref<323584x128xf32, #tpu.memory_space<hbm>> -> memref<128x128xf32, #tpu.memory_space<hbm>>
          %dma_start3A_34 = arith.constant 0 : i32
          %dma_start3A_35 = tpu.memref_slice %arg3[%add3A, %dma_start3A_34] : memref<323584x128xf32, #tpu.memory_space<hbm>> -> memref<128x128xf32, #tpu.memory_space<hbm>>
          tpu.enqueue_dma source(%dma_start3A_35 : memref<128x128xf32, #tpu.memory_space<hbm>>) target(%arg9 : memref<128x128xf32, #tpu.memory_space<vmem>>) target_semaphore(%run_scoped3A_32 : memref<!tpu.dma_semaphore, #tpu.memory_space<semaphore_mem>>)
          %dma_wait3A = arith.constant 0 : i32
          %dma_wait3A_36 = tpu.memref_slice %arg3[%add3A, %dma_wait3A] : memref<323584x128xf32, #tpu.memory_space<hbm>> -> memref<128x128xf32, #tpu.memory_space<hbm>>
          %dma_wait3A_37 = arith.constant 0 : i32
          %dma_wait3A_38 = tpu.memref_slice %arg3[%add3A, %dma_wait3A_37] : memref<323584x128xf32, #tpu.memory_space<hbm>> -> memref<128x128xf32, #tpu.memory_space<hbm>>
          tpu.wait_dma2 semaphore(%run_scoped3A_32 : memref<!tpu.dma_semaphore, #tpu.memory_space<semaphore_mem>>) src(%dma_wait3A_38 : memref<128x128xf32, #tpu.memory_space<hbm>>) dst(%arg9 : memref<128x128xf32, #tpu.memory_space<vmem>>)
          tpu.yield
        }) : () -> ()
      } else {
      }
      %run_scoped3A_31 = arith.constant 0 : i32
      "tpu.region"() ({
        %run_scoped3A_32 = tpu.sem_alloc : memref<!tpu.dma_semaphore, #tpu.memory_space<semaphore_mem>>
        %dma_start3A = arith.constant 0 : i32
        %dma_start3A_33 = tpu.memref_slice %arg8[%run_scoped3A_31, %dma_start3A] : memref<1x128xi32, #tpu.memory_space<vmem>> -> memref<1x128xi32, #tpu.memory_space<vmem>>
        %dma_start3A_34 = tpu.memref_squeeze %dma_start3A_33 : memref<1x128xi32, #tpu.memory_space<vmem>> -> memref<128xi32, #tpu.memory_space<vmem>>
        %dma_start3A_35 = arith.constant 0 : i32
        %dma_start3A_36 = arith.constant 0 : i32
        %dma_start3A_37 = tpu.memref_slice %arg10[%dma_start3A_35, %dma_start3A_36] : memref<10240x128xf32, #tpu.memory_space<vmem_shared>> -> memref<10240x128xf32, #tpu.memory_space<vmem_shared>>
        tpu.enqueue_indirect_dma source(%arg9 : memref<128x128xf32, #tpu.memory_space<vmem>>) target(%dma_start3A_37 : memref<10240x128xf32, #tpu.memory_space<vmem_shared>>) offsets(%dma_start3A_34 : memref<128xi32, #tpu.memory_space<vmem>>) semaphore(%run_scoped3A_32 : memref<!tpu.dma_semaphore, #tpu.memory_space<semaphore_mem>>) {add = true}
        %dma_wait3A = arith.constant 0 : i32
        %dma_wait3A_38 = tpu.memref_slice %arg8[%run_scoped3A_31, %dma_wait3A] : memref<1x128xi32, #tpu.memory_space<vmem>> -> memref<1x128xi32, #tpu.memory_space<vmem>>
        %dma_wait3A_39 = tpu.memref_squeeze %dma_wait3A_38 : memref<1x128xi32, #tpu.memory_space<vmem>> -> memref<128xi32, #tpu.memory_space<vmem>>
        %dma_wait3A_40 = arith.constant 0 : i32
        %dma_wait3A_41 = arith.constant 0 : i32
        %dma_wait3A_42 = tpu.memref_slice %arg10[%dma_wait3A_40, %dma_wait3A_41] : memref<10240x128xf32, #tpu.memory_space<vmem_shared>> -> memref<10240x128xf32, #tpu.memory_space<vmem_shared>>
        tpu.wait_indirect_dma semaphore(%run_scoped3A_32 : memref<!tpu.dma_semaphore, #tpu.memory_space<semaphore_mem>>) src(%arg9 : memref<128x128xf32, #tpu.memory_space<vmem>>) dst(%dma_wait3A_42 : memref<10240x128xf32, #tpu.memory_space<vmem_shared>>)
        tpu.yield
      }) : () -> ()
    }
    %scan3A_7 = arith.constant 158 : i32
    %barrier3A_8 = arith.constant 0 : index
    tpu.barrier barrier_id(%barrier3A_8)
    %eq3A = arith.constant 0 : i32
    %eq3A_9 = arith.cmpi eq, %arg0, %eq3A : i32
    %convert_element_type3A = arith.extui %eq3A_9 : i1 to i32
    %cond3A = arith.constant 0 : i32
    %cond3A_10 = arith.cmpi ne, %convert_element_type3A, %cond3A : i32
    scf.if %cond3A_10 {
      %mul3A_16 = arith.constant 640 : i32
      %mul3A_17 = arith.muli %arg1, %mul3A_16 : i32
      %mul3A_18 = arith.constant 640 : i32
      %mul3A_19 = arith.muli %arg1, %mul3A_18 : i32
      "tpu.region"() ({
        %run_scoped3A = tpu.sem_alloc : memref<!tpu.dma_semaphore, #tpu.memory_space<semaphore_mem>>
        %dma_start3A = arith.constant 0 : i32
        %dma_start3A_20 = tpu.memref_slice %arg6[%mul3A_19, %dma_start3A] : memref<10240x128xf32, #tpu.memory_space<hbm>> -> memref<640x128xf32, #tpu.memory_space<hbm>>
        %dma_start3A_21 = arith.constant 0 : i32
        %dma_start3A_22 = tpu.memref_slice %arg10[%mul3A_17, %dma_start3A_21] : memref<10240x128xf32, #tpu.memory_space<vmem_shared>> -> memref<640x128xf32, #tpu.memory_space<vmem_shared>>
        tpu.enqueue_dma source(%dma_start3A_22 : memref<640x128xf32, #tpu.memory_space<vmem_shared>>) target(%dma_start3A_20 : memref<640x128xf32, #tpu.memory_space<hbm>>) target_semaphore(%run_scoped3A : memref<!tpu.dma_semaphore, #tpu.memory_space<semaphore_mem>>)
        %dma_wait3A = arith.constant 0 : i32
        %dma_wait3A_23 = tpu.memref_slice %arg6[%mul3A_19, %dma_wait3A] : memref<10240x128xf32, #tpu.memory_space<hbm>> -> memref<640x128xf32, #tpu.memory_space<hbm>>
        %dma_wait3A_24 = arith.constant 0 : i32
        %dma_wait3A_25 = tpu.memref_slice %arg10[%mul3A_17, %dma_wait3A_24] : memref<10240x128xf32, #tpu.memory_space<vmem_shared>> -> memref<640x128xf32, #tpu.memory_space<vmem_shared>>
        tpu.wait_dma2 semaphore(%run_scoped3A : memref<!tpu.dma_semaphore, #tpu.memory_space<semaphore_mem>>) src(%dma_wait3A_25 : memref<640x128xf32, #tpu.memory_space<vmem_shared>>) dst(%dma_wait3A_23 : memref<640x128xf32, #tpu.memory_space<hbm>>)
        tpu.yield
      }) : () -> ()
    } else {
    }
    %eq3A_11 = arith.constant 1 : i32
    %eq3A_12 = arith.cmpi eq, %arg0, %eq3A_11 : i32
    %convert_element_type3A_13 = arith.extui %eq3A_12 : i1 to i32
    %cond3A_14 = arith.constant 0 : i32
    %cond3A_15 = arith.cmpi ne, %convert_element_type3A_13, %cond3A_14 : i32
    scf.if %cond3A_15 {
      %mul3A_16 = arith.constant 640 : i32
      %mul3A_17 = arith.muli %arg1, %mul3A_16 : i32
      %mul3A_18 = arith.constant 640 : i32
      %mul3A_19 = arith.muli %arg1, %mul3A_18 : i32
      "tpu.region"() ({
        %run_scoped3A = tpu.sem_alloc : memref<!tpu.dma_semaphore, #tpu.memory_space<semaphore_mem>>
        %dma_start3A = arith.constant 0 : i32
        %dma_start3A_20 = tpu.memref_slice %arg7[%mul3A_19, %dma_start3A] : memref<10240x128xf32, #tpu.memory_space<hbm>> -> memref<640x128xf32, #tpu.memory_space<hbm>>
        %dma_start3A_21 = arith.constant 0 : i32
        %dma_start3A_22 = tpu.memref_slice %arg10[%mul3A_17, %dma_start3A_21] : memref<10240x128xf32, #tpu.memory_space<vmem_shared>> -> memref<640x128xf32, #tpu.memory_space<vmem_shared>>
        tpu.enqueue_dma source(%dma_start3A_22 : memref<640x128xf32, #tpu.memory_space<vmem_shared>>) target(%dma_start3A_20 : memref<640x128xf32, #tpu.memory_space<hbm>>) target_semaphore(%run_scoped3A : memref<!tpu.dma_semaphore, #tpu.memory_space<semaphore_mem>>)
        %dma_wait3A = arith.constant 0 : i32
        %dma_wait3A_23 = tpu.memref_slice %arg7[%mul3A_19, %dma_wait3A] : memref<10240x128xf32, #tpu.memory_space<hbm>> -> memref<640x128xf32, #tpu.memory_space<hbm>>
        %dma_wait3A_24 = arith.constant 0 : i32
        %dma_wait3A_25 = tpu.memref_slice %arg10[%mul3A_17, %dma_wait3A_24] : memref<10240x128xf32, #tpu.memory_space<vmem_shared>> -> memref<640x128xf32, #tpu.memory_space<vmem_shared>>
        tpu.wait_dma2 semaphore(%run_scoped3A : memref<!tpu.dma_semaphore, #tpu.memory_space<semaphore_mem>>) src(%dma_wait3A_25 : memref<640x128xf32, #tpu.memory_space<vmem_shared>>) dst(%dma_wait3A_23 : memref<640x128xf32, #tpu.memory_space<hbm>>)
        tpu.yield
      }) : () -> ()
    } else {
    }
    return
  }
}

#map = affine_map<(d0, d1) -> (0, 0)>
#map1 = affine_map<(d0, d1) -> (0)>
module attributes {stable_mosaic.version = 14 : i64} {
  func.func @_gather_body(%arg0: i32, %arg1: i32, %arg2: memref<10240x128xf32, #tpu.memory_space<hbm>>, %arg3: memref<40960xf32, #tpu.memory_space<hbm>>, %arg4: memref<323584xi32, #tpu.memory_space<hbm>>, %arg5: memref<323584xi32, #tpu.memory_space<hbm>>, %arg6: memref<323584x128xf32, #tpu.memory_space<hbm>>, %arg7: memref<323584x128xf32, #tpu.memory_space<hbm>>, %arg8: memref<4x323584xf32, #tpu.memory_space<hbm>>, %arg9: memref<40960xf32, #tpu.memory_space<vmem>>, %arg10: memref<128xi32, #tpu.memory_space<vmem>>, %arg11: memref<128xi32, #tpu.memory_space<vmem>>, %arg12: memref<128x128xf32, #tpu.memory_space<vmem>>, %arg13: memref<128x128xf32, #tpu.memory_space<vmem>>, %arg14: memref<128xf32, #tpu.memory_space<vmem>>, %arg15: memref<128xf32, #tpu.memory_space<vmem>>, %arg16: memref<128xf32, #tpu.memory_space<vmem>>, %arg17: memref<128xf32, #tpu.memory_space<vmem>>, %arg18: memref<!tpu.dma_semaphore, #tpu.memory_space<semaphore_mem>>) attributes {dimension_semantics = [#tpu.dimension_semantics<core_parallel>, #tpu.dimension_semantics<subcore_parallel>], iteration_bounds = array<i64: 2, 16>, scalar_prefetch = 0 : i64, scratch_operands = 10 : i64, tpu.core_type = #tpu.core_type<sc_vector_subcore>, window_params = [{transform_indices = #map}, {transform_indices = #map1}, {transform_indices = #map1}, {transform_indices = #map1}, {transform_indices = #map}, {transform_indices = #map}, {transform_indices = #map}]} {
    %mul3A = arith.constant 2 : i32
    %mul3A_0 = arith.muli %arg1, %mul3A : i32
    %add3A = arith.addi %mul3A_0, %arg0 : i32
    %mul3A_1 = arith.constant 10112 : i32
    %mul3A_2 = arith.muli %add3A, %mul3A_1 : i32
    "tpu.region"() ({
      %run_scoped3A = tpu.sem_alloc : memref<!tpu.dma_semaphore, #tpu.memory_space<semaphore_mem>>
      tpu.enqueue_dma source(%arg3 : memref<40960xf32, #tpu.memory_space<hbm>>) target(%arg9 : memref<40960xf32, #tpu.memory_space<vmem>>) target_semaphore(%run_scoped3A : memref<!tpu.dma_semaphore, #tpu.memory_space<semaphore_mem>>)
      tpu.wait_dma2 semaphore(%run_scoped3A : memref<!tpu.dma_semaphore, #tpu.memory_space<semaphore_mem>>) src(%arg3 : memref<40960xf32, #tpu.memory_space<hbm>>) dst(%arg9 : memref<40960xf32, #tpu.memory_space<vmem>>)
      tpu.yield
    }) : () -> ()
    %scan3A = arith.constant 0 : i32
    %scan3A_3 = arith.constant 0 : i32
    %scan3A_4 = arith.constant 79 : i32
    %scan3A_5 = arith.addi %scan3A_3, %scan3A_4 : i32
    %scan3A_6 = arith.constant 1 : i32
    scf.for %scan3A_8 = %scan3A_3 to %scan3A_5 step %scan3A_6  : i32 {
      %mul3A_9 = arith.constant 128 : i32
      %mul3A_10 = arith.muli %scan3A_8, %mul3A_9 : i32
      %add3A_11 = arith.addi %mul3A_2, %mul3A_10 : i32
      "tpu.region"() ({
        %run_scoped3A_396 = tpu.sem_alloc : memref<!tpu.dma_semaphore, #tpu.memory_space<semaphore_mem>>
        %dma_start3A_397 = tpu.memref_slice %arg4[%add3A_11] : memref<323584xi32, #tpu.memory_space<hbm>> -> memref<128xi32, #tpu.memory_space<hbm>>
        %dma_start3A_398 = tpu.memref_slice %arg4[%add3A_11] : memref<323584xi32, #tpu.memory_space<hbm>> -> memref<128xi32, #tpu.memory_space<hbm>>
        tpu.enqueue_dma source(%dma_start3A_398 : memref<128xi32, #tpu.memory_space<hbm>>) target(%arg10 : memref<128xi32, #tpu.memory_space<vmem>>) target_semaphore(%run_scoped3A_396 : memref<!tpu.dma_semaphore, #tpu.memory_space<semaphore_mem>>)
        %dma_wait3A_399 = tpu.memref_slice %arg4[%add3A_11] : memref<323584xi32, #tpu.memory_space<hbm>> -> memref<128xi32, #tpu.memory_space<hbm>>
        %dma_wait3A_400 = tpu.memref_slice %arg4[%add3A_11] : memref<323584xi32, #tpu.memory_space<hbm>> -> memref<128xi32, #tpu.memory_space<hbm>>
        tpu.wait_dma2 semaphore(%run_scoped3A_396 : memref<!tpu.dma_semaphore, #tpu.memory_space<semaphore_mem>>) src(%dma_wait3A_400 : memref<128xi32, #tpu.memory_space<hbm>>) dst(%arg10 : memref<128xi32, #tpu.memory_space<vmem>>)
        tpu.yield
      }) : () -> ()
      "tpu.region"() ({
        %run_scoped3A_396 = tpu.sem_alloc : memref<!tpu.dma_semaphore, #tpu.memory_space<semaphore_mem>>
        %dma_start3A_397 = tpu.memref_slice %arg5[%add3A_11] : memref<323584xi32, #tpu.memory_space<hbm>> -> memref<128xi32, #tpu.memory_space<hbm>>
        %dma_start3A_398 = tpu.memref_slice %arg5[%add3A_11] : memref<323584xi32, #tpu.memory_space<hbm>> -> memref<128xi32, #tpu.memory_space<hbm>>
        tpu.enqueue_dma source(%dma_start3A_398 : memref<128xi32, #tpu.memory_space<hbm>>) target(%arg11 : memref<128xi32, #tpu.memory_space<vmem>>) target_semaphore(%run_scoped3A_396 : memref<!tpu.dma_semaphore, #tpu.memory_space<semaphore_mem>>)
        %dma_wait3A_399 = tpu.memref_slice %arg5[%add3A_11] : memref<323584xi32, #tpu.memory_space<hbm>> -> memref<128xi32, #tpu.memory_space<hbm>>
        %dma_wait3A_400 = tpu.memref_slice %arg5[%add3A_11] : memref<323584xi32, #tpu.memory_space<hbm>> -> memref<128xi32, #tpu.memory_space<hbm>>
        tpu.wait_dma2 semaphore(%run_scoped3A_396 : memref<!tpu.dma_semaphore, #tpu.memory_space<semaphore_mem>>) src(%dma_wait3A_400 : memref<128xi32, #tpu.memory_space<hbm>>) dst(%arg11 : memref<128xi32, #tpu.memory_space<vmem>>)
        tpu.yield
      }) : () -> ()
      %dma_start3A = arith.constant 0 : i32
      %dma_start3A_12 = arith.constant 0 : i32
      %dma_start3A_13 = tpu.memref_slice %arg2[%dma_start3A, %dma_start3A_12] : memref<10240x128xf32, #tpu.memory_space<hbm>> -> memref<10240x128xf32, #tpu.memory_space<hbm>>
      tpu.enqueue_indirect_dma source(%dma_start3A_13 : memref<10240x128xf32, #tpu.memory_space<hbm>>) target(%arg12 : memref<128x128xf32, #tpu.memory_space<vmem>>) offsets(%arg10 : memref<128xi32, #tpu.memory_space<vmem>>) semaphore(%arg18 : memref<!tpu.dma_semaphore, #tpu.memory_space<semaphore_mem>>)
      %dma_wait3A = arith.constant 0 : i32
      %dma_wait3A_14 = arith.constant 0 : i32
      %dma_wait3A_15 = tpu.memref_slice %arg2[%dma_wait3A, %dma_wait3A_14] : memref<10240x128xf32, #tpu.memory_space<hbm>> -> memref<10240x128xf32, #tpu.memory_space<hbm>>
      tpu.wait_indirect_dma semaphore(%arg18 : memref<!tpu.dma_semaphore, #tpu.memory_space<semaphore_mem>>) src(%dma_wait3A_15 : memref<10240x128xf32, #tpu.memory_space<hbm>>) dst(%arg12 : memref<128x128xf32, #tpu.memory_space<vmem>>)
      %dma_start3A_16 = arith.constant 0 : i32
      %dma_start3A_17 = arith.constant 0 : i32
      %dma_start3A_18 = tpu.memref_slice %arg2[%dma_start3A_16, %dma_start3A_17] : memref<10240x128xf32, #tpu.memory_space<hbm>> -> memref<10240x128xf32, #tpu.memory_space<hbm>>
      tpu.enqueue_indirect_dma source(%dma_start3A_18 : memref<10240x128xf32, #tpu.memory_space<hbm>>) target(%arg13 : memref<128x128xf32, #tpu.memory_space<vmem>>) offsets(%arg11 : memref<128xi32, #tpu.memory_space<vmem>>) semaphore(%arg18 : memref<!tpu.dma_semaphore, #tpu.memory_space<semaphore_mem>>)
      %dma_wait3A_19 = arith.constant 0 : i32
      %dma_wait3A_20 = arith.constant 0 : i32
      %dma_wait3A_21 = tpu.memref_slice %arg2[%dma_wait3A_19, %dma_wait3A_20] : memref<10240x128xf32, #tpu.memory_space<hbm>> -> memref<10240x128xf32, #tpu.memory_space<hbm>>
      tpu.wait_indirect_dma semaphore(%arg18 : memref<!tpu.dma_semaphore, #tpu.memory_space<semaphore_mem>>) src(%dma_wait3A_21 : memref<10240x128xf32, #tpu.memory_space<hbm>>) dst(%arg13 : memref<128x128xf32, #tpu.memory_space<vmem>>)
      %get3A = arith.constant 0 : index
      %get3A_22 = tpu.vector_load %arg10[%get3A] {strides = array<i32>} : memref<128xi32, #tpu.memory_space<vmem>>, vector<16xi32>,
      %get3A_23 = arith.constant 0 : index
      %get3A_24 = tpu.vector_load %arg11[%get3A_23] {strides = array<i32>} : memref<128xi32, #tpu.memory_space<vmem>>, vector<16xi32>,
      %broadcast_in_dim3A = arith.constant 0.000000e+00 : f32
      %broadcast_in_dim3A_25 = vector.broadcast %broadcast_in_dim3A : f32 to vector<16xf32>
      %add3A_26 = arith.constant 0 : i32
      %add3A_27 = vector.broadcast %add3A_26 : i32 to vector<16xi32>
      %add3A_28 = arith.addi %get3A_22, %add3A_27 : vector<16xi32>
      %gather3A = tpu.vector_load_idx %arg9[%add3A_28] : memref<40960xf32, #tpu.memory_space<vmem>>[vector<16xi32>], vector<16xf32>,
      %add3A_29 = arith.constant 0 : i32
      %add3A_30 = vector.broadcast %add3A_29 : i32 to vector<16xi32>
      %add3A_31 = arith.addi %get3A_24, %add3A_30 : vector<16xi32>
      %gather3A_32 = tpu.vector_load_idx %arg9[%add3A_31] : memref<40960xf32, #tpu.memory_space<vmem>>[vector<16xi32>], vector<16xf32>,
      %sub3A = arith.subf %gather3A, %gather3A_32 : vector<16xf32>
      %swap3A = arith.constant 0 : index
      %swap3A_33 = tpu.vector_load %arg14[%swap3A] {strides = array<i32>} : memref<128xf32, #tpu.memory_space<vmem>>, vector<16xf32>,
      tpu.vector_store %arg14[%swap3A], %sub3A {strides = array<i32>} : memref<128xf32, #tpu.memory_space<vmem>>, vector<16xf32>,
      %mul3A_34 = arith.mulf %sub3A, %sub3A : vector<16xf32>
      %add3A_35 = arith.addf %broadcast_in_dim3A_25, %mul3A_34 : vector<16xf32>
      %add3A_36 = arith.constant 10240 : i32
      %add3A_37 = vector.broadcast %add3A_36 : i32 to vector<16xi32>
      %add3A_38 = arith.addi %get3A_22, %add3A_37 : vector<16xi32>
      %gather3A_39 = tpu.vector_load_idx %arg9[%add3A_38] : memref<40960xf32, #tpu.memory_space<vmem>>[vector<16xi32>], vector<16xf32>,
      %add3A_40 = arith.constant 10240 : i32
      %add3A_41 = vector.broadcast %add3A_40 : i32 to vector<16xi32>
      %add3A_42 = arith.addi %get3A_24, %add3A_41 : vector<16xi32>
      %gather3A_43 = tpu.vector_load_idx %arg9[%add3A_42] : memref<40960xf32, #tpu.memory_space<vmem>>[vector<16xi32>], vector<16xf32>,
      %sub3A_44 = arith.subf %gather3A_39, %gather3A_43 : vector<16xf32>
      %swap3A_45 = arith.constant 0 : index
      %swap3A_46 = tpu.vector_load %arg15[%swap3A_45] {strides = array<i32>} : memref<128xf32, #tpu.memory_space<vmem>>, vector<16xf32>,
      tpu.vector_store %arg15[%swap3A_45], %sub3A_44 {strides = array<i32>} : memref<128xf32, #tpu.memory_space<vmem>>, vector<16xf32>,
      %mul3A_47 = arith.mulf %sub3A_44, %sub3A_44 : vector<16xf32>
      %add3A_48 = arith.addf %add3A_35, %mul3A_47 : vector<16xf32>
      %add3A_49 = arith.constant 20480 : i32
      %add3A_50 = vector.broadcast %add3A_49 : i32 to vector<16xi32>
      %add3A_51 = arith.addi %get3A_22, %add3A_50 : vector<16xi32>
      %gather3A_52 = tpu.vector_load_idx %arg9[%add3A_51] : memref<40960xf32, #tpu.memory_space<vmem>>[vector<16xi32>], vector<16xf32>,
      %add3A_53 = arith.constant 20480 : i32
      %add3A_54 = vector.broadcast %add3A_53 : i32 to vector<16xi32>
      %add3A_55 = arith.addi %get3A_24, %add3A_54 : vector<16xi32>
      %gather3A_56 = tpu.vector_load_idx %arg9[%add3A_55] : memref<40960xf32, #tpu.memory_space<vmem>>[vector<16xi32>], vector<16xf32>,
      %sub3A_57 = arith.subf %gather3A_52, %gather3A_56 : vector<16xf32>
      %swap3A_58 = arith.constant 0 : index
      %swap3A_59 = tpu.vector_load %arg16[%swap3A_58] {strides = array<i32>} : memref<128xf32, #tpu.memory_space<vmem>>, vector<16xf32>,
      tpu.vector_store %arg16[%swap3A_58], %sub3A_57 {strides = array<i32>} : memref<128xf32, #tpu.memory_space<vmem>>, vector<16xf32>,
      %mul3A_60 = arith.mulf %sub3A_57, %sub3A_57 : vector<16xf32>
      %add3A_61 = arith.addf %add3A_48, %mul3A_60 : vector<16xf32>
      %swap3A_62 = arith.constant 0 : index
      %swap3A_63 = tpu.vector_load %arg17[%swap3A_62] {strides = array<i32>} : memref<128xf32, #tpu.memory_space<vmem>>, vector<16xf32>,
      tpu.vector_store %arg17[%swap3A_62], %add3A_61 {strides = array<i32>} : memref<128xf32, #tpu.memory_space<vmem>>, vector<16xf32>,
      %get3A_64 = arith.constant 16 : index
      %get3A_65 = tpu.vector_load %arg10[%get3A_64] {strides = array<i32>} : memref<128xi32, #tpu.memory_space<vmem>>, vector<16xi32>,
      %get3A_66 = arith.constant 16 : index
      %get3A_67 = tpu.vector_load %arg11[%get3A_66] {strides = array<i32>} : memref<128xi32, #tpu.memory_space<vmem>>, vector<16xi32>,
      %broadcast_in_dim3A_68 = arith.constant 0.000000e+00 : f32
      %broadcast_in_dim3A_69 = vector.broadcast %broadcast_in_dim3A_68 : f32 to vector<16xf32>
      %add3A_70 = arith.constant 0 : i32
      %add3A_71 = vector.broadcast %add3A_70 : i32 to vector<16xi32>
      %add3A_72 = arith.addi %get3A_65, %add3A_71 : vector<16xi32>
      %gather3A_73 = tpu.vector_load_idx %arg9[%add3A_72] : memref<40960xf32, #tpu.memory_space<vmem>>[vector<16xi32>], vector<16xf32>,
      %add3A_74 = arith.constant 0 : i32
      %add3A_75 = vector.broadcast %add3A_74 : i32 to vector<16xi32>
      %add3A_76 = arith.addi %get3A_67, %add3A_75 : vector<16xi32>
      %gather3A_77 = tpu.vector_load_idx %arg9[%add3A_76] : memref<40960xf32, #tpu.memory_space<vmem>>[vector<16xi32>], vector<16xf32>,
      %sub3A_78 = arith.subf %gather3A_73, %gather3A_77 : vector<16xf32>
      %swap3A_79 = arith.constant 16 : index
      %swap3A_80 = tpu.vector_load %arg14[%swap3A_79] {strides = array<i32>} : memref<128xf32, #tpu.memory_space<vmem>>, vector<16xf32>,
      tpu.vector_store %arg14[%swap3A_79], %sub3A_78 {strides = array<i32>} : memref<128xf32, #tpu.memory_space<vmem>>, vector<16xf32>,
      %mul3A_81 = arith.mulf %sub3A_78, %sub3A_78 : vector<16xf32>
      %add3A_82 = arith.addf %broadcast_in_dim3A_69, %mul3A_81 : vector<16xf32>
      %add3A_83 = arith.constant 10240 : i32
      %add3A_84 = vector.broadcast %add3A_83 : i32 to vector<16xi32>
      %add3A_85 = arith.addi %get3A_65, %add3A_84 : vector<16xi32>
      %gather3A_86 = tpu.vector_load_idx %arg9[%add3A_85] : memref<40960xf32, #tpu.memory_space<vmem>>[vector<16xi32>], vector<16xf32>,
      %add3A_87 = arith.constant 10240 : i32
      %add3A_88 = vector.broadcast %add3A_87 : i32 to vector<16xi32>
      %add3A_89 = arith.addi %get3A_67, %add3A_88 : vector<16xi32>
      %gather3A_90 = tpu.vector_load_idx %arg9[%add3A_89] : memref<40960xf32, #tpu.memory_space<vmem>>[vector<16xi32>], vector<16xf32>,
      %sub3A_91 = arith.subf %gather3A_86, %gather3A_90 : vector<16xf32>
      %swap3A_92 = arith.constant 16 : index
      %swap3A_93 = tpu.vector_load %arg15[%swap3A_92] {strides = array<i32>} : memref<128xf32, #tpu.memory_space<vmem>>, vector<16xf32>,
      tpu.vector_store %arg15[%swap3A_92], %sub3A_91 {strides = array<i32>} : memref<128xf32, #tpu.memory_space<vmem>>, vector<16xf32>,
      %mul3A_94 = arith.mulf %sub3A_91, %sub3A_91 : vector<16xf32>
      %add3A_95 = arith.addf %add3A_82, %mul3A_94 : vector<16xf32>
      %add3A_96 = arith.constant 20480 : i32
      %add3A_97 = vector.broadcast %add3A_96 : i32 to vector<16xi32>
      %add3A_98 = arith.addi %get3A_65, %add3A_97 : vector<16xi32>
      %gather3A_99 = tpu.vector_load_idx %arg9[%add3A_98] : memref<40960xf32, #tpu.memory_space<vmem>>[vector<16xi32>], vector<16xf32>,
      %add3A_100 = arith.constant 20480 : i32
      %add3A_101 = vector.broadcast %add3A_100 : i32 to vector<16xi32>
      %add3A_102 = arith.addi %get3A_67, %add3A_101 : vector<16xi32>
      %gather3A_103 = tpu.vector_load_idx %arg9[%add3A_102] : memref<40960xf32, #tpu.memory_space<vmem>>[vector<16xi32>], vector<16xf32>,
      %sub3A_104 = arith.subf %gather3A_99, %gather3A_103 : vector<16xf32>
      %swap3A_105 = arith.constant 16 : index
      %swap3A_106 = tpu.vector_load %arg16[%swap3A_105] {strides = array<i32>} : memref<128xf32, #tpu.memory_space<vmem>>, vector<16xf32>,
      tpu.vector_store %arg16[%swap3A_105], %sub3A_104 {strides = array<i32>} : memref<128xf32, #tpu.memory_space<vmem>>, vector<16xf32>,
      %mul3A_107 = arith.mulf %sub3A_104, %sub3A_104 : vector<16xf32>
      %add3A_108 = arith.addf %add3A_95, %mul3A_107 : vector<16xf32>
      %swap3A_109 = arith.constant 16 : index
      %swap3A_110 = tpu.vector_load %arg17[%swap3A_109] {strides = array<i32>} : memref<128xf32, #tpu.memory_space<vmem>>, vector<16xf32>,
      tpu.vector_store %arg17[%swap3A_109], %add3A_108 {strides = array<i32>} : memref<128xf32, #tpu.memory_space<vmem>>, vector<16xf32>,
      %get3A_111 = arith.constant 32 : index
      %get3A_112 = tpu.vector_load %arg10[%get3A_111] {strides = array<i32>} : memref<128xi32, #tpu.memory_space<vmem>>, vector<16xi32>,
      %get3A_113 = arith.constant 32 : index
      %get3A_114 = tpu.vector_load %arg11[%get3A_113] {strides = array<i32>} : memref<128xi32, #tpu.memory_space<vmem>>, vector<16xi32>,
      %broadcast_in_dim3A_115 = arith.constant 0.000000e+00 : f32
      %broadcast_in_dim3A_116 = vector.broadcast %broadcast_in_dim3A_115 : f32 to vector<16xf32>
      %add3A_117 = arith.constant 0 : i32
      %add3A_118 = vector.broadcast %add3A_117 : i32 to vector<16xi32>
      %add3A_119 = arith.addi %get3A_112, %add3A_118 : vector<16xi32>
      %gather3A_120 = tpu.vector_load_idx %arg9[%add3A_119] : memref<40960xf32, #tpu.memory_space<vmem>>[vector<16xi32>], vector<16xf32>,
      %add3A_121 = arith.constant 0 : i32
      %add3A_122 = vector.broadcast %add3A_121 : i32 to vector<16xi32>
      %add3A_123 = arith.addi %get3A_114, %add3A_122 : vector<16xi32>
      %gather3A_124 = tpu.vector_load_idx %arg9[%add3A_123] : memref<40960xf32, #tpu.memory_space<vmem>>[vector<16xi32>], vector<16xf32>,
      %sub3A_125 = arith.subf %gather3A_120, %gather3A_124 : vector<16xf32>
      %swap3A_126 = arith.constant 32 : index
      %swap3A_127 = tpu.vector_load %arg14[%swap3A_126] {strides = array<i32>} : memref<128xf32, #tpu.memory_space<vmem>>, vector<16xf32>,
      tpu.vector_store %arg14[%swap3A_126], %sub3A_125 {strides = array<i32>} : memref<128xf32, #tpu.memory_space<vmem>>, vector<16xf32>,
      %mul3A_128 = arith.mulf %sub3A_125, %sub3A_125 : vector<16xf32>
      %add3A_129 = arith.addf %broadcast_in_dim3A_116, %mul3A_128 : vector<16xf32>
      %add3A_130 = arith.constant 10240 : i32
      %add3A_131 = vector.broadcast %add3A_130 : i32 to vector<16xi32>
      %add3A_132 = arith.addi %get3A_112, %add3A_131 : vector<16xi32>
      %gather3A_133 = tpu.vector_load_idx %arg9[%add3A_132] : memref<40960xf32, #tpu.memory_space<vmem>>[vector<16xi32>], vector<16xf32>,
      %add3A_134 = arith.constant 10240 : i32
      %add3A_135 = vector.broadcast %add3A_134 : i32 to vector<16xi32>
      %add3A_136 = arith.addi %get3A_114, %add3A_135 : vector<16xi32>
      %gather3A_137 = tpu.vector_load_idx %arg9[%add3A_136] : memref<40960xf32, #tpu.memory_space<vmem>>[vector<16xi32>], vector<16xf32>,
      %sub3A_138 = arith.subf %gather3A_133, %gather3A_137 : vector<16xf32>
      %swap3A_139 = arith.constant 32 : index
      %swap3A_140 = tpu.vector_load %arg15[%swap3A_139] {strides = array<i32>} : memref<128xf32, #tpu.memory_space<vmem>>, vector<16xf32>,
      tpu.vector_store %arg15[%swap3A_139], %sub3A_138 {strides = array<i32>} : memref<128xf32, #tpu.memory_space<vmem>>, vector<16xf32>,
      %mul3A_141 = arith.mulf %sub3A_138, %sub3A_138 : vector<16xf32>
      %add3A_142 = arith.addf %add3A_129, %mul3A_141 : vector<16xf32>
      %add3A_143 = arith.constant 20480 : i32
      %add3A_144 = vector.broadcast %add3A_143 : i32 to vector<16xi32>
      %add3A_145 = arith.addi %get3A_112, %add3A_144 : vector<16xi32>
      %gather3A_146 = tpu.vector_load_idx %arg9[%add3A_145] : memref<40960xf32, #tpu.memory_space<vmem>>[vector<16xi32>], vector<16xf32>,
      %add3A_147 = arith.constant 20480 : i32
      %add3A_148 = vector.broadcast %add3A_147 : i32 to vector<16xi32>
      %add3A_149 = arith.addi %get3A_114, %add3A_148 : vector<16xi32>
      %gather3A_150 = tpu.vector_load_idx %arg9[%add3A_149] : memref<40960xf32, #tpu.memory_space<vmem>>[vector<16xi32>], vector<16xf32>,
      %sub3A_151 = arith.subf %gather3A_146, %gather3A_150 : vector<16xf32>
      %swap3A_152 = arith.constant 32 : index
      %swap3A_153 = tpu.vector_load %arg16[%swap3A_152] {strides = array<i32>} : memref<128xf32, #tpu.memory_space<vmem>>, vector<16xf32>,
      tpu.vector_store %arg16[%swap3A_152], %sub3A_151 {strides = array<i32>} : memref<128xf32, #tpu.memory_space<vmem>>, vector<16xf32>,
      %mul3A_154 = arith.mulf %sub3A_151, %sub3A_151 : vector<16xf32>
      %add3A_155 = arith.addf %add3A_142, %mul3A_154 : vector<16xf32>
      %swap3A_156 = arith.constant 32 : index
      %swap3A_157 = tpu.vector_load %arg17[%swap3A_156] {strides = array<i32>} : memref<128xf32, #tpu.memory_space<vmem>>, vector<16xf32>,
      tpu.vector_store %arg17[%swap3A_156], %add3A_155 {strides = array<i32>} : memref<128xf32, #tpu.memory_space<vmem>>, vector<16xf32>,
      %get3A_158 = arith.constant 48 : index
      %get3A_159 = tpu.vector_load %arg10[%get3A_158] {strides = array<i32>} : memref<128xi32, #tpu.memory_space<vmem>>, vector<16xi32>,
      %get3A_160 = arith.constant 48 : index
      %get3A_161 = tpu.vector_load %arg11[%get3A_160] {strides = array<i32>} : memref<128xi32, #tpu.memory_space<vmem>>, vector<16xi32>,
      %broadcast_in_dim3A_162 = arith.constant 0.000000e+00 : f32
      %broadcast_in_dim3A_163 = vector.broadcast %broadcast_in_dim3A_162 : f32 to vector<16xf32>
      %add3A_164 = arith.constant 0 : i32
      %add3A_165 = vector.broadcast %add3A_164 : i32 to vector<16xi32>
      %add3A_166 = arith.addi %get3A_159, %add3A_165 : vector<16xi32>
      %gather3A_167 = tpu.vector_load_idx %arg9[%add3A_166] : memref<40960xf32, #tpu.memory_space<vmem>>[vector<16xi32>], vector<16xf32>,
      %add3A_168 = arith.constant 0 : i32
      %add3A_169 = vector.broadcast %add3A_168 : i32 to vector<16xi32>
      %add3A_170 = arith.addi %get3A_161, %add3A_169 : vector<16xi32>
      %gather3A_171 = tpu.vector_load_idx %arg9[%add3A_170] : memref<40960xf32, #tpu.memory_space<vmem>>[vector<16xi32>], vector<16xf32>,
      %sub3A_172 = arith.subf %gather3A_167, %gather3A_171 : vector<16xf32>
      %swap3A_173 = arith.constant 48 : index
      %swap3A_174 = tpu.vector_load %arg14[%swap3A_173] {strides = array<i32>} : memref<128xf32, #tpu.memory_space<vmem>>, vector<16xf32>,
      tpu.vector_store %arg14[%swap3A_173], %sub3A_172 {strides = array<i32>} : memref<128xf32, #tpu.memory_space<vmem>>, vector<16xf32>,
      %mul3A_175 = arith.mulf %sub3A_172, %sub3A_172 : vector<16xf32>
      %add3A_176 = arith.addf %broadcast_in_dim3A_163, %mul3A_175 : vector<16xf32>
      %add3A_177 = arith.constant 10240 : i32
      %add3A_178 = vector.broadcast %add3A_177 : i32 to vector<16xi32>
      %add3A_179 = arith.addi %get3A_159, %add3A_178 : vector<16xi32>
      %gather3A_180 = tpu.vector_load_idx %arg9[%add3A_179] : memref<40960xf32, #tpu.memory_space<vmem>>[vector<16xi32>], vector<16xf32>,
      %add3A_181 = arith.constant 10240 : i32
      %add3A_182 = vector.broadcast %add3A_181 : i32 to vector<16xi32>
      %add3A_183 = arith.addi %get3A_161, %add3A_182 : vector<16xi32>
      %gather3A_184 = tpu.vector_load_idx %arg9[%add3A_183] : memref<40960xf32, #tpu.memory_space<vmem>>[vector<16xi32>], vector<16xf32>,
      %sub3A_185 = arith.subf %gather3A_180, %gather3A_184 : vector<16xf32>
      %swap3A_186 = arith.constant 48 : index
      %swap3A_187 = tpu.vector_load %arg15[%swap3A_186] {strides = array<i32>} : memref<128xf32, #tpu.memory_space<vmem>>, vector<16xf32>,
      tpu.vector_store %arg15[%swap3A_186], %sub3A_185 {strides = array<i32>} : memref<128xf32, #tpu.memory_space<vmem>>, vector<16xf32>,
      %mul3A_188 = arith.mulf %sub3A_185, %sub3A_185 : vector<16xf32>
      %add3A_189 = arith.addf %add3A_176, %mul3A_188 : vector<16xf32>
      %add3A_190 = arith.constant 20480 : i32
      %add3A_191 = vector.broadcast %add3A_190 : i32 to vector<16xi32>
      %add3A_192 = arith.addi %get3A_159, %add3A_191 : vector<16xi32>
      %gather3A_193 = tpu.vector_load_idx %arg9[%add3A_192] : memref<40960xf32, #tpu.memory_space<vmem>>[vector<16xi32>], vector<16xf32>,
      %add3A_194 = arith.constant 20480 : i32
      %add3A_195 = vector.broadcast %add3A_194 : i32 to vector<16xi32>
      %add3A_196 = arith.addi %get3A_161, %add3A_195 : vector<16xi32>
      %gather3A_197 = tpu.vector_load_idx %arg9[%add3A_196] : memref<40960xf32, #tpu.memory_space<vmem>>[vector<16xi32>], vector<16xf32>,
      %sub3A_198 = arith.subf %gather3A_193, %gather3A_197 : vector<16xf32>
      %swap3A_199 = arith.constant 48 : index
      %swap3A_200 = tpu.vector_load %arg16[%swap3A_199] {strides = array<i32>} : memref<128xf32, #tpu.memory_space<vmem>>, vector<16xf32>,
      tpu.vector_store %arg16[%swap3A_199], %sub3A_198 {strides = array<i32>} : memref<128xf32, #tpu.memory_space<vmem>>, vector<16xf32>,
      %mul3A_201 = arith.mulf %sub3A_198, %sub3A_198 : vector<16xf32>
      %add3A_202 = arith.addf %add3A_189, %mul3A_201 : vector<16xf32>
      %swap3A_203 = arith.constant 48 : index
      %swap3A_204 = tpu.vector_load %arg17[%swap3A_203] {strides = array<i32>} : memref<128xf32, #tpu.memory_space<vmem>>, vector<16xf32>,
      tpu.vector_store %arg17[%swap3A_203], %add3A_202 {strides = array<i32>} : memref<128xf32, #tpu.memory_space<vmem>>, vector<16xf32>,
      %get3A_205 = arith.constant 64 : index
      %get3A_206 = tpu.vector_load %arg10[%get3A_205] {strides = array<i32>} : memref<128xi32, #tpu.memory_space<vmem>>, vector<16xi32>,
      %get3A_207 = arith.constant 64 : index
      %get3A_208 = tpu.vector_load %arg11[%get3A_207] {strides = array<i32>} : memref<128xi32, #tpu.memory_space<vmem>>, vector<16xi32>,
      %broadcast_in_dim3A_209 = arith.constant 0.000000e+00 : f32
      %broadcast_in_dim3A_210 = vector.broadcast %broadcast_in_dim3A_209 : f32 to vector<16xf32>
      %add3A_211 = arith.constant 0 : i32
      %add3A_212 = vector.broadcast %add3A_211 : i32 to vector<16xi32>
      %add3A_213 = arith.addi %get3A_206, %add3A_212 : vector<16xi32>
      %gather3A_214 = tpu.vector_load_idx %arg9[%add3A_213] : memref<40960xf32, #tpu.memory_space<vmem>>[vector<16xi32>], vector<16xf32>,
      %add3A_215 = arith.constant 0 : i32
      %add3A_216 = vector.broadcast %add3A_215 : i32 to vector<16xi32>
      %add3A_217 = arith.addi %get3A_208, %add3A_216 : vector<16xi32>
      %gather3A_218 = tpu.vector_load_idx %arg9[%add3A_217] : memref<40960xf32, #tpu.memory_space<vmem>>[vector<16xi32>], vector<16xf32>,
      %sub3A_219 = arith.subf %gather3A_214, %gather3A_218 : vector<16xf32>
      %swap3A_220 = arith.constant 64 : index
      %swap3A_221 = tpu.vector_load %arg14[%swap3A_220] {strides = array<i32>} : memref<128xf32, #tpu.memory_space<vmem>>, vector<16xf32>,
      tpu.vector_store %arg14[%swap3A_220], %sub3A_219 {strides = array<i32>} : memref<128xf32, #tpu.memory_space<vmem>>, vector<16xf32>,
      %mul3A_222 = arith.mulf %sub3A_219, %sub3A_219 : vector<16xf32>
      %add3A_223 = arith.addf %broadcast_in_dim3A_210, %mul3A_222 : vector<16xf32>
      %add3A_224 = arith.constant 10240 : i32
      %add3A_225 = vector.broadcast %add3A_224 : i32 to vector<16xi32>
      %add3A_226 = arith.addi %get3A_206, %add3A_225 : vector<16xi32>
      %gather3A_227 = tpu.vector_load_idx %arg9[%add3A_226] : memref<40960xf32, #tpu.memory_space<vmem>>[vector<16xi32>], vector<16xf32>,
      %add3A_228 = arith.constant 10240 : i32
      %add3A_229 = vector.broadcast %add3A_228 : i32 to vector<16xi32>
      %add3A_230 = arith.addi %get3A_208, %add3A_229 : vector<16xi32>
      %gather3A_231 = tpu.vector_load_idx %arg9[%add3A_230] : memref<40960xf32, #tpu.memory_space<vmem>>[vector<16xi32>], vector<16xf32>,
      %sub3A_232 = arith.subf %gather3A_227, %gather3A_231 : vector<16xf32>
      %swap3A_233 = arith.constant 64 : index
      %swap3A_234 = tpu.vector_load %arg15[%swap3A_233] {strides = array<i32>} : memref<128xf32, #tpu.memory_space<vmem>>, vector<16xf32>,
      tpu.vector_store %arg15[%swap3A_233], %sub3A_232 {strides = array<i32>} : memref<128xf32, #tpu.memory_space<vmem>>, vector<16xf32>,
      %mul3A_235 = arith.mulf %sub3A_232, %sub3A_232 : vector<16xf32>
      %add3A_236 = arith.addf %add3A_223, %mul3A_235 : vector<16xf32>
      %add3A_237 = arith.constant 20480 : i32
      %add3A_238 = vector.broadcast %add3A_237 : i32 to vector<16xi32>
      %add3A_239 = arith.addi %get3A_206, %add3A_238 : vector<16xi32>
      %gather3A_240 = tpu.vector_load_idx %arg9[%add3A_239] : memref<40960xf32, #tpu.memory_space<vmem>>[vector<16xi32>], vector<16xf32>,
      %add3A_241 = arith.constant 20480 : i32
      %add3A_242 = vector.broadcast %add3A_241 : i32 to vector<16xi32>
      %add3A_243 = arith.addi %get3A_208, %add3A_242 : vector<16xi32>
      %gather3A_244 = tpu.vector_load_idx %arg9[%add3A_243] : memref<40960xf32, #tpu.memory_space<vmem>>[vector<16xi32>], vector<16xf32>,
      %sub3A_245 = arith.subf %gather3A_240, %gather3A_244 : vector<16xf32>
      %swap3A_246 = arith.constant 64 : index
      %swap3A_247 = tpu.vector_load %arg16[%swap3A_246] {strides = array<i32>} : memref<128xf32, #tpu.memory_space<vmem>>, vector<16xf32>,
      tpu.vector_store %arg16[%swap3A_246], %sub3A_245 {strides = array<i32>} : memref<128xf32, #tpu.memory_space<vmem>>, vector<16xf32>,
      %mul3A_248 = arith.mulf %sub3A_245, %sub3A_245 : vector<16xf32>
      %add3A_249 = arith.addf %add3A_236, %mul3A_248 : vector<16xf32>
      %swap3A_250 = arith.constant 64 : index
      %swap3A_251 = tpu.vector_load %arg17[%swap3A_250] {strides = array<i32>} : memref<128xf32, #tpu.memory_space<vmem>>, vector<16xf32>,
      tpu.vector_store %arg17[%swap3A_250], %add3A_249 {strides = array<i32>} : memref<128xf32, #tpu.memory_space<vmem>>, vector<16xf32>,
      %get3A_252 = arith.constant 80 : index
      %get3A_253 = tpu.vector_load %arg10[%get3A_252] {strides = array<i32>} : memref<128xi32, #tpu.memory_space<vmem>>, vector<16xi32>,
      %get3A_254 = arith.constant 80 : index
      %get3A_255 = tpu.vector_load %arg11[%get3A_254] {strides = array<i32>} : memref<128xi32, #tpu.memory_space<vmem>>, vector<16xi32>,
      %broadcast_in_dim3A_256 = arith.constant 0.000000e+00 : f32
      %broadcast_in_dim3A_257 = vector.broadcast %broadcast_in_dim3A_256 : f32 to vector<16xf32>
      %add3A_258 = arith.constant 0 : i32
      %add3A_259 = vector.broadcast %add3A_258 : i32 to vector<16xi32>
      %add3A_260 = arith.addi %get3A_253, %add3A_259 : vector<16xi32>
      %gather3A_261 = tpu.vector_load_idx %arg9[%add3A_260] : memref<40960xf32, #tpu.memory_space<vmem>>[vector<16xi32>], vector<16xf32>,
      %add3A_262 = arith.constant 0 : i32
      %add3A_263 = vector.broadcast %add3A_262 : i32 to vector<16xi32>
      %add3A_264 = arith.addi %get3A_255, %add3A_263 : vector<16xi32>
      %gather3A_265 = tpu.vector_load_idx %arg9[%add3A_264] : memref<40960xf32, #tpu.memory_space<vmem>>[vector<16xi32>], vector<16xf32>,
      %sub3A_266 = arith.subf %gather3A_261, %gather3A_265 : vector<16xf32>
      %swap3A_267 = arith.constant 80 : index
      %swap3A_268 = tpu.vector_load %arg14[%swap3A_267] {strides = array<i32>} : memref<128xf32, #tpu.memory_space<vmem>>, vector<16xf32>,
      tpu.vector_store %arg14[%swap3A_267], %sub3A_266 {strides = array<i32>} : memref<128xf32, #tpu.memory_space<vmem>>, vector<16xf32>,
      %mul3A_269 = arith.mulf %sub3A_266, %sub3A_266 : vector<16xf32>
      %add3A_270 = arith.addf %broadcast_in_dim3A_257, %mul3A_269 : vector<16xf32>
      %add3A_271 = arith.constant 10240 : i32
      %add3A_272 = vector.broadcast %add3A_271 : i32 to vector<16xi32>
      %add3A_273 = arith.addi %get3A_253, %add3A_272 : vector<16xi32>
      %gather3A_274 = tpu.vector_load_idx %arg9[%add3A_273] : memref<40960xf32, #tpu.memory_space<vmem>>[vector<16xi32>], vector<16xf32>,
      %add3A_275 = arith.constant 10240 : i32
      %add3A_276 = vector.broadcast %add3A_275 : i32 to vector<16xi32>
      %add3A_277 = arith.addi %get3A_255, %add3A_276 : vector<16xi32>
      %gather3A_278 = tpu.vector_load_idx %arg9[%add3A_277] : memref<40960xf32, #tpu.memory_space<vmem>>[vector<16xi32>], vector<16xf32>,
      %sub3A_279 = arith.subf %gather3A_274, %gather3A_278 : vector<16xf32>
      %swap3A_280 = arith.constant 80 : index
      %swap3A_281 = tpu.vector_load %arg15[%swap3A_280] {strides = array<i32>} : memref<128xf32, #tpu.memory_space<vmem>>, vector<16xf32>,
      tpu.vector_store %arg15[%swap3A_280], %sub3A_279 {strides = array<i32>} : memref<128xf32, #tpu.memory_space<vmem>>, vector<16xf32>,
      %mul3A_282 = arith.mulf %sub3A_279, %sub3A_279 : vector<16xf32>
      %add3A_283 = arith.addf %add3A_270, %mul3A_282 : vector<16xf32>
      %add3A_284 = arith.constant 20480 : i32
      %add3A_285 = vector.broadcast %add3A_284 : i32 to vector<16xi32>
      %add3A_286 = arith.addi %get3A_253, %add3A_285 : vector<16xi32>
      %gather3A_287 = tpu.vector_load_idx %arg9[%add3A_286] : memref<40960xf32, #tpu.memory_space<vmem>>[vector<16xi32>], vector<16xf32>,
      %add3A_288 = arith.constant 20480 : i32
      %add3A_289 = vector.broadcast %add3A_288 : i32 to vector<16xi32>
      %add3A_290 = arith.addi %get3A_255, %add3A_289 : vector<16xi32>
      %gather3A_291 = tpu.vector_load_idx %arg9[%add3A_290] : memref<40960xf32, #tpu.memory_space<vmem>>[vector<16xi32>], vector<16xf32>,
      %sub3A_292 = arith.subf %gather3A_287, %gather3A_291 : vector<16xf32>
      %swap3A_293 = arith.constant 80 : index
      %swap3A_294 = tpu.vector_load %arg16[%swap3A_293] {strides = array<i32>} : memref<128xf32, #tpu.memory_space<vmem>>, vector<16xf32>,
      tpu.vector_store %arg16[%swap3A_293], %sub3A_292 {strides = array<i32>} : memref<128xf32, #tpu.memory_space<vmem>>, vector<16xf32>,
      %mul3A_295 = arith.mulf %sub3A_292, %sub3A_292 : vector<16xf32>
      %add3A_296 = arith.addf %add3A_283, %mul3A_295 : vector<16xf32>
      %swap3A_297 = arith.constant 80 : index
      %swap3A_298 = tpu.vector_load %arg17[%swap3A_297] {strides = array<i32>} : memref<128xf32, #tpu.memory_space<vmem>>, vector<16xf32>,
      tpu.vector_store %arg17[%swap3A_297], %add3A_296 {strides = array<i32>} : memref<128xf32, #tpu.memory_space<vmem>>, vector<16xf32>,
      %get3A_299 = arith.constant 96 : index
      %get3A_300 = tpu.vector_load %arg10[%get3A_299] {strides = array<i32>} : memref<128xi32, #tpu.memory_space<vmem>>, vector<16xi32>,
      %get3A_301 = arith.constant 96 : index
      %get3A_302 = tpu.vector_load %arg11[%get3A_301] {strides = array<i32>} : memref<128xi32, #tpu.memory_space<vmem>>, vector<16xi32>,
      %broadcast_in_dim3A_303 = arith.constant 0.000000e+00 : f32
      %broadcast_in_dim3A_304 = vector.broadcast %broadcast_in_dim3A_303 : f32 to vector<16xf32>
      %add3A_305 = arith.constant 0 : i32
      %add3A_306 = vector.broadcast %add3A_305 : i32 to vector<16xi32>
      %add3A_307 = arith.addi %get3A_300, %add3A_306 : vector<16xi32>
      %gather3A_308 = tpu.vector_load_idx %arg9[%add3A_307] : memref<40960xf32, #tpu.memory_space<vmem>>[vector<16xi32>], vector<16xf32>,
      %add3A_309 = arith.constant 0 : i32
      %add3A_310 = vector.broadcast %add3A_309 : i32 to vector<16xi32>
      %add3A_311 = arith.addi %get3A_302, %add3A_310 : vector<16xi32>
      %gather3A_312 = tpu.vector_load_idx %arg9[%add3A_311] : memref<40960xf32, #tpu.memory_space<vmem>>[vector<16xi32>], vector<16xf32>,
      %sub3A_313 = arith.subf %gather3A_308, %gather3A_312 : vector<16xf32>
      %swap3A_314 = arith.constant 96 : index
      %swap3A_315 = tpu.vector_load %arg14[%swap3A_314] {strides = array<i32>} : memref<128xf32, #tpu.memory_space<vmem>>, vector<16xf32>,
      tpu.vector_store %arg14[%swap3A_314], %sub3A_313 {strides = array<i32>} : memref<128xf32, #tpu.memory_space<vmem>>, vector<16xf32>,
      %mul3A_316 = arith.mulf %sub3A_313, %sub3A_313 : vector<16xf32>
      %add3A_317 = arith.addf %broadcast_in_dim3A_304, %mul3A_316 : vector<16xf32>
      %add3A_318 = arith.constant 10240 : i32
      %add3A_319 = vector.broadcast %add3A_318 : i32 to vector<16xi32>
      %add3A_320 = arith.addi %get3A_300, %add3A_319 : vector<16xi32>
      %gather3A_321 = tpu.vector_load_idx %arg9[%add3A_320] : memref<40960xf32, #tpu.memory_space<vmem>>[vector<16xi32>], vector<16xf32>,
      %add3A_322 = arith.constant 10240 : i32
      %add3A_323 = vector.broadcast %add3A_322 : i32 to vector<16xi32>
      %add3A_324 = arith.addi %get3A_302, %add3A_323 : vector<16xi32>
      %gather3A_325 = tpu.vector_load_idx %arg9[%add3A_324] : memref<40960xf32, #tpu.memory_space<vmem>>[vector<16xi32>], vector<16xf32>,
      %sub3A_326 = arith.subf %gather3A_321, %gather3A_325 : vector<16xf32>
      %swap3A_327 = arith.constant 96 : index
      %swap3A_328 = tpu.vector_load %arg15[%swap3A_327] {strides = array<i32>} : memref<128xf32, #tpu.memory_space<vmem>>, vector<16xf32>,
      tpu.vector_store %arg15[%swap3A_327], %sub3A_326 {strides = array<i32>} : memref<128xf32, #tpu.memory_space<vmem>>, vector<16xf32>,
      %mul3A_329 = arith.mulf %sub3A_326, %sub3A_326 : vector<16xf32>
      %add3A_330 = arith.addf %add3A_317, %mul3A_329 : vector<16xf32>
      %add3A_331 = arith.constant 20480 : i32
      %add3A_332 = vector.broadcast %add3A_331 : i32 to vector<16xi32>
      %add3A_333 = arith.addi %get3A_300, %add3A_332 : vector<16xi32>
      %gather3A_334 = tpu.vector_load_idx %arg9[%add3A_333] : memref<40960xf32, #tpu.memory_space<vmem>>[vector<16xi32>], vector<16xf32>,
      %add3A_335 = arith.constant 20480 : i32
      %add3A_336 = vector.broadcast %add3A_335 : i32 to vector<16xi32>
      %add3A_337 = arith.addi %get3A_302, %add3A_336 : vector<16xi32>
      %gather3A_338 = tpu.vector_load_idx %arg9[%add3A_337] : memref<40960xf32, #tpu.memory_space<vmem>>[vector<16xi32>], vector<16xf32>,
      %sub3A_339 = arith.subf %gather3A_334, %gather3A_338 : vector<16xf32>
      %swap3A_340 = arith.constant 96 : index
      %swap3A_341 = tpu.vector_load %arg16[%swap3A_340] {strides = array<i32>} : memref<128xf32, #tpu.memory_space<vmem>>, vector<16xf32>,
      tpu.vector_store %arg16[%swap3A_340], %sub3A_339 {strides = array<i32>} : memref<128xf32, #tpu.memory_space<vmem>>, vector<16xf32>,
      %mul3A_342 = arith.mulf %sub3A_339, %sub3A_339 : vector<16xf32>
      %add3A_343 = arith.addf %add3A_330, %mul3A_342 : vector<16xf32>
      %swap3A_344 = arith.constant 96 : index
      %swap3A_345 = tpu.vector_load %arg17[%swap3A_344] {strides = array<i32>} : memref<128xf32, #tpu.memory_space<vmem>>, vector<16xf32>,
      tpu.vector_store %arg17[%swap3A_344], %add3A_343 {strides = array<i32>} : memref<128xf32, #tpu.memory_space<vmem>>, vector<16xf32>,
      %get3A_346 = arith.constant 112 : index
      %get3A_347 = tpu.vector_load %arg10[%get3A_346] {strides = array<i32>} : memref<128xi32, #tpu.memory_space<vmem>>, vector<16xi32>,
      %get3A_348 = arith.constant 112 : index
      %get3A_349 = tpu.vector_load %arg11[%get3A_348] {strides = array<i32>} : memref<128xi32, #tpu.memory_space<vmem>>, vector<16xi32>,
      %broadcast_in_dim3A_350 = arith.constant 0.000000e+00 : f32
      %broadcast_in_dim3A_351 = vector.broadcast %broadcast_in_dim3A_350 : f32 to vector<16xf32>
      %add3A_352 = arith.constant 0 : i32
      %add3A_353 = vector.broadcast %add3A_352 : i32 to vector<16xi32>
      %add3A_354 = arith.addi %get3A_347, %add3A_353 : vector<16xi32>
      %gather3A_355 = tpu.vector_load_idx %arg9[%add3A_354] : memref<40960xf32, #tpu.memory_space<vmem>>[vector<16xi32>], vector<16xf32>,
      %add3A_356 = arith.constant 0 : i32
      %add3A_357 = vector.broadcast %add3A_356 : i32 to vector<16xi32>
      %add3A_358 = arith.addi %get3A_349, %add3A_357 : vector<16xi32>
      %gather3A_359 = tpu.vector_load_idx %arg9[%add3A_358] : memref<40960xf32, #tpu.memory_space<vmem>>[vector<16xi32>], vector<16xf32>,
      %sub3A_360 = arith.subf %gather3A_355, %gather3A_359 : vector<16xf32>
      %swap3A_361 = arith.constant 112 : index
      %swap3A_362 = tpu.vector_load %arg14[%swap3A_361] {strides = array<i32>} : memref<128xf32, #tpu.memory_space<vmem>>, vector<16xf32>,
      tpu.vector_store %arg14[%swap3A_361], %sub3A_360 {strides = array<i32>} : memref<128xf32, #tpu.memory_space<vmem>>, vector<16xf32>,
      %mul3A_363 = arith.mulf %sub3A_360, %sub3A_360 : vector<16xf32>
      %add3A_364 = arith.addf %broadcast_in_dim3A_351, %mul3A_363 : vector<16xf32>
      %add3A_365 = arith.constant 10240 : i32
      %add3A_366 = vector.broadcast %add3A_365 : i32 to vector<16xi32>
      %add3A_367 = arith.addi %get3A_347, %add3A_366 : vector<16xi32>
      %gather3A_368 = tpu.vector_load_idx %arg9[%add3A_367] : memref<40960xf32, #tpu.memory_space<vmem>>[vector<16xi32>], vector<16xf32>,
      %add3A_369 = arith.constant 10240 : i32
      %add3A_370 = vector.broadcast %add3A_369 : i32 to vector<16xi32>
      %add3A_371 = arith.addi %get3A_349, %add3A_370 : vector<16xi32>
      %gather3A_372 = tpu.vector_load_idx %arg9[%add3A_371] : memref<40960xf32, #tpu.memory_space<vmem>>[vector<16xi32>], vector<16xf32>,
      %sub3A_373 = arith.subf %gather3A_368, %gather3A_372 : vector<16xf32>
      %swap3A_374 = arith.constant 112 : index
      %swap3A_375 = tpu.vector_load %arg15[%swap3A_374] {strides = array<i32>} : memref<128xf32, #tpu.memory_space<vmem>>, vector<16xf32>,
      tpu.vector_store %arg15[%swap3A_374], %sub3A_373 {strides = array<i32>} : memref<128xf32, #tpu.memory_space<vmem>>, vector<16xf32>,
      %mul3A_376 = arith.mulf %sub3A_373, %sub3A_373 : vector<16xf32>
      %add3A_377 = arith.addf %add3A_364, %mul3A_376 : vector<16xf32>
      %add3A_378 = arith.constant 20480 : i32
      %add3A_379 = vector.broadcast %add3A_378 : i32 to vector<16xi32>
      %add3A_380 = arith.addi %get3A_347, %add3A_379 : vector<16xi32>
      %gather3A_381 = tpu.vector_load_idx %arg9[%add3A_380] : memref<40960xf32, #tpu.memory_space<vmem>>[vector<16xi32>], vector<16xf32>,
      %add3A_382 = arith.constant 20480 : i32
      %add3A_383 = vector.broadcast %add3A_382 : i32 to vector<16xi32>
      %add3A_384 = arith.addi %get3A_349, %add3A_383 : vector<16xi32>
      %gather3A_385 = tpu.vector_load_idx %arg9[%add3A_384] : memref<40960xf32, #tpu.memory_space<vmem>>[vector<16xi32>], vector<16xf32>,
      %sub3A_386 = arith.subf %gather3A_381, %gather3A_385 : vector<16xf32>
      %swap3A_387 = arith.constant 112 : index
      %swap3A_388 = tpu.vector_load %arg16[%swap3A_387] {strides = array<i32>} : memref<128xf32, #tpu.memory_space<vmem>>, vector<16xf32>,
      tpu.vector_store %arg16[%swap3A_387], %sub3A_386 {strides = array<i32>} : memref<128xf32, #tpu.memory_space<vmem>>, vector<16xf32>,
      %mul3A_389 = arith.mulf %sub3A_386, %sub3A_386 : vector<16xf32>
      %add3A_390 = arith.addf %add3A_377, %mul3A_389 : vector<16xf32>
      %swap3A_391 = arith.constant 112 : index
      %swap3A_392 = tpu.vector_load %arg17[%swap3A_391] {strides = array<i32>} : memref<128xf32, #tpu.memory_space<vmem>>, vector<16xf32>,
      tpu.vector_store %arg17[%swap3A_391], %add3A_390 {strides = array<i32>} : memref<128xf32, #tpu.memory_space<vmem>>, vector<16xf32>,
      "tpu.region"() ({
        %run_scoped3A_396 = tpu.sem_alloc : memref<!tpu.dma_semaphore, #tpu.memory_space<semaphore_mem>>
        %dma_start3A_397 = arith.constant 0 : i32
        %dma_start3A_398 = tpu.memref_slice %arg6[%add3A_11, %dma_start3A_397] : memref<323584x128xf32, #tpu.memory_space<hbm>> -> memref<128x128xf32, #tpu.memory_space<hbm>>
        %dma_start3A_399 = arith.constant 0 : i32
        %dma_start3A_400 = tpu.memref_slice %arg6[%add3A_11, %dma_start3A_399] : memref<323584x128xf32, #tpu.memory_space<hbm>> -> memref<128x128xf32, #tpu.memory_space<hbm>>
        tpu.enqueue_dma source(%arg12 : memref<128x128xf32, #tpu.memory_space<vmem>>) target(%dma_start3A_400 : memref<128x128xf32, #tpu.memory_space<hbm>>) target_semaphore(%run_scoped3A_396 : memref<!tpu.dma_semaphore, #tpu.memory_space<semaphore_mem>>)
        %dma_wait3A_401 = arith.constant 0 : i32
        %dma_wait3A_402 = tpu.memref_slice %arg6[%add3A_11, %dma_wait3A_401] : memref<323584x128xf32, #tpu.memory_space<hbm>> -> memref<128x128xf32, #tpu.memory_space<hbm>>
        %dma_wait3A_403 = arith.constant 0 : i32
        %dma_wait3A_404 = tpu.memref_slice %arg6[%add3A_11, %dma_wait3A_403] : memref<323584x128xf32, #tpu.memory_space<hbm>> -> memref<128x128xf32, #tpu.memory_space<hbm>>
        tpu.wait_dma2 semaphore(%run_scoped3A_396 : memref<!tpu.dma_semaphore, #tpu.memory_space<semaphore_mem>>) src(%arg12 : memref<128x128xf32, #tpu.memory_space<vmem>>) dst(%dma_wait3A_404 : memref<128x128xf32, #tpu.memory_space<hbm>>)
        tpu.yield
      }) : () -> ()
      "tpu.region"() ({
        %run_scoped3A_396 = tpu.sem_alloc : memref<!tpu.dma_semaphore, #tpu.memory_space<semaphore_mem>>
        %dma_start3A_397 = arith.constant 0 : i32
        %dma_start3A_398 = tpu.memref_slice %arg7[%add3A_11, %dma_start3A_397] : memref<323584x128xf32, #tpu.memory_space<hbm>> -> memref<128x128xf32, #tpu.memory_space<hbm>>
        %dma_start3A_399 = arith.constant 0 : i32
        %dma_start3A_400 = tpu.memref_slice %arg7[%add3A_11, %dma_start3A_399] : memref<323584x128xf32, #tpu.memory_space<hbm>> -> memref<128x128xf32, #tpu.memory_space<hbm>>
        tpu.enqueue_dma source(%arg13 : memref<128x128xf32, #tpu.memory_space<vmem>>) target(%dma_start3A_400 : memref<128x128xf32, #tpu.memory_space<hbm>>) target_semaphore(%run_scoped3A_396 : memref<!tpu.dma_semaphore, #tpu.memory_space<semaphore_mem>>)
        %dma_wait3A_401 = arith.constant 0 : i32
        %dma_wait3A_402 = tpu.memref_slice %arg7[%add3A_11, %dma_wait3A_401] : memref<323584x128xf32, #tpu.memory_space<hbm>> -> memref<128x128xf32, #tpu.memory_space<hbm>>
        %dma_wait3A_403 = arith.constant 0 : i32
        %dma_wait3A_404 = tpu.memref_slice %arg7[%add3A_11, %dma_wait3A_403] : memref<323584x128xf32, #tpu.memory_space<hbm>> -> memref<128x128xf32, #tpu.memory_space<hbm>>
        tpu.wait_dma2 semaphore(%run_scoped3A_396 : memref<!tpu.dma_semaphore, #tpu.memory_space<semaphore_mem>>) src(%arg13 : memref<128x128xf32, #tpu.memory_space<vmem>>) dst(%dma_wait3A_404 : memref<128x128xf32, #tpu.memory_space<hbm>>)
        tpu.yield
      }) : () -> ()
      %run_scoped3A = arith.constant 0 : i32
      "tpu.region"() ({
        %run_scoped3A_396 = tpu.sem_alloc : memref<!tpu.dma_semaphore, #tpu.memory_space<semaphore_mem>>
        %dma_start3A_397 = tpu.memref_slice %arg8[%run_scoped3A, %add3A_11] : memref<4x323584xf32, #tpu.memory_space<hbm>> -> memref<1x128xf32, #tpu.memory_space<hbm>>
        %dma_start3A_398 = tpu.memref_squeeze %dma_start3A_397 : memref<1x128xf32, #tpu.memory_space<hbm>> -> memref<128xf32, #tpu.memory_space<hbm>>
        %dma_start3A_399 = tpu.memref_slice %arg8[%run_scoped3A, %add3A_11] : memref<4x323584xf32, #tpu.memory_space<hbm>> -> memref<1x128xf32, #tpu.memory_space<hbm>>
        %dma_start3A_400 = tpu.memref_squeeze %dma_start3A_399 : memref<1x128xf32, #tpu.memory_space<hbm>> -> memref<128xf32, #tpu.memory_space<hbm>>
        tpu.enqueue_dma source(%arg14 : memref<128xf32, #tpu.memory_space<vmem>>) target(%dma_start3A_400 : memref<128xf32, #tpu.memory_space<hbm>>) target_semaphore(%run_scoped3A_396 : memref<!tpu.dma_semaphore, #tpu.memory_space<semaphore_mem>>)
        %dma_wait3A_401 = tpu.memref_slice %arg8[%run_scoped3A, %add3A_11] : memref<4x323584xf32, #tpu.memory_space<hbm>> -> memref<1x128xf32, #tpu.memory_space<hbm>>
        %dma_wait3A_402 = tpu.memref_squeeze %dma_wait3A_401 : memref<1x128xf32, #tpu.memory_space<hbm>> -> memref<128xf32, #tpu.memory_space<hbm>>
        %dma_wait3A_403 = tpu.memref_slice %arg8[%run_scoped3A, %add3A_11] : memref<4x323584xf32, #tpu.memory_space<hbm>> -> memref<1x128xf32, #tpu.memory_space<hbm>>
        %dma_wait3A_404 = tpu.memref_squeeze %dma_wait3A_403 : memref<1x128xf32, #tpu.memory_space<hbm>> -> memref<128xf32, #tpu.memory_space<hbm>>
        tpu.wait_dma2 semaphore(%run_scoped3A_396 : memref<!tpu.dma_semaphore, #tpu.memory_space<semaphore_mem>>) src(%arg14 : memref<128xf32, #tpu.memory_space<vmem>>) dst(%dma_wait3A_404 : memref<128xf32, #tpu.memory_space<hbm>>)
        tpu.yield
      }) : () -> ()
      %run_scoped3A_393 = arith.constant 1 : i32
      "tpu.region"() ({
        %run_scoped3A_396 = tpu.sem_alloc : memref<!tpu.dma_semaphore, #tpu.memory_space<semaphore_mem>>
        %dma_start3A_397 = tpu.memref_slice %arg8[%run_scoped3A_393, %add3A_11] : memref<4x323584xf32, #tpu.memory_space<hbm>> -> memref<1x128xf32, #tpu.memory_space<hbm>>
        %dma_start3A_398 = tpu.memref_squeeze %dma_start3A_397 : memref<1x128xf32, #tpu.memory_space<hbm>> -> memref<128xf32, #tpu.memory_space<hbm>>
        %dma_start3A_399 = tpu.memref_slice %arg8[%run_scoped3A_393, %add3A_11] : memref<4x323584xf32, #tpu.memory_space<hbm>> -> memref<1x128xf32, #tpu.memory_space<hbm>>
        %dma_start3A_400 = tpu.memref_squeeze %dma_start3A_399 : memref<1x128xf32, #tpu.memory_space<hbm>> -> memref<128xf32, #tpu.memory_space<hbm>>
        tpu.enqueue_dma source(%arg15 : memref<128xf32, #tpu.memory_space<vmem>>) target(%dma_start3A_400 : memref<128xf32, #tpu.memory_space<hbm>>) target_semaphore(%run_scoped3A_396 : memref<!tpu.dma_semaphore, #tpu.memory_space<semaphore_mem>>)
        %dma_wait3A_401 = tpu.memref_slice %arg8[%run_scoped3A_393, %add3A_11] : memref<4x323584xf32, #tpu.memory_space<hbm>> -> memref<1x128xf32, #tpu.memory_space<hbm>>
        %dma_wait3A_402 = tpu.memref_squeeze %dma_wait3A_401 : memref<1x128xf32, #tpu.memory_space<hbm>> -> memref<128xf32, #tpu.memory_space<hbm>>
        %dma_wait3A_403 = tpu.memref_slice %arg8[%run_scoped3A_393, %add3A_11] : memref<4x323584xf32, #tpu.memory_space<hbm>> -> memref<1x128xf32, #tpu.memory_space<hbm>>
        %dma_wait3A_404 = tpu.memref_squeeze %dma_wait3A_403 : memref<1x128xf32, #tpu.memory_space<hbm>> -> memref<128xf32, #tpu.memory_space<hbm>>
        tpu.wait_dma2 semaphore(%run_scoped3A_396 : memref<!tpu.dma_semaphore, #tpu.memory_space<semaphore_mem>>) src(%arg15 : memref<128xf32, #tpu.memory_space<vmem>>) dst(%dma_wait3A_404 : memref<128xf32, #tpu.memory_space<hbm>>)
        tpu.yield
      }) : () -> ()
      %run_scoped3A_394 = arith.constant 2 : i32
      "tpu.region"() ({
        %run_scoped3A_396 = tpu.sem_alloc : memref<!tpu.dma_semaphore, #tpu.memory_space<semaphore_mem>>
        %dma_start3A_397 = tpu.memref_slice %arg8[%run_scoped3A_394, %add3A_11] : memref<4x323584xf32, #tpu.memory_space<hbm>> -> memref<1x128xf32, #tpu.memory_space<hbm>>
        %dma_start3A_398 = tpu.memref_squeeze %dma_start3A_397 : memref<1x128xf32, #tpu.memory_space<hbm>> -> memref<128xf32, #tpu.memory_space<hbm>>
        %dma_start3A_399 = tpu.memref_slice %arg8[%run_scoped3A_394, %add3A_11] : memref<4x323584xf32, #tpu.memory_space<hbm>> -> memref<1x128xf32, #tpu.memory_space<hbm>>
        %dma_start3A_400 = tpu.memref_squeeze %dma_start3A_399 : memref<1x128xf32, #tpu.memory_space<hbm>> -> memref<128xf32, #tpu.memory_space<hbm>>
        tpu.enqueue_dma source(%arg16 : memref<128xf32, #tpu.memory_space<vmem>>) target(%dma_start3A_400 : memref<128xf32, #tpu.memory_space<hbm>>) target_semaphore(%run_scoped3A_396 : memref<!tpu.dma_semaphore, #tpu.memory_space<semaphore_mem>>)
        %dma_wait3A_401 = tpu.memref_slice %arg8[%run_scoped3A_394, %add3A_11] : memref<4x323584xf32, #tpu.memory_space<hbm>> -> memref<1x128xf32, #tpu.memory_space<hbm>>
        %dma_wait3A_402 = tpu.memref_squeeze %dma_wait3A_401 : memref<1x128xf32, #tpu.memory_space<hbm>> -> memref<128xf32, #tpu.memory_space<hbm>>
        %dma_wait3A_403 = tpu.memref_slice %arg8[%run_scoped3A_394, %add3A_11] : memref<4x323584xf32, #tpu.memory_space<hbm>> -> memref<1x128xf32, #tpu.memory_space<hbm>>
        %dma_wait3A_404 = tpu.memref_squeeze %dma_wait3A_403 : memref<1x128xf32, #tpu.memory_space<hbm>> -> memref<128xf32, #tpu.memory_space<hbm>>
        tpu.wait_dma2 semaphore(%run_scoped3A_396 : memref<!tpu.dma_semaphore, #tpu.memory_space<semaphore_mem>>) src(%arg16 : memref<128xf32, #tpu.memory_space<vmem>>) dst(%dma_wait3A_404 : memref<128xf32, #tpu.memory_space<hbm>>)
        tpu.yield
      }) : () -> ()
      %run_scoped3A_395 = arith.constant 3 : i32
      "tpu.region"() ({
        %run_scoped3A_396 = tpu.sem_alloc : memref<!tpu.dma_semaphore, #tpu.memory_space<semaphore_mem>>
        %dma_start3A_397 = tpu.memref_slice %arg8[%run_scoped3A_395, %add3A_11] : memref<4x323584xf32, #tpu.memory_space<hbm>> -> memref<1x128xf32, #tpu.memory_space<hbm>>
        %dma_start3A_398 = tpu.memref_squeeze %dma_start3A_397 : memref<1x128xf32, #tpu.memory_space<hbm>> -> memref<128xf32, #tpu.memory_space<hbm>>
        %dma_start3A_399 = tpu.memref_slice %arg8[%run_scoped3A_395, %add3A_11] : memref<4x323584xf32, #tpu.memory_space<hbm>> -> memref<1x128xf32, #tpu.memory_space<hbm>>
        %dma_start3A_400 = tpu.memref_squeeze %dma_start3A_399 : memref<1x128xf32, #tpu.memory_space<hbm>> -> memref<128xf32, #tpu.memory_space<hbm>>
        tpu.enqueue_dma source(%arg17 : memref<128xf32, #tpu.memory_space<vmem>>) target(%dma_start3A_400 : memref<128xf32, #tpu.memory_space<hbm>>) target_semaphore(%run_scoped3A_396 : memref<!tpu.dma_semaphore, #tpu.memory_space<semaphore_mem>>)
        %dma_wait3A_401 = tpu.memref_slice %arg8[%run_scoped3A_395, %add3A_11] : memref<4x323584xf32, #tpu.memory_space<hbm>> -> memref<1x128xf32, #tpu.memory_space<hbm>>
        %dma_wait3A_402 = tpu.memref_squeeze %dma_wait3A_401 : memref<1x128xf32, #tpu.memory_space<hbm>> -> memref<128xf32, #tpu.memory_space<hbm>>
        %dma_wait3A_403 = tpu.memref_slice %arg8[%run_scoped3A_395, %add3A_11] : memref<4x323584xf32, #tpu.memory_space<hbm>> -> memref<1x128xf32, #tpu.memory_space<hbm>>
        %dma_wait3A_404 = tpu.memref_squeeze %dma_wait3A_403 : memref<1x128xf32, #tpu.memory_space<hbm>> -> memref<128xf32, #tpu.memory_space<hbm>>
        tpu.wait_dma2 semaphore(%run_scoped3A_396 : memref<!tpu.dma_semaphore, #tpu.memory_space<semaphore_mem>>) src(%arg17 : memref<128xf32, #tpu.memory_space<vmem>>) dst(%dma_wait3A_404 : memref<128xf32, #tpu.memory_space<hbm>>)
        tpu.yield
      }) : () -> ()
    }
    %scan3A_7 = arith.constant 79 : i32
    return
  }
}

#map = affine_map<(d0, d1) -> (0, 0)>
#map1 = affine_map<(d0, d1) -> (0)>
module attributes {stable_mosaic.version = 14 : i64} {
  func.func @_scatter_body(%arg0: i32, %arg1: i32, %arg2: memref<323584x128xf32, #tpu.memory_space<hbm>>, %arg3: memref<323584x128xf32, #tpu.memory_space<hbm>>, %arg4: memref<323584xi32, #tpu.memory_space<hbm>>, %arg5: memref<10240x128xf32, #tpu.memory_space<hbm>>, %arg6: memref<10240x128xf32, #tpu.memory_space<hbm>>, %arg7: memref<10240x128xf32, #tpu.memory_space<hbm>>, %arg8: memref<1x128xi32, #tpu.memory_space<vmem>>, %arg9: memref<128x128xf32, #tpu.memory_space<vmem>>, %arg10: memref<10240x128xf32, #tpu.memory_space<vmem_shared>>, %arg11: memref<!tpu.dma_semaphore, #tpu.memory_space<semaphore_mem>>) attributes {dimension_semantics = [#tpu.dimension_semantics<core_parallel>, #tpu.dimension_semantics<subcore_parallel>], iteration_bounds = array<i64: 2, 16>, scalar_prefetch = 0 : i64, scratch_operands = 4 : i64, tpu.core_type = #tpu.core_type<sc_vector_subcore>, window_params = [{transform_indices = #map}, {transform_indices = #map}, {transform_indices = #map1}, {transform_indices = #map}, {transform_indices = #map}, {transform_indices = #map}]} {
    %mul3A = arith.constant 640 : i32
    %mul3A_0 = arith.muli %arg1, %mul3A : i32
    %mul3A_1 = arith.constant 640 : i32
    %mul3A_2 = arith.muli %arg1, %mul3A_1 : i32
    "tpu.region"() ({
      %run_scoped3A = tpu.sem_alloc : memref<!tpu.dma_semaphore, #tpu.memory_space<semaphore_mem>>
      %dma_start3A = arith.constant 0 : i32
      %dma_start3A_16 = tpu.memref_slice %arg10[%mul3A_2, %dma_start3A] : memref<10240x128xf32, #tpu.memory_space<vmem_shared>> -> memref<640x128xf32, #tpu.memory_space<vmem_shared>>
      %dma_start3A_17 = arith.constant 0 : i32
      %dma_start3A_18 = tpu.memref_slice %arg5[%mul3A_0, %dma_start3A_17] : memref<10240x128xf32, #tpu.memory_space<hbm>> -> memref<640x128xf32, #tpu.memory_space<hbm>>
      tpu.enqueue_dma source(%dma_start3A_18 : memref<640x128xf32, #tpu.memory_space<hbm>>) target(%dma_start3A_16 : memref<640x128xf32, #tpu.memory_space<vmem_shared>>) target_semaphore(%run_scoped3A : memref<!tpu.dma_semaphore, #tpu.memory_space<semaphore_mem>>)
      %dma_wait3A = arith.constant 0 : i32
      %dma_wait3A_19 = tpu.memref_slice %arg10[%mul3A_2, %dma_wait3A] : memref<10240x128xf32, #tpu.memory_space<vmem_shared>> -> memref<640x128xf32, #tpu.memory_space<vmem_shared>>
      %dma_wait3A_20 = arith.constant 0 : i32
      %dma_wait3A_21 = tpu.memref_slice %arg5[%mul3A_0, %dma_wait3A_20] : memref<10240x128xf32, #tpu.memory_space<hbm>> -> memref<640x128xf32, #tpu.memory_space<hbm>>
      tpu.wait_dma2 semaphore(%run_scoped3A : memref<!tpu.dma_semaphore, #tpu.memory_space<semaphore_mem>>) src(%dma_wait3A_21 : memref<640x128xf32, #tpu.memory_space<hbm>>) dst(%dma_wait3A_19 : memref<640x128xf32, #tpu.memory_space<vmem_shared>>)
      tpu.yield
    }) : () -> ()
    %barrier3A = arith.constant 0 : index
    tpu.barrier barrier_id(%barrier3A)
    %scan3A = arith.constant 0 : i32
    %scan3A_3 = arith.constant 0 : i32
    %scan3A_4 = arith.constant 158 : i32
    %scan3A_5 = arith.addi %scan3A_3, %scan3A_4 : i32
    %scan3A_6 = arith.constant 1 : i32
    scf.for %scan3A_16 = %scan3A_3 to %scan3A_5 step %scan3A_6  : i32 {
      %mul3A_17 = arith.constant 20224 : i32
      %mul3A_18 = arith.muli %arg1, %mul3A_17 : i32
      %mul3A_19 = arith.constant 128 : i32
      %mul3A_20 = arith.muli %scan3A_16, %mul3A_19 : i32
      %add3A = arith.addi %mul3A_18, %mul3A_20 : i32
      %run_scoped3A = arith.constant 0 : i32
      "tpu.region"() ({
        %run_scoped3A_32 = tpu.sem_alloc : memref<!tpu.dma_semaphore, #tpu.memory_space<semaphore_mem>>
        %dma_start3A = arith.constant 0 : i32
        %dma_start3A_33 = tpu.memref_slice %arg8[%run_scoped3A, %dma_start3A] : memref<1x128xi32, #tpu.memory_space<vmem>> -> memref<1x128xi32, #tpu.memory_space<vmem>>
        %dma_start3A_34 = tpu.memref_squeeze %dma_start3A_33 : memref<1x128xi32, #tpu.memory_space<vmem>> -> memref<128xi32, #tpu.memory_space<vmem>>
        %dma_start3A_35 = tpu.memref_slice %arg4[%add3A] : memref<323584xi32, #tpu.memory_space<hbm>> -> memref<128xi32, #tpu.memory_space<hbm>>
        %dma_start3A_36 = arith.constant 0 : i32
        %dma_start3A_37 = tpu.memref_slice %arg8[%run_scoped3A, %dma_start3A_36] : memref<1x128xi32, #tpu.memory_space<vmem>> -> memref<1x128xi32, #tpu.memory_space<vmem>>
        %dma_start3A_38 = tpu.memref_squeeze %dma_start3A_37 : memref<1x128xi32, #tpu.memory_space<vmem>> -> memref<128xi32, #tpu.memory_space<vmem>>
        %dma_start3A_39 = tpu.memref_slice %arg4[%add3A] : memref<323584xi32, #tpu.memory_space<hbm>> -> memref<128xi32, #tpu.memory_space<hbm>>
        tpu.enqueue_dma source(%dma_start3A_39 : memref<128xi32, #tpu.memory_space<hbm>>) target(%dma_start3A_38 : memref<128xi32, #tpu.memory_space<vmem>>) target_semaphore(%run_scoped3A_32 : memref<!tpu.dma_semaphore, #tpu.memory_space<semaphore_mem>>)
        %dma_wait3A = arith.constant 0 : i32
        %dma_wait3A_40 = tpu.memref_slice %arg8[%run_scoped3A, %dma_wait3A] : memref<1x128xi32, #tpu.memory_space<vmem>> -> memref<1x128xi32, #tpu.memory_space<vmem>>
        %dma_wait3A_41 = tpu.memref_squeeze %dma_wait3A_40 : memref<1x128xi32, #tpu.memory_space<vmem>> -> memref<128xi32, #tpu.memory_space<vmem>>
        %dma_wait3A_42 = tpu.memref_slice %arg4[%add3A] : memref<323584xi32, #tpu.memory_space<hbm>> -> memref<128xi32, #tpu.memory_space<hbm>>
        %dma_wait3A_43 = arith.constant 0 : i32
        %dma_wait3A_44 = tpu.memref_slice %arg8[%run_scoped3A, %dma_wait3A_43] : memref<1x128xi32, #tpu.memory_space<vmem>> -> memref<1x128xi32, #tpu.memory_space<vmem>>
        %dma_wait3A_45 = tpu.memref_squeeze %dma_wait3A_44 : memref<1x128xi32, #tpu.memory_space<vmem>> -> memref<128xi32, #tpu.memory_space<vmem>>
        %dma_wait3A_46 = tpu.memref_slice %arg4[%add3A] : memref<323584xi32, #tpu.memory_space<hbm>> -> memref<128xi32, #tpu.memory_space<hbm>>
        tpu.wait_dma2 semaphore(%run_scoped3A_32 : memref<!tpu.dma_semaphore, #tpu.memory_space<semaphore_mem>>) src(%dma_wait3A_46 : memref<128xi32, #tpu.memory_space<hbm>>) dst(%dma_wait3A_45 : memref<128xi32, #tpu.memory_space<vmem>>)
        tpu.yield
      }) : () -> ()
      %eq3A_21 = arith.constant 0 : i32
      %eq3A_22 = arith.cmpi eq, %arg0, %eq3A_21 : i32
      %convert_element_type3A_23 = arith.extui %eq3A_22 : i1 to i32
      %cond3A_24 = arith.constant 0 : i32
      %cond3A_25 = arith.cmpi ne, %convert_element_type3A_23, %cond3A_24 : i32
      scf.if %cond3A_25 {
        "tpu.region"() ({
          %run_scoped3A_32 = tpu.sem_alloc : memref<!tpu.dma_semaphore, #tpu.memory_space<semaphore_mem>>
          %dma_start3A = arith.constant 0 : i32
          %dma_start3A_33 = tpu.memref_slice %arg2[%add3A, %dma_start3A] : memref<323584x128xf32, #tpu.memory_space<hbm>> -> memref<128x128xf32, #tpu.memory_space<hbm>>
          %dma_start3A_34 = arith.constant 0 : i32
          %dma_start3A_35 = tpu.memref_slice %arg2[%add3A, %dma_start3A_34] : memref<323584x128xf32, #tpu.memory_space<hbm>> -> memref<128x128xf32, #tpu.memory_space<hbm>>
          tpu.enqueue_dma source(%dma_start3A_35 : memref<128x128xf32, #tpu.memory_space<hbm>>) target(%arg9 : memref<128x128xf32, #tpu.memory_space<vmem>>) target_semaphore(%run_scoped3A_32 : memref<!tpu.dma_semaphore, #tpu.memory_space<semaphore_mem>>)
          %dma_wait3A = arith.constant 0 : i32
          %dma_wait3A_36 = tpu.memref_slice %arg2[%add3A, %dma_wait3A] : memref<323584x128xf32, #tpu.memory_space<hbm>> -> memref<128x128xf32, #tpu.memory_space<hbm>>
          %dma_wait3A_37 = arith.constant 0 : i32
          %dma_wait3A_38 = tpu.memref_slice %arg2[%add3A, %dma_wait3A_37] : memref<323584x128xf32, #tpu.memory_space<hbm>> -> memref<128x128xf32, #tpu.memory_space<hbm>>
          tpu.wait_dma2 semaphore(%run_scoped3A_32 : memref<!tpu.dma_semaphore, #tpu.memory_space<semaphore_mem>>) src(%dma_wait3A_38 : memref<128x128xf32, #tpu.memory_space<hbm>>) dst(%arg9 : memref<128x128xf32, #tpu.memory_space<vmem>>)
          tpu.yield
        }) : () -> ()
      } else {
      }
      %eq3A_26 = arith.constant 1 : i32
      %eq3A_27 = arith.cmpi eq, %arg0, %eq3A_26 : i32
      %convert_element_type3A_28 = arith.extui %eq3A_27 : i1 to i32
      %cond3A_29 = arith.constant 0 : i32
      %cond3A_30 = arith.cmpi ne, %convert_element_type3A_28, %cond3A_29 : i32
      scf.if %cond3A_30 {
        "tpu.region"() ({
          %run_scoped3A_32 = tpu.sem_alloc : memref<!tpu.dma_semaphore, #tpu.memory_space<semaphore_mem>>
          %dma_start3A = arith.constant 0 : i32
          %dma_start3A_33 = tpu.memref_slice %arg3[%add3A, %dma_start3A] : memref<323584x128xf32, #tpu.memory_space<hbm>> -> memref<128x128xf32, #tpu.memory_space<hbm>>
          %dma_start3A_34 = arith.constant 0 : i32
          %dma_start3A_35 = tpu.memref_slice %arg3[%add3A, %dma_start3A_34] : memref<323584x128xf32, #tpu.memory_space<hbm>> -> memref<128x128xf32, #tpu.memory_space<hbm>>
          tpu.enqueue_dma source(%dma_start3A_35 : memref<128x128xf32, #tpu.memory_space<hbm>>) target(%arg9 : memref<128x128xf32, #tpu.memory_space<vmem>>) target_semaphore(%run_scoped3A_32 : memref<!tpu.dma_semaphore, #tpu.memory_space<semaphore_mem>>)
          %dma_wait3A = arith.constant 0 : i32
          %dma_wait3A_36 = tpu.memref_slice %arg3[%add3A, %dma_wait3A] : memref<323584x128xf32, #tpu.memory_space<hbm>> -> memref<128x128xf32, #tpu.memory_space<hbm>>
          %dma_wait3A_37 = arith.constant 0 : i32
          %dma_wait3A_38 = tpu.memref_slice %arg3[%add3A, %dma_wait3A_37] : memref<323584x128xf32, #tpu.memory_space<hbm>> -> memref<128x128xf32, #tpu.memory_space<hbm>>
          tpu.wait_dma2 semaphore(%run_scoped3A_32 : memref<!tpu.dma_semaphore, #tpu.memory_space<semaphore_mem>>) src(%dma_wait3A_38 : memref<128x128xf32, #tpu.memory_space<hbm>>) dst(%arg9 : memref<128x128xf32, #tpu.memory_space<vmem>>)
          tpu.yield
        }) : () -> ()
      } else {
      }
      %run_scoped3A_31 = arith.constant 0 : i32
      "tpu.region"() ({
        %run_scoped3A_32 = tpu.sem_alloc : memref<!tpu.dma_semaphore, #tpu.memory_space<semaphore_mem>>
        %dma_start3A = arith.constant 0 : i32
        %dma_start3A_33 = tpu.memref_slice %arg8[%run_scoped3A_31, %dma_start3A] : memref<1x128xi32, #tpu.memory_space<vmem>> -> memref<1x128xi32, #tpu.memory_space<vmem>>
        %dma_start3A_34 = tpu.memref_squeeze %dma_start3A_33 : memref<1x128xi32, #tpu.memory_space<vmem>> -> memref<128xi32, #tpu.memory_space<vmem>>
        %dma_start3A_35 = arith.constant 0 : i32
        %dma_start3A_36 = arith.constant 0 : i32
        %dma_start3A_37 = tpu.memref_slice %arg10[%dma_start3A_35, %dma_start3A_36] : memref<10240x128xf32, #tpu.memory_space<vmem_shared>> -> memref<10240x128xf32, #tpu.memory_space<vmem_shared>>
        tpu.enqueue_indirect_dma source(%arg9 : memref<128x128xf32, #tpu.memory_space<vmem>>) target(%dma_start3A_37 : memref<10240x128xf32, #tpu.memory_space<vmem_shared>>) offsets(%dma_start3A_34 : memref<128xi32, #tpu.memory_space<vmem>>) semaphore(%run_scoped3A_32 : memref<!tpu.dma_semaphore, #tpu.memory_space<semaphore_mem>>) {add = true}
        %dma_wait3A = arith.constant 0 : i32
        %dma_wait3A_38 = tpu.memref_slice %arg8[%run_scoped3A_31, %dma_wait3A] : memref<1x128xi32, #tpu.memory_space<vmem>> -> memref<1x128xi32, #tpu.memory_space<vmem>>
        %dma_wait3A_39 = tpu.memref_squeeze %dma_wait3A_38 : memref<1x128xi32, #tpu.memory_space<vmem>> -> memref<128xi32, #tpu.memory_space<vmem>>
        %dma_wait3A_40 = arith.constant 0 : i32
        %dma_wait3A_41 = arith.constant 0 : i32
        %dma_wait3A_42 = tpu.memref_slice %arg10[%dma_wait3A_40, %dma_wait3A_41] : memref<10240x128xf32, #tpu.memory_space<vmem_shared>> -> memref<10240x128xf32, #tpu.memory_space<vmem_shared>>
        tpu.wait_indirect_dma semaphore(%run_scoped3A_32 : memref<!tpu.dma_semaphore, #tpu.memory_space<semaphore_mem>>) src(%arg9 : memref<128x128xf32, #tpu.memory_space<vmem>>) dst(%dma_wait3A_42 : memref<10240x128xf32, #tpu.memory_space<vmem_shared>>)
        tpu.yield
      }) : () -> ()
    }
    %scan3A_7 = arith.constant 158 : i32
    %barrier3A_8 = arith.constant 0 : index
    tpu.barrier barrier_id(%barrier3A_8)
    %eq3A = arith.constant 0 : i32
    %eq3A_9 = arith.cmpi eq, %arg0, %eq3A : i32
    %convert_element_type3A = arith.extui %eq3A_9 : i1 to i32
    %cond3A = arith.constant 0 : i32
    %cond3A_10 = arith.cmpi ne, %convert_element_type3A, %cond3A : i32
    scf.if %cond3A_10 {
      %mul3A_16 = arith.constant 640 : i32
      %mul3A_17 = arith.muli %arg1, %mul3A_16 : i32
      %mul3A_18 = arith.constant 640 : i32
      %mul3A_19 = arith.muli %arg1, %mul3A_18 : i32
      "tpu.region"() ({
        %run_scoped3A = tpu.sem_alloc : memref<!tpu.dma_semaphore, #tpu.memory_space<semaphore_mem>>
        %dma_start3A = arith.constant 0 : i32
        %dma_start3A_20 = tpu.memref_slice %arg6[%mul3A_19, %dma_start3A] : memref<10240x128xf32, #tpu.memory_space<hbm>> -> memref<640x128xf32, #tpu.memory_space<hbm>>
        %dma_start3A_21 = arith.constant 0 : i32
        %dma_start3A_22 = tpu.memref_slice %arg10[%mul3A_17, %dma_start3A_21] : memref<10240x128xf32, #tpu.memory_space<vmem_shared>> -> memref<640x128xf32, #tpu.memory_space<vmem_shared>>
        tpu.enqueue_dma source(%dma_start3A_22 : memref<640x128xf32, #tpu.memory_space<vmem_shared>>) target(%dma_start3A_20 : memref<640x128xf32, #tpu.memory_space<hbm>>) target_semaphore(%run_scoped3A : memref<!tpu.dma_semaphore, #tpu.memory_space<semaphore_mem>>)
        %dma_wait3A = arith.constant 0 : i32
        %dma_wait3A_23 = tpu.memref_slice %arg6[%mul3A_19, %dma_wait3A] : memref<10240x128xf32, #tpu.memory_space<hbm>> -> memref<640x128xf32, #tpu.memory_space<hbm>>
        %dma_wait3A_24 = arith.constant 0 : i32
        %dma_wait3A_25 = tpu.memref_slice %arg10[%mul3A_17, %dma_wait3A_24] : memref<10240x128xf32, #tpu.memory_space<vmem_shared>> -> memref<640x128xf32, #tpu.memory_space<vmem_shared>>
        tpu.wait_dma2 semaphore(%run_scoped3A : memref<!tpu.dma_semaphore, #tpu.memory_space<semaphore_mem>>) src(%dma_wait3A_25 : memref<640x128xf32, #tpu.memory_space<vmem_shared>>) dst(%dma_wait3A_23 : memref<640x128xf32, #tpu.memory_space<hbm>>)
        tpu.yield
      }) : () -> ()
    } else {
    }
    %eq3A_11 = arith.constant 1 : i32
    %eq3A_12 = arith.cmpi eq, %arg0, %eq3A_11 : i32
    %convert_element_type3A_13 = arith.extui %eq3A_12 : i1 to i32
    %cond3A_14 = arith.constant 0 : i32
    %cond3A_15 = arith.cmpi ne, %convert_element_type3A_13, %cond3A_14 : i32
    scf.if %cond3A_15 {
      %mul3A_16 = arith.constant 640 : i32
      %mul3A_17 = arith.muli %arg1, %mul3A_16 : i32
      %mul3A_18 = arith.constant 640 : i32
      %mul3A_19 = arith.muli %arg1, %mul3A_18 : i32
      "tpu.region"() ({
        %run_scoped3A = tpu.sem_alloc : memref<!tpu.dma_semaphore, #tpu.memory_space<semaphore_mem>>
        %dma_start3A = arith.constant 0 : i32
        %dma_start3A_20 = tpu.memref_slice %arg7[%mul3A_19, %dma_start3A] : memref<10240x128xf32, #tpu.memory_space<hbm>> -> memref<640x128xf32, #tpu.memory_space<hbm>>
        %dma_start3A_21 = arith.constant 0 : i32
        %dma_start3A_22 = tpu.memref_slice %arg10[%mul3A_17, %dma_start3A_21] : memref<10240x128xf32, #tpu.memory_space<vmem_shared>> -> memref<640x128xf32, #tpu.memory_space<vmem_shared>>
        tpu.enqueue_dma source(%dma_start3A_22 : memref<640x128xf32, #tpu.memory_space<vmem_shared>>) target(%dma_start3A_20 : memref<640x128xf32, #tpu.memory_space<hbm>>) target_semaphore(%run_scoped3A : memref<!tpu.dma_semaphore, #tpu.memory_space<semaphore_mem>>)
        %dma_wait3A = arith.constant 0 : i32
        %dma_wait3A_23 = tpu.memref_slice %arg7[%mul3A_19, %dma_wait3A] : memref<10240x128xf32, #tpu.memory_space<hbm>> -> memref<640x128xf32, #tpu.memory_space<hbm>>
        %dma_wait3A_24 = arith.constant 0 : i32
        %dma_wait3A_25 = tpu.memref_slice %arg10[%mul3A_17, %dma_wait3A_24] : memref<10240x128xf32, #tpu.memory_space<vmem_shared>> -> memref<640x128xf32, #tpu.memory_space<vmem_shared>>
        tpu.wait_dma2 semaphore(%run_scoped3A : memref<!tpu.dma_semaphore, #tpu.memory_space<semaphore_mem>>) src(%dma_wait3A_25 : memref<640x128xf32, #tpu.memory_space<vmem_shared>>) dst(%dma_wait3A_23 : memref<640x128xf32, #tpu.memory_space<hbm>>)
        tpu.yield
      }) : () -> ()
    } else {
    }
    return
  }
}

module attributes {stable_mosaic.version = 14 : i64} {
  func.func @_edge_body(%arg0: i32, %arg1: memref<1024x128xf32, #tpu.memory_space<vmem>>, %arg2: memref<1024x128xf32, #tpu.memory_space<vmem>>, %arg3: memref<4x1024xf32, #tpu.memory_space<vmem>>, %arg4: memref<128x128xf32, #tpu.memory_space<vmem>>, %arg5: memref<128x128xf32, #tpu.memory_space<vmem>>, %arg6: memref<1x128xf32, #tpu.memory_space<vmem>>, %arg7: memref<1x128xf32, #tpu.memory_space<vmem>>, %arg8: memref<128x128xf32, #tpu.memory_space<vmem>>, %arg9: memref<1x128xf32, #tpu.memory_space<vmem>>, %arg10: memref<128x128xf32, #tpu.memory_space<vmem>>, %arg11: memref<1x128xf32, #tpu.memory_space<vmem>>, %arg12: memref<128x128xf32, #tpu.memory_space<vmem>>, %arg13: memref<1x1xf32, #tpu.memory_space<vmem>>, %arg14: memref<1024x128xf32, #tpu.memory_space<vmem>>, %arg15: memref<1024x128xf32, #tpu.memory_space<vmem>>) attributes {dimension_semantics = [#tpu.dimension_semantics<arbitrary>], iteration_bounds = array<i64: 316>, scalar_prefetch = 0 : i64, scratch_operands = 0 : i64, tpu.core_type = #tpu.core_type<tc>, window_params = [{transform_indices = @transform_0, window_bounds = array<i64: 1024, 128>}, {transform_indices = @transform_1, window_bounds = array<i64: 1024, 128>}, {transform_indices = @transform_2, window_bounds = array<i64: 4, 1024>}, {pipeline_mode = #tpu.pipeline_mode<synchronous>, transform_indices = @transform_3, window_bounds = array<i64: 128, 128>}, {pipeline_mode = #tpu.pipeline_mode<synchronous>, transform_indices = @transform_4, window_bounds = array<i64: 128, 128>}, {pipeline_mode = #tpu.pipeline_mode<synchronous>, transform_indices = @transform_5, window_bounds = array<i64: 1, 128>}, {pipeline_mode = #tpu.pipeline_mode<synchronous>, transform_indices = @transform_6, window_bounds = array<i64: 1, 128>}, {pipeline_mode = #tpu.pipeline_mode<synchronous>, transform_indices = @transform_7, window_bounds = array<i64: 128, 128>}, {pipeline_mode = #tpu.pipeline_mode<synchronous>, transform_indices = @transform_8, window_bounds = array<i64: 1, 128>}, {pipeline_mode = #tpu.pipeline_mode<synchronous>, transform_indices = @transform_9, window_bounds = array<i64: 128, 128>}, {pipeline_mode = #tpu.pipeline_mode<synchronous>, transform_indices = @transform_10, window_bounds = array<i64: 1, 128>}, {pipeline_mode = #tpu.pipeline_mode<synchronous>, transform_indices = @transform_11, window_bounds = array<i64: 128, 128>}, {pipeline_mode = #tpu.pipeline_mode<synchronous>, transform_indices = @transform_12, window_bounds = array<i64: 1, 1>}, {transform_indices = @transform_13, window_bounds = array<i64: 1024, 128>}, {transform_indices = @transform_14, window_bounds = array<i64: 1024, 128>}]} {
    %get3A = arith.constant 0 : index
    %get3A_0 = arith.constant 0 : index
    %get3A_1 = vector.load %arg1[%get3A, %get3A_0] : memref<1024x128xf32, #tpu.memory_space<vmem>>, vector<1024x128xf32>
    %get3A_2 = arith.constant 0 : index
    %get3A_3 = arith.constant 0 : index
    %get3A_4 = vector.load %arg2[%get3A_2, %get3A_3] : memref<1024x128xf32, #tpu.memory_space<vmem>>, vector<1024x128xf32>
    %get3A_5 = arith.constant 0 : index
    %get3A_6 = arith.constant 0 : index
    %get3A_7 = vector.load %arg3[%get3A_5, %get3A_6] : memref<4x1024xf32, #tpu.memory_space<vmem>>, vector<4x1024xf32>
    %iota3A = tpu.iota {dimensions = array<i32: 0>} : vector<4x1xi32>
    %eq3A = arith.constant 3 : i32
    %eq3A_8 = vector.broadcast %eq3A : i32 to vector<4x1xi32>
    %eq3A_9 = arith.cmpi eq, %iota3A, %eq3A_8 : vector<4x1xi32>
    %jit3A = arith.constant 1.000000e+00 : f32
    %jit3A_10 = arith.constant 0.000000e+00 : f32
    %broadcast_in_dim3A = vector.broadcast %jit3A : f32 to vector<4x1xf32>
    %broadcast_in_dim3A_11 = vector.broadcast %jit3A_10 : f32 to vector<4x1xf32>
    %select_n3A = arith.select %eq3A_9, %broadcast_in_dim3A, %broadcast_in_dim3A_11 : vector<4x1xi1>, vector<4x1xf32>
    %dot_general3A = arith.constant dense<0.000000e+00> : vector<1024x1xf32>
    %dot_general3A_12 = tpu.matmul %get3A_7, %select_n3A, %dot_general3A {dimension_numbers = #tpu.dot_dimension_numbers<[0], [0], [1], [1], [0, 1, 1, 1], [], []>, transpose_lhs_hint = false} : vector<4x1024xf32>, vector<4x1xf32>, vector<1024x1xf32> -> vector<1024x1xf32>
    %get3A_13 = arith.constant 0 : index
    %get3A_14 = arith.constant 0 : index
    %get3A_15 = vector.load %arg4[%get3A_13, %get3A_14] : memref<128x128xf32, #tpu.memory_space<vmem>>, vector<128x128xf32>
    %dot_general3A_16 = arith.constant dense<0.000000e+00> : vector<1024x128xf32>
    %dot_general3A_17 = tpu.matmul %get3A_1, %get3A_15, %dot_general3A_16 {dimension_numbers = #tpu.dot_dimension_numbers<[1], [0], [0], [1], [0, 0, 1, 1], [], []>, transpose_lhs_hint = false} : vector<1024x128xf32>, vector<128x128xf32>, vector<1024x128xf32> -> vector<1024x128xf32>
    %get3A_18 = arith.constant 0 : index
    %get3A_19 = arith.constant 0 : index
    %get3A_20 = vector.load %arg5[%get3A_18, %get3A_19] : memref<128x128xf32, #tpu.memory_space<vmem>>, vector<128x128xf32>
    %dot_general3A_21 = arith.constant dense<0.000000e+00> : vector<1024x128xf32>
    %dot_general3A_22 = tpu.matmul %get3A_4, %get3A_20, %dot_general3A_21 {dimension_numbers = #tpu.dot_dimension_numbers<[1], [0], [0], [1], [0, 0, 1, 1], [], []>, transpose_lhs_hint = false} : vector<1024x128xf32>, vector<128x128xf32>, vector<1024x128xf32> -> vector<1024x128xf32>
    %add3A = arith.addf %dot_general3A_17, %dot_general3A_22 : vector<1024x128xf32>
    %get3A_23 = arith.constant 0 : index
    %get3A_24 = arith.constant 0 : index
    %get3A_25 = vector.load %arg6[%get3A_23, %get3A_24] : memref<1x128xf32, #tpu.memory_space<vmem>>, vector<1x128xf32>
    %get3A_26 = vector.shape_cast %get3A_25 : vector<1x128xf32> to vector<128xf32>
    %broadcast_in_dim3A_27 = vector.shape_cast %get3A_26 : vector<128xf32> to vector<1x128xf32>
    %mul3A = vector.broadcast %dot_general3A_12 : vector<1024x1xf32> to vector<1024x128xf32>
    %mul3A_28 = vector.broadcast %broadcast_in_dim3A_27 : vector<1x128xf32> to vector<1024x128xf32>
    %mul3A_29 = arith.mulf %mul3A, %mul3A_28 : vector<1024x128xf32>
    %add3A_30 = arith.addf %add3A, %mul3A_29 : vector<1024x128xf32>
    %get3A_31 = arith.constant 0 : index
    %get3A_32 = arith.constant 0 : index
    %get3A_33 = vector.load %arg7[%get3A_31, %get3A_32] : memref<1x128xf32, #tpu.memory_space<vmem>>, vector<1x128xf32>
    %get3A_34 = vector.shape_cast %get3A_33 : vector<1x128xf32> to vector<128xf32>
    %broadcast_in_dim3A_35 = vector.shape_cast %get3A_34 : vector<128xf32> to vector<1x128xf32>
    %add3A_36 = vector.broadcast %broadcast_in_dim3A_35 : vector<1x128xf32> to vector<1024x128xf32>
    %add3A_37 = arith.addf %add3A_30, %add3A_36 : vector<1024x128xf32>
    %logistic3A = arith.negf %add3A_37 : vector<1024x128xf32>
    %logistic3A_38 = math.exp %logistic3A : vector<1024x128xf32>
    %logistic3A_39 = arith.constant 1.000000e+00 : f32
    %logistic3A_40 = vector.broadcast %logistic3A_39 : f32 to vector<1024x128xf32>
    %logistic3A_41 = arith.addf %logistic3A_40, %logistic3A_38 : vector<1024x128xf32>
    %logistic3A_42 = arith.divf %logistic3A_40, %logistic3A_41 : vector<1024x128xf32>
    %mul3A_43 = arith.mulf %add3A_37, %logistic3A_42 : vector<1024x128xf32>
    %get3A_44 = arith.constant 0 : index
    %get3A_45 = arith.constant 0 : index
    %get3A_46 = vector.load %arg8[%get3A_44, %get3A_45] : memref<128x128xf32, #tpu.memory_space<vmem>>, vector<128x128xf32>
    %dot_general3A_47 = arith.constant dense<0.000000e+00> : vector<1024x128xf32>
    %dot_general3A_48 = tpu.matmul %mul3A_43, %get3A_46, %dot_general3A_47 {dimension_numbers = #tpu.dot_dimension_numbers<[1], [0], [0], [1], [0, 0, 1, 1], [], []>, transpose_lhs_hint = false} : vector<1024x128xf32>, vector<128x128xf32>, vector<1024x128xf32> -> vector<1024x128xf32>
    %get3A_49 = arith.constant 0 : index
    %get3A_50 = arith.constant 0 : index
    %get3A_51 = vector.load %arg9[%get3A_49, %get3A_50] : memref<1x128xf32, #tpu.memory_space<vmem>>, vector<1x128xf32>
    %get3A_52 = vector.shape_cast %get3A_51 : vector<1x128xf32> to vector<128xf32>
    %broadcast_in_dim3A_53 = vector.shape_cast %get3A_52 : vector<128xf32> to vector<1x128xf32>
    %add3A_54 = vector.broadcast %broadcast_in_dim3A_53 : vector<1x128xf32> to vector<1024x128xf32>
    %add3A_55 = arith.addf %dot_general3A_48, %add3A_54 : vector<1024x128xf32>
    %logistic3A_56 = arith.negf %add3A_55 : vector<1024x128xf32>
    %logistic3A_57 = math.exp %logistic3A_56 : vector<1024x128xf32>
    %logistic3A_58 = arith.constant 1.000000e+00 : f32
    %logistic3A_59 = vector.broadcast %logistic3A_58 : f32 to vector<1024x128xf32>
    %logistic3A_60 = arith.addf %logistic3A_59, %logistic3A_57 : vector<1024x128xf32>
    %logistic3A_61 = arith.divf %logistic3A_59, %logistic3A_60 : vector<1024x128xf32>
    %mul3A_62 = arith.mulf %add3A_55, %logistic3A_61 : vector<1024x128xf32>
    %get3A_63 = arith.constant 0 : index
    %get3A_64 = arith.constant 0 : index
    %get3A_65 = vector.load %arg10[%get3A_63, %get3A_64] : memref<128x128xf32, #tpu.memory_space<vmem>>, vector<128x128xf32>
    %dot_general3A_66 = arith.constant dense<0.000000e+00> : vector<1024x128xf32>
    %dot_general3A_67 = tpu.matmul %mul3A_62, %get3A_65, %dot_general3A_66 {dimension_numbers = #tpu.dot_dimension_numbers<[1], [0], [0], [1], [0, 0, 1, 1], [], []>, transpose_lhs_hint = false} : vector<1024x128xf32>, vector<128x128xf32>, vector<1024x128xf32> -> vector<1024x128xf32>
    %get3A_68 = arith.constant 0 : index
    %get3A_69 = arith.constant 0 : index
    %get3A_70 = vector.load %arg11[%get3A_68, %get3A_69] : memref<1x128xf32, #tpu.memory_space<vmem>>, vector<1x128xf32>
    %get3A_71 = vector.shape_cast %get3A_70 : vector<1x128xf32> to vector<128xf32>
    %broadcast_in_dim3A_72 = vector.shape_cast %get3A_71 : vector<128xf32> to vector<1x128xf32>
    %add3A_73 = vector.broadcast %broadcast_in_dim3A_72 : vector<1x128xf32> to vector<1024x128xf32>
    %add3A_74 = arith.addf %dot_general3A_67, %add3A_73 : vector<1024x128xf32>
    %logistic3A_75 = arith.negf %add3A_74 : vector<1024x128xf32>
    %logistic3A_76 = math.exp %logistic3A_75 : vector<1024x128xf32>
    %logistic3A_77 = arith.constant 1.000000e+00 : f32
    %logistic3A_78 = vector.broadcast %logistic3A_77 : f32 to vector<1024x128xf32>
    %logistic3A_79 = arith.addf %logistic3A_78, %logistic3A_76 : vector<1024x128xf32>
    %logistic3A_80 = arith.divf %logistic3A_78, %logistic3A_79 : vector<1024x128xf32>
    %mul3A_81 = arith.mulf %add3A_74, %logistic3A_80 : vector<1024x128xf32>
    %get3A_82 = arith.constant 0 : index
    %get3A_83 = arith.constant 0 : index
    %get3A_84 = vector.load %arg12[%get3A_82, %get3A_83] : memref<128x128xf32, #tpu.memory_space<vmem>>, vector<128x128xf32>
    %dot_general3A_85 = arith.constant dense<0.000000e+00> : vector<1024x128xf32>
    %dot_general3A_86 = tpu.matmul %mul3A_81, %get3A_84, %dot_general3A_85 {dimension_numbers = #tpu.dot_dimension_numbers<[1], [0], [0], [1], [0, 0, 1, 1], [], []>, transpose_lhs_hint = false} : vector<1024x128xf32>, vector<128x128xf32>, vector<1024x128xf32> -> vector<1024x128xf32>
    %slice3A = vector.extract_strided_slice %dot_general3A_86 {offsets = [0, 0], sizes = [1024, 1], strides = [1, 1]} : vector<1024x128xf32> to vector<1024x1xf32>
    %get3A_87 = arith.constant 0 : index
    %get3A_88 = arith.constant 0 : index
    %get3A_89 = vector.load %arg13[%get3A_87, %get3A_88] : memref<1x1xf32, #tpu.memory_space<vmem>>, vector<1x1xf32>
    %get3A_90 = vector.extract %get3A_89[0, 0] : f32 from vector<1x1xf32>
    %add3A_91 = vector.broadcast %get3A_90 : f32 to vector<1024x1xf32>
    %add3A_92 = arith.addf %slice3A, %add3A_91 : vector<1024x1xf32>
    %mul3A_93 = arith.constant 1024 : i32
    %mul3A_94 = arith.muli %arg0, %mul3A_93 : i32
    %iota3A_95 = tpu.iota {dimensions = array<i32: 0>} : vector<1024x1xi32>
    %add3A_96 = vector.broadcast %mul3A_94 : i32 to vector<1024x1xi32>
    %add3A_97 = arith.addi %add3A_96, %iota3A_95 : vector<1024x1xi32>
    %lt3A = arith.constant 320000 : i32
    %lt3A_98 = vector.broadcast %lt3A : i32 to vector<1024x1xi32>
    %lt3A_99 = arith.cmpi slt, %add3A_97, %lt3A_98 : vector<1024x1xi32>
    %convert_element_type3A = arith.extui %lt3A_99 : vector<1024x1xi1> to vector<1024x1xi32>
    %convert_element_type3A_100 = arith.sitofp %convert_element_type3A : vector<1024x1xi32> to vector<1024x1xf32>
    %iota3A_101 = tpu.iota {dimensions = array<i32: 0>} : vector<4x128xi32>
    %iota3A_102 = tpu.iota {dimensions = array<i32: 1>} : vector<4x128xi32>
    %eq3A_103 = arith.cmpi eq, %iota3A_101, %iota3A_102 : vector<4x128xi32>
    %lt3A_104 = arith.constant 3 : i32
    %lt3A_105 = vector.broadcast %lt3A_104 : i32 to vector<4x128xi32>
    %lt3A_106 = arith.cmpi slt, %iota3A_101, %lt3A_105 : vector<4x128xi32>
    %and3A = arith.andi %eq3A_103, %lt3A_106 : vector<4x128xi1>
    %jit3A_107 = arith.constant 1.000000e+00 : f32
    %jit3A_108 = arith.constant 0.000000e+00 : f32
    %broadcast_in_dim3A_109 = vector.broadcast %jit3A_107 : f32 to vector<4x128xf32>
    %broadcast_in_dim3A_110 = vector.broadcast %jit3A_108 : f32 to vector<4x128xf32>
    %select_n3A_111 = arith.select %and3A, %broadcast_in_dim3A_109, %broadcast_in_dim3A_110 : vector<4x128xi1>, vector<4x128xf32>
    %dot_general3A_112 = arith.constant dense<0.000000e+00> : vector<1024x128xf32>
    %dot_general3A_113 = tpu.matmul %get3A_7, %select_n3A_111, %dot_general3A_112 {dimension_numbers = #tpu.dot_dimension_numbers<[0], [0], [1], [1], [0, 1, 1, 1], [], []>, transpose_lhs_hint = false} : vector<4x1024xf32>, vector<4x128xf32>, vector<1024x128xf32> -> vector<1024x128xf32>
    %iota3A_114 = tpu.iota {dimensions = array<i32: 1>} : vector<1x128xi32>
    %eq3A_115 = arith.constant 3 : i32
    %eq3A_116 = vector.broadcast %eq3A_115 : i32 to vector<1x128xi32>
    %eq3A_117 = arith.cmpi eq, %iota3A_114, %eq3A_116 : vector<1x128xi32>
    %jit3A_118 = arith.constant 1.000000e+00 : f32
    %jit3A_119 = arith.constant 0.000000e+00 : f32
    %broadcast_in_dim3A_120 = vector.broadcast %jit3A_118 : f32 to vector<1x128xf32>
    %broadcast_in_dim3A_121 = vector.broadcast %jit3A_119 : f32 to vector<1x128xf32>
    %select_n3A_122 = arith.select %eq3A_117, %broadcast_in_dim3A_120, %broadcast_in_dim3A_121 : vector<1x128xi1>, vector<1x128xf32>
    %mul3A_123 = vector.broadcast %convert_element_type3A_100 : vector<1024x1xf32> to vector<1024x128xf32>
    %mul3A_124 = arith.mulf %mul3A_62, %mul3A_123 : vector<1024x128xf32>
    %swap3A = arith.constant 0 : index
    %swap3A_125 = arith.constant 0 : index
    %swap3A_126 = vector.load %arg14[%swap3A, %swap3A_125] : memref<1024x128xf32, #tpu.memory_space<vmem>>, vector<1024x128xf32>
    tpu.vector_store %arg14[%swap3A, %swap3A_125], %mul3A_124 {strides = array<i32>} : memref<1024x128xf32, #tpu.memory_space<vmem>>, vector<1024x128xf32>,
    %mul3A_127 = arith.mulf %add3A_92, %convert_element_type3A_100 : vector<1024x1xf32>
    %mul3A_128 = vector.broadcast %mul3A_127 : vector<1024x1xf32> to vector<1024x128xf32>
    %mul3A_129 = arith.mulf %dot_general3A_113, %mul3A_128 : vector<1024x128xf32>
    %mul3A_130 = vector.broadcast %convert_element_type3A_100 : vector<1024x1xf32> to vector<1024x128xf32>
    %mul3A_131 = vector.broadcast %select_n3A_122 : vector<1x128xf32> to vector<1024x128xf32>
    %mul3A_132 = arith.mulf %mul3A_130, %mul3A_131 : vector<1024x128xf32>
    %add3A_133 = arith.addf %mul3A_129, %mul3A_132 : vector<1024x128xf32>
    %swap3A_134 = arith.constant 0 : index
    %swap3A_135 = arith.constant 0 : index
    %swap3A_136 = vector.load %arg15[%swap3A_134, %swap3A_135] : memref<1024x128xf32, #tpu.memory_space<vmem>>, vector<1024x128xf32>
    tpu.vector_store %arg15[%swap3A_134, %swap3A_135], %add3A_133 {strides = array<i32>} : memref<1024x128xf32, #tpu.memory_space<vmem>>, vector<1024x128xf32>,
    return
  }
  func.func @transform_0(%arg0: i32) -> (i32, i32) {
    %c0_i32 = arith.constant 0 : i32
    %c0_i32_0 = arith.constant 0 : i32
    return %arg0, %c0_i32 : i32, i32
  }
  func.func @transform_1(%arg0: i32) -> (i32, i32) {
    %c0_i32 = arith.constant 0 : i32
    %c0_i32_0 = arith.constant 0 : i32
    return %arg0, %c0_i32 : i32, i32
  }
  func.func @transform_2(%arg0: i32) -> (i32, i32) {
    %c0_i32 = arith.constant 0 : i32
    %c0_i32_0 = arith.constant 0 : i32
    return %c0_i32, %arg0 : i32, i32
  }
  func.func @transform_3(%arg0: i32) -> (i32, i32) {
    %c0_i32 = arith.constant 0 : i32
    %c0_i32_0 = arith.constant 0 : i32
    %c0_i32_1 = arith.constant 0 : i32
    return %c0_i32, %c0_i32_0 : i32, i32
  }
  func.func @transform_4(%arg0: i32) -> (i32, i32) {
    %c0_i32 = arith.constant 0 : i32
    %c0_i32_0 = arith.constant 0 : i32
    %c0_i32_1 = arith.constant 0 : i32
    return %c0_i32, %c0_i32_0 : i32, i32
  }
  func.func @transform_5(%arg0: i32) -> (i32, i32) {
    %c0_i32 = arith.constant 0 : i32
    %c0_i32_0 = arith.constant 0 : i32
    %c0_i32_1 = arith.constant 0 : i32
    return %c0_i32, %c0_i32_0 : i32, i32
  }
  func.func @transform_6(%arg0: i32) -> (i32, i32) {
    %c0_i32 = arith.constant 0 : i32
    %c0_i32_0 = arith.constant 0 : i32
    %c0_i32_1 = arith.constant 0 : i32
    return %c0_i32, %c0_i32_0 : i32, i32
  }
  func.func @transform_7(%arg0: i32) -> (i32, i32) {
    %c0_i32 = arith.constant 0 : i32
    %c0_i32_0 = arith.constant 0 : i32
    %c0_i32_1 = arith.constant 0 : i32
    return %c0_i32, %c0_i32_0 : i32, i32
  }
  func.func @transform_8(%arg0: i32) -> (i32, i32) {
    %c0_i32 = arith.constant 0 : i32
    %c0_i32_0 = arith.constant 0 : i32
    %c0_i32_1 = arith.constant 0 : i32
    return %c0_i32, %c0_i32_0 : i32, i32
  }
  func.func @transform_9(%arg0: i32) -> (i32, i32) {
    %c0_i32 = arith.constant 0 : i32
    %c0_i32_0 = arith.constant 0 : i32
    %c0_i32_1 = arith.constant 0 : i32
    return %c0_i32, %c0_i32_0 : i32, i32
  }
  func.func @transform_10(%arg0: i32) -> (i32, i32) {
    %c0_i32 = arith.constant 0 : i32
    %c0_i32_0 = arith.constant 0 : i32
    %c0_i32_1 = arith.constant 0 : i32
    return %c0_i32, %c0_i32_0 : i32, i32
  }
  func.func @transform_11(%arg0: i32) -> (i32, i32) {
    %c0_i32 = arith.constant 0 : i32
    %c0_i32_0 = arith.constant 0 : i32
    %c0_i32_1 = arith.constant 0 : i32
    return %c0_i32, %c0_i32_0 : i32, i32
  }
  func.func @transform_12(%arg0: i32) -> (i32, i32) {
    %c0_i32 = arith.constant 0 : i32
    %c0_i32_0 = arith.constant 0 : i32
    %c0_i32_1 = arith.constant 0 : i32
    return %c0_i32, %c0_i32_0 : i32, i32
  }
  func.func @transform_13(%arg0: i32) -> (i32, i32) {
    %c0_i32 = arith.constant 0 : i32
    %c0_i32_0 = arith.constant 0 : i32
    return %arg0, %c0_i32 : i32, i32
  }
  func.func @transform_14(%arg0: i32) -> (i32, i32) {
    %c0_i32 = arith.constant 0 : i32
    %c0_i32_0 = arith.constant 0 : i32
    return %arg0, %c0_i32 : i32, i32
  }
}

module attributes {stable_mosaic.version = 14 : i64} {
  func.func @_node_body(%arg0: i32, %arg1: memref<1024x128xf32, #tpu.memory_space<vmem>>, %arg2: memref<1024x128xf32, #tpu.memory_space<vmem>>, %arg3: memref<1024x128xf32, #tpu.memory_space<vmem>>, %arg4: memref<8x10240xf32, #tpu.memory_space<vmem>>, %arg5: memref<128x128xf32, #tpu.memory_space<vmem>>, %arg6: memref<128x128xf32, #tpu.memory_space<vmem>>, %arg7: memref<1x128xf32, #tpu.memory_space<vmem>>, %arg8: memref<128x128xf32, #tpu.memory_space<vmem>>, %arg9: memref<1x128xf32, #tpu.memory_space<vmem>>, %arg10: memref<1024x128xf32, #tpu.memory_space<vmem>>, %arg11: memref<8x10240xf32, #tpu.memory_space<vmem>>) attributes {dimension_semantics = [#tpu.dimension_semantics<arbitrary>], iteration_bounds = array<i64: 10>, scalar_prefetch = 0 : i64, scratch_operands = 0 : i64, tpu.core_type = #tpu.core_type<tc>, window_params = [{transform_indices = @transform_0, window_bounds = array<i64: 1024, 128>}, {transform_indices = @transform_1, window_bounds = array<i64: 1024, 128>}, {transform_indices = @transform_2, window_bounds = array<i64: 1024, 128>}, {pipeline_mode = #tpu.pipeline_mode<synchronous>, transform_indices = @transform_3, window_bounds = array<i64: 8, 10240>}, {pipeline_mode = #tpu.pipeline_mode<synchronous>, transform_indices = @transform_4, window_bounds = array<i64: 128, 128>}, {pipeline_mode = #tpu.pipeline_mode<synchronous>, transform_indices = @transform_5, window_bounds = array<i64: 128, 128>}, {pipeline_mode = #tpu.pipeline_mode<synchronous>, transform_indices = @transform_6, window_bounds = array<i64: 1, 128>}, {pipeline_mode = #tpu.pipeline_mode<synchronous>, transform_indices = @transform_7, window_bounds = array<i64: 128, 128>}, {pipeline_mode = #tpu.pipeline_mode<synchronous>, transform_indices = @transform_8, window_bounds = array<i64: 1, 128>}, {transform_indices = @transform_9, window_bounds = array<i64: 1024, 128>}, {pipeline_mode = #tpu.pipeline_mode<synchronous>, transform_indices = @transform_10, window_bounds = array<i64: 8, 10240>}]} {
    %get3A = arith.constant 0 : index
    %get3A_0 = arith.constant 0 : index
    %get3A_1 = vector.load %arg1[%get3A, %get3A_0] : memref<1024x128xf32, #tpu.memory_space<vmem>>, vector<1024x128xf32>
    %get3A_2 = arith.constant 0 : index
    %get3A_3 = arith.constant 0 : index
    %get3A_4 = vector.load %arg2[%get3A_2, %get3A_3] : memref<1024x128xf32, #tpu.memory_space<vmem>>, vector<1024x128xf32>
    %get3A_5 = arith.constant 0 : index
    %get3A_6 = arith.constant 0 : index
    %get3A_7 = vector.load %arg5[%get3A_5, %get3A_6] : memref<128x128xf32, #tpu.memory_space<vmem>>, vector<128x128xf32>
    %dot_general3A = arith.constant dense<0.000000e+00> : vector<1024x128xf32>
    %dot_general3A_8 = tpu.matmul %get3A_1, %get3A_7, %dot_general3A {dimension_numbers = #tpu.dot_dimension_numbers<[1], [0], [0], [1], [0, 0, 1, 1], [], []>, transpose_lhs_hint = false} : vector<1024x128xf32>, vector<128x128xf32>, vector<1024x128xf32> -> vector<1024x128xf32>
    %get3A_9 = arith.constant 0 : index
    %get3A_10 = arith.constant 0 : index
    %get3A_11 = vector.load %arg6[%get3A_9, %get3A_10] : memref<128x128xf32, #tpu.memory_space<vmem>>, vector<128x128xf32>
    %dot_general3A_12 = arith.constant dense<0.000000e+00> : vector<1024x128xf32>
    %dot_general3A_13 = tpu.matmul %get3A_4, %get3A_11, %dot_general3A_12 {dimension_numbers = #tpu.dot_dimension_numbers<[1], [0], [0], [1], [0, 0, 1, 1], [], []>, transpose_lhs_hint = false} : vector<1024x128xf32>, vector<128x128xf32>, vector<1024x128xf32> -> vector<1024x128xf32>
    %add3A = arith.addf %dot_general3A_8, %dot_general3A_13 : vector<1024x128xf32>
    %get3A_14 = arith.constant 0 : index
    %get3A_15 = arith.constant 0 : index
    %get3A_16 = vector.load %arg7[%get3A_14, %get3A_15] : memref<1x128xf32, #tpu.memory_space<vmem>>, vector<1x128xf32>
    %get3A_17 = vector.shape_cast %get3A_16 : vector<1x128xf32> to vector<128xf32>
    %broadcast_in_dim3A = vector.shape_cast %get3A_17 : vector<128xf32> to vector<1x128xf32>
    %add3A_18 = vector.broadcast %broadcast_in_dim3A : vector<1x128xf32> to vector<1024x128xf32>
    %add3A_19 = arith.addf %add3A, %add3A_18 : vector<1024x128xf32>
    %logistic3A = arith.negf %add3A_19 : vector<1024x128xf32>
    %logistic3A_20 = math.exp %logistic3A : vector<1024x128xf32>
    %logistic3A_21 = arith.constant 1.000000e+00 : f32
    %logistic3A_22 = vector.broadcast %logistic3A_21 : f32 to vector<1024x128xf32>
    %logistic3A_23 = arith.addf %logistic3A_22, %logistic3A_20 : vector<1024x128xf32>
    %logistic3A_24 = arith.divf %logistic3A_22, %logistic3A_23 : vector<1024x128xf32>
    %mul3A = arith.mulf %add3A_19, %logistic3A_24 : vector<1024x128xf32>
    %get3A_25 = arith.constant 0 : index
    %get3A_26 = arith.constant 0 : index
    %get3A_27 = vector.load %arg8[%get3A_25, %get3A_26] : memref<128x128xf32, #tpu.memory_space<vmem>>, vector<128x128xf32>
    %dot_general3A_28 = arith.constant dense<0.000000e+00> : vector<1024x128xf32>
    %dot_general3A_29 = tpu.matmul %mul3A, %get3A_27, %dot_general3A_28 {dimension_numbers = #tpu.dot_dimension_numbers<[1], [0], [0], [1], [0, 0, 1, 1], [], []>, transpose_lhs_hint = false} : vector<1024x128xf32>, vector<128x128xf32>, vector<1024x128xf32> -> vector<1024x128xf32>
    %get3A_30 = arith.constant 0 : index
    %get3A_31 = arith.constant 0 : index
    %get3A_32 = vector.load %arg9[%get3A_30, %get3A_31] : memref<1x128xf32, #tpu.memory_space<vmem>>, vector<1x128xf32>
    %get3A_33 = vector.shape_cast %get3A_32 : vector<1x128xf32> to vector<128xf32>
    %broadcast_in_dim3A_34 = vector.shape_cast %get3A_33 : vector<128xf32> to vector<1x128xf32>
    %add3A_35 = vector.broadcast %broadcast_in_dim3A_34 : vector<1x128xf32> to vector<1024x128xf32>
    %add3A_36 = arith.addf %dot_general3A_29, %add3A_35 : vector<1024x128xf32>
    %swap3A = arith.constant 0 : index
    %swap3A_37 = arith.constant 0 : index
    %swap3A_38 = vector.load %arg10[%swap3A, %swap3A_37] : memref<1024x128xf32, #tpu.memory_space<vmem>>, vector<1024x128xf32>
    tpu.vector_store %arg10[%swap3A, %swap3A_37], %add3A_36 {strides = array<i32>} : memref<1024x128xf32, #tpu.memory_space<vmem>>, vector<1024x128xf32>,
    %iota3A = tpu.iota {dimensions = array<i32: 0>} : vector<8x128xi32>
    %iota3A_39 = tpu.iota {dimensions = array<i32: 1>} : vector<8x128xi32>
    %eq3A = arith.cmpi eq, %iota3A, %iota3A_39 : vector<8x128xi32>
    %jit3A = arith.constant 1.000000e+00 : f32
    %jit3A_40 = arith.constant 0.000000e+00 : f32
    %broadcast_in_dim3A_41 = vector.broadcast %jit3A : f32 to vector<8x128xf32>
    %broadcast_in_dim3A_42 = vector.broadcast %jit3A_40 : f32 to vector<8x128xf32>
    %select_n3A = arith.select %eq3A, %broadcast_in_dim3A_41, %broadcast_in_dim3A_42 : vector<8x128xi1>, vector<8x128xf32>
    %get3A_43 = arith.constant 0 : index
    %get3A_44 = arith.constant 0 : index
    %get3A_45 = vector.load %arg3[%get3A_43, %get3A_44] : memref<1024x128xf32, #tpu.memory_space<vmem>>, vector<1024x128xf32>
    %dot_general3A_46 = arith.constant dense<0.000000e+00> : vector<8x1024xf32>
    %dot_general3A_47 = tpu.matmul %select_n3A, %get3A_45, %dot_general3A_46 {dimension_numbers = #tpu.dot_dimension_numbers<[1], [1], [0], [0], [0, 0, 1, 0], [], []>, transpose_lhs_hint = false} : vector<8x128xf32>, vector<1024x128xf32>, vector<8x1024xf32> -> vector<8x1024xf32>
    %slice3A = vector.extract_strided_slice %dot_general3A_47 {offsets = [3, 0], sizes = [1, 1024], strides = [1, 1]} : vector<8x1024xf32> to vector<1x1024xf32>
    %max3A = arith.constant 1.000000e+00 : f32
    %max3A_48 = vector.broadcast %max3A : f32 to vector<1x1024xf32>
    %max3A_49 = arith.maximumf %slice3A, %max3A_48 : vector<1x1024xf32>
    %mul3A_50 = arith.constant 1024 : i32
    %mul3A_51 = arith.muli %arg0, %mul3A_50 : i32
    %get3A_52 = arith.constant 0 : index
    %get3A_53 = arith.index_cast %mul3A_51 : i32 to index
    %get3A_54 = vector.load %arg4[%get3A_52, %get3A_53] : memref<8x10240xf32, #tpu.memory_space<vmem>>, vector<8x1024xf32>
    %div3A = arith.constant 1.000000e+00 : f32
    %div3A_55 = vector.broadcast %div3A : f32 to vector<1x1024xf32>
    %div3A_56 = arith.divf %div3A_55, %max3A_49 : vector<1x1024xf32>
    %mul3A_57 = vector.broadcast %div3A_56 : vector<1x1024xf32> to vector<8x1024xf32>
    %mul3A_58 = arith.mulf %dot_general3A_47, %mul3A_57 : vector<8x1024xf32>
    %add3A_59 = arith.addf %get3A_54, %mul3A_58 : vector<8x1024xf32>
    %swap3A_60 = arith.constant 0 : index
    %swap3A_61 = arith.index_cast %mul3A_51 : i32 to index
    %swap3A_62 = vector.load %arg11[%swap3A_60, %swap3A_61] : memref<8x10240xf32, #tpu.memory_space<vmem>>, vector<8x1024xf32>
    tpu.vector_store %arg11[%swap3A_60, %swap3A_61], %add3A_59 {strides = array<i32>} : memref<8x10240xf32, #tpu.memory_space<vmem>>, vector<8x1024xf32>,
    return
  }
  func.func @transform_0(%arg0: i32) -> (i32, i32) {
    %c0_i32 = arith.constant 0 : i32
    %c0_i32_0 = arith.constant 0 : i32
    return %arg0, %c0_i32 : i32, i32
  }
  func.func @transform_1(%arg0: i32) -> (i32, i32) {
    %c0_i32 = arith.constant 0 : i32
    %c0_i32_0 = arith.constant 0 : i32
    return %arg0, %c0_i32 : i32, i32
  }
  func.func @transform_2(%arg0: i32) -> (i32, i32) {
    %c0_i32 = arith.constant 0 : i32
    %c0_i32_0 = arith.constant 0 : i32
    return %arg0, %c0_i32 : i32, i32
  }
  func.func @transform_3(%arg0: i32) -> (i32, i32) {
    %c0_i32 = arith.constant 0 : i32
    %c0_i32_0 = arith.constant 0 : i32
    %c0_i32_1 = arith.constant 0 : i32
    return %c0_i32, %c0_i32_0 : i32, i32
  }
  func.func @transform_4(%arg0: i32) -> (i32, i32) {
    %c0_i32 = arith.constant 0 : i32
    %c0_i32_0 = arith.constant 0 : i32
    %c0_i32_1 = arith.constant 0 : i32
    return %c0_i32, %c0_i32_0 : i32, i32
  }
  func.func @transform_5(%arg0: i32) -> (i32, i32) {
    %c0_i32 = arith.constant 0 : i32
    %c0_i32_0 = arith.constant 0 : i32
    %c0_i32_1 = arith.constant 0 : i32
    return %c0_i32, %c0_i32_0 : i32, i32
  }
  func.func @transform_6(%arg0: i32) -> (i32, i32) {
    %c0_i32 = arith.constant 0 : i32
    %c0_i32_0 = arith.constant 0 : i32
    %c0_i32_1 = arith.constant 0 : i32
    return %c0_i32, %c0_i32_0 : i32, i32
  }
  func.func @transform_7(%arg0: i32) -> (i32, i32) {
    %c0_i32 = arith.constant 0 : i32
    %c0_i32_0 = arith.constant 0 : i32
    %c0_i32_1 = arith.constant 0 : i32
    return %c0_i32, %c0_i32_0 : i32, i32
  }
  func.func @transform_8(%arg0: i32) -> (i32, i32) {
    %c0_i32 = arith.constant 0 : i32
    %c0_i32_0 = arith.constant 0 : i32
    %c0_i32_1 = arith.constant 0 : i32
    return %c0_i32, %c0_i32_0 : i32, i32
  }
  func.func @transform_9(%arg0: i32) -> (i32, i32) {
    %c0_i32 = arith.constant 0 : i32
    %c0_i32_0 = arith.constant 0 : i32
    return %arg0, %c0_i32 : i32, i32
  }
  func.func @transform_10(%arg0: i32) -> (i32, i32) {
    %c0_i32 = arith.constant 0 : i32
    %c0_i32_0 = arith.constant 0 : i32
    %c0_i32_1 = arith.constant 0 : i32
    return %c0_i32, %c0_i32_0 : i32, i32
  }
}

</mosaic_0001>

<sc_bundles>
// kernel: kernel.14.cloned.1.call-start
scs
__scs_entry_jumppad:
0x0: {  	(pc) =	sbr.rel $0x88, $3  }
0x1: {  	(tag) =	ssettag $0x0;
	lr =	simm.s32 $0x1  }
0x2: {  	[smem:$0x3F92] =	sst lr;
	_ =	strace $0xD0000000  }
0x3: {  	_ = 	snop  }
0x4: {  	_ = 	snop  }
0x5: {  	_ = 	snop  }
0x6: {  	_ = 	snop  }
0x7: {  	_ = 	snop  }
__scs_overlays_trampoline_lowered:
0x8: {  	[smem:$0x3FA1] =	sst s0  }
0x9: {  	[smem:$0x3FA2] =	sst s1  }
0xa: {  	[smem:$0x3FA3] =	sst s2  }
0xb: {  	[smem:$0x3FA4] =	sst s3  }
0xc: {  	[smem:$0x3FA5] =	sst s4  }
0xd: {  	[smem:$0x3FA6] =	sst s5  }
0xe: {  	[smem:$0x3FA7] =	sst s6  }
0xf: {  	[smem:$0x3FA8] =	sst s7  }
0x10: {  	[smem:$0x3FA9] =	sst s8  }
0x11: {  	[smem:$0x3FAA] =	sst s9;
	s0 =	simm.s32 @!p0 $0x0  }
0x12: {  	s1 =	sld [smem:$0x3F90];
	s0 =	simm.s32 @p0 $0x1  }
0x13: {  	[smem:$0x3FAB] =	sst s0;
	s0 =	simm.s32 @!p1 $0x0  }
0x14: {  	s2 =	sld [smem:$0x3F8F];
	s0 =	simm.s32 @p1 $0x1  }
0x15: {  	[smem:$0x3FAC] =	sst s0;
	s0 =	simm.s32 @!p2 $0x0  }
0x16: {  	s3 =	sld [smem:$0x3FDB];
	s0 =	simm.s32 @p2 $0x1  }
0x17: {  	s4 =	simm.s32 $0x1BF5;
	[smem:$0x3FAE] =	sst s0  }
0x18: {  	s0 =	sld [smem:$0x3F91];
	_ =	swait.ge [sflag:s4], $0x0  }
0x19: {  	s7 =	sld [smem:$0x3F92]  }
0x1a: {  	s8 =	sadd.s32 $0xFFFFE003, lr  }
0x1b: {  	s9 =	sadd.s32 $0xFFFFFEF7, lr;
	s5 =	simm.s32 $0xFFFFFFFF;
	p2 =	slt.u32 s8, $0xFFFFF086  }
0x1c: {  	p1 =	slt.u32 s9, $0xF7A;
	s5 =	simm.s32 @!p2 $0x0  }
0x1d: {  	s5 =	simm.s32 @p1 $0x1;
	p0 =	seq.s32 s7, s2  }
0x1e: {  	s7 =	smul.u32 @!p0 $0xF7A, s2;
	p2 =	seq.s32 @!p0 s5, $0x0  }
0x1f: {  	s9 =	smul.u32 $0xF7A, s1;
	s8 =	simm.s32 @!p0 $0x1BF5;
	p2 =	por !p2, p0  }
0x20: {  	[sflag:s8] =	ssyncset.s32 @!p0 $0xFFFFF086;
	s6 =	sadd.s32 @!p0 s3, s7;
	s7 =	simm.s32 @!p0 $0x108  }
0x21: {  	s3 =	sadd.s32 s3, s9;
	s6 =	sadd.s32 @!p0 $0x88, s6;
	s7 =	simm.s32 @p2 $0x1082  }
0x22: {  	[simem:s7], [sflag:s8] =	dma.local @!p0 [hbm:s6], $0xF7A  }
0x23: {  	s9 =	sor.u32 $0xD0000000, s2;
	s6 =	simm.s32 $0x108;
	_ =	swait.ge @!p0 [sflag:s8], $0x0  }
0x24: {  	s3 =	sadd.s32 $0x88, s3;
	s6 =	simm.s32 @!p1 $0x1082;
	[sflag:s4] =	ssyncset.s32 $0xFFFFF086  }
0x25: {  	[simem:s6], [sflag:s4] =	dma.local [hbm:s3], $0xF7A  }
0x26: {  	[smem:$0x3F92] =	sst s1;
	(tag) =	ssettag s2;
	_ =	strace s9  }
0x27: {  	s1 =	sld [smem:$0x3FA2]  }
0x28: {  	s2 =	sld [smem:$0x3FA3]  }
0x29: {  	s4 =	sld [smem:$0x3FA5]  }
0x2a: {  	p0 =	seq.s32 s5, $0x0;
	s5 =	sld [smem:$0x3FA6]  }
0x2b: {  	s6 =	sld [smem:$0x3FA7]  }
0x2c: {  	s7 =	sld [smem:$0x3FA8]  }
0x2d: {  	s3 =	simm.s32 $0x108;
	s8 =	sld [smem:$0x3FA9]  }
0x2e: {  	s3 =	simm.s32 @!p0 $0x1082;
	s9 =	sld [smem:$0x3FAA]  }
0x2f: {  	lr =	sadd.s32 s0, s3;
	s0 =	sld [smem:$0x3FA1]  }
0x30: {  	s3 =	sld [smem:$0x3FA4]  }
0x31: {  	[smem:$0x3FAD] =	sst s10  }
0x32: {  	s10 =	sld [smem:$0x3FAB];
	_ =	sdelay $0x3  }
0x33: {  	p0 =	seq.s32 s10, $0x1;
	s10 =	sld [smem:$0x3FAD];
	_ =	sdelay $0x3  }
0x34: {  	[smem:$0x3FAD] =	sst s10  }
0x35: {  	s10 =	sld [smem:$0x3FAC];
	_ =	sdelay $0x3  }
0x36: {  	p1 =	seq.s32 s10, $0x1;
	s10 =	sld [smem:$0x3FAD];
	_ =	sdelay $0x3  }
0x37: {  	[smem:$0x3FAD] =	sst s10  }
0x38: {  	s10 =	sld [smem:$0x3FAE]  }
0x39: {  	_ = 	snop;
	(pc) =	sbr.ind lr, $3  }
0x3a: {  	_ = 	snop  }
0x3b: {  	_ = 	snop  }
0x3c: {  	p2 =	seq.s32 s10, $0x1;
	s10 =	sld [smem:$0x3FAD]  }
0x3d: {  	_ =	shalt  }
0x3e: {  	_ =	shalt  }
0x3f: {  	_ =	shalt  }
0x40: {  	_ =	shalt  }
0x41: {  	_ =	shalt  }
0x42: {  	_ =	shalt  }
0x43: {  	_ =	shalt  }
0x44: {  	_ =	shalt  }
0x45: {  	_ =	shalt  }
0x46: {  	_ =	shalt  }
0x47: {  	_ =	shalt  }
0x48: {  	_ =	shalt  }
0x49: {  	_ =	shalt  }
0x4a: {  	_ =	shalt  }
0x4b: {  	_ =	shalt  }
0x4c: {  	_ =	shalt  }
0x4d: {  	_ =	shalt  }
0x4e: {  	_ =	shalt  }
0x4f: {  	_ =	shalt  }
0x50: {  	_ =	shalt  }
0x51: {  	_ =	shalt  }
0x52: {  	_ =	shalt  }
0x53: {  	_ =	shalt  }
0x54: {  	_ =	shalt  }
0x55: {  	_ =	shalt  }
0x56: {  	_ =	shalt  }
0x57: {  	_ =	shalt  }
0x58: {  	_ =	shalt  }
0x59: {  	_ =	shalt  }
0x5a: {  	_ =	shalt  }
0x5b: {  	_ =	shalt  }
0x5c: {  	_ =	shalt  }
0x5d: {  	_ =	shalt  }
0x5e: {  	_ =	shalt  }
0x5f: {  	_ =	shalt  }
0x60: {  	_ =	shalt  }
0x61: {  	_ =	shalt  }
0x62: {  	_ =	shalt  }
0x63: {  	_ =	shalt  }
0x64: {  	_ =	shalt  }
0x65: {  	_ =	shalt  }
0x66: {  	_ =	shalt  }
0x67: {  	_ =	shalt  }
0x68: {  	_ =	shalt  }
0x69: {  	_ =	shalt  }
0x6a: {  	_ =	shalt  }
0x6b: {  	_ =	shalt  }
0x6c: {  	_ =	shalt  }
0x6d: {  	_ =	shalt  }
0x6e: {  	_ =	shalt  }
0x6f: {  	_ =	shalt  }
0x70: {  	_ =	shalt  }
0x71: {  	_ =	shalt  }
0x72: {  	_ =	shalt  }
0x73: {  	_ =	shalt  }
0x74: {  	_ =	shalt  }
0x75: {  	_ =	shalt  }
0x76: {  	_ =	shalt  }
0x77: {  	_ =	shalt  }
0x78: {  	_ =	shalt  }
0x79: {  	_ =	shalt  }
0x7a: {  	_ =	shalt  }
0x7b: {  	_ =	shalt  }
0x7c: {  	_ =	shalt  }
0x7d: {  	_ =	shalt  }
0x7e: {  	_ =	shalt  }
0x7f: {  	_ =	shalt  }
0x80: {  	_ =	shalt  }
0x81: {  	_ =	shalt  }
0x82: {  	_ =	shalt  }
0x83: {  	_ =	shalt  }
0x84: {  	_ =	shalt  }
0x85: {  	_ =	shalt  }
0x86: {  	_ =	shalt  }
0x87: {  	_ =	shalt  }
.Lfunc_end0:
.L_simem_size_0:
called_computation_lowered:
.L_overlay_start_0:
0x88: {  	s2 =	sld [smem:$0x3FD9]  }
0x89: {  	s3 =	sld [smem:$0x3FFE];
	_ =	sdelay $0x1  }
0x8a: {  	s1 =	srdreg.scid  }
0x8b: {  	s0 =	sand.u32 $0x1, s1  }
0x8c: {  	s14 =	sshll.u32 s0, $0xA;
	s2 =	sadd.s32 s3, s2  }
0x8d: {  	s2 =	sadd.s32 s2, s14  }
0x8e: {  	[smem:$0x3FB9] =	sst s2  }
0x8f: {  	_ = 	snop  }
0x90: {  	s2 =	sld [smem:$0x3FD0];
	_ =	sdelay $0x2  }
0x91: {  	s15 =	simm.s32 $0xA;
	s4 =	simm.s32 $0x10  }
0x92: {  	[smem:s4], [sflag:s15] =	dma.local [hbm:s2], $0x1  }
0x93: {  	_ =	swait.eq [sflag:s15], $0x1  }
0x94: {  	[sflag:s15] =	ssyncset.done $0x0  }
0x95: {  	[sflag:s15] =	ssyncadd.s32 $0xFFFFFFFF  }
0x96: {  	s16 =	sld [smem:$0x10];
	(tm) =	ssettm $0x1  }
0x97: {  	s17 =	sld [smem:$0x3FFB];
	_ =	sdelay $0x3  }
0x98: {  	_ =	strace s17  }
0x99: {  	s3 =	sld [smem:$0x3FFC];
	_ =	sdelay $0x3  }
0x9a: {  	_ =	strace s3  }
0x9b: {  	s3 =	sld [smem:$0x3FFD];
	_ =	sdelay $0x3  }
0x9c: {  	_ =	strace s3  }
0x9d: {  	_ =	strace $0x8FFFFFFF  }
0x9e: {  	s18 =	sld [smem:$0x3FDB];
	_ =	sdelay $0x1  }
0x9f: {  	s19 =	simm.s32 $_scs_section_size  }
0xa0: {  	s5 =	simm.s32 $_size__tile_overlayer_lowered;
	s6 =	simm.s32 $_tile_overlayer_lowered  }
0xa1: {  	s22 =	simm.s32 $0x1BFF;
	s21 =	sshll.u32 s6, $0x1;
	s3 =	sadd.s32 s19, s18  }
0xa2: {  	s7 =	simm.s32 $0x0;
	s20 =	sshll.u32 s5, $0x1;
	s5 =	sadd.s32 s21, s3  }
0xa3: {  	[timem:s7], [sflag:s22] =	dma.local [hbm:s5], s20  }
0xa4: {  	_ =	swait.ge [sflag:s22], s20  }
0xa5: {  	s4 =	ssub.s32 $0x0, s20;
	[sflag:s22] =	ssyncset.done $0x0  }
0xa6: {  	[sflag:s22] =	ssyncadd.s32 s4;
	_ =	sdelay $0x1  }
0xa7: {  	s23 =	simm.s32 $0x1B8B  }
0xa8: {  	_ =	swait.ge [sflag:s23], $0x1  }
0xa9: {  	[sflag:s23] =	ssyncset.done $0x0  }
0xaa: {  	s25 =	simm.s32 $0x1B8E;
	s24 =	sld [smem:$0x3FFE];
	[sflag:s23] =	ssyncadd.s32 $0xFFFFFFFF  }
0xab: {  	s26 =	simm.s32 $execute0_lowered;
	[smem:$0x3FD2] =	sst s25  }
0xac: {  	s5 =	sshll.u32 s26, $0x1;
	_ =	strace $0x80000046;
	[dreg:$0x1] =	wrdreg $0xFFFFFFFF  }
0xad: {  	s28 =	simm.s32 $_size_execute0_lowered;
	s3 =	sadd.s32 s3, s5;
	[dreg:$0x0] =	wrdreg $0x0  }
0xae: {  	s5 =	sshll.u32 s28, $0x1;
	[dreg:$0x2] =	wrdreg s3  }
0xaf: {  	[dreg:$0x3] =	wrdreg s5  }
0xb0: {  	[dreg:$0x4] =	wrdreg $0xC0  }
0xb1: {  	_ =	task [dreg:s7], $0x5FFFF  }
0xb2: {  	[dreg:$0x1] =	wrdreg $0xFFFFFFFF  }
0xb3: {  	[dreg:$0x0] =	wrdreg $0x60  }
0xb4: {  	[dreg:$0x2] =	wrdreg s24  }
0xb5: {  	[dreg:$0x3] =	wrdreg s16  }
0xb6: {  	[dreg:$0x4] =	wrdreg $0x9  }
0xb7: {  	_ =	task.clear_ibuf [dreg:s7], $0x5FFFF;
	_ =	strace $0x90000046  }
0xb8: {  	s29 =	simm.s32 $0x9;
	_ =	strace $0x80000048  }
0xb9: {  	_ =	swait.ge [sflag:s29], $0x1  }
0xba: {  	[sflag:s29] =	ssyncadd.s32 $0xFFFFFFFF  }
0xbb: {  	_ =	strace $0x90000048  }
0xbc: {  	_ =	sfence  }
0xbd: {  	s30 =	sld [smem:$0x0];
	_ =	sdelay $0x2  }
0xbe: {  	s31 =	sshll.u32 s1, $0xD;
	s1 =	sshrl.u32 s1, $0x2  }
0xbf: {  	s3 =	sand.u32 $0x4000, s31;
	s1 =	sadd.s32 s1, s30  }
0xc0: {  	s0 =	sor.u32 s3, s0;
	s1 =	sshll.u32 s1, $0x11  }
0xc1: {  	s0 =	sor.u32 s1, s0  }
0xc2: {  	s0 =	sadd.s32 $0x8F2B, s0  }
0xc3: {  	[sflag:s0] =	ssyncadd.remote.s32 $0x1  }
0xc4: {  	_ =	sfence.sel $0xFFFF  }
0xc5: {  	[dreg:$0x0] =	wrdreg $0xFFFFFFFF;
	(pc) =	sbr.abs _section_cstart, $3  }
0xc6: {  	[dreg:$0x1] =	wrdreg $0xFFFFFFFF  }
0xc7: {  	_ =	task.clear_ibuf [dreg:s7], $0x2FFFF;
	_ =	strace $0x9FFFFFFF  }
0xc8: {  	(tm) =	ssettm $0x7FFFFFFF  }
0xc9: {  	_ =	shalt  }
tec
execute0_lowered:
.L_overlay_start_1:
0x0: {  	(tag) =	ssettag $0x1  }
0x1: {  	s5 =	rddreg [dreg:$0x0];
	s1 =	srdreg.scid  }
0x2: {  	s0 =	stileid.u32;
	s10 =	rddreg [dreg:$0x1]  }
0x3: {  	s2 =	simm.s32 $0x0;
	s14 =	simm.s32 $0x80;
	s15 =	simm.s32 $0xA100  }
0x4: {  	s16 =	simm.s32 $0x1;
	s17 =	simm.s32 $0xE100;
	s18 =	simm.s32 $0x12100  }
0x5: {  	s19 =	simm.s32 $0x12180;
	s20 =	simm.s32 $0x12200;
	s21 =	simm.s32 $0x12280  }
0x6: {  	s6 =	sand.u32 $0x1, s1;
	s4 =	smul.u32 $0x4F00, s0;
	s1 =	rddreg [dreg:$0x2]  }
0x7: {  	s22 =	simm.s32 $0x0;
	[smem:$0x7FF] =	sst s2;
	s8 =	smul.u32 $0x4F000, s0  }
0x8: {  	s3 =	sadd.s32 $0x17200, s5;
	s7 =	smul.u32 $0x2780, s6;
	_ =	strace $0x80000047  }
0x9: {  	s12 =	ssub.s32 $0x2, s6;
	s6 =	smul.u32 $0x27800, s6;
	s8 =	sadd.s32 s8, s5  }
0xa: {  	s13 =	sshrl.u32 s12, $0x1;
	s7 =	sadd.s32 s7, s4;
	s4 =	sadd.s32 $0x15E00, s5  }
0xb: {  	s31 =	ssub.s32 s12, s13;
	s8 =	sadd.s32 s6, s8;
	s12 =	simm.s32 $0xA000  }
0xc: {  	s13 =	simm.s32 $0xA080;
	s11 =	sshrl.u32 s7, $0x3;
	s7 =	sshrl.u32 s7, $0x1  }
0xd: {  	s9 =	sadd.s32 s11, s5;
	s7 =	sadd.s32 s7, s5;
	s5 =	smax.u32 s31, $0x1  }
0xe: {  	s10 =	sadd.s32 s11, s10;
	s11 =	simm.s32 $0x2;
	s6 =	sadd.s32 $0x3F200, s7  }
0xf: {  	s7 =	sadd.s32 $0x66A00, s8;
	s8 =	sadd.s32 $0x556A00, s8;
	s9 =	sadd.s32 $0xC000, s9  }
.LBB2_1:
0x10: {  	[tilespmem:s2], [sflag:$0x2] =	stream.linear.gather [hbm4b:s4+s2], $0xA000, $0x38;
	[tilespmem:$0x12300] =	vst v63  }
0x11: {  	s23 =	smov.u32 s10;
	_ =	swait.ge [sflag:s11], $0xA000  }
0x12: {  	s24 =	smov.u32 s9;
	s25 =	smov.u32 s8;
	[sflag:s11] =	ssyncset.done $0x0  }
0x13: {  	s26 =	smov.u32 s7;
	s28 =	simm.s32 $0x0;
	[sflag:s11] =	ssyncadd.s32 $0xFFFF6000  }
.LBB2_2:
0x14: {  	[tilespmem:s12], [sflag:$0x2] =	stream.linear.gather [hbm4b:s23+s2], $0x80, $0x38;
	[tilespmem:$0x12300] =	vst v63  }
0x15: {  	_ =	swait.ge [sflag:s11], $0x80  }
0x16: {  	[sflag:s11] =	ssyncset.done $0x0  }
0x17: {  	[sflag:s11] =	ssyncadd.s32 $0xFFFFFF80  }
0x18: {  	[tilespmem:s13], [sflag:$0x2] =	stream.linear.gather [hbm4b:s24+s2], $0x80, $0x38;
	[tilespmem:$0x12300] =	vst v63  }
0x19: {  	_ =	swait.ge [sflag:s11], $0x80  }
0x1a: {  	[sflag:s11] =	ssyncset.done $0x0  }
0x1b: {  	[sflag:s11] =	ssyncadd.s32 $0xFFFFFF80  }
0x1c: {  	[tilespmem:s15], [sflag:$0x1] =	stream.indirect.gather [hbm4b:s3+s14], $0x80, s12, s14, $0xb8;
	[tilespmem:$0x12300] =	vst v63  }
0x1d: {  	_ =	swait.ge [sflag:s16], $0x4000  }
0x1e: {  	[sflag:s16] =	ssyncset.done $0x0  }
0x1f: {  	[sflag:s16] =	ssyncadd.s32 $0xFFFFC000  }
0x20: {  	[tilespmem:s17], [sflag:$0x1] =	stream.indirect.gather [hbm4b:s3+s14], $0x80, s13, s14, $0xb8;
	[tilespmem:$0x12300] =	vst v63  }
0x21: {  	_ =	swait.ge [sflag:s16], $0x4000  }
0x22: {  	[sflag:s16] =	ssyncset.done $0x0  }
0x23: {  	[sflag:s16] =	ssyncadd.s32 $0xFFFFC000  }
0x24: {  	v0 =	vld [tilespmem:$0xA000]  }
0x25: {  	v1 =	vld [tilespmem:$0xA080];
	_ =	sdelay $0x6  }
0x26: {  	v2 =	vld.idx.msk [tilespmem:v0+s2+$0x0], $0xffff  }
0x27: {  	v3 =	vld.idx.msk [tilespmem:v1+s2+$0x0], $0xffff;
	_ =	sdelay $0x2  }
0x28: {  	v4 =	vadd.s32 $0x2800, v0  }
0x29: {  	v5 =	vadd.s32 $0x2800, v1  }
0x2a: {  	v2 =	vsub.f32 v2, v3;
	_ =	sdelay $0x1  }
0x2b: {  	[tilespmem:$0x12100] =	vst v2  }
0x2c: {  	v56 =	vld.idx.msk [tilespmem:v4+s2+$0x0], $0xffff  }
0x2d: {  	v57 =	vld.idx.msk [tilespmem:v5+s2+$0x0], $0xffff;
	_ =	sdelay $0x2  }
0x2e: {  	v0 =	vadd.s32 $0x5000, v0  }
0x2f: {  	v1 =	vadd.s32 $0x5000, v1  }
0x30: {  	v3 =	vsub.f32 v56, v57;
	_ =	sdelay $0x1  }
0x31: {  	[tilespmem:$0x12180] =	vst v3  }
0x32: {  	v0 =	vld.idx.msk [tilespmem:v0+s2+$0x0], $0xffff  }
0x33: {  	v1 =	vld.idx.msk [tilespmem:v1+s2+$0x0], $0xffff;
	_ =	sdelay $0x3  }
0x34: {  	v58 =	vld [tilespmem:$0xA010]  }
0x35: {  	v59 =	vld [tilespmem:$0xA090];
	v2 =	vmul.f32 v2, v2;
	v3 =	vmul.f32 v3, v3;
	v0 =	vsub.f32 v0, v1;
	_ =	sdelay $0x1  }
0x36: {  	v2 =	vadd.f32 v3, v2;
	v60 =	vmul.f32 v0, v0;
	_ =	sdelay $0x1  }
0x37: {  	v2 =	vadd.f32 v60, v2  }
0x38: {  	[tilespmem:$0x12200] =	vst v0  }
0x39: {  	[tilespmem:$0x12280] =	vst v2  }
0x3a: {  	v0 =	vld.idx.msk [tilespmem:v58+s2+$0x0], $0xffff  }
0x3b: {  	v2 =	vld.idx.msk [tilespmem:v59+s2+$0x0], $0xffff;
	_ =	sdelay $0x2  }
0x3c: {  	v61 =	vadd.s32 $0x2800, v58  }
0x3d: {  	v62 =	vadd.s32 $0x2800, v59  }
0x3e: {  	v0 =	vsub.f32 v0, v2;
	_ =	sdelay $0x1  }
0x3f: {  	[tilespmem:$0x12110] =	vst v0  }
0x40: {  	v63 =	vld.idx.msk [tilespmem:v61+s2+$0x0], $0xffff  }
0x41: {  	v8 =	vld.idx.msk [tilespmem:v62+s2+$0x0], $0xffff;
	_ =	sdelay $0x2  }
0x42: {  	v4 =	vadd.s32 $0x5000, v58  }
0x43: {  	v1 =	vadd.s32 $0x5000, v59  }
0x44: {  	v2 =	vsub.f32 v63, v8;
	_ =	sdelay $0x1  }
0x45: {  	[tilespmem:$0x12190] =	vst v2  }
0x46: {  	v9 =	vld.idx.msk [tilespmem:v4+s2+$0x0], $0xffff  }
0x47: {  	v1 =	vld.idx.msk [tilespmem:v1+s2+$0x0], $0xffff;
	_ =	sdelay $0x3  }
0x48: {  	v10 =	vld [tilespmem:$0xA020]  }
0x49: {  	v11 =	vld [tilespmem:$0xA0A0];
	v0 =	vmul.f32 v0, v0;
	v2 =	vmul.f32 v2, v2;
	v1 =	vsub.f32 v9, v1;
	_ =	sdelay $0x1  }
0x4a: {  	v0 =	vadd.f32 v2, v0;
	v12 =	vmul.f32 v1, v1;
	_ =	sdelay $0x1  }
0x4b: {  	v0 =	vadd.f32 v12, v0  }
0x4c: {  	[tilespmem:$0x12210] =	vst v1  }
0x4d: {  	[tilespmem:$0x12290] =	vst v0  }
0x4e: {  	v0 =	vld.idx.msk [tilespmem:v10+s2+$0x0], $0xffff  }
0x4f: {  	v1 =	vld.idx.msk [tilespmem:v11+s2+$0x0], $0xffff;
	_ =	sdelay $0x2  }
0x50: {  	v13 =	vadd.s32 $0x2800, v10  }
0x51: {  	v14 =	vadd.s32 $0x2800, v11  }
0x52: {  	v0 =	vsub.f32 v0, v1;
	_ =	sdelay $0x1  }
0x53: {  	[tilespmem:$0x12120] =	vst v0  }
0x54: {  	v15 =	vld.idx.msk [tilespmem:v13+s2+$0x0], $0xffff  }
0x55: {  	v16 =	vld.idx.msk [tilespmem:v14+s2+$0x0], $0xffff;
	_ =	sdelay $0x2  }
0x56: {  	v4 =	vadd.s32 $0x5000, v10  }
0x57: {  	v3 =	vadd.s32 $0x5000, v11  }
0x58: {  	v1 =	vsub.f32 v15, v16;
	_ =	sdelay $0x1  }
0x59: {  	[tilespmem:$0x121A0] =	vst v1  }
0x5a: {  	v17 =	vld.idx.msk [tilespmem:v4+s2+$0x0], $0xffff  }
0x5b: {  	v3 =	vld.idx.msk [tilespmem:v3+s2+$0x0], $0xffff;
	_ =	sdelay $0x3  }
0x5c: {  	v18 =	vld [tilespmem:$0xA030]  }
0x5d: {  	v19 =	vld [tilespmem:$0xA0B0];
	v0 =	vmul.f32 v0, v0;
	v1 =	vmul.f32 v1, v1;
	v2 =	vsub.f32 v17, v3;
	_ =	sdelay $0x1  }
0x5e: {  	v0 =	vadd.f32 v1, v0;
	v20 =	vmul.f32 v2, v2;
	_ =	sdelay $0x1  }
0x5f: {  	v0 =	vadd.f32 v20, v0  }
0x60: {  	[tilespmem:$0x12220] =	vst v2  }
0x61: {  	[tilespmem:$0x122A0] =	vst v0  }
0x62: {  	v0 =	vld.idx.msk [tilespmem:v18+s2+$0x0], $0xffff  }
0x63: {  	v21 =	vld.idx.msk [tilespmem:v19+s2+$0x0], $0xffff;
	_ =	sdelay $0x2  }
0x64: {  	v22 =	vadd.s32 $0x2800, v18  }
0x65: {  	v23 =	vadd.s32 $0x2800, v19  }
0x66: {  	v0 =	vsub.f32 v0, v21;
	_ =	sdelay $0x1  }
0x67: {  	[tilespmem:$0x12130] =	vst v0  }
0x68: {  	v24 =	vld.idx.msk [tilespmem:v22+s2+$0x0], $0xffff  }
0x69: {  	v25 =	vld.idx.msk [tilespmem:v23+s2+$0x0], $0xffff;
	_ =	sdelay $0x2  }
0x6a: {  	v4 =	vadd.s32 $0x5000, v18  }
0x6b: {  	v3 =	vadd.s32 $0x5000, v19  }
0x6c: {  	v1 =	vsub.f32 v24, v25;
	_ =	sdelay $0x1  }
0x6d: {  	[tilespmem:$0x121B0] =	vst v1  }
0x6e: {  	v26 =	vld.idx.msk [tilespmem:v4+s2+$0x0], $0xffff  }
0x6f: {  	v3 =	vld.idx.msk [tilespmem:v3+s2+$0x0], $0xffff;
	_ =	sdelay $0x3  }
0x70: {  	v27 =	vld [tilespmem:$0xA040]  }
0x71: {  	v28 =	vld [tilespmem:$0xA0C0];
	v0 =	vmul.f32 v0, v0;
	v1 =	vmul.f32 v1, v1;
	v2 =	vsub.f32 v26, v3;
	_ =	sdelay $0x1  }
0x72: {  	v0 =	vadd.f32 v1, v0;
	v29 =	vmul.f32 v2, v2;
	_ =	sdelay $0x1  }
0x73: {  	v0 =	vadd.f32 v29, v0  }
0x74: {  	[tilespmem:$0x12230] =	vst v2  }
0x75: {  	[tilespmem:$0x122B0] =	vst v0  }
0x76: {  	v0 =	vld.idx.msk [tilespmem:v27+s2+$0x0], $0xffff  }
0x77: {  	v30 =	vld.idx.msk [tilespmem:v28+s2+$0x0], $0xffff;
	_ =	sdelay $0x2  }
0x78: {  	v31 =	vadd.s32 $0x2800, v27  }
0x79: {  	v32 =	vadd.s32 $0x2800, v28  }
0x7a: {  	v0 =	vsub.f32 v0, v30;
	_ =	sdelay $0x1  }
0x7b: {  	[tilespmem:$0x12140] =	vst v0  }
0x7c: {  	v33 =	vld.idx.msk [tilespmem:v31+s2+$0x0], $0xffff  }
0x7d: {  	v34 =	vld.idx.msk [tilespmem:v32+s2+$0x0], $0xffff;
	_ =	sdelay $0x2  }
0x7e: {  	v4 =	vadd.s32 $0x5000, v27  }
0x7f: {  	v3 =	vadd.s32 $0x5000, v28  }
0x80: {  	v1 =	vsub.f32 v33, v34;
	_ =	sdelay $0x1  }
0x81: {  	[tilespmem:$0x121C0] =	vst v1  }
0x82: {  	v35 =	vld.idx.msk [tilespmem:v4+s2+$0x0], $0xffff  }
0x83: {  	v3 =	vld.idx.msk [tilespmem:v3+s2+$0x0], $0xffff;
	_ =	sdelay $0x3  }
0x84: {  	v36 =	vld [tilespmem:$0xA050]  }
0x85: {  	v37 =	vld [tilespmem:$0xA0D0];
	v0 =	vmul.f32 v0, v0;
	v1 =	vmul.f32 v1, v1;
	v2 =	vsub.f32 v35, v3;
	_ =	sdelay $0x1  }
0x86: {  	v0 =	vadd.f32 v1, v0;
	v38 =	vmul.f32 v2, v2;
	_ =	sdelay $0x1  }
0x87: {  	v0 =	vadd.f32 v38, v0  }
0x88: {  	[tilespmem:$0x12240] =	vst v2  }
0x89: {  	[tilespmem:$0x122C0] =	vst v0  }
0x8a: {  	v0 =	vld.idx.msk [tilespmem:v36+s2+$0x0], $0xffff  }
0x8b: {  	v39 =	vld.idx.msk [tilespmem:v37+s2+$0x0], $0xffff;
	_ =	sdelay $0x2  }
0x8c: {  	v40 =	vadd.s32 $0x2800, v36  }
0x8d: {  	v41 =	vadd.s32 $0x2800, v37  }
0x8e: {  	v0 =	vsub.f32 v0, v39;
	_ =	sdelay $0x1  }
0x8f: {  	[tilespmem:$0x12150] =	vst v0  }
0x90: {  	v42 =	vld.idx.msk [tilespmem:v40+s2+$0x0], $0xffff  }
0x91: {  	v43 =	vld.idx.msk [tilespmem:v41+s2+$0x0], $0xffff;
	_ =	sdelay $0x2  }
0x92: {  	v4 =	vadd.s32 $0x5000, v36  }
0x93: {  	v3 =	vadd.s32 $0x5000, v37  }
0x94: {  	v1 =	vsub.f32 v42, v43;
	_ =	sdelay $0x1  }
0x95: {  	[tilespmem:$0x121D0] =	vst v1  }
0x96: {  	v44 =	vld.idx.msk [tilespmem:v4+s2+$0x0], $0xffff  }
0x97: {  	v3 =	vld.idx.msk [tilespmem:v3+s2+$0x0], $0xffff;
	_ =	sdelay $0x3  }
0x98: {  	v45 =	vld [tilespmem:$0xA060]  }
0x99: {  	v46 =	vld [tilespmem:$0xA0E0];
	v0 =	vmul.f32 v0, v0;
	v1 =	vmul.f32 v1, v1;
	v2 =	vsub.f32 v44, v3;
	_ =	sdelay $0x1  }
0x9a: {  	v0 =	vadd.f32 v1, v0;
	v47 =	vmul.f32 v2, v2;
	_ =	sdelay $0x1  }
0x9b: {  	v0 =	vadd.f32 v47, v0  }
0x9c: {  	[tilespmem:$0x12250] =	vst v2  }
0x9d: {  	[tilespmem:$0x122D0] =	vst v0  }
0x9e: {  	v0 =	vld.idx.msk [tilespmem:v45+s2+$0x0], $0xffff  }
0x9f: {  	v48 =	vld.idx.msk [tilespmem:v46+s2+$0x0], $0xffff;
	_ =	sdelay $0x2  }
0xa0: {  	v49 =	vadd.s32 $0x2800, v45  }
0xa1: {  	v50 =	vadd.s32 $0x2800, v46  }
0xa2: {  	v0 =	vsub.f32 v0, v48;
	_ =	sdelay $0x1  }
0xa3: {  	[tilespmem:$0x12160] =	vst v0  }
0xa4: {  	v51 =	vld.idx.msk [tilespmem:v49+s2+$0x0], $0xffff  }
0xa5: {  	v52 =	vld.idx.msk [tilespmem:v50+s2+$0x0], $0xffff;
	_ =	sdelay $0x2  }
0xa6: {  	v4 =	vadd.s32 $0x5000, v45  }
0xa7: {  	v3 =	vadd.s32 $0x5000, v46  }
0xa8: {  	v1 =	vsub.f32 v51, v52;
	_ =	sdelay $0x1  }
0xa9: {  	[tilespmem:$0x121E0] =	vst v1  }
0xaa: {  	v53 =	vld.idx.msk [tilespmem:v4+s2+$0x0], $0xffff  }
0xab: {  	v3 =	vld.idx.msk [tilespmem:v3+s2+$0x0], $0xffff;
	_ =	sdelay $0x3  }
0xac: {  	v54 =	vld [tilespmem:$0xA070]  }
0xad: {  	v55 =	vld [tilespmem:$0xA0F0];
	v0 =	vmul.f32 v0, v0;
	v1 =	vmul.f32 v1, v1;
	v2 =	vsub.f32 v53, v3;
	_ =	sdelay $0x1  }
0xae: {  	v0 =	vadd.f32 v1, v0;
	v56 =	vmul.f32 v2, v2;
	_ =	sdelay $0x1  }
0xaf: {  	v0 =	vadd.f32 v56, v0  }
0xb0: {  	[tilespmem:$0x12260] =	vst v2  }
0xb1: {  	[tilespmem:$0x122E0] =	vst v0  }
0xb2: {  	v0 =	vld.idx.msk [tilespmem:v54+s2+$0x0], $0xffff  }
0xb3: {  	v57 =	vld.idx.msk [tilespmem:v55+s2+$0x0], $0xffff;
	_ =	sdelay $0x2  }
0xb4: {  	v58 =	vadd.s32 $0x2800, v54  }
0xb5: {  	v59 =	vadd.s32 $0x2800, v55  }
0xb6: {  	v0 =	vsub.f32 v0, v57;
	_ =	sdelay $0x1  }
0xb7: {  	[tilespmem:$0x12170] =	vst v0  }
0xb8: {  	v60 =	vld.idx.msk [tilespmem:v58+s2+$0x0], $0xffff  }
0xb9: {  	v61 =	vld.idx.msk [tilespmem:v59+s2+$0x0], $0xffff;
	_ =	sdelay $0x2  }
0xba: {  	v4 =	vadd.s32 $0x5000, v54  }
0xbb: {  	v3 =	vadd.s32 $0x5000, v55  }
0xbc: {  	v1 =	vsub.f32 v60, v61;
	_ =	sdelay $0x1  }
0xbd: {  	[tilespmem:$0x121F0] =	vst v1  }
0xbe: {  	v62 =	vld.idx.msk [tilespmem:v4+s2+$0x0], $0xffff  }
0xbf: {  	v3 =	vld.idx.msk [tilespmem:v3+s2+$0x0], $0xffff;
	_ =	sdelay $0x4  }
0xc0: {  	v0 =	vmul.f32 v0, v0;
	v1 =	vmul.f32 v1, v1;
	v2 =	vsub.f32 v62, v3;
	_ =	sdelay $0x1  }
0xc1: {  	v0 =	vadd.f32 v1, v0;
	v63 =	vmul.f32 v2, v2;
	_ =	sdelay $0x1  }
0xc2: {  	v0 =	vadd.f32 v63, v0  }
0xc3: {  	[tilespmem:$0x12270] =	vst v2  }
0xc4: {  	[tilespmem:$0x122F0] =	vst v0  }
0xc5: {  	[hbm4b:s26+s2] =	stream.linear.scatter [tilespmem:s15], [sflag:$0x2], $0x4000, $0x38;
	[tilespmem:$0x12300] =	vst v63  }
0xc6: {  	_ =	swait.ge [sflag:s11], $0x4000  }
0xc7: {  	[sflag:s11] =	ssyncset.done $0x0  }
0xc8: {  	[sflag:s11] =	ssyncadd.s32 $0xFFFFC000  }
0xc9: {  	[hbm4b:s25+s2] =	stream.linear.scatter [tilespmem:s17], [sflag:$0x2], $0x4000, $0x38;
	[tilespmem:$0x12300] =	vst v63  }
0xca: {  	_ =	swait.ge [sflag:s11], $0x4000  }
0xcb: {  	[sflag:s11] =	ssyncset.done $0x0  }
0xcc: {  	s29 =	sadd.s32 s28, s6;
	[sflag:s11] =	ssyncadd.s32 $0xFFFFC000  }
0xcd: {  	[hbm4b:s29+s2] =	stream.linear.scatter [tilespmem:s18], [sflag:$0x2], $0x80, $0x38;
	[tilespmem:$0x12300] =	vst v63  }
0xce: {  	_ =	swait.ge [sflag:s11], $0x80  }
0xcf: {  	[sflag:s11] =	ssyncset.done $0x0  }
0xd0: {  	s30 =	sadd.s32 $0x10, s29;
	[sflag:s11] =	ssyncadd.s32 $0xFFFFFF80  }
0xd1: {  	[hbm4b:s30+s2] =	stream.linear.scatter [tilespmem:s19], [sflag:$0x2], $0x80, $0x38;
	[tilespmem:$0x12300] =	vst v63  }
0xd2: {  	_ =	swait.ge [sflag:s11], $0x80  }
0xd3: {  	[sflag:s11] =	ssyncset.done $0x0  }
0xd4: {  	s31 =	sadd.s32 $0x20, s29;
	[sflag:s11] =	ssyncadd.s32 $0xFFFFFF80  }
0xd5: {  	[hbm4b:s31+s2] =	stream.linear.scatter [tilespmem:s20], [sflag:$0x2], $0x80, $0x38;
	[tilespmem:$0x12300] =	vst v63  }
0xd6: {  	_ =	swait.ge [sflag:s11], $0x80  }
0xd7: {  	p0 =	sne.s32 s28, $0x1380;
	[sflag:s11] =	ssyncset.done $0x0  }
.Ltmp0:
0xd8: {  	s29 =	sadd.s32 $0x30, s29;
	[sflag:s11] =	ssyncadd.s32 $0xFFFFFF80;
	(pc) =	sbr.rel @p0 .LBB2_2-.Ltmp0, $4  }
0xd9: {  	[hbm4b:s29+s2] =	stream.linear.scatter [tilespmem:s21], [sflag:$0x2], $0x80, $0x38;
	[tilespmem:$0x12300] =	vst v63  }
0xda: {  	s23 =	sadd.s32 $0x10, s23;
	_ =	swait.ge [sflag:s11], $0x80  }
0xdb: {  	s28 =	sadd.s32 $0x40, s28;
	s24 =	sadd.s32 $0x10, s24;
	[sflag:s11] =	ssyncset.done $0x0  }
0xdc: {  	s26 =	sadd.s32 $0x800, s26;
	s25 =	sadd.s32 $0x800, s25;
	[sflag:s11] =	ssyncadd.s32 $0xFFFFFF80  }
0xdd: {  	s22 =	sadd.s32 $0x1, s22  }
0xde: {  	p0 =	sne.s32 s22, s5  }
.Ltmp1:
0xdf: {  	_ = 	snop;
	(pc) =	sbr.rel @p0 .LBB2_1-.Ltmp1, $1  }
0xe0: {  	_ =	sdelay $0x3  }
0xe1: {  	_ =	sfence.sel $0x180000  }
0xe2: {  	[bflag:$0x0] =	sbarrier.arrive $0xFFFF  }
0xe3: {  	p0 =	sne.s32 s0, $0x0;
	_ =	strace $0x90000047  }
0xe4: {  	s0 =	sadd.s32 @!p0 $0x100000, s1;
	[bflag:$0x2] =	sbarrier.arrive $0xFFFF  }
0xe5: {  	[sflag:s0] =	ssyncadd.tile.s32 @!p0 $0x1;
	_ =	shalt  }
.Lfunc_end2:
_tile_overlayer_lowered:
.L_overlay_start_2:
0xe6: {  	(tag) =	ssettag $0x2  }
0xe7: {  	s0 =	rddreg [dreg:$0x0];
	s2 =	stileid.u32  }
0xe8: {  	s1 =	rddreg [dreg:$0x1];
	p0 =	sne.s32 s2, $0x0  }
0xe9: {  	s3 =	rddreg [dreg:$0x2];
	[bflag:$0x3] =	sbarrier.arrive $0xFFFF;
	s2 =	simm.s32 @!p0 $0x1C02  }
0xea: {  	[timem:s3], [sflag:s2] =	dma.local @!p0 [hbm:s0], s1  }
0xeb: {  	s0 =	simm.s32 @!p0 $0x2  }
0xec: {  	_ =	swait.ge @!p0 [sflag:s0], s1  }
0xed: {  	s1 =	ssub.s32 @!p0 $0x0, s1;
	[sflag:s0] =	ssyncset.done @!p0 $0x0  }
0xee: {  	[sflag:s0] =	ssyncadd.s32 @!p0 s1  }
0xef: {  	[bflag:$0x3] =	sbarrier.arrive $0xFFFF  }
0xf0: {  	_ =	shalt  }

// kernel: kernel.17.cloned.1.call-start
scs
__scs_entry_jumppad:
0x0: {  	(pc) =	sbr.rel $0x88, $3  }
0x1: {  	(tag) =	ssettag $0x0;
	lr =	simm.s32 $0x1  }
0x2: {  	[smem:$0x3F92] =	sst lr;
	_ =	strace $0xD0000000  }
0x3: {  	_ = 	snop  }
0x4: {  	_ = 	snop  }
0x5: {  	_ = 	snop  }
0x6: {  	_ = 	snop  }
0x7: {  	_ = 	snop  }
__scs_overlays_trampoline_lowered:
0x8: {  	[smem:$0x3FA1] =	sst s0  }
0x9: {  	[smem:$0x3FA2] =	sst s1  }
0xa: {  	[smem:$0x3FA3] =	sst s2  }
0xb: {  	[smem:$0x3FA4] =	sst s3  }
0xc: {  	[smem:$0x3FA5] =	sst s4  }
0xd: {  	[smem:$0x3FA6] =	sst s5  }
0xe: {  	[smem:$0x3FA7] =	sst s6  }
0xf: {  	[smem:$0x3FA8] =	sst s7  }
0x10: {  	[smem:$0x3FA9] =	sst s8  }
0x11: {  	[smem:$0x3FAA] =	sst s9;
	s0 =	simm.s32 @!p0 $0x0  }
0x12: {  	s1 =	sld [smem:$0x3F90];
	s0 =	simm.s32 @p0 $0x1  }
0x13: {  	[smem:$0x3FAB] =	sst s0;
	s0 =	simm.s32 @!p1 $0x0  }
0x14: {  	s2 =	sld [smem:$0x3F8F];
	s0 =	simm.s32 @p1 $0x1  }
0x15: {  	[smem:$0x3FAC] =	sst s0;
	s0 =	simm.s32 @!p2 $0x0  }
0x16: {  	s3 =	sld [smem:$0x3FDB];
	s0 =	simm.s32 @p2 $0x1  }
0x17: {  	s4 =	simm.s32 $0x1BF5;
	[smem:$0x3FAE] =	sst s0  }
0x18: {  	s0 =	sld [smem:$0x3F91];
	_ =	swait.ge [sflag:s4], $0x0  }
0x19: {  	s7 =	sld [smem:$0x3F92]  }
0x1a: {  	s8 =	sadd.s32 $0xFFFFE003, lr  }
0x1b: {  	s9 =	sadd.s32 $0xFFFFFEF7, lr;
	s5 =	simm.s32 $0xFFFFFFFF;
	p2 =	slt.u32 s8, $0xFFFFF086  }
0x1c: {  	p1 =	slt.u32 s9, $0xF7A;
	s5 =	simm.s32 @!p2 $0x0  }
0x1d: {  	s5 =	simm.s32 @p1 $0x1;
	p0 =	seq.s32 s7, s2  }
0x1e: {  	s7 =	smul.u32 @!p0 $0xF7A, s2;
	p2 =	seq.s32 @!p0 s5, $0x0  }
0x1f: {  	s9 =	smul.u32 $0xF7A, s1;
	s8 =	simm.s32 @!p0 $0x1BF5;
	p2 =	por !p2, p0  }
0x20: {  	[sflag:s8] =	ssyncset.s32 @!p0 $0xFFFFF086;
	s6 =	sadd.s32 @!p0 s3, s7;
	s7 =	simm.s32 @!p0 $0x108  }
0x21: {  	s3 =	sadd.s32 s3, s9;
	s6 =	sadd.s32 @!p0 $0x88, s6;
	s7 =	simm.s32 @p2 $0x1082  }
0x22: {  	[simem:s7], [sflag:s8] =	dma.local @!p0 [hbm:s6], $0xF7A  }
0x23: {  	s9 =	sor.u32 $0xD0000000, s2;
	s6 =	simm.s32 $0x108;
	_ =	swait.ge @!p0 [sflag:s8], $0x0  }
0x24: {  	s3 =	sadd.s32 $0x88, s3;
	s6 =	simm.s32 @!p1 $0x1082;
	[sflag:s4] =	ssyncset.s32 $0xFFFFF086  }
0x25: {  	[simem:s6], [sflag:s4] =	dma.local [hbm:s3], $0xF7A  }
0x26: {  	[smem:$0x3F92] =	sst s1;
	(tag) =	ssettag s2;
	_ =	strace s9  }
0x27: {  	s1 =	sld [smem:$0x3FA2]  }
0x28: {  	s2 =	sld [smem:$0x3FA3]  }
0x29: {  	s4 =	sld [smem:$0x3FA5]  }
0x2a: {  	p0 =	seq.s32 s5, $0x0;
	s5 =	sld [smem:$0x3FA6]  }
0x2b: {  	s6 =	sld [smem:$0x3FA7]  }
0x2c: {  	s7 =	sld [smem:$0x3FA8]  }
0x2d: {  	s3 =	simm.s32 $0x108;
	s8 =	sld [smem:$0x3FA9]  }
0x2e: {  	s3 =	simm.s32 @!p0 $0x1082;
	s9 =	sld [smem:$0x3FAA]  }
0x2f: {  	lr =	sadd.s32 s0, s3;
	s0 =	sld [smem:$0x3FA1]  }
0x30: {  	s3 =	sld [smem:$0x3FA4]  }
0x31: {  	[smem:$0x3FAD] =	sst s10  }
0x32: {  	s10 =	sld [smem:$0x3FAB];
	_ =	sdelay $0x3  }
0x33: {  	p0 =	seq.s32 s10, $0x1;
	s10 =	sld [smem:$0x3FAD];
	_ =	sdelay $0x3  }
0x34: {  	[smem:$0x3FAD] =	sst s10  }
0x35: {  	s10 =	sld [smem:$0x3FAC];
	_ =	sdelay $0x3  }
0x36: {  	p1 =	seq.s32 s10, $0x1;
	s10 =	sld [smem:$0x3FAD];
	_ =	sdelay $0x3  }
0x37: {  	[smem:$0x3FAD] =	sst s10  }
0x38: {  	s10 =	sld [smem:$0x3FAE]  }
0x39: {  	_ = 	snop;
	(pc) =	sbr.ind lr, $3  }
0x3a: {  	_ = 	snop  }
0x3b: {  	_ = 	snop  }
0x3c: {  	p2 =	seq.s32 s10, $0x1;
	s10 =	sld [smem:$0x3FAD]  }
0x3d: {  	_ =	shalt  }
0x3e: {  	_ =	shalt  }
0x3f: {  	_ =	shalt  }
0x40: {  	_ =	shalt  }
0x41: {  	_ =	shalt  }
0x42: {  	_ =	shalt  }
0x43: {  	_ =	shalt  }
0x44: {  	_ =	shalt  }
0x45: {  	_ =	shalt  }
0x46: {  	_ =	shalt  }
0x47: {  	_ =	shalt  }
0x48: {  	_ =	shalt  }
0x49: {  	_ =	shalt  }
0x4a: {  	_ =	shalt  }
0x4b: {  	_ =	shalt  }
0x4c: {  	_ =	shalt  }
0x4d: {  	_ =	shalt  }
0x4e: {  	_ =	shalt  }
0x4f: {  	_ =	shalt  }
0x50: {  	_ =	shalt  }
0x51: {  	_ =	shalt  }
0x52: {  	_ =	shalt  }
0x53: {  	_ =	shalt  }
0x54: {  	_ =	shalt  }
0x55: {  	_ =	shalt  }
0x56: {  	_ =	shalt  }
0x57: {  	_ =	shalt  }
0x58: {  	_ =	shalt  }
0x59: {  	_ =	shalt  }
0x5a: {  	_ =	shalt  }
0x5b: {  	_ =	shalt  }
0x5c: {  	_ =	shalt  }
0x5d: {  	_ =	shalt  }
0x5e: {  	_ =	shalt  }
0x5f: {  	_ =	shalt  }
0x60: {  	_ =	shalt  }
0x61: {  	_ =	shalt  }
0x62: {  	_ =	shalt  }
0x63: {  	_ =	shalt  }
0x64: {  	_ =	shalt  }
0x65: {  	_ =	shalt  }
0x66: {  	_ =	shalt  }
0x67: {  	_ =	shalt  }
0x68: {  	_ =	shalt  }
0x69: {  	_ =	shalt  }
0x6a: {  	_ =	shalt  }
0x6b: {  	_ =	shalt  }
0x6c: {  	_ =	shalt  }
0x6d: {  	_ =	shalt  }
0x6e: {  	_ =	shalt  }
0x6f: {  	_ =	shalt  }
0x70: {  	_ =	shalt  }
0x71: {  	_ =	shalt  }
0x72: {  	_ =	shalt  }
0x73: {  	_ =	shalt  }
0x74: {  	_ =	shalt  }
0x75: {  	_ =	shalt  }
0x76: {  	_ =	shalt  }
0x77: {  	_ =	shalt  }
0x78: {  	_ =	shalt  }
0x79: {  	_ =	shalt  }
0x7a: {  	_ =	shalt  }
0x7b: {  	_ =	shalt  }
0x7c: {  	_ =	shalt  }
0x7d: {  	_ =	shalt  }
0x7e: {  	_ =	shalt  }
0x7f: {  	_ =	shalt  }
0x80: {  	_ =	shalt  }
0x81: {  	_ =	shalt  }
0x82: {  	_ =	shalt  }
0x83: {  	_ =	shalt  }
0x84: {  	_ =	shalt  }
0x85: {  	_ =	shalt  }
0x86: {  	_ =	shalt  }
0x87: {  	_ =	shalt  }
.Lfunc_end0:
.L_simem_size_0:
called_computation.1_lowered:
.L_overlay_start_0:
0x88: {  	s2 =	sld [smem:$0x3FD9]  }
0x89: {  	s3 =	sld [smem:$0x3FFE];
	_ =	sdelay $0x1  }
0x8a: {  	s1 =	srdreg.scid  }
0x8b: {  	s0 =	sand.u32 $0x1, s1  }
0x8c: {  	s14 =	sshll.u32 s0, $0xA;
	s2 =	sadd.s32 s3, s2  }
0x8d: {  	s2 =	sadd.s32 s2, s14  }
0x8e: {  	[smem:$0x3FB9] =	sst s2  }
0x8f: {  	_ = 	snop  }
0x90: {  	s2 =	sld [smem:$0x3FD0];
	_ =	sdelay $0x2  }
0x91: {  	s15 =	simm.s32 $0xA;
	s4 =	simm.s32 $0x10  }
0x92: {  	[smem:s4], [sflag:s15] =	dma.local [hbm:s2], $0x1  }
0x93: {  	_ =	swait.eq [sflag:s15], $0x1  }
0x94: {  	[sflag:s15] =	ssyncset.done $0x0  }
0x95: {  	[sflag:s15] =	ssyncadd.s32 $0xFFFFFFFF  }
0x96: {  	s16 =	sld [smem:$0x10];
	(tm) =	ssettm $0x1  }
0x97: {  	s17 =	sld [smem:$0x3FFB];
	_ =	sdelay $0x3  }
0x98: {  	_ =	strace s17  }
0x99: {  	s3 =	sld [smem:$0x3FFC];
	_ =	sdelay $0x3  }
0x9a: {  	_ =	strace s3  }
0x9b: {  	s3 =	sld [smem:$0x3FFD];
	_ =	sdelay $0x3  }
0x9c: {  	_ =	strace s3  }
0x9d: {  	_ =	strace $0x8FFFFFFF  }
0x9e: {  	s18 =	sld [smem:$0x3FDB];
	_ =	sdelay $0x1  }
0x9f: {  	s19 =	simm.s32 $_scs_section_size  }
0xa0: {  	s5 =	simm.s32 $_size__tile_overlayer_lowered;
	s6 =	simm.s32 $_tile_overlayer_lowered  }
0xa1: {  	s22 =	simm.s32 $0x1BFF;
	s21 =	sshll.u32 s6, $0x1;
	s3 =	sadd.s32 s19, s18  }
0xa2: {  	s7 =	simm.s32 $0x0;
	s20 =	sshll.u32 s5, $0x1;
	s5 =	sadd.s32 s21, s3  }
0xa3: {  	[timem:s7], [sflag:s22] =	dma.local [hbm:s5], s20  }
0xa4: {  	_ =	swait.ge [sflag:s22], s20  }
0xa5: {  	s4 =	ssub.s32 $0x0, s20;
	[sflag:s22] =	ssyncset.done $0x0  }
0xa6: {  	[sflag:s22] =	ssyncadd.s32 s4;
	_ =	sdelay $0x1  }
0xa7: {  	s23 =	simm.s32 $0x1B8B  }
0xa8: {  	_ =	swait.ge [sflag:s23], $0x1  }
0xa9: {  	[sflag:s23] =	ssyncset.done $0x0  }
0xaa: {  	s25 =	simm.s32 $0x1B8E;
	s24 =	sld [smem:$0x3FFE];
	[sflag:s23] =	ssyncadd.s32 $0xFFFFFFFF  }
0xab: {  	s26 =	simm.s32 $execute0_lowered;
	[smem:$0x3FD2] =	sst s25  }
0xac: {  	s5 =	sshll.u32 s26, $0x1;
	_ =	strace $0x80000049;
	[dreg:$0x1] =	wrdreg $0xFFFFFFFF  }
0xad: {  	s28 =	simm.s32 $_size_execute0_lowered;
	s3 =	sadd.s32 s3, s5;
	[dreg:$0x0] =	wrdreg $0x0  }
0xae: {  	s5 =	sshll.u32 s28, $0x1;
	[dreg:$0x2] =	wrdreg s3  }
0xaf: {  	[dreg:$0x3] =	wrdreg s5  }
0xb0: {  	[dreg:$0x4] =	wrdreg $0xC0  }
0xb1: {  	_ =	task [dreg:s7], $0x5FFFF  }
0xb2: {  	[dreg:$0x1] =	wrdreg $0xFFFFFFFF  }
0xb3: {  	[dreg:$0x0] =	wrdreg $0x60  }
0xb4: {  	[dreg:$0x2] =	wrdreg s24  }
0xb5: {  	[dreg:$0x3] =	wrdreg s16  }
0xb6: {  	[dreg:$0x4] =	wrdreg $0x40800  }
0xb7: {  	[dreg:$0x5] =	wrdreg $0x9  }
0xb8: {  	_ =	task.clear_ibuf [dreg:s7], $0x6FFFF;
	_ =	strace $0x90000049  }
0xb9: {  	s29 =	simm.s32 $0x9;
	_ =	strace $0x8000004B  }
0xba: {  	_ =	swait.ge [sflag:s29], $0x1  }
0xbb: {  	[sflag:s29] =	ssyncadd.s32 $0xFFFFFFFF  }
0xbc: {  	_ =	strace $0x9000004B  }
0xbd: {  	_ =	sfence  }
0xbe: {  	s30 =	sld [smem:$0x0];
	_ =	sdelay $0x2  }
0xbf: {  	s31 =	sshll.u32 s1, $0xD;
	s1 =	sshrl.u32 s1, $0x2  }
0xc0: {  	s3 =	sand.u32 $0x4000, s31;
	s1 =	sadd.s32 s1, s30  }
0xc1: {  	s0 =	sor.u32 s3, s0;
	s1 =	sshll.u32 s1, $0x11  }
0xc2: {  	s0 =	sor.u32 s1, s0  }
0xc3: {  	s0 =	sadd.s32 $0x8F2B, s0  }
0xc4: {  	[sflag:s0] =	ssyncadd.remote.s32 $0x1  }
0xc5: {  	_ =	sfence.sel $0xFFFF  }
0xc6: {  	[dreg:$0x0] =	wrdreg $0xFFFFFFFF;
	(pc) =	sbr.abs _section_cstart, $3  }
0xc7: {  	[dreg:$0x1] =	wrdreg $0xFFFFFFFF  }
0xc8: {  	_ =	task.clear_ibuf [dreg:s7], $0x2FFFF;
	_ =	strace $0x9FFFFFFF  }
0xc9: {  	(tm) =	ssettm $0x7FFFFFFF  }
tec
execute0_lowered:
.L_overlay_start_1:
0x0: {  	(tag) =	ssettag $0x1  }
0x1: {  	s4 =	rddreg [dreg:$0x0]  }
0x2: {  	s9 =	rddreg [dreg:$0x1]  }
0x3: {  	s1 =	rddreg [dreg:$0x2]  }
0x4: {  	s0 =	rddreg [dreg:$0x3];
	s3 =	simm.s32 $0x0  }
0x5: {  	s2 =	stileid.u32;
	s5 =	srdreg.scid;
	s8 =	sadd.s32 $0xA4BC00, s4  }
0x6: {  	[smem:$0x7FF] =	sst s3;
	s7 =	smul.u32 $0x2800, s2;
	s10 =	sadd.s32 $0xF3BC00, s4  }
0x7: {  	s5 =	sand.u32 $0x1, s5;
	s6 =	smul.u32 $0x50000, s2;
	s12 =	sadd.s32 $0x67200, s4  }
0x8: {  	s14 =	sadd.s32 $0x8F200, s4;
	s29 =	sshll.u32 s2, $0x6;
	s30 =	smul.u32 $0x4F000, s2  }
0x9: {  	s31 =	smul.u32 $0x9E0, s2;
	_ =	strace $0x8000004A;
	s13 =	ssub.s32 $0x2, s5  }
0xa: {  	p0 =	seq.s32 s5, $0x1;
	s5 =	sor.u32 $0x1C01, s29;
	s11 =	sadd.s32 s7, s4  }
0xb: {  	s28 =	sshrl.u32 s13, $0x1;
	s6 =	sshrl.u32 s6, $0x2;
	s12 =	smov.u32 @p0 s14  }
0xc: {  	s8 =	smov.u32 @p0 s10;
	s9 =	sadd.s32 s31, s9;
	s13 =	ssub.s32 s13, s28  }
0xd: {  	s15 =	sadd.s32 s6, s1;
	s4 =	sadd.s32 $0x3F200, s11;
	s7 =	sadd.s32 s12, s7  }
0xe: {  	s8 =	sadd.s32 s30, s8;
	s11 =	simm.s32 $0x1;
	s12 =	simm.s32 $0x80  }
0xf: {  	s6 =	smax.u32 s13, $0x1;
	s10 =	sshrl.u32 s15, $0x3;
	s13 =	simm.s32 $0x0  }
.LBB2_1:
0x10: {  	[spmem:s10], [sflag:s5] =	dma.local [hbm:s4], $0x2800  }
0x11: {  	_ =	swait.ge [sflag:s11], $0x2800  }
0x12: {  	[sflag:s11] =	ssyncset.done $0x0  }
0x13: {  	[sflag:s11] =	ssyncadd.s32 $0xFFFFD800  }
0x14: {  	s14 =	sadd.s32 $0x0, s9;
	[bflag:$0x0] =	sbarrier.arrive $0xFFFF  }
0x15: {  	[tilespmem:s3], [sflag:$0x1] =	stream.linear.gather [hbm4b:s14+s3], $0x80, $0x38;
	[tilespmem:$0x18080] =	vst v63  }
0x16: {  	_ =	swait.ge [sflag:s11], $0x80  }
0x17: {  	[sflag:s11] =	ssyncset.done $0x0  }
0x18: {  	[sflag:s11] =	ssyncadd.s32 $0xFFFFFF80  }
0x19: {  	[tilespmem:s12], [sflag:$0x1] =	stream.linear.gather [hbm4b:s8+s3], $0x4000, $0x38;
	[tilespmem:$0x18080] =	vst v63  }
0x1a: {  	_ =	swait.ge [sflag:s11], $0x4000  }
0x1b: {  	[sflag:s11] =	ssyncset.done $0x0  }
0x1c: {  	[sflag:s11] =	ssyncadd.s32 $0xFFFFC000  }
0x1d: {  	[spmem:s1] =	stream.indirect.scatter.add.f32 [tilespmem:s12], [sflag:$0x1], $0x80, s3, s12, $0xb8;
	[tilespmem:$0x18080] =	vst v63  }
0x1e: {  	s15 =	simm.s32 $0x10;
	_ =	swait.ge [sflag:s11], $0x4000  }
0x1f: {  	s16 =	simm.s32 $0x20;
	s14 =	sadd.s32 $0x800, s8;
	[sflag:s11] =	ssyncset.done $0x0  }
.LBB2_2:
0x20: {  	s17 =	sadd.s32 s15, s9  }
0x21: {  	[sflag:s11] =	ssyncadd.s32 $0xFFFFC000;
	s15 =	smov.u32 s16;
	s18 =	sadd.s32 $0x10, s16  }
0x22: {  	[tilespmem:s3], [sflag:$0x1] =	stream.linear.gather [hbm4b:s17+s3], $0x80, $0x38;
	[tilespmem:$0x18080] =	vst v63  }
0x23: {  	p0 =	sne.s32 s16, $0x9D0;
	_ =	swait.ge [sflag:s11], $0x80  }
0x24: {  	[sflag:s11] =	ssyncset.done $0x0  }
0x25: {  	[sflag:s11] =	ssyncadd.s32 $0xFFFFFF80  }
0x26: {  	[tilespmem:s12], [sflag:$0x1] =	stream.linear.gather [hbm4b:s14+s3], $0x4000, $0x38;
	[tilespmem:$0x18080] =	vst v63  }
0x27: {  	_ =	swait.ge [sflag:s11], $0x4000  }
.Ltmp0:
0x28: {  	[sflag:s11] =	ssyncset.done $0x0;
	(pc) =	sbr.rel @p0 .LBB2_2-.Ltmp0, $4  }
0x29: {  	[sflag:s11] =	ssyncadd.s32 $0xFFFFC000  }
0x2a: {  	[spmem:s1] =	stream.indirect.scatter.add.f32 [tilespmem:s12], [sflag:$0x1], $0x80, s3, s12, $0xb8;
	[tilespmem:$0x18080] =	vst v63  }
0x2b: {  	_ =	swait.ge [sflag:s11], $0x4000  }
0x2c: {  	s16 =	smov.u32 s18;
	s14 =	sadd.s32 $0x800, s14;
	[sflag:s11] =	ssyncset.done $0x0  }
0x2d: {  	s15 =	sadd.s32 s15, s9;
	[sflag:s11] =	ssyncadd.s32 $0xFFFFC000  }
0x2e: {  	[tilespmem:s3], [sflag:$0x1] =	stream.linear.gather [hbm4b:s15+s3], $0x80, $0x38;
	[tilespmem:$0x18080] =	vst v63  }
0x2f: {  	_ =	swait.ge [sflag:s11], $0x80  }
0x30: {  	[sflag:s11] =	ssyncset.done $0x0  }
0x31: {  	[sflag:s11] =	ssyncadd.s32 $0xFFFFFF80  }
0x32: {  	[tilespmem:s12], [sflag:$0x1] =	stream.linear.gather [hbm4b:s14+s3], $0x4000, $0x38;
	[tilespmem:$0x18080] =	vst v63  }
0x33: {  	_ =	swait.ge [sflag:s11], $0x4000  }
0x34: {  	[sflag:s11] =	ssyncset.done $0x0  }
0x35: {  	[sflag:s11] =	ssyncadd.s32 $0xFFFFC000  }
0x36: {  	[spmem:s1] =	stream.indirect.scatter.add.f32 [tilespmem:s12], [sflag:$0x1], $0x80, s3, s12, $0xb8;
	[tilespmem:$0x18080] =	vst v63  }
0x37: {  	_ =	swait.ge [sflag:s11], $0x4000  }
0x38: {  	s13 =	sadd.s32 $0x1, s13;
	[sflag:s11] =	ssyncset.done $0x0  }
0x39: {  	p0 =	sne.s32 s13, s6;
	[sflag:s11] =	ssyncadd.s32 $0xFFFFC000  }
.Ltmp1:
0x3a: {  	[bflag:$0x0] =	sbarrier.arrive $0xFFFF;
	(pc) =	sbr.rel @p0 .LBB2_1-.Ltmp1, $4  }
0x3b: {  	[hbm:s7], [sflag:s5] =	dma.local [spmem:s10], $0x2800  }
0x3c: {  	_ =	swait.ge [sflag:s11], $0x2800  }
0x3d: {  	[sflag:s11] =	ssyncset.done $0x0  }
0x3e: {  	[sflag:s11] =	ssyncadd.s32 $0xFFFFD800  }
0x3f: {  	_ =	sfence.sel $0x180000  }
0x40: {  	[bflag:$0x0] =	sbarrier.arrive $0xFFFF  }
0x41: {  	p0 =	sne.s32 s2, $0x0;
	_ =	strace $0x9000004A  }
0x42: {  	s0 =	sadd.s32 @!p0 $0x100000, s0;
	[bflag:$0x2] =	sbarrier.arrive $0xFFFF  }
0x43: {  	[sflag:s0] =	ssyncadd.tile.s32 @!p0 $0x1;
	_ =	shalt  }
.Lfunc_end2:
_tile_overlayer_lowered:
.L_overlay_start_2:
0x44: {  	(tag) =	ssettag $0x2  }
0x45: {  	s0 =	rddreg [dreg:$0x0];
	s2 =	stileid.u32  }
0x46: {  	s1 =	rddreg [dreg:$0x1];
	p0 =	sne.s32 s2, $0x0  }
0x47: {  	s3 =	rddreg [dreg:$0x2];
	[bflag:$0x3] =	sbarrier.arrive $0xFFFF;
	s2 =	simm.s32 @!p0 $0x1C01  }
0x48: {  	[timem:s3], [sflag:s2] =	dma.local @!p0 [hbm:s0], s1  }
0x49: {  	s0 =	simm.s32 @!p0 $0x1  }
0x4a: {  	_ =	swait.ge @!p0 [sflag:s0], s1  }
0x4b: {  	s1 =	ssub.s32 @!p0 $0x0, s1;
	[sflag:s0] =	ssyncset.done @!p0 $0x0  }
0x4c: {  	[sflag:s0] =	ssyncadd.s32 @!p0 s1  }
0x4d: {  	[bflag:$0x3] =	sbarrier.arrive $0xFFFF  }
0x4e: {  	_ =	shalt  }

// kernel: kernel.20.cloned.1.call-start
scs
__scs_entry_jumppad:
0x0: {  	(pc) =	sbr.rel $0x88, $3  }
0x1: {  	(tag) =	ssettag $0x0;
	lr =	simm.s32 $0x1  }
0x2: {  	[smem:$0x3F92] =	sst lr;
	_ =	strace $0xD0000000  }
0x3: {  	_ = 	snop  }
0x4: {  	_ = 	snop  }
0x5: {  	_ = 	snop  }
0x6: {  	_ = 	snop  }
0x7: {  	_ = 	snop  }
__scs_overlays_trampoline_lowered:
0x8: {  	[smem:$0x3FA1] =	sst s0  }
0x9: {  	[smem:$0x3FA2] =	sst s1  }
0xa: {  	[smem:$0x3FA3] =	sst s2  }
0xb: {  	[smem:$0x3FA4] =	sst s3  }
0xc: {  	[smem:$0x3FA5] =	sst s4  }
0xd: {  	[smem:$0x3FA6] =	sst s5  }
0xe: {  	[smem:$0x3FA7] =	sst s6  }
0xf: {  	[smem:$0x3FA8] =	sst s7  }
0x10: {  	[smem:$0x3FA9] =	sst s8  }
0x11: {  	[smem:$0x3FAA] =	sst s9;
	s0 =	simm.s32 @!p0 $0x0  }
0x12: {  	s1 =	sld [smem:$0x3F90];
	s0 =	simm.s32 @p0 $0x1  }
0x13: {  	[smem:$0x3FAB] =	sst s0;
	s0 =	simm.s32 @!p1 $0x0  }
0x14: {  	s2 =	sld [smem:$0x3F8F];
	s0 =	simm.s32 @p1 $0x1  }
0x15: {  	[smem:$0x3FAC] =	sst s0;
	s0 =	simm.s32 @!p2 $0x0  }
0x16: {  	s3 =	sld [smem:$0x3FDB];
	s0 =	simm.s32 @p2 $0x1  }
0x17: {  	s4 =	simm.s32 $0x1BF5;
	[smem:$0x3FAE] =	sst s0  }
0x18: {  	s0 =	sld [smem:$0x3F91];
	_ =	swait.ge [sflag:s4], $0x0  }
0x19: {  	s7 =	sld [smem:$0x3F92]  }
0x1a: {  	s8 =	sadd.s32 $0xFFFFE003, lr  }
0x1b: {  	s9 =	sadd.s32 $0xFFFFFEF7, lr;
	s5 =	simm.s32 $0xFFFFFFFF;
	p2 =	slt.u32 s8, $0xFFFFF086  }
0x1c: {  	p1 =	slt.u32 s9, $0xF7A;
	s5 =	simm.s32 @!p2 $0x0  }
0x1d: {  	s5 =	simm.s32 @p1 $0x1;
	p0 =	seq.s32 s7, s2  }
0x1e: {  	s7 =	smul.u32 @!p0 $0xF7A, s2;
	p2 =	seq.s32 @!p0 s5, $0x0  }
0x1f: {  	s9 =	smul.u32 $0xF7A, s1;
	s8 =	simm.s32 @!p0 $0x1BF5;
	p2 =	por !p2, p0  }
0x20: {  	[sflag:s8] =	ssyncset.s32 @!p0 $0xFFFFF086;
	s6 =	sadd.s32 @!p0 s3, s7;
	s7 =	simm.s32 @!p0 $0x108  }
0x21: {  	s3 =	sadd.s32 s3, s9;
	s6 =	sadd.s32 @!p0 $0x88, s6;
	s7 =	simm.s32 @p2 $0x1082  }
0x22: {  	[simem:s7], [sflag:s8] =	dma.local @!p0 [hbm:s6], $0xF7A  }
0x23: {  	s9 =	sor.u32 $0xD0000000, s2;
	s6 =	simm.s32 $0x108;
	_ =	swait.ge @!p0 [sflag:s8], $0x0  }
0x24: {  	s3 =	sadd.s32 $0x88, s3;
	s6 =	simm.s32 @!p1 $0x1082;
	[sflag:s4] =	ssyncset.s32 $0xFFFFF086  }
0x25: {  	[simem:s6], [sflag:s4] =	dma.local [hbm:s3], $0xF7A  }
0x26: {  	[smem:$0x3F92] =	sst s1;
	(tag) =	ssettag s2;
	_ =	strace s9  }
0x27: {  	s1 =	sld [smem:$0x3FA2]  }
0x28: {  	s2 =	sld [smem:$0x3FA3]  }
0x29: {  	s4 =	sld [smem:$0x3FA5]  }
0x2a: {  	p0 =	seq.s32 s5, $0x0;
	s5 =	sld [smem:$0x3FA6]  }
0x2b: {  	s6 =	sld [smem:$0x3FA7]  }
0x2c: {  	s7 =	sld [smem:$0x3FA8]  }
0x2d: {  	s3 =	simm.s32 $0x108;
	s8 =	sld [smem:$0x3FA9]  }
0x2e: {  	s3 =	simm.s32 @!p0 $0x1082;
	s9 =	sld [smem:$0x3FAA]  }
0x2f: {  	lr =	sadd.s32 s0, s3;
	s0 =	sld [smem:$0x3FA1]  }
0x30: {  	s3 =	sld [smem:$0x3FA4]  }
0x31: {  	[smem:$0x3FAD] =	sst s10  }
0x32: {  	s10 =	sld [smem:$0x3FAB];
	_ =	sdelay $0x3  }
0x33: {  	p0 =	seq.s32 s10, $0x1;
	s10 =	sld [smem:$0x3FAD];
	_ =	sdelay $0x3  }
0x34: {  	[smem:$0x3FAD] =	sst s10  }
0x35: {  	s10 =	sld [smem:$0x3FAC];
	_ =	sdelay $0x3  }
0x36: {  	p1 =	seq.s32 s10, $0x1;
	s10 =	sld [smem:$0x3FAD];
	_ =	sdelay $0x3  }
0x37: {  	[smem:$0x3FAD] =	sst s10  }
0x38: {  	s10 =	sld [smem:$0x3FAE]  }
0x39: {  	_ = 	snop;
	(pc) =	sbr.ind lr, $3  }
0x3a: {  	_ = 	snop  }
0x3b: {  	_ = 	snop  }
0x3c: {  	p2 =	seq.s32 s10, $0x1;
	s10 =	sld [smem:$0x3FAD]  }
0x3d: {  	_ =	shalt  }
0x3e: {  	_ =	shalt  }
0x3f: {  	_ =	shalt  }
0x40: {  	_ =	shalt  }
0x41: {  	_ =	shalt  }
0x42: {  	_ =	shalt  }
0x43: {  	_ =	shalt  }
0x44: {  	_ =	shalt  }
0x45: {  	_ =	shalt  }
0x46: {  	_ =	shalt  }
0x47: {  	_ =	shalt  }
0x48: {  	_ =	shalt  }
0x49: {  	_ =	shalt  }
0x4a: {  	_ =	shalt  }
0x4b: {  	_ =	shalt  }
0x4c: {  	_ =	shalt  }
0x4d: {  	_ =	shalt  }
0x4e: {  	_ =	shalt  }
0x4f: {  	_ =	shalt  }
0x50: {  	_ =	shalt  }
0x51: {  	_ =	shalt  }
0x52: {  	_ =	shalt  }
0x53: {  	_ =	shalt  }
0x54: {  	_ =	shalt  }
0x55: {  	_ =	shalt  }
0x56: {  	_ =	shalt  }
0x57: {  	_ =	shalt  }
0x58: {  	_ =	shalt  }
0x59: {  	_ =	shalt  }
0x5a: {  	_ =	shalt  }
0x5b: {  	_ =	shalt  }
0x5c: {  	_ =	shalt  }
0x5d: {  	_ =	shalt  }
0x5e: {  	_ =	shalt  }
0x5f: {  	_ =	shalt  }
0x60: {  	_ =	shalt  }
0x61: {  	_ =	shalt  }
0x62: {  	_ =	shalt  }
0x63: {  	_ =	shalt  }
0x64: {  	_ =	shalt  }
0x65: {  	_ =	shalt  }
0x66: {  	_ =	shalt  }
0x67: {  	_ =	shalt  }
0x68: {  	_ =	shalt  }
0x69: {  	_ =	shalt  }
0x6a: {  	_ =	shalt  }
0x6b: {  	_ =	shalt  }
0x6c: {  	_ =	shalt  }
0x6d: {  	_ =	shalt  }
0x6e: {  	_ =	shalt  }
0x6f: {  	_ =	shalt  }
0x70: {  	_ =	shalt  }
0x71: {  	_ =	shalt  }
0x72: {  	_ =	shalt  }
0x73: {  	_ =	shalt  }
0x74: {  	_ =	shalt  }
0x75: {  	_ =	shalt  }
0x76: {  	_ =	shalt  }
0x77: {  	_ =	shalt  }
0x78: {  	_ =	shalt  }
0x79: {  	_ =	shalt  }
0x7a: {  	_ =	shalt  }
0x7b: {  	_ =	shalt  }
0x7c: {  	_ =	shalt  }
0x7d: {  	_ =	shalt  }
0x7e: {  	_ =	shalt  }
0x7f: {  	_ =	shalt  }
0x80: {  	_ =	shalt  }
0x81: {  	_ =	shalt  }
0x82: {  	_ =	shalt  }
0x83: {  	_ =	shalt  }
0x84: {  	_ =	shalt  }
0x85: {  	_ =	shalt  }
0x86: {  	_ =	shalt  }
0x87: {  	_ =	shalt  }
.Lfunc_end0:
.L_simem_size_0:
called_computation.2_lowered:
.L_overlay_start_0:
0x88: {  	s2 =	sld [smem:$0x3FD9]  }
0x89: {  	s3 =	sld [smem:$0x3FFE];
	_ =	sdelay $0x1  }
0x8a: {  	s1 =	srdreg.scid  }
0x8b: {  	s0 =	sand.u32 $0x1, s1  }
0x8c: {  	s14 =	sshll.u32 s0, $0xA;
	s2 =	sadd.s32 s3, s2  }
0x8d: {  	s2 =	sadd.s32 s2, s14  }
0x8e: {  	[smem:$0x3FB9] =	sst s2  }
0x8f: {  	_ = 	snop  }
0x90: {  	s2 =	sld [smem:$0x3FD0];
	_ =	sdelay $0x2  }
0x91: {  	s15 =	simm.s32 $0xA;
	s4 =	simm.s32 $0x10  }
0x92: {  	[smem:s4], [sflag:s15] =	dma.local [hbm:s2], $0x1  }
0x93: {  	_ =	swait.eq [sflag:s15], $0x1  }
0x94: {  	[sflag:s15] =	ssyncset.done $0x0  }
0x95: {  	[sflag:s15] =	ssyncadd.s32 $0xFFFFFFFF  }
0x96: {  	s16 =	sld [smem:$0x10];
	(tm) =	ssettm $0x1  }
0x97: {  	s17 =	sld [smem:$0x3FFB];
	_ =	sdelay $0x3  }
0x98: {  	_ =	strace s17  }
0x99: {  	s3 =	sld [smem:$0x3FFC];
	_ =	sdelay $0x3  }
0x9a: {  	_ =	strace s3  }
0x9b: {  	s3 =	sld [smem:$0x3FFD];
	_ =	sdelay $0x3  }
0x9c: {  	_ =	strace s3  }
0x9d: {  	_ =	strace $0x8FFFFFFF  }
0x9e: {  	s18 =	sld [smem:$0x3FDB];
	_ =	sdelay $0x1  }
0x9f: {  	s19 =	simm.s32 $_scs_section_size  }
0xa0: {  	s5 =	simm.s32 $_size__tile_overlayer_lowered;
	s6 =	simm.s32 $_tile_overlayer_lowered  }
0xa1: {  	s22 =	simm.s32 $0x1BFF;
	s21 =	sshll.u32 s6, $0x1;
	s3 =	sadd.s32 s19, s18  }
0xa2: {  	s7 =	simm.s32 $0x0;
	s20 =	sshll.u32 s5, $0x1;
	s5 =	sadd.s32 s21, s3  }
0xa3: {  	[timem:s7], [sflag:s22] =	dma.local [hbm:s5], s20  }
0xa4: {  	_ =	swait.ge [sflag:s22], s20  }
0xa5: {  	s4 =	ssub.s32 $0x0, s20;
	[sflag:s22] =	ssyncset.done $0x0  }
0xa6: {  	[sflag:s22] =	ssyncadd.s32 s4;
	_ =	sdelay $0x1  }
0xa7: {  	s23 =	simm.s32 $0x1B8B  }
0xa8: {  	_ =	swait.ge [sflag:s23], $0x1  }
0xa9: {  	[sflag:s23] =	ssyncset.done $0x0  }
0xaa: {  	s25 =	simm.s32 $0x1B8E;
	s24 =	sld [smem:$0x3FFE];
	[sflag:s23] =	ssyncadd.s32 $0xFFFFFFFF  }
0xab: {  	s26 =	simm.s32 $execute0_lowered;
	[smem:$0x3FD2] =	sst s25  }
0xac: {  	s5 =	sshll.u32 s26, $0x1;
	_ =	strace $0x8000004C;
	[dreg:$0x1] =	wrdreg $0xFFFFFFFF  }
0xad: {  	s28 =	simm.s32 $_size_execute0_lowered;
	s3 =	sadd.s32 s3, s5;
	[dreg:$0x0] =	wrdreg $0x0  }
0xae: {  	s5 =	sshll.u32 s28, $0x1;
	[dreg:$0x2] =	wrdreg s3  }
0xaf: {  	[dreg:$0x3] =	wrdreg s5  }
0xb0: {  	[dreg:$0x4] =	wrdreg $0xC0  }
0xb1: {  	_ =	task [dreg:s7], $0x5FFFF  }
0xb2: {  	[dreg:$0x1] =	wrdreg $0xFFFFFFFF  }
0xb3: {  	[dreg:$0x0] =	wrdreg $0x60  }
0xb4: {  	[dreg:$0x2] =	wrdreg s24  }
0xb5: {  	[dreg:$0x3] =	wrdreg s16  }
0xb6: {  	[dreg:$0x4] =	wrdreg $0x9  }
0xb7: {  	_ =	task.clear_ibuf [dreg:s7], $0x5FFFF;
	_ =	strace $0x9000004C  }
0xb8: {  	s29 =	simm.s32 $0x9;
	_ =	strace $0x8000004E  }
0xb9: {  	_ =	swait.ge [sflag:s29], $0x1  }
0xba: {  	[sflag:s29] =	ssyncadd.s32 $0xFFFFFFFF  }
0xbb: {  	_ =	strace $0x9000004E  }
0xbc: {  	_ =	sfence  }
0xbd: {  	s30 =	sld [smem:$0x0];
	_ =	sdelay $0x2  }
0xbe: {  	s31 =	sshll.u32 s1, $0xD;
	s1 =	sshrl.u32 s1, $0x2  }
0xbf: {  	s3 =	sand.u32 $0x4000, s31;
	s1 =	sadd.s32 s1, s30  }
0xc0: {  	s0 =	sor.u32 s3, s0;
	s1 =	sshll.u32 s1, $0x11  }
0xc1: {  	s0 =	sor.u32 s1, s0  }
0xc2: {  	s0 =	sadd.s32 $0x8F2B, s0  }
0xc3: {  	[sflag:s0] =	ssyncadd.remote.s32 $0x1  }
0xc4: {  	_ =	sfence.sel $0xFFFF  }
0xc5: {  	[dreg:$0x0] =	wrdreg $0xFFFFFFFF;
	(pc) =	sbr.abs _section_cstart, $3  }
0xc6: {  	[dreg:$0x1] =	wrdreg $0xFFFFFFFF  }
0xc7: {  	_ =	task.clear_ibuf [dreg:s7], $0x2FFFF;
	_ =	strace $0x9FFFFFFF  }
0xc8: {  	(tm) =	ssettm $0x7FFFFFFF  }
0xc9: {  	_ =	shalt  }
tec
execute0_lowered:
.L_overlay_start_1:
0x0: {  	(tag) =	ssettag $0x1  }
0x1: {  	s5 =	rddreg [dreg:$0x0];
	s1 =	srdreg.scid  }
0x2: {  	s0 =	stileid.u32;
	s10 =	rddreg [dreg:$0x1]  }
0x3: {  	s2 =	simm.s32 $0x0;
	s14 =	simm.s32 $0x80;
	s15 =	simm.s32 $0xA100  }
0x4: {  	s16 =	simm.s32 $0x1;
	s17 =	simm.s32 $0xE100;
	s18 =	simm.s32 $0x12100  }
0x5: {  	s19 =	simm.s32 $0x12180;
	s20 =	simm.s32 $0x12200;
	s21 =	simm.s32 $0x12280  }
0x6: {  	s6 =	sand.u32 $0x1, s1;
	s4 =	smul.u32 $0x4F00, s0;
	s1 =	rddreg [dreg:$0x2]  }
0x7: {  	s22 =	simm.s32 $0x0;
	[smem:$0x7FF] =	sst s2;
	s8 =	smul.u32 $0x4F000, s0  }
0x8: {  	s3 =	sadd.s32 $0x16C00, s5;
	s7 =	smul.u32 $0x2780, s6;
	_ =	strace $0x8000004D  }
0x9: {  	s12 =	ssub.s32 $0x2, s6;
	s6 =	smul.u32 $0x27800, s6;
	s8 =	sadd.s32 s8, s5  }
0xa: {  	s13 =	sshrl.u32 s12, $0x1;
	s7 =	sadd.s32 s7, s4;
	s4 =	sadd.s32 $0x69A00, s5  }
0xb: {  	s31 =	ssub.s32 s12, s13;
	s8 =	sadd.s32 s6, s8;
	s12 =	simm.s32 $0xA000  }
0xc: {  	s13 =	simm.s32 $0xA080;
	s11 =	sshrl.u32 s7, $0x3;
	s7 =	sshrl.u32 s7, $0x1  }
0xd: {  	s9 =	sadd.s32 s11, s5;
	s7 =	sadd.s32 s7, s5;
	s5 =	smax.u32 s31, $0x1  }
0xe: {  	s10 =	sadd.s32 s11, s10;
	s11 =	simm.s32 $0x2;
	s6 =	sadd.s32 $0x6AE00, s7  }
0xf: {  	s7 =	sadd.s32 $0xB9A00, s8;
	s8 =	sadd.s32 $0xA4BC00, s8;
	s9 =	sadd.s32 $0xC000, s9  }
.LBB2_1:
0x10: {  	[tilespmem:s2], [sflag:$0x2] =	stream.linear.gather [hbm4b:s4+s2], $0xA000, $0x38;
	[tilespmem:$0x12300] =	vst v63  }
0x11: {  	s23 =	smov.u32 s10;
	_ =	swait.ge [sflag:s11], $0xA000  }
0x12: {  	s24 =	smov.u32 s9;
	s25 =	smov.u32 s8;
	[sflag:s11] =	ssyncset.done $0x0  }
0x13: {  	s26 =	smov.u32 s7;
	s28 =	simm.s32 $0x0;
	[sflag:s11] =	ssyncadd.s32 $0xFFFF6000  }
.LBB2_2:
0x14: {  	[tilespmem:s12], [sflag:$0x2] =	stream.linear.gather [hbm4b:s23+s2], $0x80, $0x38;
	[tilespmem:$0x12300] =	vst v63  }
0x15: {  	_ =	swait.ge [sflag:s11], $0x80  }
0x16: {  	[sflag:s11] =	ssyncset.done $0x0  }
0x17: {  	[sflag:s11] =	ssyncadd.s32 $0xFFFFFF80  }
0x18: {  	[tilespmem:s13], [sflag:$0x2] =	stream.linear.gather [hbm4b:s24+s2], $0x80, $0x38;
	[tilespmem:$0x12300] =	vst v63  }
0x19: {  	_ =	swait.ge [sflag:s11], $0x80  }
0x1a: {  	[sflag:s11] =	ssyncset.done $0x0  }
0x1b: {  	[sflag:s11] =	ssyncadd.s32 $0xFFFFFF80  }
0x1c: {  	[tilespmem:s15], [sflag:$0x1] =	stream.indirect.gather [hbm4b:s3+s14], $0x80, s12, s14, $0xb8;
	[tilespmem:$0x12300] =	vst v63  }
0x1d: {  	_ =	swait.ge [sflag:s16], $0x4000  }
0x1e: {  	[sflag:s16] =	ssyncset.done $0x0  }
0x1f: {  	[sflag:s16] =	ssyncadd.s32 $0xFFFFC000  }
0x20: {  	[tilespmem:s17], [sflag:$0x1] =	stream.indirect.gather [hbm4b:s3+s14], $0x80, s13, s14, $0xb8;
	[tilespmem:$0x12300] =	vst v63  }
0x21: {  	_ =	swait.ge [sflag:s16], $0x4000  }
0x22: {  	[sflag:s16] =	ssyncset.done $0x0  }
0x23: {  	[sflag:s16] =	ssyncadd.s32 $0xFFFFC000  }
0x24: {  	v0 =	vld [tilespmem:$0xA000]  }
0x25: {  	v1 =	vld [tilespmem:$0xA080];
	_ =	sdelay $0x6  }
0x26: {  	v2 =	vld.idx.msk [tilespmem:v0+s2+$0x0], $0xffff  }
0x27: {  	v3 =	vld.idx.msk [tilespmem:v1+s2+$0x0], $0xffff;
	_ =	sdelay $0x2  }
0x28: {  	v4 =	vadd.s32 $0x2800, v0  }
0x29: {  	v5 =	vadd.s32 $0x2800, v1  }
0x2a: {  	v2 =	vsub.f32 v2, v3;
	_ =	sdelay $0x1  }
0x2b: {  	[tilespmem:$0x12100] =	vst v2  }
0x2c: {  	v56 =	vld.idx.msk [tilespmem:v4+s2+$0x0], $0xffff  }
0x2d: {  	v57 =	vld.idx.msk [tilespmem:v5+s2+$0x0], $0xffff;
	_ =	sdelay $0x2  }
0x2e: {  	v0 =	vadd.s32 $0x5000, v0  }
0x2f: {  	v1 =	vadd.s32 $0x5000, v1  }
0x30: {  	v3 =	vsub.f32 v56, v57;
	_ =	sdelay $0x1  }
0x31: {  	[tilespmem:$0x12180] =	vst v3  }
0x32: {  	v0 =	vld.idx.msk [tilespmem:v0+s2+$0x0], $0xffff  }
0x33: {  	v1 =	vld.idx.msk [tilespmem:v1+s2+$0x0], $0xffff;
	_ =	sdelay $0x3  }
0x34: {  	v58 =	vld [tilespmem:$0xA010]  }
0x35: {  	v59 =	vld [tilespmem:$0xA090];
	v2 =	vmul.f32 v2, v2;
	v3 =	vmul.f32 v3, v3;
	v0 =	vsub.f32 v0, v1;
	_ =	sdelay $0x1  }
0x36: {  	v2 =	vadd.f32 v3, v2;
	v60 =	vmul.f32 v0, v0;
	_ =	sdelay $0x1  }
0x37: {  	v2 =	vadd.f32 v60, v2  }
0x38: {  	[tilespmem:$0x12200] =	vst v0  }
0x39: {  	[tilespmem:$0x12280] =	vst v2  }
0x3a: {  	v0 =	vld.idx.msk [tilespmem:v58+s2+$0x0], $0xffff  }
0x3b: {  	v2 =	vld.idx.msk [tilespmem:v59+s2+$0x0], $0xffff;
	_ =	sdelay $0x2  }
0x3c: {  	v61 =	vadd.s32 $0x2800, v58  }
0x3d: {  	v62 =	vadd.s32 $0x2800, v59  }
0x3e: {  	v0 =	vsub.f32 v0, v2;
	_ =	sdelay $0x1  }
0x3f: {  	[tilespmem:$0x12110] =	vst v0  }
0x40: {  	v63 =	vld.idx.msk [tilespmem:v61+s2+$0x0], $0xffff  }
0x41: {  	v8 =	vld.idx.msk [tilespmem:v62+s2+$0x0], $0xffff;
	_ =	sdelay $0x2  }
0x42: {  	v4 =	vadd.s32 $0x5000, v58  }
0x43: {  	v1 =	vadd.s32 $0x5000, v59  }
0x44: {  	v2 =	vsub.f32 v63, v8;
	_ =	sdelay $0x1  }
0x45: {  	[tilespmem:$0x12190] =	vst v2  }
0x46: {  	v9 =	vld.idx.msk [tilespmem:v4+s2+$0x0], $0xffff  }
0x47: {  	v1 =	vld.idx.msk [tilespmem:v1+s2+$0x0], $0xffff;
	_ =	sdelay $0x3  }
0x48: {  	v10 =	vld [tilespmem:$0xA020]  }
0x49: {  	v11 =	vld [tilespmem:$0xA0A0];
	v0 =	vmul.f32 v0, v0;
	v2 =	vmul.f32 v2, v2;
	v1 =	vsub.f32 v9, v1;
	_ =	sdelay $0x1  }
0x4a: {  	v0 =	vadd.f32 v2, v0;
	v12 =	vmul.f32 v1, v1;
	_ =	sdelay $0x1  }
0x4b: {  	v0 =	vadd.f32 v12, v0  }
0x4c: {  	[tilespmem:$0x12210] =	vst v1  }
0x4d: {  	[tilespmem:$0x12290] =	vst v0  }
0x4e: {  	v0 =	vld.idx.msk [tilespmem:v10+s2+$0x0], $0xffff  }
0x4f: {  	v1 =	vld.idx.msk [tilespmem:v11+s2+$0x0], $0xffff;
	_ =	sdelay $0x2  }
0x50: {  	v13 =	vadd.s32 $0x2800, v10  }
0x51: {  	v14 =	vadd.s32 $0x2800, v11  }
0x52: {  	v0 =	vsub.f32 v0, v1;
	_ =	sdelay $0x1  }
0x53: {  	[tilespmem:$0x12120] =	vst v0  }
0x54: {  	v15 =	vld.idx.msk [tilespmem:v13+s2+$0x0], $0xffff  }
0x55: {  	v16 =	vld.idx.msk [tilespmem:v14+s2+$0x0], $0xffff;
	_ =	sdelay $0x2  }
0x56: {  	v4 =	vadd.s32 $0x5000, v10  }
0x57: {  	v3 =	vadd.s32 $0x5000, v11  }
0x58: {  	v1 =	vsub.f32 v15, v16;
	_ =	sdelay $0x1  }
0x59: {  	[tilespmem:$0x121A0] =	vst v1  }
0x5a: {  	v17 =	vld.idx.msk [tilespmem:v4+s2+$0x0], $0xffff  }
0x5b: {  	v3 =	vld.idx.msk [tilespmem:v3+s2+$0x0], $0xffff;
	_ =	sdelay $0x3  }
0x5c: {  	v18 =	vld [tilespmem:$0xA030]  }
0x5d: {  	v19 =	vld [tilespmem:$0xA0B0];
	v0 =	vmul.f32 v0, v0;
	v1 =	vmul.f32 v1, v1;
	v2 =	vsub.f32 v17, v3;
	_ =	sdelay $0x1  }
0x5e: {  	v0 =	vadd.f32 v1, v0;
	v20 =	vmul.f32 v2, v2;
	_ =	sdelay $0x1  }
0x5f: {  	v0 =	vadd.f32 v20, v0  }
0x60: {  	[tilespmem:$0x12220] =	vst v2  }
0x61: {  	[tilespmem:$0x122A0] =	vst v0  }
0x62: {  	v0 =	vld.idx.msk [tilespmem:v18+s2+$0x0], $0xffff  }
0x63: {  	v21 =	vld.idx.msk [tilespmem:v19+s2+$0x0], $0xffff;
	_ =	sdelay $0x2  }
0x64: {  	v22 =	vadd.s32 $0x2800, v18  }
0x65: {  	v23 =	vadd.s32 $0x2800, v19  }
0x66: {  	v0 =	vsub.f32 v0, v21;
	_ =	sdelay $0x1  }
0x67: {  	[tilespmem:$0x12130] =	vst v0  }
0x68: {  	v24 =	vld.idx.msk [tilespmem:v22+s2+$0x0], $0xffff  }
0x69: {  	v25 =	vld.idx.msk [tilespmem:v23+s2+$0x0], $0xffff;
	_ =	sdelay $0x2  }
0x6a: {  	v4 =	vadd.s32 $0x5000, v18  }
0x6b: {  	v3 =	vadd.s32 $0x5000, v19  }
0x6c: {  	v1 =	vsub.f32 v24, v25;
	_ =	sdelay $0x1  }
0x6d: {  	[tilespmem:$0x121B0] =	vst v1  }
0x6e: {  	v26 =	vld.idx.msk [tilespmem:v4+s2+$0x0], $0xffff  }
0x6f: {  	v3 =	vld.idx.msk [tilespmem:v3+s2+$0x0], $0xffff;
	_ =	sdelay $0x3  }
0x70: {  	v27 =	vld [tilespmem:$0xA040]  }
0x71: {  	v28 =	vld [tilespmem:$0xA0C0];
	v0 =	vmul.f32 v0, v0;
	v1 =	vmul.f32 v1, v1;
	v2 =	vsub.f32 v26, v3;
	_ =	sdelay $0x1  }
0x72: {  	v0 =	vadd.f32 v1, v0;
	v29 =	vmul.f32 v2, v2;
	_ =	sdelay $0x1  }
0x73: {  	v0 =	vadd.f32 v29, v0  }
0x74: {  	[tilespmem:$0x12230] =	vst v2  }
0x75: {  	[tilespmem:$0x122B0] =	vst v0  }
0x76: {  	v0 =	vld.idx.msk [tilespmem:v27+s2+$0x0], $0xffff  }
0x77: {  	v30 =	vld.idx.msk [tilespmem:v28+s2+$0x0], $0xffff;
	_ =	sdelay $0x2  }
0x78: {  	v31 =	vadd.s32 $0x2800, v27  }
0x79: {  	v32 =	vadd.s32 $0x2800, v28  }
0x7a: {  	v0 =	vsub.f32 v0, v30;
	_ =	sdelay $0x1  }
0x7b: {  	[tilespmem:$0x12140] =	vst v0  }
0x7c: {  	v33 =	vld.idx.msk [tilespmem:v31+s2+$0x0], $0xffff  }
0x7d: {  	v34 =	vld.idx.msk [tilespmem:v32+s2+$0x0], $0xffff;
	_ =	sdelay $0x2  }
0x7e: {  	v4 =	vadd.s32 $0x5000, v27  }
0x7f: {  	v3 =	vadd.s32 $0x5000, v28  }
0x80: {  	v1 =	vsub.f32 v33, v34;
	_ =	sdelay $0x1  }
0x81: {  	[tilespmem:$0x121C0] =	vst v1  }
0x82: {  	v35 =	vld.idx.msk [tilespmem:v4+s2+$0x0], $0xffff  }
0x83: {  	v3 =	vld.idx.msk [tilespmem:v3+s2+$0x0], $0xffff;
	_ =	sdelay $0x3  }
0x84: {  	v36 =	vld [tilespmem:$0xA050]  }
0x85: {  	v37 =	vld [tilespmem:$0xA0D0];
	v0 =	vmul.f32 v0, v0;
	v1 =	vmul.f32 v1, v1;
	v2 =	vsub.f32 v35, v3;
	_ =	sdelay $0x1  }
0x86: {  	v0 =	vadd.f32 v1, v0;
	v38 =	vmul.f32 v2, v2;
	_ =	sdelay $0x1  }
0x87: {  	v0 =	vadd.f32 v38, v0  }
0x88: {  	[tilespmem:$0x12240] =	vst v2  }
0x89: {  	[tilespmem:$0x122C0] =	vst v0  }
0x8a: {  	v0 =	vld.idx.msk [tilespmem:v36+s2+$0x0], $0xffff  }
0x8b: {  	v39 =	vld.idx.msk [tilespmem:v37+s2+$0x0], $0xffff;
	_ =	sdelay $0x2  }
0x8c: {  	v40 =	vadd.s32 $0x2800, v36  }
0x8d: {  	v41 =	vadd.s32 $0x2800, v37  }
0x8e: {  	v0 =	vsub.f32 v0, v39;
	_ =	sdelay $0x1  }
0x8f: {  	[tilespmem:$0x12150] =	vst v0  }
0x90: {  	v42 =	vld.idx.msk [tilespmem:v40+s2+$0x0], $0xffff  }
0x91: {  	v43 =	vld.idx.msk [tilespmem:v41+s2+$0x0], $0xffff;
	_ =	sdelay $0x2  }
0x92: {  	v4 =	vadd.s32 $0x5000, v36  }
0x93: {  	v3 =	vadd.s32 $0x5000, v37  }
0x94: {  	v1 =	vsub.f32 v42, v43;
	_ =	sdelay $0x1  }
0x95: {  	[tilespmem:$0x121D0] =	vst v1  }
0x96: {  	v44 =	vld.idx.msk [tilespmem:v4+s2+$0x0], $0xffff  }
0x97: {  	v3 =	vld.idx.msk [tilespmem:v3+s2+$0x0], $0xffff;
	_ =	sdelay $0x3  }
0x98: {  	v45 =	vld [tilespmem:$0xA060]  }
0x99: {  	v46 =	vld [tilespmem:$0xA0E0];
	v0 =	vmul.f32 v0, v0;
	v1 =	vmul.f32 v1, v1;
	v2 =	vsub.f32 v44, v3;
	_ =	sdelay $0x1  }
0x9a: {  	v0 =	vadd.f32 v1, v0;
	v47 =	vmul.f32 v2, v2;
	_ =	sdelay $0x1  }
0x9b: {  	v0 =	vadd.f32 v47, v0  }
0x9c: {  	[tilespmem:$0x12250] =	vst v2  }
0x9d: {  	[tilespmem:$0x122D0] =	vst v0  }
0x9e: {  	v0 =	vld.idx.msk [tilespmem:v45+s2+$0x0], $0xffff  }
0x9f: {  	v48 =	vld.idx.msk [tilespmem:v46+s2+$0x0], $0xffff;
	_ =	sdelay $0x2  }
0xa0: {  	v49 =	vadd.s32 $0x2800, v45  }
0xa1: {  	v50 =	vadd.s32 $0x2800, v46  }
0xa2: {  	v0 =	vsub.f32 v0, v48;
	_ =	sdelay $0x1  }
0xa3: {  	[tilespmem:$0x12160] =	vst v0  }
0xa4: {  	v51 =	vld.idx.msk [tilespmem:v49+s2+$0x0], $0xffff  }
0xa5: {  	v52 =	vld.idx.msk [tilespmem:v50+s2+$0x0], $0xffff;
	_ =	sdelay $0x2  }
0xa6: {  	v4 =	vadd.s32 $0x5000, v45  }
0xa7: {  	v3 =	vadd.s32 $0x5000, v46  }
0xa8: {  	v1 =	vsub.f32 v51, v52;
	_ =	sdelay $0x1  }
0xa9: {  	[tilespmem:$0x121E0] =	vst v1  }
0xaa: {  	v53 =	vld.idx.msk [tilespmem:v4+s2+$0x0], $0xffff  }
0xab: {  	v3 =	vld.idx.msk [tilespmem:v3+s2+$0x0], $0xffff;
	_ =	sdelay $0x3  }
0xac: {  	v54 =	vld [tilespmem:$0xA070]  }
0xad: {  	v55 =	vld [tilespmem:$0xA0F0];
	v0 =	vmul.f32 v0, v0;
	v1 =	vmul.f32 v1, v1;
	v2 =	vsub.f32 v53, v3;
	_ =	sdelay $0x1  }
0xae: {  	v0 =	vadd.f32 v1, v0;
	v56 =	vmul.f32 v2, v2;
	_ =	sdelay $0x1  }
0xaf: {  	v0 =	vadd.f32 v56, v0  }
0xb0: {  	[tilespmem:$0x12260] =	vst v2  }
0xb1: {  	[tilespmem:$0x122E0] =	vst v0  }
0xb2: {  	v0 =	vld.idx.msk [tilespmem:v54+s2+$0x0], $0xffff  }
0xb3: {  	v57 =	vld.idx.msk [tilespmem:v55+s2+$0x0], $0xffff;
	_ =	sdelay $0x2  }
0xb4: {  	v58 =	vadd.s32 $0x2800, v54  }
0xb5: {  	v59 =	vadd.s32 $0x2800, v55  }
0xb6: {  	v0 =	vsub.f32 v0, v57;
	_ =	sdelay $0x1  }
0xb7: {  	[tilespmem:$0x12170] =	vst v0  }
0xb8: {  	v60 =	vld.idx.msk [tilespmem:v58+s2+$0x0], $0xffff  }
0xb9: {  	v61 =	vld.idx.msk [tilespmem:v59+s2+$0x0], $0xffff;
	_ =	sdelay $0x2  }
0xba: {  	v4 =	vadd.s32 $0x5000, v54  }
0xbb: {  	v3 =	vadd.s32 $0x5000, v55  }
0xbc: {  	v1 =	vsub.f32 v60, v61;
	_ =	sdelay $0x1  }
0xbd: {  	[tilespmem:$0x121F0] =	vst v1  }
0xbe: {  	v62 =	vld.idx.msk [tilespmem:v4+s2+$0x0], $0xffff  }
0xbf: {  	v3 =	vld.idx.msk [tilespmem:v3+s2+$0x0], $0xffff;
	_ =	sdelay $0x4  }
0xc0: {  	v0 =	vmul.f32 v0, v0;
	v1 =	vmul.f32 v1, v1;
	v2 =	vsub.f32 v62, v3;
	_ =	sdelay $0x1  }
0xc1: {  	v0 =	vadd.f32 v1, v0;
	v63 =	vmul.f32 v2, v2;
	_ =	sdelay $0x1  }
0xc2: {  	v0 =	vadd.f32 v63, v0  }
0xc3: {  	[tilespmem:$0x12270] =	vst v2  }
0xc4: {  	[tilespmem:$0x122F0] =	vst v0  }
0xc5: {  	[hbm4b:s26+s2] =	stream.linear.scatter [tilespmem:s15], [sflag:$0x2], $0x4000, $0x38;
	[tilespmem:$0x12300] =	vst v63  }
0xc6: {  	_ =	swait.ge [sflag:s11], $0x4000  }
0xc7: {  	[sflag:s11] =	ssyncset.done $0x0  }
0xc8: {  	[sflag:s11] =	ssyncadd.s32 $0xFFFFC000  }
0xc9: {  	[hbm4b:s25+s2] =	stream.linear.scatter [tilespmem:s17], [sflag:$0x2], $0x4000, $0x38;
	[tilespmem:$0x12300] =	vst v63  }
0xca: {  	_ =	swait.ge [sflag:s11], $0x4000  }
0xcb: {  	[sflag:s11] =	ssyncset.done $0x0  }
0xcc: {  	s29 =	sadd.s32 s28, s6;
	[sflag:s11] =	ssyncadd.s32 $0xFFFFC000  }
0xcd: {  	[hbm4b:s29+s2] =	stream.linear.scatter [tilespmem:s18], [sflag:$0x2], $0x80, $0x38;
	[tilespmem:$0x12300] =	vst v63  }
0xce: {  	_ =	swait.ge [sflag:s11], $0x80  }
0xcf: {  	[sflag:s11] =	ssyncset.done $0x0  }
0xd0: {  	s30 =	sadd.s32 $0x10, s29;
	[sflag:s11] =	ssyncadd.s32 $0xFFFFFF80  }
0xd1: {  	[hbm4b:s30+s2] =	stream.linear.scatter [tilespmem:s19], [sflag:$0x2], $0x80, $0x38;
	[tilespmem:$0x12300] =	vst v63  }
0xd2: {  	_ =	swait.ge [sflag:s11], $0x80  }
0xd3: {  	[sflag:s11] =	ssyncset.done $0x0  }
0xd4: {  	s31 =	sadd.s32 $0x20, s29;
	[sflag:s11] =	ssyncadd.s32 $0xFFFFFF80  }
0xd5: {  	[hbm4b:s31+s2] =	stream.linear.scatter [tilespmem:s20], [sflag:$0x2], $0x80, $0x38;
	[tilespmem:$0x12300] =	vst v63  }
0xd6: {  	_ =	swait.ge [sflag:s11], $0x80  }
0xd7: {  	p0 =	sne.s32 s28, $0x1380;
	[sflag:s11] =	ssyncset.done $0x0  }
.Ltmp0:
0xd8: {  	s29 =	sadd.s32 $0x30, s29;
	[sflag:s11] =	ssyncadd.s32 $0xFFFFFF80;
	(pc) =	sbr.rel @p0 .LBB2_2-.Ltmp0, $4  }
0xd9: {  	[hbm4b:s29+s2] =	stream.linear.scatter [tilespmem:s21], [sflag:$0x2], $0x80, $0x38;
	[tilespmem:$0x12300] =	vst v63  }
0xda: {  	s23 =	sadd.s32 $0x10, s23;
	_ =	swait.ge [sflag:s11], $0x80  }
0xdb: {  	s28 =	sadd.s32 $0x40, s28;
	s24 =	sadd.s32 $0x10, s24;
	[sflag:s11] =	ssyncset.done $0x0  }
0xdc: {  	s26 =	sadd.s32 $0x800, s26;
	s25 =	sadd.s32 $0x800, s25;
	[sflag:s11] =	ssyncadd.s32 $0xFFFFFF80  }
0xdd: {  	s22 =	sadd.s32 $0x1, s22  }
0xde: {  	p0 =	sne.s32 s22, s5  }
.Ltmp1:
0xdf: {  	_ = 	snop;
	(pc) =	sbr.rel @p0 .LBB2_1-.Ltmp1, $1  }
0xe0: {  	_ =	sdelay $0x3  }
0xe1: {  	_ =	sfence.sel $0x180000  }
0xe2: {  	[bflag:$0x0] =	sbarrier.arrive $0xFFFF  }
0xe3: {  	p0 =	sne.s32 s0, $0x0;
	_ =	strace $0x9000004D  }
0xe4: {  	s0 =	sadd.s32 @!p0 $0x100000, s1;
	[bflag:$0x2] =	sbarrier.arrive $0xFFFF  }
0xe5: {  	[sflag:s0] =	ssyncadd.tile.s32 @!p0 $0x1;
	_ =	shalt  }
.Lfunc_end2:
_tile_overlayer_lowered:
.L_overlay_start_2:
0xe6: {  	(tag) =	ssettag $0x2  }
0xe7: {  	s0 =	rddreg [dreg:$0x0];
	s2 =	stileid.u32  }
0xe8: {  	s1 =	rddreg [dreg:$0x1];
	p0 =	sne.s32 s2, $0x0  }
0xe9: {  	s3 =	rddreg [dreg:$0x2];
	[bflag:$0x3] =	sbarrier.arrive $0xFFFF;
	s2 =	simm.s32 @!p0 $0x1C02  }
0xea: {  	[timem:s3], [sflag:s2] =	dma.local @!p0 [hbm:s0], s1  }
0xeb: {  	s0 =	simm.s32 @!p0 $0x2  }
0xec: {  	_ =	swait.ge @!p0 [sflag:s0], s1  }
0xed: {  	s1 =	ssub.s32 @!p0 $0x0, s1;
	[sflag:s0] =	ssyncset.done @!p0 $0x0  }
0xee: {  	[sflag:s0] =	ssyncadd.s32 @!p0 s1  }
0xef: {  	[bflag:$0x3] =	sbarrier.arrive $0xFFFF  }
0xf0: {  	_ =	shalt  }

// kernel: kernel.23.cloned.1.call-start
scs
__scs_entry_jumppad:
0x0: {  	(pc) =	sbr.rel $0x88, $3  }
0x1: {  	(tag) =	ssettag $0x0;
	lr =	simm.s32 $0x1  }
0x2: {  	[smem:$0x3F92] =	sst lr;
	_ =	strace $0xD0000000  }
0x3: {  	_ = 	snop  }
0x4: {  	_ = 	snop  }
0x5: {  	_ = 	snop  }
0x6: {  	_ = 	snop  }
0x7: {  	_ = 	snop  }
__scs_overlays_trampoline_lowered:
0x8: {  	[smem:$0x3FA1] =	sst s0  }
0x9: {  	[smem:$0x3FA2] =	sst s1  }
0xa: {  	[smem:$0x3FA3] =	sst s2  }
0xb: {  	[smem:$0x3FA4] =	sst s3  }
0xc: {  	[smem:$0x3FA5] =	sst s4  }
0xd: {  	[smem:$0x3FA6] =	sst s5  }
0xe: {  	[smem:$0x3FA7] =	sst s6  }
0xf: {  	[smem:$0x3FA8] =	sst s7  }
0x10: {  	[smem:$0x3FA9] =	sst s8  }
0x11: {  	[smem:$0x3FAA] =	sst s9;
	s0 =	simm.s32 @!p0 $0x0  }
0x12: {  	s1 =	sld [smem:$0x3F90];
	s0 =	simm.s32 @p0 $0x1  }
0x13: {  	[smem:$0x3FAB] =	sst s0;
	s0 =	simm.s32 @!p1 $0x0  }
0x14: {  	s2 =	sld [smem:$0x3F8F];
	s0 =	simm.s32 @p1 $0x1  }
0x15: {  	[smem:$0x3FAC] =	sst s0;
	s0 =	simm.s32 @!p2 $0x0  }
0x16: {  	s3 =	sld [smem:$0x3FDB];
	s0 =	simm.s32 @p2 $0x1  }
0x17: {  	s4 =	simm.s32 $0x1BF5;
	[smem:$0x3FAE] =	sst s0  }
0x18: {  	s0 =	sld [smem:$0x3F91];
	_ =	swait.ge [sflag:s4], $0x0  }
0x19: {  	s7 =	sld [smem:$0x3F92]  }
0x1a: {  	s8 =	sadd.s32 $0xFFFFE003, lr  }
0x1b: {  	s9 =	sadd.s32 $0xFFFFFEF7, lr;
	s5 =	simm.s32 $0xFFFFFFFF;
	p2 =	slt.u32 s8, $0xFFFFF086  }
0x1c: {  	p1 =	slt.u32 s9, $0xF7A;
	s5 =	simm.s32 @!p2 $0x0  }
0x1d: {  	s5 =	simm.s32 @p1 $0x1;
	p0 =	seq.s32 s7, s2  }
0x1e: {  	s7 =	smul.u32 @!p0 $0xF7A, s2;
	p2 =	seq.s32 @!p0 s5, $0x0  }
0x1f: {  	s9 =	smul.u32 $0xF7A, s1;
	s8 =	simm.s32 @!p0 $0x1BF5;
	p2 =	por !p2, p0  }
0x20: {  	[sflag:s8] =	ssyncset.s32 @!p0 $0xFFFFF086;
	s6 =	sadd.s32 @!p0 s3, s7;
	s7 =	simm.s32 @!p0 $0x108  }
0x21: {  	s3 =	sadd.s32 s3, s9;
	s6 =	sadd.s32 @!p0 $0x88, s6;
	s7 =	simm.s32 @p2 $0x1082  }
0x22: {  	[simem:s7], [sflag:s8] =	dma.local @!p0 [hbm:s6], $0xF7A  }
0x23: {  	s9 =	sor.u32 $0xD0000000, s2;
	s6 =	simm.s32 $0x108;
	_ =	swait.ge @!p0 [sflag:s8], $0x0  }
0x24: {  	s3 =	sadd.s32 $0x88, s3;
	s6 =	simm.s32 @!p1 $0x1082;
	[sflag:s4] =	ssyncset.s32 $0xFFFFF086  }
0x25: {  	[simem:s6], [sflag:s4] =	dma.local [hbm:s3], $0xF7A  }
0x26: {  	[smem:$0x3F92] =	sst s1;
	(tag) =	ssettag s2;
	_ =	strace s9  }
0x27: {  	s1 =	sld [smem:$0x3FA2]  }
0x28: {  	s2 =	sld [smem:$0x3FA3]  }
0x29: {  	s4 =	sld [smem:$0x3FA5]  }
0x2a: {  	p0 =	seq.s32 s5, $0x0;
	s5 =	sld [smem:$0x3FA6]  }
0x2b: {  	s6 =	sld [smem:$0x3FA7]  }
0x2c: {  	s7 =	sld [smem:$0x3FA8]  }
0x2d: {  	s3 =	simm.s32 $0x108;
	s8 =	sld [smem:$0x3FA9]  }
0x2e: {  	s3 =	simm.s32 @!p0 $0x1082;
	s9 =	sld [smem:$0x3FAA]  }
0x2f: {  	lr =	sadd.s32 s0, s3;
	s0 =	sld [smem:$0x3FA1]  }
0x30: {  	s3 =	sld [smem:$0x3FA4]  }
0x31: {  	[smem:$0x3FAD] =	sst s10  }
0x32: {  	s10 =	sld [smem:$0x3FAB];
	_ =	sdelay $0x3  }
0x33: {  	p0 =	seq.s32 s10, $0x1;
	s10 =	sld [smem:$0x3FAD];
	_ =	sdelay $0x3  }
0x34: {  	[smem:$0x3FAD] =	sst s10  }
0x35: {  	s10 =	sld [smem:$0x3FAC];
	_ =	sdelay $0x3  }
0x36: {  	p1 =	seq.s32 s10, $0x1;
	s10 =	sld [smem:$0x3FAD];
	_ =	sdelay $0x3  }
0x37: {  	[smem:$0x3FAD] =	sst s10  }
0x38: {  	s10 =	sld [smem:$0x3FAE]  }
0x39: {  	_ = 	snop;
	(pc) =	sbr.ind lr, $3  }
0x3a: {  	_ = 	snop  }
0x3b: {  	_ = 	snop  }
0x3c: {  	p2 =	seq.s32 s10, $0x1;
	s10 =	sld [smem:$0x3FAD]  }
0x3d: {  	_ =	shalt  }
0x3e: {  	_ =	shalt  }
0x3f: {  	_ =	shalt  }
0x40: {  	_ =	shalt  }
0x41: {  	_ =	shalt  }
0x42: {  	_ =	shalt  }
0x43: {  	_ =	shalt  }
0x44: {  	_ =	shalt  }
0x45: {  	_ =	shalt  }
0x46: {  	_ =	shalt  }
0x47: {  	_ =	shalt  }
0x48: {  	_ =	shalt  }
0x49: {  	_ =	shalt  }
0x4a: {  	_ =	shalt  }
0x4b: {  	_ =	shalt  }
0x4c: {  	_ =	shalt  }
0x4d: {  	_ =	shalt  }
0x4e: {  	_ =	shalt  }
0x4f: {  	_ =	shalt  }
0x50: {  	_ =	shalt  }
0x51: {  	_ =	shalt  }
0x52: {  	_ =	shalt  }
0x53: {  	_ =	shalt  }
0x54: {  	_ =	shalt  }
0x55: {  	_ =	shalt  }
0x56: {  	_ =	shalt  }
0x57: {  	_ =	shalt  }
0x58: {  	_ =	shalt  }
0x59: {  	_ =	shalt  }
0x5a: {  	_ =	shalt  }
0x5b: {  	_ =	shalt  }
0x5c: {  	_ =	shalt  }
0x5d: {  	_ =	shalt  }
0x5e: {  	_ =	shalt  }
0x5f: {  	_ =	shalt  }
0x60: {  	_ =	shalt  }
0x61: {  	_ =	shalt  }
0x62: {  	_ =	shalt  }
0x63: {  	_ =	shalt  }
0x64: {  	_ =	shalt  }
0x65: {  	_ =	shalt  }
0x66: {  	_ =	shalt  }
0x67: {  	_ =	shalt  }
0x68: {  	_ =	shalt  }
0x69: {  	_ =	shalt  }
0x6a: {  	_ =	shalt  }
0x6b: {  	_ =	shalt  }
0x6c: {  	_ =	shalt  }
0x6d: {  	_ =	shalt  }
0x6e: {  	_ =	shalt  }
0x6f: {  	_ =	shalt  }
0x70: {  	_ =	shalt  }
0x71: {  	_ =	shalt  }
0x72: {  	_ =	shalt  }
0x73: {  	_ =	shalt  }
0x74: {  	_ =	shalt  }
0x75: {  	_ =	shalt  }
0x76: {  	_ =	shalt  }
0x77: {  	_ =	shalt  }
0x78: {  	_ =	shalt  }
0x79: {  	_ =	shalt  }
0x7a: {  	_ =	shalt  }
0x7b: {  	_ =	shalt  }
0x7c: {  	_ =	shalt  }
0x7d: {  	_ =	shalt  }
0x7e: {  	_ =	shalt  }
0x7f: {  	_ =	shalt  }
0x80: {  	_ =	shalt  }
0x81: {  	_ =	shalt  }
0x82: {  	_ =	shalt  }
0x83: {  	_ =	shalt  }
0x84: {  	_ =	shalt  }
0x85: {  	_ =	shalt  }
0x86: {  	_ =	shalt  }
0x87: {  	_ =	shalt  }
.Lfunc_end0:
.L_simem_size_0:
called_computation.3_lowered:
.L_overlay_start_0:
0x88: {  	s2 =	sld [smem:$0x3FD9]  }
0x89: {  	s3 =	sld [smem:$0x3FFE];
	_ =	sdelay $0x1  }
0x8a: {  	s1 =	srdreg.scid  }
0x8b: {  	s0 =	sand.u32 $0x1, s1  }
0x8c: {  	s14 =	sshll.u32 s0, $0xA;
	s2 =	sadd.s32 s3, s2  }
0x8d: {  	s2 =	sadd.s32 s2, s14  }
0x8e: {  	[smem:$0x3FB9] =	sst s2  }
0x8f: {  	_ = 	snop  }
0x90: {  	s2 =	sld [smem:$0x3FD0];
	_ =	sdelay $0x2  }
0x91: {  	s15 =	simm.s32 $0xA;
	s4 =	simm.s32 $0x10  }
0x92: {  	[smem:s4], [sflag:s15] =	dma.local [hbm:s2], $0x1  }
0x93: {  	_ =	swait.eq [sflag:s15], $0x1  }
0x94: {  	[sflag:s15] =	ssyncset.done $0x0  }
0x95: {  	[sflag:s15] =	ssyncadd.s32 $0xFFFFFFFF  }
0x96: {  	s16 =	sld [smem:$0x10];
	(tm) =	ssettm $0x1  }
0x97: {  	s17 =	sld [smem:$0x3FFB];
	_ =	sdelay $0x3  }
0x98: {  	_ =	strace s17  }
0x99: {  	s3 =	sld [smem:$0x3FFC];
	_ =	sdelay $0x3  }
0x9a: {  	_ =	strace s3  }
0x9b: {  	s3 =	sld [smem:$0x3FFD];
	_ =	sdelay $0x3  }
0x9c: {  	_ =	strace s3  }
0x9d: {  	_ =	strace $0x8FFFFFFF  }
0x9e: {  	s18 =	sld [smem:$0x3FDB];
	_ =	sdelay $0x1  }
0x9f: {  	s19 =	simm.s32 $_scs_section_size  }
0xa0: {  	s5 =	simm.s32 $_size__tile_overlayer_lowered;
	s6 =	simm.s32 $_tile_overlayer_lowered  }
0xa1: {  	s22 =	simm.s32 $0x1BFF;
	s21 =	sshll.u32 s6, $0x1;
	s3 =	sadd.s32 s19, s18  }
0xa2: {  	s7 =	simm.s32 $0x0;
	s20 =	sshll.u32 s5, $0x1;
	s5 =	sadd.s32 s21, s3  }
0xa3: {  	[timem:s7], [sflag:s22] =	dma.local [hbm:s5], s20  }
0xa4: {  	_ =	swait.ge [sflag:s22], s20  }
0xa5: {  	s4 =	ssub.s32 $0x0, s20;
	[sflag:s22] =	ssyncset.done $0x0  }
0xa6: {  	[sflag:s22] =	ssyncadd.s32 s4;
	_ =	sdelay $0x1  }
0xa7: {  	s23 =	simm.s32 $0x1B8B  }
0xa8: {  	_ =	swait.ge [sflag:s23], $0x1  }
0xa9: {  	[sflag:s23] =	ssyncset.done $0x0  }
0xaa: {  	s25 =	simm.s32 $0x1B8E;
	s24 =	sld [smem:$0x3FFE];
	[sflag:s23] =	ssyncadd.s32 $0xFFFFFFFF  }
0xab: {  	s26 =	simm.s32 $execute0_lowered;
	[smem:$0x3FD2] =	sst s25  }
0xac: {  	s5 =	sshll.u32 s26, $0x1;
	_ =	strace $0x8000004F;
	[dreg:$0x1] =	wrdreg $0xFFFFFFFF  }
0xad: {  	s28 =	simm.s32 $_size_execute0_lowered;
	s3 =	sadd.s32 s3, s5;
	[dreg:$0x0] =	wrdreg $0x0  }
0xae: {  	s5 =	sshll.u32 s28, $0x1;
	[dreg:$0x2] =	wrdreg s3  }
0xaf: {  	[dreg:$0x3] =	wrdreg s5  }
0xb0: {  	[dreg:$0x4] =	wrdreg $0xC0  }
0xb1: {  	_ =	task [dreg:s7], $0x5FFFF  }
0xb2: {  	[dreg:$0x1] =	wrdreg $0xFFFFFFFF  }
0xb3: {  	[dreg:$0x0] =	wrdreg $0x60  }
0xb4: {  	[dreg:$0x2] =	wrdreg s24  }
0xb5: {  	[dreg:$0x3] =	wrdreg s16  }
0xb6: {  	[dreg:$0x4] =	wrdreg $0x40800  }
0xb7: {  	[dreg:$0x5] =	wrdreg $0x9  }
0xb8: {  	_ =	task.clear_ibuf [dreg:s7], $0x6FFFF;
	_ =	strace $0x9000004F  }
0xb9: {  	s29 =	simm.s32 $0x9;
	_ =	strace $0x80000051  }
0xba: {  	_ =	swait.ge [sflag:s29], $0x1  }
0xbb: {  	[sflag:s29] =	ssyncadd.s32 $0xFFFFFFFF  }
0xbc: {  	_ =	strace $0x90000051  }
0xbd: {  	_ =	sfence  }
0xbe: {  	s30 =	sld [smem:$0x0];
	_ =	sdelay $0x2  }
0xbf: {  	s31 =	sshll.u32 s1, $0xD;
	s1 =	sshrl.u32 s1, $0x2  }
0xc0: {  	s3 =	sand.u32 $0x4000, s31;
	s1 =	sadd.s32 s1, s30  }
0xc1: {  	s0 =	sor.u32 s3, s0;
	s1 =	sshll.u32 s1, $0x11  }
0xc2: {  	s0 =	sor.u32 s1, s0  }
0xc3: {  	s0 =	sadd.s32 $0x8F2B, s0  }
0xc4: {  	[sflag:s0] =	ssyncadd.remote.s32 $0x1  }
0xc5: {  	_ =	sfence.sel $0xFFFF  }
0xc6: {  	[dreg:$0x0] =	wrdreg $0xFFFFFFFF;
	(pc) =	sbr.abs _section_cstart, $3  }
0xc7: {  	[dreg:$0x1] =	wrdreg $0xFFFFFFFF  }
0xc8: {  	_ =	task.clear_ibuf [dreg:s7], $0x2FFFF;
	_ =	strace $0x9FFFFFFF  }
0xc9: {  	(tm) =	ssettm $0x7FFFFFFF  }
tec
execute0_lowered:
.L_overlay_start_1:
0x0: {  	(tag) =	ssettag $0x1  }
0x1: {  	s4 =	rddreg [dreg:$0x0]  }
0x2: {  	s9 =	rddreg [dreg:$0x1]  }
0x3: {  	s1 =	rddreg [dreg:$0x2]  }
0x4: {  	s0 =	rddreg [dreg:$0x3];
	s3 =	simm.s32 $0x0  }
0x5: {  	s2 =	stileid.u32;
	s5 =	srdreg.scid;
	s8 =	sadd.s32 $0xF3BC00, s4  }
0x6: {  	[smem:$0x7FF] =	sst s3;
	s7 =	smul.u32 $0x2800, s2;
	s10 =	sadd.s32 $0x142BC00, s4  }
0x7: {  	s5 =	sand.u32 $0x1, s5;
	s6 =	smul.u32 $0x50000, s2;
	s12 =	sadd.s32 $0x69A00, s4  }
0x8: {  	s14 =	sadd.s32 $0xA4BC00, s4;
	s29 =	sshll.u32 s2, $0x6;
	s30 =	smul.u32 $0x4F000, s2  }
0x9: {  	s31 =	smul.u32 $0x9E0, s2;
	_ =	strace $0x80000050;
	s13 =	ssub.s32 $0x2, s5  }
0xa: {  	p0 =	seq.s32 s5, $0x1;
	s5 =	sor.u32 $0x1C01, s29;
	s11 =	sadd.s32 s7, s4  }
0xb: {  	s28 =	sshrl.u32 s13, $0x1;
	s6 =	sshrl.u32 s6, $0x2;
	s12 =	smov.u32 @p0 s14  }
0xc: {  	s8 =	smov.u32 @p0 s10;
	s9 =	sadd.s32 s31, s9;
	s13 =	ssub.s32 s13, s28  }
0xd: {  	s15 =	sadd.s32 s6, s1;
	s4 =	sadd.s32 $0x3F200, s11;
	s7 =	sadd.s32 s12, s7  }
0xe: {  	s8 =	sadd.s32 s30, s8;
	s11 =	simm.s32 $0x1;
	s12 =	simm.s32 $0x80  }
0xf: {  	s6 =	smax.u32 s13, $0x1;
	s10 =	sshrl.u32 s15, $0x3;
	s13 =	simm.s32 $0x0  }
.LBB2_1:
0x10: {  	[spmem:s10], [sflag:s5] =	dma.local [hbm:s4], $0x2800  }
0x11: {  	_ =	swait.ge [sflag:s11], $0x2800  }
0x12: {  	[sflag:s11] =	ssyncset.done $0x0  }
0x13: {  	[sflag:s11] =	ssyncadd.s32 $0xFFFFD800  }
0x14: {  	s14 =	sadd.s32 $0x0, s9;
	[bflag:$0x0] =	sbarrier.arrive $0xFFFF  }
0x15: {  	[tilespmem:s3], [sflag:$0x1] =	stream.linear.gather [hbm4b:s14+s3], $0x80, $0x38;
	[tilespmem:$0x18080] =	vst v63  }
0x16: {  	_ =	swait.ge [sflag:s11], $0x80  }
0x17: {  	[sflag:s11] =	ssyncset.done $0x0  }
0x18: {  	[sflag:s11] =	ssyncadd.s32 $0xFFFFFF80  }
0x19: {  	[tilespmem:s12], [sflag:$0x1] =	stream.linear.gather [hbm4b:s8+s3], $0x4000, $0x38;
	[tilespmem:$0x18080] =	vst v63  }
0x1a: {  	_ =	swait.ge [sflag:s11], $0x4000  }
0x1b: {  	[sflag:s11] =	ssyncset.done $0x0  }
0x1c: {  	[sflag:s11] =	ssyncadd.s32 $0xFFFFC000  }
0x1d: {  	[spmem:s1] =	stream.indirect.scatter.add.f32 [tilespmem:s12], [sflag:$0x1], $0x80, s3, s12, $0xb8;
	[tilespmem:$0x18080] =	vst v63  }
0x1e: {  	s15 =	simm.s32 $0x10;
	_ =	swait.ge [sflag:s11], $0x4000  }
0x1f: {  	s16 =	simm.s32 $0x20;
	s14 =	sadd.s32 $0x800, s8;
	[sflag:s11] =	ssyncset.done $0x0  }
.LBB2_2:
0x20: {  	s17 =	sadd.s32 s15, s9  }
0x21: {  	[sflag:s11] =	ssyncadd.s32 $0xFFFFC000;
	s15 =	smov.u32 s16;
	s18 =	sadd.s32 $0x10, s16  }
0x22: {  	[tilespmem:s3], [sflag:$0x1] =	stream.linear.gather [hbm4b:s17+s3], $0x80, $0x38;
	[tilespmem:$0x18080] =	vst v63  }
0x23: {  	p0 =	sne.s32 s16, $0x9D0;
	_ =	swait.ge [sflag:s11], $0x80  }
0x24: {  	[sflag:s11] =	ssyncset.done $0x0  }
0x25: {  	[sflag:s11] =	ssyncadd.s32 $0xFFFFFF80  }
0x26: {  	[tilespmem:s12], [sflag:$0x1] =	stream.linear.gather [hbm4b:s14+s3], $0x4000, $0x38;
	[tilespmem:$0x18080] =	vst v63  }
0x27: {  	_ =	swait.ge [sflag:s11], $0x4000  }
.Ltmp0:
0x28: {  	[sflag:s11] =	ssyncset.done $0x0;
	(pc) =	sbr.rel @p0 .LBB2_2-.Ltmp0, $4  }
0x29: {  	[sflag:s11] =	ssyncadd.s32 $0xFFFFC000  }
0x2a: {  	[spmem:s1] =	stream.indirect.scatter.add.f32 [tilespmem:s12], [sflag:$0x1], $0x80, s3, s12, $0xb8;
	[tilespmem:$0x18080] =	vst v63  }
0x2b: {  	_ =	swait.ge [sflag:s11], $0x4000  }
0x2c: {  	s16 =	smov.u32 s18;
	s14 =	sadd.s32 $0x800, s14;
	[sflag:s11] =	ssyncset.done $0x0  }
0x2d: {  	s15 =	sadd.s32 s15, s9;
	[sflag:s11] =	ssyncadd.s32 $0xFFFFC000  }
0x2e: {  	[tilespmem:s3], [sflag:$0x1] =	stream.linear.gather [hbm4b:s15+s3], $0x80, $0x38;
	[tilespmem:$0x18080] =	vst v63  }
0x2f: {  	_ =	swait.ge [sflag:s11], $0x80  }
0x30: {  	[sflag:s11] =	ssyncset.done $0x0  }
0x31: {  	[sflag:s11] =	ssyncadd.s32 $0xFFFFFF80  }
0x32: {  	[tilespmem:s12], [sflag:$0x1] =	stream.linear.gather [hbm4b:s14+s3], $0x4000, $0x38;
	[tilespmem:$0x18080] =	vst v63  }
0x33: {  	_ =	swait.ge [sflag:s11], $0x4000  }
0x34: {  	[sflag:s11] =	ssyncset.done $0x0  }
0x35: {  	[sflag:s11] =	ssyncadd.s32 $0xFFFFC000  }
0x36: {  	[spmem:s1] =	stream.indirect.scatter.add.f32 [tilespmem:s12], [sflag:$0x1], $0x80, s3, s12, $0xb8;
	[tilespmem:$0x18080] =	vst v63  }
0x37: {  	_ =	swait.ge [sflag:s11], $0x4000  }
0x38: {  	s13 =	sadd.s32 $0x1, s13;
	[sflag:s11] =	ssyncset.done $0x0  }
0x39: {  	p0 =	sne.s32 s13, s6;
	[sflag:s11] =	ssyncadd.s32 $0xFFFFC000  }
.Ltmp1:
0x3a: {  	[bflag:$0x0] =	sbarrier.arrive $0xFFFF;
	(pc) =	sbr.rel @p0 .LBB2_1-.Ltmp1, $4  }
0x3b: {  	[hbm:s7], [sflag:s5] =	dma.local [spmem:s10], $0x2800  }
0x3c: {  	_ =	swait.ge [sflag:s11], $0x2800  }
0x3d: {  	[sflag:s11] =	ssyncset.done $0x0  }
0x3e: {  	[sflag:s11] =	ssyncadd.s32 $0xFFFFD800  }
0x3f: {  	_ =	sfence.sel $0x180000  }
0x40: {  	[bflag:$0x0] =	sbarrier.arrive $0xFFFF  }
0x41: {  	p0 =	sne.s32 s2, $0x0;
	_ =	strace $0x90000050  }
0x42: {  	s0 =	sadd.s32 @!p0 $0x100000, s0;
	[bflag:$0x2] =	sbarrier.arrive $0xFFFF  }
0x43: {  	[sflag:s0] =	ssyncadd.tile.s32 @!p0 $0x1;
	_ =	shalt  }
.Lfunc_end2:
_tile_overlayer_lowered:
.L_overlay_start_2:
0x44: {  	(tag) =	ssettag $0x2  }
0x45: {  	s0 =	rddreg [dreg:$0x0];
	s2 =	stileid.u32  }
0x46: {  	s1 =	rddreg [dreg:$0x1];
	p0 =	sne.s32 s2, $0x0  }
0x47: {  	s3 =	rddreg [dreg:$0x2];
	[bflag:$0x3] =	sbarrier.arrive $0xFFFF;
	s2 =	simm.s32 @!p0 $0x1C01  }
0x48: {  	[timem:s3], [sflag:s2] =	dma.local @!p0 [hbm:s0], s1  }
0x49: {  	s0 =	simm.s32 @!p0 $0x1  }
0x4a: {  	_ =	swait.ge @!p0 [sflag:s0], s1  }
0x4b: {  	s1 =	ssub.s32 @!p0 $0x0, s1;
	[sflag:s0] =	ssyncset.done @!p0 $0x0  }
0x4c: {  	[sflag:s0] =	ssyncadd.s32 @!p0 s1  }
0x4d: {  	[bflag:$0x3] =	sbarrier.arrive $0xFFFF  }
0x4e: {  	_ =	shalt  }

// kernel: kernel.26.cloned.1.call-start
scs
__scs_entry_jumppad:
0x0: {  	(pc) =	sbr.rel $0x88, $3  }
0x1: {  	(tag) =	ssettag $0x0;
	lr =	simm.s32 $0x1  }
0x2: {  	[smem:$0x3F92] =	sst lr;
	_ =	strace $0xD0000000  }
0x3: {  	_ = 	snop  }
0x4: {  	_ = 	snop  }
0x5: {  	_ = 	snop  }
0x6: {  	_ = 	snop  }
0x7: {  	_ = 	snop  }
__scs_overlays_trampoline_lowered:
0x8: {  	[smem:$0x3FA1] =	sst s0  }
0x9: {  	[smem:$0x3FA2] =	sst s1  }
0xa: {  	[smem:$0x3FA3] =	sst s2  }
0xb: {  	[smem:$0x3FA4] =	sst s3  }
0xc: {  	[smem:$0x3FA5] =	sst s4  }
0xd: {  	[smem:$0x3FA6] =	sst s5  }
0xe: {  	[smem:$0x3FA7] =	sst s6  }
0xf: {  	[smem:$0x3FA8] =	sst s7  }
0x10: {  	[smem:$0x3FA9] =	sst s8  }
0x11: {  	[smem:$0x3FAA] =	sst s9;
	s0 =	simm.s32 @!p0 $0x0  }
0x12: {  	s1 =	sld [smem:$0x3F90];
	s0 =	simm.s32 @p0 $0x1  }
0x13: {  	[smem:$0x3FAB] =	sst s0;
	s0 =	simm.s32 @!p1 $0x0  }
0x14: {  	s2 =	sld [smem:$0x3F8F];
	s0 =	simm.s32 @p1 $0x1  }
0x15: {  	[smem:$0x3FAC] =	sst s0;
	s0 =	simm.s32 @!p2 $0x0  }
0x16: {  	s3 =	sld [smem:$0x3FDB];
	s0 =	simm.s32 @p2 $0x1  }
0x17: {  	s4 =	simm.s32 $0x1BF5;
	[smem:$0x3FAE] =	sst s0  }
0x18: {  	s0 =	sld [smem:$0x3F91];
	_ =	swait.ge [sflag:s4], $0x0  }
0x19: {  	s7 =	sld [smem:$0x3F92]  }
0x1a: {  	s8 =	sadd.s32 $0xFFFFE003, lr  }
0x1b: {  	s9 =	sadd.s32 $0xFFFFFEF7, lr;
	s5 =	simm.s32 $0xFFFFFFFF;
	p2 =	slt.u32 s8, $0xFFFFF086  }
0x1c: {  	p1 =	slt.u32 s9, $0xF7A;
	s5 =	simm.s32 @!p2 $0x0  }
0x1d: {  	s5 =	simm.s32 @p1 $0x1;
	p0 =	seq.s32 s7, s2  }
0x1e: {  	s7 =	smul.u32 @!p0 $0xF7A, s2;
	p2 =	seq.s32 @!p0 s5, $0x0  }
0x1f: {  	s9 =	smul.u32 $0xF7A, s1;
	s8 =	simm.s32 @!p0 $0x1BF5;
	p2 =	por !p2, p0  }
0x20: {  	[sflag:s8] =	ssyncset.s32 @!p0 $0xFFFFF086;
	s6 =	sadd.s32 @!p0 s3, s7;
	s7 =	simm.s32 @!p0 $0x108  }
0x21: {  	s3 =	sadd.s32 s3, s9;
	s6 =	sadd.s32 @!p0 $0x88, s6;
	s7 =	simm.s32 @p2 $0x1082  }
0x22: {  	[simem:s7], [sflag:s8] =	dma.local @!p0 [hbm:s6], $0xF7A  }
0x23: {  	s9 =	sor.u32 $0xD0000000, s2;
	s6 =	simm.s32 $0x108;
	_ =	swait.ge @!p0 [sflag:s8], $0x0  }
0x24: {  	s3 =	sadd.s32 $0x88, s3;
	s6 =	simm.s32 @!p1 $0x1082;
	[sflag:s4] =	ssyncset.s32 $0xFFFFF086  }
0x25: {  	[simem:s6], [sflag:s4] =	dma.local [hbm:s3], $0xF7A  }
0x26: {  	[smem:$0x3F92] =	sst s1;
	(tag) =	ssettag s2;
	_ =	strace s9  }
0x27: {  	s1 =	sld [smem:$0x3FA2]  }
0x28: {  	s2 =	sld [smem:$0x3FA3]  }
0x29: {  	s4 =	sld [smem:$0x3FA5]  }
0x2a: {  	p0 =	seq.s32 s5, $0x0;
	s5 =	sld [smem:$0x3FA6]  }
0x2b: {  	s6 =	sld [smem:$0x3FA7]  }
0x2c: {  	s7 =	sld [smem:$0x3FA8]  }
0x2d: {  	s3 =	simm.s32 $0x108;
	s8 =	sld [smem:$0x3FA9]  }
0x2e: {  	s3 =	simm.s32 @!p0 $0x1082;
	s9 =	sld [smem:$0x3FAA]  }
0x2f: {  	lr =	sadd.s32 s0, s3;
	s0 =	sld [smem:$0x3FA1]  }
0x30: {  	s3 =	sld [smem:$0x3FA4]  }
0x31: {  	[smem:$0x3FAD] =	sst s10  }
0x32: {  	s10 =	sld [smem:$0x3FAB];
	_ =	sdelay $0x3  }
0x33: {  	p0 =	seq.s32 s10, $0x1;
	s10 =	sld [smem:$0x3FAD];
	_ =	sdelay $0x3  }
0x34: {  	[smem:$0x3FAD] =	sst s10  }
0x35: {  	s10 =	sld [smem:$0x3FAC];
	_ =	sdelay $0x3  }
0x36: {  	p1 =	seq.s32 s10, $0x1;
	s10 =	sld [smem:$0x3FAD];
	_ =	sdelay $0x3  }
0x37: {  	[smem:$0x3FAD] =	sst s10  }
0x38: {  	s10 =	sld [smem:$0x3FAE]  }
0x39: {  	_ = 	snop;
	(pc) =	sbr.ind lr, $3  }
0x3a: {  	_ = 	snop  }
0x3b: {  	_ = 	snop  }
0x3c: {  	p2 =	seq.s32 s10, $0x1;
	s10 =	sld [smem:$0x3FAD]  }
0x3d: {  	_ =	shalt  }
0x3e: {  	_ =	shalt  }
0x3f: {  	_ =	shalt  }
0x40: {  	_ =	shalt  }
0x41: {  	_ =	shalt  }
0x42: {  	_ =	shalt  }
0x43: {  	_ =	shalt  }
0x44: {  	_ =	shalt  }
0x45: {  	_ =	shalt  }
0x46: {  	_ =	shalt  }
0x47: {  	_ =	shalt  }
0x48: {  	_ =	shalt  }
0x49: {  	_ =	shalt  }
0x4a: {  	_ =	shalt  }
0x4b: {  	_ =	shalt  }
0x4c: {  	_ =	shalt  }
0x4d: {  	_ =	shalt  }
0x4e: {  	_ =	shalt  }
0x4f: {  	_ =	shalt  }
0x50: {  	_ =	shalt  }
0x51: {  	_ =	shalt  }
0x52: {  	_ =	shalt  }
0x53: {  	_ =	shalt  }
0x54: {  	_ =	shalt  }
0x55: {  	_ =	shalt  }
0x56: {  	_ =	shalt  }
0x57: {  	_ =	shalt  }
0x58: {  	_ =	shalt  }
0x59: {  	_ =	shalt  }
0x5a: {  	_ =	shalt  }
0x5b: {  	_ =	shalt  }
0x5c: {  	_ =	shalt  }
0x5d: {  	_ =	shalt  }
0x5e: {  	_ =	shalt  }
0x5f: {  	_ =	shalt  }
0x60: {  	_ =	shalt  }
0x61: {  	_ =	shalt  }
0x62: {  	_ =	shalt  }
0x63: {  	_ =	shalt  }
0x64: {  	_ =	shalt  }
0x65: {  	_ =	shalt  }
0x66: {  	_ =	shalt  }
0x67: {  	_ =	shalt  }
0x68: {  	_ =	shalt  }
0x69: {  	_ =	shalt  }
0x6a: {  	_ =	shalt  }
0x6b: {  	_ =	shalt  }
0x6c: {  	_ =	shalt  }
0x6d: {  	_ =	shalt  }
0x6e: {  	_ =	shalt  }
0x6f: {  	_ =	shalt  }
0x70: {  	_ =	shalt  }
0x71: {  	_ =	shalt  }
0x72: {  	_ =	shalt  }
0x73: {  	_ =	shalt  }
0x74: {  	_ =	shalt  }
0x75: {  	_ =	shalt  }
0x76: {  	_ =	shalt  }
0x77: {  	_ =	shalt  }
0x78: {  	_ =	shalt  }
0x79: {  	_ =	shalt  }
0x7a: {  	_ =	shalt  }
0x7b: {  	_ =	shalt  }
0x7c: {  	_ =	shalt  }
0x7d: {  	_ =	shalt  }
0x7e: {  	_ =	shalt  }
0x7f: {  	_ =	shalt  }
0x80: {  	_ =	shalt  }
0x81: {  	_ =	shalt  }
0x82: {  	_ =	shalt  }
0x83: {  	_ =	shalt  }
0x84: {  	_ =	shalt  }
0x85: {  	_ =	shalt  }
0x86: {  	_ =	shalt  }
0x87: {  	_ =	shalt  }
.Lfunc_end0:
.L_simem_size_0:
called_computation.4_lowered:
.L_overlay_start_0:
0x88: {  	s2 =	sld [smem:$0x3FD9]  }
0x89: {  	s3 =	sld [smem:$0x3FFE];
	_ =	sdelay $0x1  }
0x8a: {  	s1 =	srdreg.scid  }
0x8b: {  	s0 =	sand.u32 $0x1, s1  }
0x8c: {  	s14 =	sshll.u32 s0, $0xA;
	s2 =	sadd.s32 s3, s2  }
0x8d: {  	s2 =	sadd.s32 s2, s14  }
0x8e: {  	[smem:$0x3FB9] =	sst s2  }
0x8f: {  	_ = 	snop  }
0x90: {  	s2 =	sld [smem:$0x3FD0];
	_ =	sdelay $0x2  }
0x91: {  	s15 =	simm.s32 $0xA;
	s4 =	simm.s32 $0x10  }
0x92: {  	[smem:s4], [sflag:s15] =	dma.local [hbm:s2], $0x1  }
0x93: {  	_ =	swait.eq [sflag:s15], $0x1  }
0x94: {  	[sflag:s15] =	ssyncset.done $0x0  }
0x95: {  	[sflag:s15] =	ssyncadd.s32 $0xFFFFFFFF  }
0x96: {  	s16 =	sld [smem:$0x10];
	(tm) =	ssettm $0x1  }
0x97: {  	s17 =	sld [smem:$0x3FFB];
	_ =	sdelay $0x3  }
0x98: {  	_ =	strace s17  }
0x99: {  	s3 =	sld [smem:$0x3FFC];
	_ =	sdelay $0x3  }
0x9a: {  	_ =	strace s3  }
0x9b: {  	s3 =	sld [smem:$0x3FFD];
	_ =	sdelay $0x3  }
0x9c: {  	_ =	strace s3  }
0x9d: {  	_ =	strace $0x8FFFFFFF  }
0x9e: {  	s18 =	sld [smem:$0x3FDB];
	_ =	sdelay $0x1  }
0x9f: {  	s19 =	simm.s32 $_scs_section_size  }
0xa0: {  	s5 =	simm.s32 $_size__tile_overlayer_lowered;
	s6 =	simm.s32 $_tile_overlayer_lowered  }
0xa1: {  	s22 =	simm.s32 $0x1BFF;
	s21 =	sshll.u32 s6, $0x1;
	s3 =	sadd.s32 s19, s18  }
0xa2: {  	s7 =	simm.s32 $0x0;
	s20 =	sshll.u32 s5, $0x1;
	s5 =	sadd.s32 s21, s3  }
0xa3: {  	[timem:s7], [sflag:s22] =	dma.local [hbm:s5], s20  }
0xa4: {  	_ =	swait.ge [sflag:s22], s20  }
0xa5: {  	s4 =	ssub.s32 $0x0, s20;
	[sflag:s22] =	ssyncset.done $0x0  }
0xa6: {  	[sflag:s22] =	ssyncadd.s32 s4;
	_ =	sdelay $0x1  }
0xa7: {  	s23 =	simm.s32 $0x1B8B  }
0xa8: {  	_ =	swait.ge [sflag:s23], $0x1  }
0xa9: {  	[sflag:s23] =	ssyncset.done $0x0  }
0xaa: {  	s25 =	simm.s32 $0x1B8E;
	s24 =	sld [smem:$0x3FFE];
	[sflag:s23] =	ssyncadd.s32 $0xFFFFFFFF  }
0xab: {  	s26 =	simm.s32 $execute0_lowered;
	[smem:$0x3FD2] =	sst s25  }
0xac: {  	s5 =	sshll.u32 s26, $0x1;
	_ =	strace $0x80000052;
	[dreg:$0x1] =	wrdreg $0xFFFFFFFF  }
0xad: {  	s28 =	simm.s32 $_size_execute0_lowered;
	s3 =	sadd.s32 s3, s5;
	[dreg:$0x0] =	wrdreg $0x0  }
0xae: {  	s5 =	sshll.u32 s28, $0x1;
	[dreg:$0x2] =	wrdreg s3  }
0xaf: {  	[dreg:$0x3] =	wrdreg s5  }
0xb0: {  	[dreg:$0x4] =	wrdreg $0xC0  }
0xb1: {  	_ =	task [dreg:s7], $0x5FFFF  }
0xb2: {  	[dreg:$0x1] =	wrdreg $0xFFFFFFFF  }
0xb3: {  	[dreg:$0x0] =	wrdreg $0x60  }
0xb4: {  	[dreg:$0x2] =	wrdreg s24  }
0xb5: {  	[dreg:$0x3] =	wrdreg s16  }
0xb6: {  	[dreg:$0x4] =	wrdreg $0x9  }
0xb7: {  	_ =	task.clear_ibuf [dreg:s7], $0x5FFFF;
	_ =	strace $0x90000052  }
0xb8: {  	s29 =	simm.s32 $0x9;
	_ =	strace $0x80000054  }
0xb9: {  	_ =	swait.ge [sflag:s29], $0x1  }
0xba: {  	[sflag:s29] =	ssyncadd.s32 $0xFFFFFFFF  }
0xbb: {  	_ =	strace $0x90000054  }
0xbc: {  	_ =	sfence  }
0xbd: {  	s30 =	sld [smem:$0x0];
	_ =	sdelay $0x2  }
0xbe: {  	s31 =	sshll.u32 s1, $0xD;
	s1 =	sshrl.u32 s1, $0x2  }
0xbf: {  	s3 =	sand.u32 $0x4000, s31;
	s1 =	sadd.s32 s1, s30  }
0xc0: {  	s0 =	sor.u32 s3, s0;
	s1 =	sshll.u32 s1, $0x11  }
0xc1: {  	s0 =	sor.u32 s1, s0  }
0xc2: {  	s0 =	sadd.s32 $0x8F2B, s0  }
0xc3: {  	[sflag:s0] =	ssyncadd.remote.s32 $0x1  }
0xc4: {  	_ =	sfence.sel $0xFFFF  }
0xc5: {  	[dreg:$0x0] =	wrdreg $0xFFFFFFFF;
	(pc) =	sbr.abs _section_cstart, $3  }
0xc6: {  	[dreg:$0x1] =	wrdreg $0xFFFFFFFF  }
0xc7: {  	_ =	task.clear_ibuf [dreg:s7], $0x2FFFF;
	_ =	strace $0x9FFFFFFF  }
0xc8: {  	(tm) =	ssettm $0x7FFFFFFF  }
0xc9: {  	_ =	shalt  }
tec
execute0_lowered:
.L_overlay_start_1:
0x0: {  	(tag) =	ssettag $0x1  }
0x1: {  	s5 =	rddreg [dreg:$0x0];
	s1 =	srdreg.scid  }
0x2: {  	s0 =	stileid.u32;
	s10 =	rddreg [dreg:$0x1]  }
0x3: {  	s2 =	simm.s32 $0x0;
	s14 =	simm.s32 $0x80;
	s15 =	simm.s32 $0xA100  }
0x4: {  	s16 =	simm.s32 $0x1;
	s17 =	simm.s32 $0xE100;
	s18 =	simm.s32 $0x12100  }
0x5: {  	s19 =	simm.s32 $0x12180;
	s20 =	simm.s32 $0x12200;
	s21 =	simm.s32 $0x12280  }
0x6: {  	s6 =	sand.u32 $0x1, s1;
	s4 =	smul.u32 $0x4F00, s0;
	s1 =	rddreg [dreg:$0x2]  }
0x7: {  	s22 =	simm.s32 $0x0;
	[smem:$0x7FF] =	sst s2;
	s8 =	smul.u32 $0x4F000, s0  }
0x8: {  	s3 =	sadd.s32 $0x16400, s5;
	s7 =	smul.u32 $0x2780, s6;
	_ =	strace $0x80000053  }
0x9: {  	s12 =	ssub.s32 $0x2, s6;
	s6 =	smul.u32 $0x27800, s6;
	s8 =	sadd.s32 s8, s5  }
0xa: {  	s13 =	sshrl.u32 s12, $0x1;
	s7 =	sadd.s32 s7, s4;
	s4 =	sadd.s32 $0x69A00, s5  }
0xb: {  	s31 =	ssub.s32 s12, s13;
	s8 =	sadd.s32 s6, s8;
	s12 =	simm.s32 $0xA000  }
0xc: {  	s13 =	simm.s32 $0xA080;
	s11 =	sshrl.u32 s7, $0x3;
	s7 =	sshrl.u32 s7, $0x1  }
0xd: {  	s9 =	sadd.s32 s11, s5;
	s7 =	sadd.s32 s7, s5;
	s5 =	smax.u32 s31, $0x1  }
0xe: {  	s10 =	sadd.s32 s11, s10;
	s11 =	simm.s32 $0x2;
	s6 =	sadd.s32 $0x6AE00, s7  }
0xf: {  	s7 =	sadd.s32 $0xB9A00, s8;
	s8 =	sadd.s32 $0xA4BC00, s8;
	s9 =	sadd.s32 $0xC000, s9  }
.LBB2_1:
0x10: {  	[tilespmem:s2], [sflag:$0x2] =	stream.linear.gather [hbm4b:s4+s2], $0xA000, $0x38;
	[tilespmem:$0x12300] =	vst v63  }
0x11: {  	s23 =	smov.u32 s10;
	_ =	swait.ge [sflag:s11], $0xA000  }
0x12: {  	s24 =	smov.u32 s9;
	s25 =	smov.u32 s8;
	[sflag:s11] =	ssyncset.done $0x0  }
0x13: {  	s26 =	smov.u32 s7;
	s28 =	simm.s32 $0x0;
	[sflag:s11] =	ssyncadd.s32 $0xFFFF6000  }
.LBB2_2:
0x14: {  	[tilespmem:s12], [sflag:$0x2] =	stream.linear.gather [hbm4b:s23+s2], $0x80, $0x38;
	[tilespmem:$0x12300] =	vst v63  }
0x15: {  	_ =	swait.ge [sflag:s11], $0x80  }
0x16: {  	[sflag:s11] =	ssyncset.done $0x0  }
0x17: {  	[sflag:s11] =	ssyncadd.s32 $0xFFFFFF80  }
0x18: {  	[tilespmem:s13], [sflag:$0x2] =	stream.linear.gather [hbm4b:s24+s2], $0x80, $0x38;
	[tilespmem:$0x12300] =	vst v63  }
0x19: {  	_ =	swait.ge [sflag:s11], $0x80  }
0x1a: {  	[sflag:s11] =	ssyncset.done $0x0  }
0x1b: {  	[sflag:s11] =	ssyncadd.s32 $0xFFFFFF80  }
0x1c: {  	[tilespmem:s15], [sflag:$0x1] =	stream.indirect.gather [hbm4b:s3+s14], $0x80, s12, s14, $0xb8;
	[tilespmem:$0x12300] =	vst v63  }
0x1d: {  	_ =	swait.ge [sflag:s16], $0x4000  }
0x1e: {  	[sflag:s16] =	ssyncset.done $0x0  }
0x1f: {  	[sflag:s16] =	ssyncadd.s32 $0xFFFFC000  }
0x20: {  	[tilespmem:s17], [sflag:$0x1] =	stream.indirect.gather [hbm4b:s3+s14], $0x80, s13, s14, $0xb8;
	[tilespmem:$0x12300] =	vst v63  }
0x21: {  	_ =	swait.ge [sflag:s16], $0x4000  }
0x22: {  	[sflag:s16] =	ssyncset.done $0x0  }
0x23: {  	[sflag:s16] =	ssyncadd.s32 $0xFFFFC000  }
0x24: {  	v0 =	vld [tilespmem:$0xA000]  }
0x25: {  	v1 =	vld [tilespmem:$0xA080];
	_ =	sdelay $0x6  }
0x26: {  	v2 =	vld.idx.msk [tilespmem:v0+s2+$0x0], $0xffff  }
0x27: {  	v3 =	vld.idx.msk [tilespmem:v1+s2+$0x0], $0xffff;
	_ =	sdelay $0x2  }
0x28: {  	v4 =	vadd.s32 $0x2800, v0  }
0x29: {  	v5 =	vadd.s32 $0x2800, v1  }
0x2a: {  	v2 =	vsub.f32 v2, v3;
	_ =	sdelay $0x1  }
0x2b: {  	[tilespmem:$0x12100] =	vst v2  }
0x2c: {  	v56 =	vld.idx.msk [tilespmem:v4+s2+$0x0], $0xffff  }
0x2d: {  	v57 =	vld.idx.msk [tilespmem:v5+s2+$0x0], $0xffff;
	_ =	sdelay $0x2  }
0x2e: {  	v0 =	vadd.s32 $0x5000, v0  }
0x2f: {  	v1 =	vadd.s32 $0x5000, v1  }
0x30: {  	v3 =	vsub.f32 v56, v57;
	_ =	sdelay $0x1  }
0x31: {  	[tilespmem:$0x12180] =	vst v3  }
0x32: {  	v0 =	vld.idx.msk [tilespmem:v0+s2+$0x0], $0xffff  }
0x33: {  	v1 =	vld.idx.msk [tilespmem:v1+s2+$0x0], $0xffff;
	_ =	sdelay $0x3  }
0x34: {  	v58 =	vld [tilespmem:$0xA010]  }
0x35: {  	v59 =	vld [tilespmem:$0xA090];
	v2 =	vmul.f32 v2, v2;
	v3 =	vmul.f32 v3, v3;
	v0 =	vsub.f32 v0, v1;
	_ =	sdelay $0x1  }
0x36: {  	v2 =	vadd.f32 v3, v2;
	v60 =	vmul.f32 v0, v0;
	_ =	sdelay $0x1  }
0x37: {  	v2 =	vadd.f32 v60, v2  }
0x38: {  	[tilespmem:$0x12200] =	vst v0  }
0x39: {  	[tilespmem:$0x12280] =	vst v2  }
0x3a: {  	v0 =	vld.idx.msk [tilespmem:v58+s2+$0x0], $0xffff  }
0x3b: {  	v2 =	vld.idx.msk [tilespmem:v59+s2+$0x0], $0xffff;
	_ =	sdelay $0x2  }
0x3c: {  	v61 =	vadd.s32 $0x2800, v58  }
0x3d: {  	v62 =	vadd.s32 $0x2800, v59  }
0x3e: {  	v0 =	vsub.f32 v0, v2;
	_ =	sdelay $0x1  }
0x3f: {  	[tilespmem:$0x12110] =	vst v0  }
0x40: {  	v63 =	vld.idx.msk [tilespmem:v61+s2+$0x0], $0xffff  }
0x41: {  	v8 =	vld.idx.msk [tilespmem:v62+s2+$0x0], $0xffff;
	_ =	sdelay $0x2  }
0x42: {  	v4 =	vadd.s32 $0x5000, v58  }
0x43: {  	v1 =	vadd.s32 $0x5000, v59  }
0x44: {  	v2 =	vsub.f32 v63, v8;
	_ =	sdelay $0x1  }
0x45: {  	[tilespmem:$0x12190] =	vst v2  }
0x46: {  	v9 =	vld.idx.msk [tilespmem:v4+s2+$0x0], $0xffff  }
0x47: {  	v1 =	vld.idx.msk [tilespmem:v1+s2+$0x0], $0xffff;
	_ =	sdelay $0x3  }
0x48: {  	v10 =	vld [tilespmem:$0xA020]  }
0x49: {  	v11 =	vld [tilespmem:$0xA0A0];
	v0 =	vmul.f32 v0, v0;
	v2 =	vmul.f32 v2, v2;
	v1 =	vsub.f32 v9, v1;
	_ =	sdelay $0x1  }
0x4a: {  	v0 =	vadd.f32 v2, v0;
	v12 =	vmul.f32 v1, v1;
	_ =	sdelay $0x1  }
0x4b: {  	v0 =	vadd.f32 v12, v0  }
0x4c: {  	[tilespmem:$0x12210] =	vst v1  }
0x4d: {  	[tilespmem:$0x12290] =	vst v0  }
0x4e: {  	v0 =	vld.idx.msk [tilespmem:v10+s2+$0x0], $0xffff  }
0x4f: {  	v1 =	vld.idx.msk [tilespmem:v11+s2+$0x0], $0xffff;
	_ =	sdelay $0x2  }
0x50: {  	v13 =	vadd.s32 $0x2800, v10  }
0x51: {  	v14 =	vadd.s32 $0x2800, v11  }
0x52: {  	v0 =	vsub.f32 v0, v1;
	_ =	sdelay $0x1  }
0x53: {  	[tilespmem:$0x12120] =	vst v0  }
0x54: {  	v15 =	vld.idx.msk [tilespmem:v13+s2+$0x0], $0xffff  }
0x55: {  	v16 =	vld.idx.msk [tilespmem:v14+s2+$0x0], $0xffff;
	_ =	sdelay $0x2  }
0x56: {  	v4 =	vadd.s32 $0x5000, v10  }
0x57: {  	v3 =	vadd.s32 $0x5000, v11  }
0x58: {  	v1 =	vsub.f32 v15, v16;
	_ =	sdelay $0x1  }
0x59: {  	[tilespmem:$0x121A0] =	vst v1  }
0x5a: {  	v17 =	vld.idx.msk [tilespmem:v4+s2+$0x0], $0xffff  }
0x5b: {  	v3 =	vld.idx.msk [tilespmem:v3+s2+$0x0], $0xffff;
	_ =	sdelay $0x3  }
0x5c: {  	v18 =	vld [tilespmem:$0xA030]  }
0x5d: {  	v19 =	vld [tilespmem:$0xA0B0];
	v0 =	vmul.f32 v0, v0;
	v1 =	vmul.f32 v1, v1;
	v2 =	vsub.f32 v17, v3;
	_ =	sdelay $0x1  }
0x5e: {  	v0 =	vadd.f32 v1, v0;
	v20 =	vmul.f32 v2, v2;
	_ =	sdelay $0x1  }
0x5f: {  	v0 =	vadd.f32 v20, v0  }
0x60: {  	[tilespmem:$0x12220] =	vst v2  }
0x61: {  	[tilespmem:$0x122A0] =	vst v0  }
0x62: {  	v0 =	vld.idx.msk [tilespmem:v18+s2+$0x0], $0xffff  }
0x63: {  	v21 =	vld.idx.msk [tilespmem:v19+s2+$0x0], $0xffff;
	_ =	sdelay $0x2  }
0x64: {  	v22 =	vadd.s32 $0x2800, v18  }
0x65: {  	v23 =	vadd.s32 $0x2800, v19  }
0x66: {  	v0 =	vsub.f32 v0, v21;
	_ =	sdelay $0x1  }
0x67: {  	[tilespmem:$0x12130] =	vst v0  }
0x68: {  	v24 =	vld.idx.msk [tilespmem:v22+s2+$0x0], $0xffff  }
0x69: {  	v25 =	vld.idx.msk [tilespmem:v23+s2+$0x0], $0xffff;
	_ =	sdelay $0x2  }
0x6a: {  	v4 =	vadd.s32 $0x5000, v18  }
0x6b: {  	v3 =	vadd.s32 $0x5000, v19  }
0x6c: {  	v1 =	vsub.f32 v24, v25;
	_ =	sdelay $0x1  }
0x6d: {  	[tilespmem:$0x121B0] =	vst v1  }
0x6e: {  	v26 =	vld.idx.msk [tilespmem:v4+s2+$0x0], $0xffff  }
0x6f: {  	v3 =	vld.idx.msk [tilespmem:v3+s2+$0x0], $0xffff;
	_ =	sdelay $0x3  }
0x70: {  	v27 =	vld [tilespmem:$0xA040]  }
0x71: {  	v28 =	vld [tilespmem:$0xA0C0];
	v0 =	vmul.f32 v0, v0;
	v1 =	vmul.f32 v1, v1;
	v2 =	vsub.f32 v26, v3;
	_ =	sdelay $0x1  }
0x72: {  	v0 =	vadd.f32 v1, v0;
	v29 =	vmul.f32 v2, v2;
	_ =	sdelay $0x1  }
0x73: {  	v0 =	vadd.f32 v29, v0  }
0x74: {  	[tilespmem:$0x12230] =	vst v2  }
0x75: {  	[tilespmem:$0x122B0] =	vst v0  }
0x76: {  	v0 =	vld.idx.msk [tilespmem:v27+s2+$0x0], $0xffff  }
0x77: {  	v30 =	vld.idx.msk [tilespmem:v28+s2+$0x0], $0xffff;
	_ =	sdelay $0x2  }
0x78: {  	v31 =	vadd.s32 $0x2800, v27  }
0x79: {  	v32 =	vadd.s32 $0x2800, v28  }
0x7a: {  	v0 =	vsub.f32 v0, v30;
	_ =	sdelay $0x1  }
0x7b: {  	[tilespmem:$0x12140] =	vst v0  }
0x7c: {  	v33 =	vld.idx.msk [tilespmem:v31+s2+$0x0], $0xffff  }
0x7d: {  	v34 =	vld.idx.msk [tilespmem:v32+s2+$0x0], $0xffff;
	_ =	sdelay $0x2  }
0x7e: {  	v4 =	vadd.s32 $0x5000, v27  }
0x7f: {  	v3 =	vadd.s32 $0x5000, v28  }
0x80: {  	v1 =	vsub.f32 v33, v34;
	_ =	sdelay $0x1  }
0x81: {  	[tilespmem:$0x121C0] =	vst v1  }
0x82: {  	v35 =	vld.idx.msk [tilespmem:v4+s2+$0x0], $0xffff  }
0x83: {  	v3 =	vld.idx.msk [tilespmem:v3+s2+$0x0], $0xffff;
	_ =	sdelay $0x3  }
0x84: {  	v36 =	vld [tilespmem:$0xA050]  }
0x85: {  	v37 =	vld [tilespmem:$0xA0D0];
	v0 =	vmul.f32 v0, v0;
	v1 =	vmul.f32 v1, v1;
	v2 =	vsub.f32 v35, v3;
	_ =	sdelay $0x1  }
0x86: {  	v0 =	vadd.f32 v1, v0;
	v38 =	vmul.f32 v2, v2;
	_ =	sdelay $0x1  }
0x87: {  	v0 =	vadd.f32 v38, v0  }
0x88: {  	[tilespmem:$0x12240] =	vst v2  }
0x89: {  	[tilespmem:$0x122C0] =	vst v0  }
0x8a: {  	v0 =	vld.idx.msk [tilespmem:v36+s2+$0x0], $0xffff  }
0x8b: {  	v39 =	vld.idx.msk [tilespmem:v37+s2+$0x0], $0xffff;
	_ =	sdelay $0x2  }
0x8c: {  	v40 =	vadd.s32 $0x2800, v36  }
0x8d: {  	v41 =	vadd.s32 $0x2800, v37  }
0x8e: {  	v0 =	vsub.f32 v0, v39;
	_ =	sdelay $0x1  }
0x8f: {  	[tilespmem:$0x12150] =	vst v0  }
0x90: {  	v42 =	vld.idx.msk [tilespmem:v40+s2+$0x0], $0xffff  }
0x91: {  	v43 =	vld.idx.msk [tilespmem:v41+s2+$0x0], $0xffff;
	_ =	sdelay $0x2  }
0x92: {  	v4 =	vadd.s32 $0x5000, v36  }
0x93: {  	v3 =	vadd.s32 $0x5000, v37  }
0x94: {  	v1 =	vsub.f32 v42, v43;
	_ =	sdelay $0x1  }
0x95: {  	[tilespmem:$0x121D0] =	vst v1  }
0x96: {  	v44 =	vld.idx.msk [tilespmem:v4+s2+$0x0], $0xffff  }
0x97: {  	v3 =	vld.idx.msk [tilespmem:v3+s2+$0x0], $0xffff;
	_ =	sdelay $0x3  }
0x98: {  	v45 =	vld [tilespmem:$0xA060]  }
0x99: {  	v46 =	vld [tilespmem:$0xA0E0];
	v0 =	vmul.f32 v0, v0;
	v1 =	vmul.f32 v1, v1;
	v2 =	vsub.f32 v44, v3;
	_ =	sdelay $0x1  }
0x9a: {  	v0 =	vadd.f32 v1, v0;
	v47 =	vmul.f32 v2, v2;
	_ =	sdelay $0x1  }
0x9b: {  	v0 =	vadd.f32 v47, v0  }
0x9c: {  	[tilespmem:$0x12250] =	vst v2  }
0x9d: {  	[tilespmem:$0x122D0] =	vst v0  }
0x9e: {  	v0 =	vld.idx.msk [tilespmem:v45+s2+$0x0], $0xffff  }
0x9f: {  	v48 =	vld.idx.msk [tilespmem:v46+s2+$0x0], $0xffff;
	_ =	sdelay $0x2  }
0xa0: {  	v49 =	vadd.s32 $0x2800, v45  }
0xa1: {  	v50 =	vadd.s32 $0x2800, v46  }
0xa2: {  	v0 =	vsub.f32 v0, v48;
	_ =	sdelay $0x1  }
0xa3: {  	[tilespmem:$0x12160] =	vst v0  }
0xa4: {  	v51 =	vld.idx.msk [tilespmem:v49+s2+$0x0], $0xffff  }
0xa5: {  	v52 =	vld.idx.msk [tilespmem:v50+s2+$0x0], $0xffff;
	_ =	sdelay $0x2  }
0xa6: {  	v4 =	vadd.s32 $0x5000, v45  }
0xa7: {  	v3 =	vadd.s32 $0x5000, v46  }
0xa8: {  	v1 =	vsub.f32 v51, v52;
	_ =	sdelay $0x1  }
0xa9: {  	[tilespmem:$0x121E0] =	vst v1  }
0xaa: {  	v53 =	vld.idx.msk [tilespmem:v4+s2+$0x0], $0xffff  }
0xab: {  	v3 =	vld.idx.msk [tilespmem:v3+s2+$0x0], $0xffff;
	_ =	sdelay $0x3  }
0xac: {  	v54 =	vld [tilespmem:$0xA070]  }
0xad: {  	v55 =	vld [tilespmem:$0xA0F0];
	v0 =	vmul.f32 v0, v0;
	v1 =	vmul.f32 v1, v1;
	v2 =	vsub.f32 v53, v3;
	_ =	sdelay $0x1  }
0xae: {  	v0 =	vadd.f32 v1, v0;
	v56 =	vmul.f32 v2, v2;
	_ =	sdelay $0x1  }
0xaf: {  	v0 =	vadd.f32 v56, v0  }
0xb0: {  	[tilespmem:$0x12260] =	vst v2  }
0xb1: {  	[tilespmem:$0x122E0] =	vst v0  }
0xb2: {  	v0 =	vld.idx.msk [tilespmem:v54+s2+$0x0], $0xffff  }
0xb3: {  	v57 =	vld.idx.msk [tilespmem:v55+s2+$0x0], $0xffff;
	_ =	sdelay $0x2  }
0xb4: {  	v58 =	vadd.s32 $0x2800, v54  }
0xb5: {  	v59 =	vadd.s32 $0x2800, v55  }
0xb6: {  	v0 =	vsub.f32 v0, v57;
	_ =	sdelay $0x1  }
0xb7: {  	[tilespmem:$0x12170] =	vst v0  }
0xb8: {  	v60 =	vld.idx.msk [tilespmem:v58+s2+$0x0], $0xffff  }
0xb9: {  	v61 =	vld.idx.msk [tilespmem:v59+s2+$0x0], $0xffff;
	_ =	sdelay $0x2  }
0xba: {  	v4 =	vadd.s32 $0x5000, v54  }
0xbb: {  	v3 =	vadd.s32 $0x5000, v55  }
0xbc: {  	v1 =	vsub.f32 v60, v61;
	_ =	sdelay $0x1  }
0xbd: {  	[tilespmem:$0x121F0] =	vst v1  }
0xbe: {  	v62 =	vld.idx.msk [tilespmem:v4+s2+$0x0], $0xffff  }
0xbf: {  	v3 =	vld.idx.msk [tilespmem:v3+s2+$0x0], $0xffff;
	_ =	sdelay $0x4  }
0xc0: {  	v0 =	vmul.f32 v0, v0;
	v1 =	vmul.f32 v1, v1;
	v2 =	vsub.f32 v62, v3;
	_ =	sdelay $0x1  }
0xc1: {  	v0 =	vadd.f32 v1, v0;
	v63 =	vmul.f32 v2, v2;
	_ =	sdelay $0x1  }
0xc2: {  	v0 =	vadd.f32 v63, v0  }
0xc3: {  	[tilespmem:$0x12270] =	vst v2  }
0xc4: {  	[tilespmem:$0x122F0] =	vst v0  }
0xc5: {  	[hbm4b:s26+s2] =	stream.linear.scatter [tilespmem:s15], [sflag:$0x2], $0x4000, $0x38;
	[tilespmem:$0x12300] =	vst v63  }
0xc6: {  	_ =	swait.ge [sflag:s11], $0x4000  }
0xc7: {  	[sflag:s11] =	ssyncset.done $0x0  }
0xc8: {  	[sflag:s11] =	ssyncadd.s32 $0xFFFFC000  }
0xc9: {  	[hbm4b:s25+s2] =	stream.linear.scatter [tilespmem:s17], [sflag:$0x2], $0x4000, $0x38;
	[tilespmem:$0x12300] =	vst v63  }
0xca: {  	_ =	swait.ge [sflag:s11], $0x4000  }
0xcb: {  	[sflag:s11] =	ssyncset.done $0x0  }
0xcc: {  	s29 =	sadd.s32 s28, s6;
	[sflag:s11] =	ssyncadd.s32 $0xFFFFC000  }
0xcd: {  	[hbm4b:s29+s2] =	stream.linear.scatter [tilespmem:s18], [sflag:$0x2], $0x80, $0x38;
	[tilespmem:$0x12300] =	vst v63  }
0xce: {  	_ =	swait.ge [sflag:s11], $0x80  }
0xcf: {  	[sflag:s11] =	ssyncset.done $0x0  }
0xd0: {  	s30 =	sadd.s32 $0x10, s29;
	[sflag:s11] =	ssyncadd.s32 $0xFFFFFF80  }
0xd1: {  	[hbm4b:s30+s2] =	stream.linear.scatter [tilespmem:s19], [sflag:$0x2], $0x80, $0x38;
	[tilespmem:$0x12300] =	vst v63  }
0xd2: {  	_ =	swait.ge [sflag:s11], $0x80  }
0xd3: {  	[sflag:s11] =	ssyncset.done $0x0  }
0xd4: {  	s31 =	sadd.s32 $0x20, s29;
	[sflag:s11] =	ssyncadd.s32 $0xFFFFFF80  }
0xd5: {  	[hbm4b:s31+s2] =	stream.linear.scatter [tilespmem:s20], [sflag:$0x2], $0x80, $0x38;
	[tilespmem:$0x12300] =	vst v63  }
0xd6: {  	_ =	swait.ge [sflag:s11], $0x80  }
0xd7: {  	p0 =	sne.s32 s28, $0x1380;
	[sflag:s11] =	ssyncset.done $0x0  }
.Ltmp0:
0xd8: {  	s29 =	sadd.s32 $0x30, s29;
	[sflag:s11] =	ssyncadd.s32 $0xFFFFFF80;
	(pc) =	sbr.rel @p0 .LBB2_2-.Ltmp0, $4  }
0xd9: {  	[hbm4b:s29+s2] =	stream.linear.scatter [tilespmem:s21], [sflag:$0x2], $0x80, $0x38;
	[tilespmem:$0x12300] =	vst v63  }
0xda: {  	s23 =	sadd.s32 $0x10, s23;
	_ =	swait.ge [sflag:s11], $0x80  }
0xdb: {  	s28 =	sadd.s32 $0x40, s28;
	s24 =	sadd.s32 $0x10, s24;
	[sflag:s11] =	ssyncset.done $0x0  }
0xdc: {  	s26 =	sadd.s32 $0x800, s26;
	s25 =	sadd.s32 $0x800, s25;
	[sflag:s11] =	ssyncadd.s32 $0xFFFFFF80  }
0xdd: {  	s22 =	sadd.s32 $0x1, s22  }
0xde: {  	p0 =	sne.s32 s22, s5  }
.Ltmp1:
0xdf: {  	_ = 	snop;
	(pc) =	sbr.rel @p0 .LBB2_1-.Ltmp1, $1  }
0xe0: {  	_ =	sdelay $0x3  }
0xe1: {  	_ =	sfence.sel $0x180000  }
0xe2: {  	[bflag:$0x0] =	sbarrier.arrive $0xFFFF  }
0xe3: {  	p0 =	sne.s32 s0, $0x0;
	_ =	strace $0x90000053  }
0xe4: {  	s0 =	sadd.s32 @!p0 $0x100000, s1;
	[bflag:$0x2] =	sbarrier.arrive $0xFFFF  }
0xe5: {  	[sflag:s0] =	ssyncadd.tile.s32 @!p0 $0x1;
	_ =	shalt  }
.Lfunc_end2:
_tile_overlayer_lowered:
.L_overlay_start_2:
0xe6: {  	(tag) =	ssettag $0x2  }
0xe7: {  	s0 =	rddreg [dreg:$0x0];
	s2 =	stileid.u32  }
0xe8: {  	s1 =	rddreg [dreg:$0x1];
	p0 =	sne.s32 s2, $0x0  }
0xe9: {  	s3 =	rddreg [dreg:$0x2];
	[bflag:$0x3] =	sbarrier.arrive $0xFFFF;
	s2 =	simm.s32 @!p0 $0x1C02  }
0xea: {  	[timem:s3], [sflag:s2] =	dma.local @!p0 [hbm:s0], s1  }
0xeb: {  	s0 =	simm.s32 @!p0 $0x2  }
0xec: {  	_ =	swait.ge @!p0 [sflag:s0], s1  }
0xed: {  	s1 =	ssub.s32 @!p0 $0x0, s1;
	[sflag:s0] =	ssyncset.done @!p0 $0x0  }
0xee: {  	[sflag:s0] =	ssyncadd.s32 @!p0 s1  }
0xef: {  	[bflag:$0x3] =	sbarrier.arrive $0xFFFF  }
0xf0: {  	_ =	shalt  }

// kernel: kernel.29.cloned.1.call-start
scs
__scs_entry_jumppad:
0x0: {  	(pc) =	sbr.rel $0x88, $3  }
0x1: {  	(tag) =	ssettag $0x0;
	lr =	simm.s32 $0x1  }
0x2: {  	[smem:$0x3F92] =	sst lr;
	_ =	strace $0xD0000000  }
0x3: {  	_ = 	snop  }
0x4: {  	_ = 	snop  }
0x5: {  	_ = 	snop  }
0x6: {  	_ = 	snop  }
0x7: {  	_ = 	snop  }
__scs_overlays_trampoline_lowered:
0x8: {  	[smem:$0x3FA1] =	sst s0  }
0x9: {  	[smem:$0x3FA2] =	sst s1  }
0xa: {  	[smem:$0x3FA3] =	sst s2  }
0xb: {  	[smem:$0x3FA4] =	sst s3  }
0xc: {  	[smem:$0x3FA5] =	sst s4  }
0xd: {  	[smem:$0x3FA6] =	sst s5  }
0xe: {  	[smem:$0x3FA7] =	sst s6  }
0xf: {  	[smem:$0x3FA8] =	sst s7  }
0x10: {  	[smem:$0x3FA9] =	sst s8  }
0x11: {  	[smem:$0x3FAA] =	sst s9;
	s0 =	simm.s32 @!p0 $0x0  }
0x12: {  	s1 =	sld [smem:$0x3F90];
	s0 =	simm.s32 @p0 $0x1  }
0x13: {  	[smem:$0x3FAB] =	sst s0;
	s0 =	simm.s32 @!p1 $0x0  }
0x14: {  	s2 =	sld [smem:$0x3F8F];
	s0 =	simm.s32 @p1 $0x1  }
0x15: {  	[smem:$0x3FAC] =	sst s0;
	s0 =	simm.s32 @!p2 $0x0  }
0x16: {  	s3 =	sld [smem:$0x3FDB];
	s0 =	simm.s32 @p2 $0x1  }
0x17: {  	s4 =	simm.s32 $0x1BF5;
	[smem:$0x3FAE] =	sst s0  }
0x18: {  	s0 =	sld [smem:$0x3F91];
	_ =	swait.ge [sflag:s4], $0x0  }
0x19: {  	s7 =	sld [smem:$0x3F92]  }
0x1a: {  	s8 =	sadd.s32 $0xFFFFE003, lr  }
0x1b: {  	s9 =	sadd.s32 $0xFFFFFEF7, lr;
	s5 =	simm.s32 $0xFFFFFFFF;
	p2 =	slt.u32 s8, $0xFFFFF086  }
0x1c: {  	p1 =	slt.u32 s9, $0xF7A;
	s5 =	simm.s32 @!p2 $0x0  }
0x1d: {  	s5 =	simm.s32 @p1 $0x1;
	p0 =	seq.s32 s7, s2  }
0x1e: {  	s7 =	smul.u32 @!p0 $0xF7A, s2;
	p2 =	seq.s32 @!p0 s5, $0x0  }
0x1f: {  	s9 =	smul.u32 $0xF7A, s1;
	s8 =	simm.s32 @!p0 $0x1BF5;
	p2 =	por !p2, p0  }
0x20: {  	[sflag:s8] =	ssyncset.s32 @!p0 $0xFFFFF086;
	s6 =	sadd.s32 @!p0 s3, s7;
	s7 =	simm.s32 @!p0 $0x108  }
0x21: {  	s3 =	sadd.s32 s3, s9;
	s6 =	sadd.s32 @!p0 $0x88, s6;
	s7 =	simm.s32 @p2 $0x1082  }
0x22: {  	[simem:s7], [sflag:s8] =	dma.local @!p0 [hbm:s6], $0xF7A  }
0x23: {  	s9 =	sor.u32 $0xD0000000, s2;
	s6 =	simm.s32 $0x108;
	_ =	swait.ge @!p0 [sflag:s8], $0x0  }
0x24: {  	s3 =	sadd.s32 $0x88, s3;
	s6 =	simm.s32 @!p1 $0x1082;
	[sflag:s4] =	ssyncset.s32 $0xFFFFF086  }
0x25: {  	[simem:s6], [sflag:s4] =	dma.local [hbm:s3], $0xF7A  }
0x26: {  	[smem:$0x3F92] =	sst s1;
	(tag) =	ssettag s2;
	_ =	strace s9  }
0x27: {  	s1 =	sld [smem:$0x3FA2]  }
0x28: {  	s2 =	sld [smem:$0x3FA3]  }
0x29: {  	s4 =	sld [smem:$0x3FA5]  }
0x2a: {  	p0 =	seq.s32 s5, $0x0;
	s5 =	sld [smem:$0x3FA6]  }
0x2b: {  	s6 =	sld [smem:$0x3FA7]  }
0x2c: {  	s7 =	sld [smem:$0x3FA8]  }
0x2d: {  	s3 =	simm.s32 $0x108;
	s8 =	sld [smem:$0x3FA9]  }
0x2e: {  	s3 =	simm.s32 @!p0 $0x1082;
	s9 =	sld [smem:$0x3FAA]  }
0x2f: {  	lr =	sadd.s32 s0, s3;
	s0 =	sld [smem:$0x3FA1]  }
0x30: {  	s3 =	sld [smem:$0x3FA4]  }
0x31: {  	[smem:$0x3FAD] =	sst s10  }
0x32: {  	s10 =	sld [smem:$0x3FAB];
	_ =	sdelay $0x3  }
0x33: {  	p0 =	seq.s32 s10, $0x1;
	s10 =	sld [smem:$0x3FAD];
	_ =	sdelay $0x3  }
0x34: {  	[smem:$0x3FAD] =	sst s10  }
0x35: {  	s10 =	sld [smem:$0x3FAC];
	_ =	sdelay $0x3  }
0x36: {  	p1 =	seq.s32 s10, $0x1;
	s10 =	sld [smem:$0x3FAD];
	_ =	sdelay $0x3  }
0x37: {  	[smem:$0x3FAD] =	sst s10  }
0x38: {  	s10 =	sld [smem:$0x3FAE]  }
0x39: {  	_ = 	snop;
	(pc) =	sbr.ind lr, $3  }
0x3a: {  	_ = 	snop  }
0x3b: {  	_ = 	snop  }
0x3c: {  	p2 =	seq.s32 s10, $0x1;
	s10 =	sld [smem:$0x3FAD]  }
0x3d: {  	_ =	shalt  }
0x3e: {  	_ =	shalt  }
0x3f: {  	_ =	shalt  }
0x40: {  	_ =	shalt  }
0x41: {  	_ =	shalt  }
0x42: {  	_ =	shalt  }
0x43: {  	_ =	shalt  }
0x44: {  	_ =	shalt  }
0x45: {  	_ =	shalt  }
0x46: {  	_ =	shalt  }
0x47: {  	_ =	shalt  }
0x48: {  	_ =	shalt  }
0x49: {  	_ =	shalt  }
0x4a: {  	_ =	shalt  }
0x4b: {  	_ =	shalt  }
0x4c: {  	_ =	shalt  }
0x4d: {  	_ =	shalt  }
0x4e: {  	_ =	shalt  }
0x4f: {  	_ =	shalt  }
0x50: {  	_ =	shalt  }
0x51: {  	_ =	shalt  }
0x52: {  	_ =	shalt  }
0x53: {  	_ =	shalt  }
0x54: {  	_ =	shalt  }
0x55: {  	_ =	shalt  }
0x56: {  	_ =	shalt  }
0x57: {  	_ =	shalt  }
0x58: {  	_ =	shalt  }
0x59: {  	_ =	shalt  }
0x5a: {  	_ =	shalt  }
0x5b: {  	_ =	shalt  }
0x5c: {  	_ =	shalt  }
0x5d: {  	_ =	shalt  }
0x5e: {  	_ =	shalt  }
0x5f: {  	_ =	shalt  }
0x60: {  	_ =	shalt  }
0x61: {  	_ =	shalt  }
0x62: {  	_ =	shalt  }
0x63: {  	_ =	shalt  }
0x64: {  	_ =	shalt  }
0x65: {  	_ =	shalt  }
0x66: {  	_ =	shalt  }
0x67: {  	_ =	shalt  }
0x68: {  	_ =	shalt  }
0x69: {  	_ =	shalt  }
0x6a: {  	_ =	shalt  }
0x6b: {  	_ =	shalt  }
0x6c: {  	_ =	shalt  }
0x6d: {  	_ =	shalt  }
0x6e: {  	_ =	shalt  }
0x6f: {  	_ =	shalt  }
0x70: {  	_ =	shalt  }
0x71: {  	_ =	shalt  }
0x72: {  	_ =	shalt  }
0x73: {  	_ =	shalt  }
0x74: {  	_ =	shalt  }
0x75: {  	_ =	shalt  }
0x76: {  	_ =	shalt  }
0x77: {  	_ =	shalt  }
0x78: {  	_ =	shalt  }
0x79: {  	_ =	shalt  }
0x7a: {  	_ =	shalt  }
0x7b: {  	_ =	shalt  }
0x7c: {  	_ =	shalt  }
0x7d: {  	_ =	shalt  }
0x7e: {  	_ =	shalt  }
0x7f: {  	_ =	shalt  }
0x80: {  	_ =	shalt  }
0x81: {  	_ =	shalt  }
0x82: {  	_ =	shalt  }
0x83: {  	_ =	shalt  }
0x84: {  	_ =	shalt  }
0x85: {  	_ =	shalt  }
0x86: {  	_ =	shalt  }
0x87: {  	_ =	shalt  }
.Lfunc_end0:
.L_simem_size_0:
called_computation.5_lowered:
.L_overlay_start_0:
0x88: {  	s2 =	sld [smem:$0x3FD9]  }
0x89: {  	s3 =	sld [smem:$0x3FFE];
	_ =	sdelay $0x1  }
0x8a: {  	s1 =	srdreg.scid  }
0x8b: {  	s0 =	sand.u32 $0x1, s1  }
0x8c: {  	s14 =	sshll.u32 s0, $0xA;
	s2 =	sadd.s32 s3, s2  }
0x8d: {  	s2 =	sadd.s32 s2, s14  }
0x8e: {  	[smem:$0x3FB9] =	sst s2  }
0x8f: {  	_ = 	snop  }
0x90: {  	s2 =	sld [smem:$0x3FD0];
	_ =	sdelay $0x2  }
0x91: {  	s15 =	simm.s32 $0xA;
	s4 =	simm.s32 $0x10  }
0x92: {  	[smem:s4], [sflag:s15] =	dma.local [hbm:s2], $0x1  }
0x93: {  	_ =	swait.eq [sflag:s15], $0x1  }
0x94: {  	[sflag:s15] =	ssyncset.done $0x0  }
0x95: {  	[sflag:s15] =	ssyncadd.s32 $0xFFFFFFFF  }
0x96: {  	s16 =	sld [smem:$0x10];
	(tm) =	ssettm $0x1  }
0x97: {  	s17 =	sld [smem:$0x3FFB];
	_ =	sdelay $0x3  }
0x98: {  	_ =	strace s17  }
0x99: {  	s3 =	sld [smem:$0x3FFC];
	_ =	sdelay $0x3  }
0x9a: {  	_ =	strace s3  }
0x9b: {  	s3 =	sld [smem:$0x3FFD];
	_ =	sdelay $0x3  }
0x9c: {  	_ =	strace s3  }
0x9d: {  	_ =	strace $0x8FFFFFFF  }
0x9e: {  	s18 =	sld [smem:$0x3FDB];
	_ =	sdelay $0x1  }
0x9f: {  	s19 =	simm.s32 $_scs_section_size  }
0xa0: {  	s5 =	simm.s32 $_size__tile_overlayer_lowered;
	s6 =	simm.s32 $_tile_overlayer_lowered  }
0xa1: {  	s22 =	simm.s32 $0x1BFF;
	s21 =	sshll.u32 s6, $0x1;
	s3 =	sadd.s32 s19, s18  }
0xa2: {  	s7 =	simm.s32 $0x0;
	s20 =	sshll.u32 s5, $0x1;
	s5 =	sadd.s32 s21, s3  }
0xa3: {  	[timem:s7], [sflag:s22] =	dma.local [hbm:s5], s20  }
0xa4: {  	_ =	swait.ge [sflag:s22], s20  }
0xa5: {  	s4 =	ssub.s32 $0x0, s20;
	[sflag:s22] =	ssyncset.done $0x0  }
0xa6: {  	[sflag:s22] =	ssyncadd.s32 s4;
	_ =	sdelay $0x1  }
0xa7: {  	s23 =	simm.s32 $0x1B8B  }
0xa8: {  	_ =	swait.ge [sflag:s23], $0x1  }
0xa9: {  	[sflag:s23] =	ssyncset.done $0x0  }
0xaa: {  	s25 =	simm.s32 $0x1B8E;
	s24 =	sld [smem:$0x3FFE];
	[sflag:s23] =	ssyncadd.s32 $0xFFFFFFFF  }
0xab: {  	s26 =	simm.s32 $execute0_lowered;
	[smem:$0x3FD2] =	sst s25  }
0xac: {  	s5 =	sshll.u32 s26, $0x1;
	_ =	strace $0x80000055;
	[dreg:$0x1] =	wrdreg $0xFFFFFFFF  }
0xad: {  	s28 =	simm.s32 $_size_execute0_lowered;
	s3 =	sadd.s32 s3, s5;
	[dreg:$0x0] =	wrdreg $0x0  }
0xae: {  	s5 =	sshll.u32 s28, $0x1;
	[dreg:$0x2] =	wrdreg s3  }
0xaf: {  	[dreg:$0x3] =	wrdreg s5  }
0xb0: {  	[dreg:$0x4] =	wrdreg $0xC0  }
0xb1: {  	_ =	task [dreg:s7], $0x5FFFF  }
0xb2: {  	[dreg:$0x1] =	wrdreg $0xFFFFFFFF  }
0xb3: {  	[dreg:$0x0] =	wrdreg $0x60  }
0xb4: {  	[dreg:$0x2] =	wrdreg s24  }
0xb5: {  	[dreg:$0x3] =	wrdreg s16  }
0xb6: {  	[dreg:$0x4] =	wrdreg $0x40800  }
0xb7: {  	[dreg:$0x5] =	wrdreg $0x9  }
0xb8: {  	_ =	task.clear_ibuf [dreg:s7], $0x6FFFF;
	_ =	strace $0x90000055  }
0xb9: {  	s29 =	simm.s32 $0x9;
	_ =	strace $0x80000057  }
0xba: {  	_ =	swait.ge [sflag:s29], $0x1  }
0xbb: {  	[sflag:s29] =	ssyncadd.s32 $0xFFFFFFFF  }
0xbc: {  	_ =	strace $0x90000057  }
0xbd: {  	_ =	sfence  }
0xbe: {  	s30 =	sld [smem:$0x0];
	_ =	sdelay $0x2  }
0xbf: {  	s31 =	sshll.u32 s1, $0xD;
	s1 =	sshrl.u32 s1, $0x2  }
0xc0: {  	s3 =	sand.u32 $0x4000, s31;
	s1 =	sadd.s32 s1, s30  }
0xc1: {  	s0 =	sor.u32 s3, s0;
	s1 =	sshll.u32 s1, $0x11  }
0xc2: {  	s0 =	sor.u32 s1, s0  }
0xc3: {  	s0 =	sadd.s32 $0x8F2B, s0  }
0xc4: {  	[sflag:s0] =	ssyncadd.remote.s32 $0x1  }
0xc5: {  	_ =	sfence.sel $0xFFFF  }
0xc6: {  	[dreg:$0x0] =	wrdreg $0xFFFFFFFF;
	(pc) =	sbr.abs _section_cstart, $3  }
0xc7: {  	[dreg:$0x1] =	wrdreg $0xFFFFFFFF  }
0xc8: {  	_ =	task.clear_ibuf [dreg:s7], $0x2FFFF;
	_ =	strace $0x9FFFFFFF  }
0xc9: {  	(tm) =	ssettm $0x7FFFFFFF  }
tec
execute0_lowered:
.L_overlay_start_1:
0x0: {  	(tag) =	ssettag $0x1  }
0x1: {  	s4 =	rddreg [dreg:$0x0]  }
0x2: {  	s9 =	rddreg [dreg:$0x1]  }
0x3: {  	s1 =	rddreg [dreg:$0x2]  }
0x4: {  	s0 =	rddreg [dreg:$0x3];
	s3 =	simm.s32 $0x0  }
0x5: {  	s2 =	stileid.u32;
	s5 =	srdreg.scid;
	s8 =	sadd.s32 $0xF3BC00, s4  }
0x6: {  	[smem:$0x7FF] =	sst s3;
	s7 =	smul.u32 $0x2800, s2;
	s10 =	sadd.s32 $0x142BC00, s4  }
0x7: {  	s5 =	sand.u32 $0x1, s5;
	s6 =	smul.u32 $0x50000, s2;
	s12 =	sadd.s32 $0x69A00, s4  }
0x8: {  	s14 =	sadd.s32 $0xB9A00, s4;
	s29 =	sshll.u32 s2, $0x6;
	s30 =	smul.u32 $0x4F000, s2  }
0x9: {  	s31 =	smul.u32 $0x9E0, s2;
	_ =	strace $0x80000056;
	s13 =	ssub.s32 $0x2, s5  }
0xa: {  	p0 =	seq.s32 s5, $0x1;
	s5 =	sor.u32 $0x1C01, s29;
	s11 =	sadd.s32 s7, s4  }
0xb: {  	s28 =	sshrl.u32 s13, $0x1;
	s6 =	sshrl.u32 s6, $0x2;
	s12 =	smov.u32 @p0 s14  }
0xc: {  	s8 =	smov.u32 @p0 s10;
	s9 =	sadd.s32 s31, s9;
	s13 =	ssub.s32 s13, s28  }
0xd: {  	s15 =	sadd.s32 s6, s1;
	s4 =	sadd.s32 $0x3F200, s11;
	s7 =	sadd.s32 s12, s7  }
0xe: {  	s8 =	sadd.s32 s30, s8;
	s11 =	simm.s32 $0x1;
	s12 =	simm.s32 $0x80  }
0xf: {  	s6 =	smax.u32 s13, $0x1;
	s10 =	sshrl.u32 s15, $0x3;
	s13 =	simm.s32 $0x0  }
.LBB2_1:
0x10: {  	[spmem:s10], [sflag:s5] =	dma.local [hbm:s4], $0x2800  }
0x11: {  	_ =	swait.ge [sflag:s11], $0x2800  }
0x12: {  	[sflag:s11] =	ssyncset.done $0x0  }
0x13: {  	[sflag:s11] =	ssyncadd.s32 $0xFFFFD800  }
0x14: {  	s14 =	sadd.s32 $0x0, s9;
	[bflag:$0x0] =	sbarrier.arrive $0xFFFF  }
0x15: {  	[tilespmem:s3], [sflag:$0x1] =	stream.linear.gather [hbm4b:s14+s3], $0x80, $0x38;
	[tilespmem:$0x18080] =	vst v63  }
0x16: {  	_ =	swait.ge [sflag:s11], $0x80  }
0x17: {  	[sflag:s11] =	ssyncset.done $0x0  }
0x18: {  	[sflag:s11] =	ssyncadd.s32 $0xFFFFFF80  }
0x19: {  	[tilespmem:s12], [sflag:$0x1] =	stream.linear.gather [hbm4b:s8+s3], $0x4000, $0x38;
	[tilespmem:$0x18080] =	vst v63  }
0x1a: {  	_ =	swait.ge [sflag:s11], $0x4000  }
0x1b: {  	[sflag:s11] =	ssyncset.done $0x0  }
0x1c: {  	[sflag:s11] =	ssyncadd.s32 $0xFFFFC000  }
0x1d: {  	[spmem:s1] =	stream.indirect.scatter.add.f32 [tilespmem:s12], [sflag:$0x1], $0x80, s3, s12, $0xb8;
	[tilespmem:$0x18080] =	vst v63  }
0x1e: {  	s15 =	simm.s32 $0x10;
	_ =	swait.ge [sflag:s11], $0x4000  }
0x1f: {  	s16 =	simm.s32 $0x20;
	s14 =	sadd.s32 $0x800, s8;
	[sflag:s11] =	ssyncset.done $0x0  }
.LBB2_2:
0x20: {  	s17 =	sadd.s32 s15, s9  }
0x21: {  	[sflag:s11] =	ssyncadd.s32 $0xFFFFC000;
	s15 =	smov.u32 s16;
	s18 =	sadd.s32 $0x10, s16  }
0x22: {  	[tilespmem:s3], [sflag:$0x1] =	stream.linear.gather [hbm4b:s17+s3], $0x80, $0x38;
	[tilespmem:$0x18080] =	vst v63  }
0x23: {  	p0 =	sne.s32 s16, $0x9D0;
	_ =	swait.ge [sflag:s11], $0x80  }
0x24: {  	[sflag:s11] =	ssyncset.done $0x0  }
0x25: {  	[sflag:s11] =	ssyncadd.s32 $0xFFFFFF80  }
0x26: {  	[tilespmem:s12], [sflag:$0x1] =	stream.linear.gather [hbm4b:s14+s3], $0x4000, $0x38;
	[tilespmem:$0x18080] =	vst v63  }
0x27: {  	_ =	swait.ge [sflag:s11], $0x4000  }
.Ltmp0:
0x28: {  	[sflag:s11] =	ssyncset.done $0x0;
	(pc) =	sbr.rel @p0 .LBB2_2-.Ltmp0, $4  }
0x29: {  	[sflag:s11] =	ssyncadd.s32 $0xFFFFC000  }
0x2a: {  	[spmem:s1] =	stream.indirect.scatter.add.f32 [tilespmem:s12], [sflag:$0x1], $0x80, s3, s12, $0xb8;
	[tilespmem:$0x18080] =	vst v63  }
0x2b: {  	_ =	swait.ge [sflag:s11], $0x4000  }
0x2c: {  	s16 =	smov.u32 s18;
	s14 =	sadd.s32 $0x800, s14;
	[sflag:s11] =	ssyncset.done $0x0  }
0x2d: {  	s15 =	sadd.s32 s15, s9;
	[sflag:s11] =	ssyncadd.s32 $0xFFFFC000  }
0x2e: {  	[tilespmem:s3], [sflag:$0x1] =	stream.linear.gather [hbm4b:s15+s3], $0x80, $0x38;
	[tilespmem:$0x18080] =	vst v63  }
0x2f: {  	_ =	swait.ge [sflag:s11], $0x80  }
0x30: {  	[sflag:s11] =	ssyncset.done $0x0  }
0x31: {  	[sflag:s11] =	ssyncadd.s32 $0xFFFFFF80  }
0x32: {  	[tilespmem:s12], [sflag:$0x1] =	stream.linear.gather [hbm4b:s14+s3], $0x4000, $0x38;
	[tilespmem:$0x18080] =	vst v63  }
0x33: {  	_ =	swait.ge [sflag:s11], $0x4000  }
0x34: {  	[sflag:s11] =	ssyncset.done $0x0  }
0x35: {  	[sflag:s11] =	ssyncadd.s32 $0xFFFFC000  }
0x36: {  	[spmem:s1] =	stream.indirect.scatter.add.f32 [tilespmem:s12], [sflag:$0x1], $0x80, s3, s12, $0xb8;
	[tilespmem:$0x18080] =	vst v63  }
0x37: {  	_ =	swait.ge [sflag:s11], $0x4000  }
0x38: {  	s13 =	sadd.s32 $0x1, s13;
	[sflag:s11] =	ssyncset.done $0x0  }
0x39: {  	p0 =	sne.s32 s13, s6;
	[sflag:s11] =	ssyncadd.s32 $0xFFFFC000  }
.Ltmp1:
0x3a: {  	[bflag:$0x0] =	sbarrier.arrive $0xFFFF;
	(pc) =	sbr.rel @p0 .LBB2_1-.Ltmp1, $4  }
0x3b: {  	[hbm:s7], [sflag:s5] =	dma.local [spmem:s10], $0x2800  }
0x3c: {  	_ =	swait.ge [sflag:s11], $0x2800  }
0x3d: {  	[sflag:s11] =	ssyncset.done $0x0  }
0x3e: {  	[sflag:s11] =	ssyncadd.s32 $0xFFFFD800  }
0x3f: {  	_ =	sfence.sel $0x180000  }
0x40: {  	[bflag:$0x0] =	sbarrier.arrive $0xFFFF  }
0x41: {  	p0 =	sne.s32 s2, $0x0;
	_ =	strace $0x90000056  }
0x42: {  	s0 =	sadd.s32 @!p0 $0x100000, s0;
	[bflag:$0x2] =	sbarrier.arrive $0xFFFF  }
0x43: {  	[sflag:s0] =	ssyncadd.tile.s32 @!p0 $0x1;
	_ =	shalt  }
.Lfunc_end2:
_tile_overlayer_lowered:
.L_overlay_start_2:
0x44: {  	(tag) =	ssettag $0x2  }
0x45: {  	s0 =	rddreg [dreg:$0x0];
	s2 =	stileid.u32  }
0x46: {  	s1 =	rddreg [dreg:$0x1];
	p0 =	sne.s32 s2, $0x0  }
0x47: {  	s3 =	rddreg [dreg:$0x2];
	[bflag:$0x3] =	sbarrier.arrive $0xFFFF;
	s2 =	simm.s32 @!p0 $0x1C01  }
0x48: {  	[timem:s3], [sflag:s2] =	dma.local @!p0 [hbm:s0], s1  }
0x49: {  	s0 =	simm.s32 @!p0 $0x1  }
0x4a: {  	_ =	swait.ge @!p0 [sflag:s0], s1  }
0x4b: {  	s1 =	ssub.s32 @!p0 $0x0, s1;
	[sflag:s0] =	ssyncset.done @!p0 $0x0  }
0x4c: {  	[sflag:s0] =	ssyncadd.s32 @!p0 s1  }
0x4d: {  	[bflag:$0x3] =	sbarrier.arrive $0xFFFF  }
0x4e: {  	_ =	shalt  }

</sc_bundles>
